<compile_context>
chip_gen: v7x
topology: tpu7x:2x2x1
jax: 0.10.2.dev20260603
libtpu: 0.0.44.dev20260713+nightly
codegen_flags: <defaults>
</compile_context>

<pallas_src>
import functools

import jax
import jax.numpy as jnp
import numpy as np
from jax import lax
from jax.experimental import pallas as pl
from jax.experimental.pallas import tpu as pltpu
from jax.experimental.pallas import tpu_sc as plsc

N = 10000
E = 320000
D = 128
Z = 10
NB = 8
RMAX = 5.0
H1 = 64
MLPH = 16
NI = 2
AVG = 32.0

K = 8192
KTAB = 8704
TAB_H = np.float32(5.25 / K)
INV_H = np.float32(K / 5.25)

_O = np.arange(D) % 32
PRM = np.asarray(32 * (np.arange(D) // 32) + (_O % 2) * 16 + _O // 2,
                 dtype=np.int32)

NC = 2
NS = 16
NW = NC * NS
EPW = E // NW
EBG = 2000
EB = 40
NPT = N // NS

_mesh = plsc.VectorSubcoreMesh(core_axis_name="c", subcore_axis_name="s")
_sc_params = pltpu.CompilerParams(needs_layout_passes=False,
                                  use_tc_tiling_on_sc=False)


@functools.partial(
    pl.kernel,
    out_type=jax.ShapeDtypeStruct((E,), jnp.int32),
    mesh=_mesh,
    scratch_types=[
        pltpu.VMEM((N,), jnp.float32),
        pltpu.VMEM((N,), jnp.float32),
        pltpu.VMEM((N,), jnp.float32),
        pltpu.VMEM((EBG,), jnp.int32),
        pltpu.VMEM((EBG,), jnp.int32),
        pltpu.VMEM((EBG,), jnp.int32),
    ],
    compiler_params=_sc_params,
)
def _geom(px_hbm, py_hbm, pz_hbm, src_hbm, dst_hbm, ki_hbm,
          px_v, py_v, pz_v, si_v, di_v, ko_v):
    wid = lax.axis_index("s") * NC + lax.axis_index("c")
    pltpu.sync_copy(px_hbm, px_v)
    pltpu.sync_copy(py_hbm, py_v)
    pltpu.sync_copy(pz_hbm, pz_v)
    base0 = wid * EPW

    def blk(b, carry):
        base = base0 + b * EBG
        pltpu.sync_copy(src_hbm.at[pl.ds(base, EBG)], si_v)
        pltpu.sync_copy(dst_hbm.at[pl.ds(base, EBG)], di_v)

        def sub(j, c2):
            s16 = si_v[pl.ds(j * 16, 16)]
            d16 = di_v[pl.ds(j * 16, 16)]
            dx = plsc.load_gather(px_v, [s16]) - plsc.load_gather(px_v, [d16])
            dy = plsc.load_gather(py_v, [s16]) - plsc.load_gather(py_v, [d16])
            dz = plsc.load_gather(pz_v, [s16]) - plsc.load_gather(pz_v, [d16])
            r2 = jnp.maximum(dx * dx + dy * dy + dz * dz, 1e-24)
            ii = plsc.bitcast(r2, jnp.int32)
            ii = jnp.int32(0x5F3759DF) - lax.shift_right_logical(ii, 1)
            y = plsc.bitcast(ii, jnp.float32)
            y = y * (1.5 - 0.5 * r2 * y * y)
            y = y * (1.5 - 0.5 * r2 * y * y)
            y = y * (1.5 - 0.5 * r2 * y * y)
            u = (r2 * y) * INV_H + 0.5
            k = jnp.minimum(u.astype(jnp.int32), KTAB - 1)
            ko_v[pl.ds(j * 16, 16)] = k
            return c2

        lax.fori_loop(0, EBG // 16, sub, 0)
        pltpu.sync_copy(ko_v, ki_hbm.at[pl.ds(base, EBG)])
        return carry

    lax.fori_loop(0, EPW // EBG, blk, 0)


NBLK = EPW // EB
CH = 2000
CB = CH // EB
NCH = EPW // CH


@functools.partial(
    pl.kernel,
    out_type=jax.ShapeDtypeStruct((NC, N, D), jnp.float32),
    mesh=_mesh,
    scratch_types=[
        pltpu.VMEM((CH,), jnp.int32),
        pltpu.VMEM((CH,), jnp.int32),
        pltpu.VMEM((CB, EB), jnp.int32),
        pltpu.VMEM((EB, D), jnp.bfloat16),
        pltpu.VMEM((EB, D), jnp.bfloat16),
        pltpu.VMEM((EB, D), jnp.bfloat16),
        pltpu.VMEM((EB, D), jnp.bfloat16),
        pltpu.VMEM((EB, D), jnp.float32),
        pltpu.VMEM((EB, D), jnp.float32),
        pltpu.VMEM_SHARED((N, D), jnp.float32),
        pltpu.SemaphoreType.DMA,
        pltpu.SemaphoreType.DMA,
        pltpu.SemaphoreType.DMA,
        pltpu.SemaphoreType.DMA,
        pltpu.SemaphoreType.DMA,
        pltpu.SemaphoreType.DMA,
    ],
    compiler_params=_sc_params,
)
def _gather_mul_scatter(tab_hbm, hs_hbm, ki_hbm, src_hbm, dst2_hbm, zeros_hbm,
                        out_hbm, ki_c, si_c, di2, ta0, ta1, hg0, hg1, m0, m1,
                        agg_sh, st0, st1, sh0, sh1, ss0, ss1):
    c = lax.axis_index("c")
    s = lax.axis_index("s")
    wid = s * NC + c
    base0 = wid * EPW
    pltpu.sync_copy(zeros_hbm.at[pl.ds(s * NPT, NPT)],
                    agg_sh.at[pl.ds(s * NPT, NPT)])
    plsc.subcore_barrier()

    tas = (ta0, ta1)
    hgs = (hg0, hg1)
    ms = (m0, m1)
    sts = (st0, st1)
    shs = (sh0, sh1)
    sss = (ss0, ss1)

    def fire(blk, slot):
        off = blk * EB
        pltpu.async_copy(tab_hbm.at[ki_c.at[pl.ds(off, EB)]],
                         tas[slot], sts[slot])
        pltpu.async_copy(hs_hbm.at[si_c.at[pl.ds(off, EB)]],
                         hgs[slot], shs[slot])

    def drain_and_process(blk, slot):
        pltpu.make_async_copy(tab_hbm.at[pl.ds(0, EB)],
                              tas[slot], sts[slot]).wait()
        pltpu.make_async_copy(hs_hbm.at[pl.ds(0, EB)],
                              hgs[slot], shs[slot]).wait()

        @pl.when(blk >= 2)
        def _():
            pltpu.make_async_copy(zeros_hbm.at[pl.ds(0, EB)],
                                  ms[slot], sss[slot]).wait()

        ta_v = tas[slot]
        hg_v = hgs[slot]
        m_v = ms[slot]

        @plsc.parallel_loop(0, EB, 1, unroll=4)
        def _mul(rr):
            for ch2 in range(D // 32):
                sl = pl.ds(ch2 * 32, 32)
                a1, a2 = plsc.unpack(ta_v[rr, sl],
                                     format=plsc.PackFormat.INTERLEAVED)
                b1, b2 = plsc.unpack(hg_v[rr, sl],
                                     format=plsc.PackFormat.INTERLEAVED)
                m_v[rr, pl.ds(ch2 * 32, 16)] = a1 * b1
                m_v[rr, pl.ds(ch2 * 32 + 16, 16)] = a2 * b2

        nxt = blk + 2

        @pl.when(nxt < CB)
        def _():
            fire(nxt, slot)

        pltpu.async_copy(m_v, agg_sh.at[di2.at[blk]], sss[slot], add=True)

    def chunk(ch, carry):
        @pl.when(ch > 0)
        def _():
            pltpu.make_async_copy(zeros_hbm.at[pl.ds(0, EB)], m0, ss0).wait()
            pltpu.make_async_copy(zeros_hbm.at[pl.ds(0, EB)], m1, ss1).wait()

        cbase = base0 + ch * CH
        pltpu.sync_copy(ki_hbm.at[pl.ds(cbase, CH)], ki_c)
        pltpu.sync_copy(src_hbm.at[pl.ds(cbase, CH)], si_c)
        pltpu.sync_copy(dst2_hbm.at[pl.ds(wid * NBLK + ch * CB, CB)], di2)
        fire(0, 0)
        fire(1, 1)

        def g_loop(g, c2):
            for slot in range(2):
                blk = 2 * g + slot
                drain_and_process(blk, slot)
            return c2

        lax.fori_loop(0, CB // 2, g_loop, 0)
        if CB % 2 == 1:
            drain_and_process(CB - 1, 0)
        return carry

    lax.fori_loop(0, NCH, chunk, 0)
    pltpu.make_async_copy(zeros_hbm.at[pl.ds(0, EB)], m0, ss0).wait()
    pltpu.make_async_copy(zeros_hbm.at[pl.ds(0, EB)], m1, ss1).wait()
    plsc.subcore_barrier()
    pltpu.sync_copy(agg_sh.at[pl.ds(s * NPT, NPT)],
                    out_hbm.at[c, pl.ds(s * NPT, NPT)])


def _table_body(wr1_ref, wr2_ref, wr3_ref, t0_ref, t1_ref):
    i = pl.program_id(0)
    row0 = i * 512
    ridx = (lax.broadcasted_iota(jnp.int32, (512, 1), 0) + row0)
    r = ridx.astype(jnp.float32) * TAB_H
    rs = jnp.maximum(r, 1e-9)
    n = (lax.broadcasted_iota(jnp.int32, (1, NB), 1) + 1).astype(jnp.float32)
    rb = (np.float32(np.sqrt(2.0 / RMAX))
          * jnp.sin(rs * (np.pi / RMAX) * n) / rs)
    x = r * np.float32(1.0 / RMAX)
    x2 = x * x
    x5 = x2 * x2 * x
    env = (1.0 - 21.0 * x5 + 35.0 * x5 * x - 15.0 * x5 * x2)
    env = jnp.where(x < 1.0, env, 0.0)
    rb = rb * env
    outs = (t0_ref, t1_ref)
    for i2 in range(NI):
        t = rb @ wr1_ref[i2]
        t = t * jax.nn.sigmoid(t)
        t = t @ wr2_ref[i2]
        t = t * jax.nn.sigmoid(t)
        outs[i2][:, :] = (t @ wr3_ref[i2]).astype(jnp.bfloat16)


def _table(Wr1, Wr2, Wr3):
    return pl.pallas_call(
        _table_body,
        grid=(KTAB // 512,),
        in_specs=[
            pl.BlockSpec((NI, NB, H1), lambda i: (0, 0, 0)),
            pl.BlockSpec((NI, H1, H1), lambda i: (0, 0, 0)),
            pl.BlockSpec((NI, H1, D), lambda i: (0, 0, 0)),
        ],
        out_specs=[
            pl.BlockSpec((512, D), lambda i: (i, 0)),
            pl.BlockSpec((512, D), lambda i: (i, 0)),
        ],
        out_shape=[
            jax.ShapeDtypeStruct((KTAB, D), jnp.bfloat16),
            jax.ShapeDtypeStruct((KTAB, D), jnp.bfloat16),
        ],
    )(Wr1, Wr2, Wr3)


def _node_init_body(sp_ref, wemb_ref, e0_ref, wup0_ref, h_ref, hs_ref, en_ref):
    sp = sp_ref[:, :]
    zi = lax.broadcasted_iota(jnp.int32, (1, Z), 1)
    oh = (sp == zi).astype(jnp.float32)
    h = oh @ wemb_ref[:, :]
    h_ref[:, :] = h
    hs_ref[:, :] = (h @ wup0_ref[:, :]).astype(jnp.bfloat16)
    en_ref[:, :] = oh @ e0_ref[:, :]


def _node_init(species2, W_embed, E0c, Wup0, bn=2000):
    grid = N // bn
    return pl.pallas_call(
        _node_init_body,
        grid=(grid,),
        in_specs=[
            pl.BlockSpec((bn, 1), lambda i: (i, 0)),
            pl.BlockSpec((Z, D), lambda i: (0, 0)),
            pl.BlockSpec((Z, 1), lambda i: (0, 0)),
            pl.BlockSpec((D, D), lambda i: (0, 0)),
        ],
        out_specs=[
            pl.BlockSpec((bn, D), lambda i: (i, 0)),
            pl.BlockSpec((bn, D), lambda i: (i, 0)),
            pl.BlockSpec((bn, 1), lambda i: (i, 0)),
        ],
        out_shape=[
            jax.ShapeDtypeStruct((N, D), jnp.float32),
            jax.ShapeDtypeStruct((N, D), jnp.bfloat16),
            jax.ShapeDtypeStruct((N, 1), jnp.float32),
        ],
    )(species2, W_embed, E0c, Wup0)


def _node_update_body(final, agg_ref, h_ref, sp_ref, en_ref, wout_ref,
                      wskip_ref, wprod_ref, wpl_ref, wro_ref, wup_ref,
                      wh_ref, wo_ref, h_out, hs_out, en_out):
    agg = (agg_ref[0] + agg_ref[1]) * np.float32(1.0 / AVG)
    h1 = agg @ wout_ref[:, :] + h_ref[:, :] @ wskip_ref[:, :]
    sp = sp_ref[:, :]
    zi = lax.broadcasted_iota(jnp.int32, (1, Z), 1)
    oh = (sp == zi).astype(jnp.float32)
    w = oh @ wprod_ref[:, :]
    g = (w[:, 0:D] * h1 + w[:, D:2 * D] * (h1 * h1)
         + w[:, 2 * D:3 * D] * (h1 * h1 * h1))
    h2 = g @ wpl_ref[:, :]
    h_out[:, :] = h2
    if final:
        t = h2 @ wh_ref[:, :]
        t = t * jax.nn.sigmoid(t)
        en_out[:, :] = en_ref[:, :] + t @ wo_ref[:, :]
        hs_out[:, :] = h2.astype(jnp.bfloat16)
    else:
        en_out[:, :] = en_ref[:, :] + h2 @ wro_ref[:, :]
        hs_out[:, :] = (h2 @ wup_ref[:, :]).astype(jnp.bfloat16)


def _node_update(final, agg2, h, species2, en, Wout_i, Wskip_i, WprodF_i,
                 WprodLin_i, Wro_i, Wup_n, Wh, Wo, bn=2000):
    grid = N // bn
    return pl.pallas_call(
        functools.partial(_node_update_body, final),
        grid=(grid,),
        in_specs=[
            pl.BlockSpec((NC, bn, D), lambda i: (0, i, 0)),
            pl.BlockSpec((bn, D), lambda i: (i, 0)),
            pl.BlockSpec((bn, 1), lambda i: (i, 0)),
            pl.BlockSpec((bn, 1), lambda i: (i, 0)),
            pl.BlockSpec((D, D), lambda i: (0, 0)),
            pl.BlockSpec((D, D), lambda i: (0, 0)),
            pl.BlockSpec((Z, 3 * D), lambda i: (0, 0)),
            pl.BlockSpec((D, D), lambda i: (0, 0)),
            pl.BlockSpec((D, 1), lambda i: (0, 0)),
            pl.BlockSpec((D, D), lambda i: (0, 0)),
            pl.BlockSpec((D, MLPH), lambda i: (0, 0)),
            pl.BlockSpec((MLPH, 1), lambda i: (0, 0)),
        ],
        out_specs=[
            pl.BlockSpec((bn, D), lambda i: (i, 0)),
            pl.BlockSpec((bn, D), lambda i: (i, 0)),
            pl.BlockSpec((bn, 1), lambda i: (i, 0)),
        ],
        out_shape=[
            jax.ShapeDtypeStruct((N, D), jnp.float32),
            jax.ShapeDtypeStruct((N, D), jnp.bfloat16),
            jax.ShapeDtypeStruct((N, 1), jnp.float32),
        ],
    )(agg2, h, species2, en, Wout_i, Wskip_i, WprodF_i, WprodLin_i,
      Wro_i, Wup_n, Wh, Wo)


def kernel(positions, species, edge_index, W_embed, E0, Wr1, Wr2, Wr3,
           Wup, Wout, Wskip, Wprod, WprodLin, Wro, Wh, Wo):
    src = edge_index[0]
    dst = edge_index[1]
    px = positions[:, 0]
    py = positions[:, 1]
    pz = positions[:, 2]
    species2 = species.reshape(N, 1).astype(jnp.int32)
    zeros_nd = jnp.zeros((N, D), jnp.float32)

    Wr3p = Wr3[:, :, PRM]
    Wupp = Wup[:, :, PRM]
    kidx = _geom(px, py, pz, src, dst)
    t0, t1 = _table(Wr1, Wr2, Wr3p)
    h, hs, en = _node_init(species2, W_embed, E0.reshape(Z, 1), Wupp[0])

    dst2 = dst.reshape(E // EB, EB)
    tabs = (t0, t1)
    for i in range(NI):
        agg2 = _gather_mul_scatter(tabs[i], hs, kidx, src, dst2, zeros_nd)
        h, hs, en = _node_update(
            i == NI - 1, agg2, h, species2, en,
            Wout[i], Wskip[i], Wprod[i].reshape(Z, 3 * D), WprodLin[i],
            Wro[i], Wupp[(i + 1) % NI], Wh, Wo)
    return en.reshape(N)

# --- scband reference (transcript-rebuilt; emitter-appended) ---
"""Pipeline reference for scband-mace-57440892617113 (READ-ONLY COPY).

The authoritative reference and input builder live on the scoring server;
editing this copy changes nothing except your own understanding.
"""

import jax, jax.numpy as jnp
import numpy as np

N = 10000
E = 320000
D = 128
Z = 10
NB = 8
RMAX = 5.0
P = 5
H1 = 64
MLPH = 16
NI = 2
AVG = 32.0


def setup_inputs(seed: int = 0) -> dict:
    key = jax.random.key(seed)
    ks = jax.random.split(key, 16)
    s = lambda k, shape, fan: jax.random.normal(k, shape, dtype=jnp.float32) / np.sqrt(fan)
    return {
        "positions": jax.random.uniform(ks[0], (N, 3), dtype=jnp.float32) * 3.0,
        "species": jax.random.randint(ks[1], (N,), 0, Z),
        "edge_index": jax.random.randint(ks[2], (2, E), 0, N),
        "W_embed": s(ks[3], (Z, D), Z),
        "E0": jax.random.normal(ks[4], (Z,), dtype=jnp.float32),
        "Wr1": s(ks[5], (NI, NB, H1), NB),
        "Wr2": s(ks[6], (NI, H1, H1), H1),
        "Wr3": s(ks[7], (NI, H1, D), H1),
        "Wup": s(ks[8], (NI, D, D), D),
        "Wout": s(ks[9], (NI, D, D), D),
        "Wskip": s(ks[10], (NI, D, D), D),
        "Wprod": s(ks[11], (NI, Z, 3, D), 1),
        "WprodLin": s(ks[12], (NI, D, D), D),
        "Wro": s(ks[13], (NI, D, 1), D),
        "Wh": s(ks[14], (D, MLPH), D),
        "Wo": s(ks[15], (MLPH, 1), MLPH),
    }


def _bessel(r):
    n = jnp.arange(1, NB + 1, dtype=jnp.float32)
    rs = jnp.clip(r, 1e-9, None)[:, None]
    return jnp.sqrt(2.0 / RMAX) * jnp.sin(n * jnp.pi * rs / RMAX) / rs


def _cutoff(r):
    x = r / RMAX
    env = (1.0
           - ((P + 1.0) * (P + 2.0) / 2.0) * x ** P
           + P * (P + 2.0) * x ** (P + 1)
           - (P * (P + 1.0) / 2.0) * x ** (P + 2))
    return env * (x < 1.0)


def reference(positions, species, edge_index, W_embed, E0, Wr1, Wr2, Wr3, Wup, Wout, Wskip, Wprod, WprodLin, Wro, Wh, Wo):
    act = jax.nn.silu
    src, dst = edge_index[0], edge_index[1]
    vec = positions[src] - positions[dst]
    r = jnp.linalg.norm(vec, axis=-1)
    rb = _bessel(r) * _cutoff(r)[:, None]
    h = W_embed[species]
    energies = E0[species]
    for i in range(NI):
        x = act(rb @ Wr1[i])
        x = act(x @ Wr2[i])
        ew = x @ Wr3[i]
        hs = h @ Wup[i]
        m = ew * hs[src]
        agg = jax.ops.segment_sum(m, dst, num_segments=N) / AVG
        h = agg @ Wout[i] + h @ Wskip[i]
        w = Wprod[i][species]
        h = (w[:, 0] * h + w[:, 1] * h ** 2 + w[:, 2] * h ** 3) @ WprodLin[i]
        if i < NI - 1:
            energies = energies + (h @ Wro[i])[:, 0]
        else:
            energies = energies + (act(h @ Wh) @ Wo)[:, 0]
    return energies

if __name__ == "__main__":
    import jax
    _d = setup_inputs()
    print(jax.jit(kernel)(*tuple(_d.values())))

</pallas_src>

<mosaic_0001>
#map = affine_map<(d0, d1) -> (0)>
module attributes {stable_mosaic.version = 14 : i64} {
  func.func @_geom(%arg0: i32, %arg1: i32, %arg2: memref<10000xf32, #tpu.memory_space<hbm>>, %arg3: memref<10000xf32, #tpu.memory_space<hbm>>, %arg4: memref<10000xf32, #tpu.memory_space<hbm>>, %arg5: memref<320000xi32, #tpu.memory_space<hbm>>, %arg6: memref<320000xi32, #tpu.memory_space<hbm>>, %arg7: memref<320000xi32, #tpu.memory_space<hbm>>, %arg8: memref<10000xf32, #tpu.memory_space<vmem>>, %arg9: memref<10000xf32, #tpu.memory_space<vmem>>, %arg10: memref<10000xf32, #tpu.memory_space<vmem>>, %arg11: memref<2000xi32, #tpu.memory_space<vmem>>, %arg12: memref<2000xi32, #tpu.memory_space<vmem>>, %arg13: memref<2000xi32, #tpu.memory_space<vmem>>) attributes {dimension_semantics = [#tpu.dimension_semantics<core_parallel>, #tpu.dimension_semantics<subcore_parallel>], iteration_bounds = array<i64: 2, 16>, scalar_prefetch = 0 : i64, scratch_operands = 6 : i64, tpu.core_type = #tpu.core_type<sc_vector_subcore>, window_params = [{transform_indices = #map}, {transform_indices = #map}, {transform_indices = #map}, {transform_indices = #map}, {transform_indices = #map}, {transform_indices = #map}]} {
    %mul3A = arith.constant 2 : i32
    %mul3A_0 = arith.muli %arg1, %mul3A : i32
    %add3A = arith.addi %mul3A_0, %arg0 : i32
    "tpu.region"() ({
      %run_scoped3A = tpu.sem_alloc : memref<!tpu.dma_semaphore, #tpu.memory_space<semaphore_mem>>
      tpu.enqueue_dma source(%arg2 : memref<10000xf32, #tpu.memory_space<hbm>>) target(%arg8 : memref<10000xf32, #tpu.memory_space<vmem>>) target_semaphore(%run_scoped3A : memref<!tpu.dma_semaphore, #tpu.memory_space<semaphore_mem>>)
      tpu.wait_dma2 semaphore(%run_scoped3A : memref<!tpu.dma_semaphore, #tpu.memory_space<semaphore_mem>>) src(%arg2 : memref<10000xf32, #tpu.memory_space<hbm>>) dst(%arg8 : memref<10000xf32, #tpu.memory_space<vmem>>)
      tpu.yield
    }) : () -> ()
    "tpu.region"() ({
      %run_scoped3A = tpu.sem_alloc : memref<!tpu.dma_semaphore, #tpu.memory_space<semaphore_mem>>
      tpu.enqueue_dma source(%arg3 : memref<10000xf32, #tpu.memory_space<hbm>>) target(%arg9 : memref<10000xf32, #tpu.memory_space<vmem>>) target_semaphore(%run_scoped3A : memref<!tpu.dma_semaphore, #tpu.memory_space<semaphore_mem>>)
      tpu.wait_dma2 semaphore(%run_scoped3A : memref<!tpu.dma_semaphore, #tpu.memory_space<semaphore_mem>>) src(%arg3 : memref<10000xf32, #tpu.memory_space<hbm>>) dst(%arg9 : memref<10000xf32, #tpu.memory_space<vmem>>)
      tpu.yield
    }) : () -> ()
    "tpu.region"() ({
      %run_scoped3A = tpu.sem_alloc : memref<!tpu.dma_semaphore, #tpu.memory_space<semaphore_mem>>
      tpu.enqueue_dma source(%arg4 : memref<10000xf32, #tpu.memory_space<hbm>>) target(%arg10 : memref<10000xf32, #tpu.memory_space<vmem>>) target_semaphore(%run_scoped3A : memref<!tpu.dma_semaphore, #tpu.memory_space<semaphore_mem>>)
      tpu.wait_dma2 semaphore(%run_scoped3A : memref<!tpu.dma_semaphore, #tpu.memory_space<semaphore_mem>>) src(%arg4 : memref<10000xf32, #tpu.memory_space<hbm>>) dst(%arg10 : memref<10000xf32, #tpu.memory_space<vmem>>)
      tpu.yield
    }) : () -> ()
    %mul3A_1 = arith.constant 10000 : i32
    %mul3A_2 = arith.muli %add3A, %mul3A_1 : i32
    %scan3A = arith.constant 0 : i32
    %scan3A_3 = arith.constant 0 : i32
    %scan3A_4 = arith.constant 5 : i32
    %scan3A_5 = arith.addi %scan3A_3, %scan3A_4 : i32
    %scan3A_6 = arith.constant 1 : i32
    scf.for %scan3A_8 = %scan3A_3 to %scan3A_5 step %scan3A_6  : i32 {
      %mul3A_9 = arith.constant 2000 : i32
      %mul3A_10 = arith.muli %scan3A_8, %mul3A_9 : i32
      %add3A_11 = arith.addi %mul3A_2, %mul3A_10 : i32
      "tpu.region"() ({
        %run_scoped3A = tpu.sem_alloc : memref<!tpu.dma_semaphore, #tpu.memory_space<semaphore_mem>>
        %dma_start3A = tpu.memref_slice %arg5[%add3A_11] : memref<320000xi32, #tpu.memory_space<hbm>> -> memref<2000xi32, #tpu.memory_space<hbm>>
        %dma_start3A_18 = tpu.memref_slice %arg5[%add3A_11] : memref<320000xi32, #tpu.memory_space<hbm>> -> memref<2000xi32, #tpu.memory_space<hbm>>
        tpu.enqueue_dma source(%dma_start3A_18 : memref<2000xi32, #tpu.memory_space<hbm>>) target(%arg11 : memref<2000xi32, #tpu.memory_space<vmem>>) target_semaphore(%run_scoped3A : memref<!tpu.dma_semaphore, #tpu.memory_space<semaphore_mem>>)
        %dma_wait3A = tpu.memref_slice %arg5[%add3A_11] : memref<320000xi32, #tpu.memory_space<hbm>> -> memref<2000xi32, #tpu.memory_space<hbm>>
        %dma_wait3A_19 = tpu.memref_slice %arg5[%add3A_11] : memref<320000xi32, #tpu.memory_space<hbm>> -> memref<2000xi32, #tpu.memory_space<hbm>>
        tpu.wait_dma2 semaphore(%run_scoped3A : memref<!tpu.dma_semaphore, #tpu.memory_space<semaphore_mem>>) src(%dma_wait3A_19 : memref<2000xi32, #tpu.memory_space<hbm>>) dst(%arg11 : memref<2000xi32, #tpu.memory_space<vmem>>)
        tpu.yield
      }) : () -> ()
      "tpu.region"() ({
        %run_scoped3A = tpu.sem_alloc : memref<!tpu.dma_semaphore, #tpu.memory_space<semaphore_mem>>
        %dma_start3A = tpu.memref_slice %arg6[%add3A_11] : memref<320000xi32, #tpu.memory_space<hbm>> -> memref<2000xi32, #tpu.memory_space<hbm>>
        %dma_start3A_18 = tpu.memref_slice %arg6[%add3A_11] : memref<320000xi32, #tpu.memory_space<hbm>> -> memref<2000xi32, #tpu.memory_space<hbm>>
        tpu.enqueue_dma source(%dma_start3A_18 : memref<2000xi32, #tpu.memory_space<hbm>>) target(%arg12 : memref<2000xi32, #tpu.memory_space<vmem>>) target_semaphore(%run_scoped3A : memref<!tpu.dma_semaphore, #tpu.memory_space<semaphore_mem>>)
        %dma_wait3A = tpu.memref_slice %arg6[%add3A_11] : memref<320000xi32, #tpu.memory_space<hbm>> -> memref<2000xi32, #tpu.memory_space<hbm>>
        %dma_wait3A_19 = tpu.memref_slice %arg6[%add3A_11] : memref<320000xi32, #tpu.memory_space<hbm>> -> memref<2000xi32, #tpu.memory_space<hbm>>
        tpu.wait_dma2 semaphore(%run_scoped3A : memref<!tpu.dma_semaphore, #tpu.memory_space<semaphore_mem>>) src(%dma_wait3A_19 : memref<2000xi32, #tpu.memory_space<hbm>>) dst(%arg12 : memref<2000xi32, #tpu.memory_space<vmem>>)
        tpu.yield
      }) : () -> ()
      %scan3A_12 = arith.constant 0 : i32
      %scan3A_13 = arith.constant 0 : i32
      %scan3A_14 = arith.constant 125 : i32
      %scan3A_15 = arith.addi %scan3A_13, %scan3A_14 : i32
      %scan3A_16 = arith.constant 1 : i32
      scf.for %scan3A_18 = %scan3A_13 to %scan3A_15 step %scan3A_16  : i32 {
        %mul3A_19 = arith.constant 16 : i32
        %mul3A_20 = arith.muli %scan3A_18, %mul3A_19 : i32
        %get3A = arith.index_cast %mul3A_20 : i32 to index
        %get3A_21 = tpu.vector_load %arg11[%get3A] {strides = array<i32>} : memref<2000xi32, #tpu.memory_space<vmem>>, vector<16xi32>,
        %mul3A_22 = arith.constant 16 : i32
        %mul3A_23 = arith.muli %scan3A_18, %mul3A_22 : i32
        %get3A_24 = arith.index_cast %mul3A_23 : i32 to index
        %get3A_25 = tpu.vector_load %arg12[%get3A_24] {strides = array<i32>} : memref<2000xi32, #tpu.memory_space<vmem>>, vector<16xi32>,
        %gather3A = tpu.vector_load_idx %arg8[%get3A_21] : memref<10000xf32, #tpu.memory_space<vmem>>[vector<16xi32>], vector<16xf32>,
        %gather3A_26 = tpu.vector_load_idx %arg8[%get3A_25] : memref<10000xf32, #tpu.memory_space<vmem>>[vector<16xi32>], vector<16xf32>,
        %sub3A = arith.subf %gather3A, %gather3A_26 : vector<16xf32>
        %gather3A_27 = tpu.vector_load_idx %arg9[%get3A_21] : memref<10000xf32, #tpu.memory_space<vmem>>[vector<16xi32>], vector<16xf32>,
        %gather3A_28 = tpu.vector_load_idx %arg9[%get3A_25] : memref<10000xf32, #tpu.memory_space<vmem>>[vector<16xi32>], vector<16xf32>,
        %sub3A_29 = arith.subf %gather3A_27, %gather3A_28 : vector<16xf32>
        %gather3A_30 = tpu.vector_load_idx %arg10[%get3A_21] : memref<10000xf32, #tpu.memory_space<vmem>>[vector<16xi32>], vector<16xf32>,
        %gather3A_31 = tpu.vector_load_idx %arg10[%get3A_25] : memref<10000xf32, #tpu.memory_space<vmem>>[vector<16xi32>], vector<16xf32>,
        %sub3A_32 = arith.subf %gather3A_30, %gather3A_31 : vector<16xf32>
        %mul3A_33 = arith.mulf %sub3A, %sub3A : vector<16xf32>
        %mul3A_34 = arith.mulf %sub3A_29, %sub3A_29 : vector<16xf32>
        %add3A_35 = arith.addf %mul3A_33, %mul3A_34 : vector<16xf32>
        %mul3A_36 = arith.mulf %sub3A_32, %sub3A_32 : vector<16xf32>
        %add3A_37 = arith.addf %add3A_35, %mul3A_36 : vector<16xf32>
        %max3A = arith.constant 1.000000e-24 : f32
        %max3A_38 = vector.broadcast %max3A : f32 to vector<16xf32>
        %max3A_39 = arith.maximumf %add3A_37, %max3A_38 : vector<16xf32>
        %bitcast3A = vector.bitcast %max3A_39 : vector<16xf32> to vector<16xi32>
        %shift_right_logical3A = arith.constant 1 : i32
        %shift_right_logical3A_40 = vector.broadcast %shift_right_logical3A : i32 to vector<16xi32>
        %shift_right_logical3A_41 = arith.shrui %bitcast3A, %shift_right_logical3A_40 : vector<16xi32>
        %sub3A_42 = arith.constant 1597463007 : i32
        %sub3A_43 = vector.broadcast %sub3A_42 : i32 to vector<16xi32>
        %sub3A_44 = arith.subi %sub3A_43, %shift_right_logical3A_41 : vector<16xi32>
        %bitcast3A_45 = vector.bitcast %sub3A_44 : vector<16xi32> to vector<16xf32>
        %mul3A_46 = arith.constant 5.000000e-01 : f32
        %mul3A_47 = vector.broadcast %mul3A_46 : f32 to vector<16xf32>
        %mul3A_48 = arith.mulf %mul3A_47, %max3A_39 : vector<16xf32>
        %mul3A_49 = arith.mulf %mul3A_48, %bitcast3A_45 : vector<16xf32>
        %mul3A_50 = arith.mulf %mul3A_49, %bitcast3A_45 : vector<16xf32>
        %sub3A_51 = arith.constant 1.500000e+00 : f32
        %sub3A_52 = vector.broadcast %sub3A_51 : f32 to vector<16xf32>
        %sub3A_53 = arith.subf %sub3A_52, %mul3A_50 : vector<16xf32>
        %mul3A_54 = arith.mulf %bitcast3A_45, %sub3A_53 : vector<16xf32>
        %mul3A_55 = arith.constant 5.000000e-01 : f32
        %mul3A_56 = vector.broadcast %mul3A_55 : f32 to vector<16xf32>
        %mul3A_57 = arith.mulf %mul3A_56, %max3A_39 : vector<16xf32>
        %mul3A_58 = arith.mulf %mul3A_57, %mul3A_54 : vector<16xf32>
        %mul3A_59 = arith.mulf %mul3A_58, %mul3A_54 : vector<16xf32>
        %sub3A_60 = arith.constant 1.500000e+00 : f32
        %sub3A_61 = vector.broadcast %sub3A_60 : f32 to vector<16xf32>
        %sub3A_62 = arith.subf %sub3A_61, %mul3A_59 : vector<16xf32>
        %mul3A_63 = arith.mulf %mul3A_54, %sub3A_62 : vector<16xf32>
        %mul3A_64 = arith.constant 5.000000e-01 : f32
        %mul3A_65 = vector.broadcast %mul3A_64 : f32 to vector<16xf32>
        %mul3A_66 = arith.mulf %mul3A_65, %max3A_39 : vector<16xf32>
        %mul3A_67 = arith.mulf %mul3A_66, %mul3A_63 : vector<16xf32>
        %mul3A_68 = arith.mulf %mul3A_67, %mul3A_63 : vector<16xf32>
        %sub3A_69 = arith.constant 1.500000e+00 : f32
        %sub3A_70 = vector.broadcast %sub3A_69 : f32 to vector<16xf32>
        %sub3A_71 = arith.subf %sub3A_70, %mul3A_68 : vector<16xf32>
        %mul3A_72 = arith.mulf %mul3A_63, %sub3A_71 : vector<16xf32>
        %mul3A_73 = arith.mulf %max3A_39, %mul3A_72 : vector<16xf32>
        %mul3A_74 = arith.constant 1560.38098 : f32
        %mul3A_75 = vector.broadcast %mul3A_74 : f32 to vector<16xf32>
        %mul3A_76 = arith.mulf %mul3A_73, %mul3A_75 : vector<16xf32>
        %add3A_77 = arith.constant 5.000000e-01 : f32
        %add3A_78 = vector.broadcast %add3A_77 : f32 to vector<16xf32>
        %add3A_79 = arith.addf %mul3A_76, %add3A_78 : vector<16xf32>
        %convert_element_type3A = arith.fptosi %add3A_79 : vector<16xf32> to vector<16xi32>
        %min3A = arith.constant 8703 : i32
        %min3A_80 = vector.broadcast %min3A : i32 to vector<16xi32>
        %min3A_81 = arith.minsi %convert_element_type3A, %min3A_80 : vector<16xi32>
        %mul3A_82 = arith.constant 16 : i32
        %mul3A_83 = arith.muli %scan3A_18, %mul3A_82 : i32
        %swap3A = arith.index_cast %mul3A_83 : i32 to index
        %swap3A_84 = tpu.vector_load %arg13[%swap3A] {strides = array<i32>} : memref<2000xi32, #tpu.memory_space<vmem>>, vector<16xi32>,
        tpu.vector_store %arg13[%swap3A], %min3A_81 {strides = array<i32>} : memref<2000xi32, #tpu.memory_space<vmem>>, vector<16xi32>,
      }
      %scan3A_17 = arith.constant 125 : i32
      "tpu.region"() ({
        %run_scoped3A = tpu.sem_alloc : memref<!tpu.dma_semaphore, #tpu.memory_space<semaphore_mem>>
        %dma_start3A = tpu.memref_slice %arg7[%add3A_11] : memref<320000xi32, #tpu.memory_space<hbm>> -> memref<2000xi32, #tpu.memory_space<hbm>>
        %dma_start3A_18 = tpu.memref_slice %arg7[%add3A_11] : memref<320000xi32, #tpu.memory_space<hbm>> -> memref<2000xi32, #tpu.memory_space<hbm>>
        tpu.enqueue_dma source(%arg13 : memref<2000xi32, #tpu.memory_space<vmem>>) target(%dma_start3A_18 : memref<2000xi32, #tpu.memory_space<hbm>>) target_semaphore(%run_scoped3A : memref<!tpu.dma_semaphore, #tpu.memory_space<semaphore_mem>>)
        %dma_wait3A = tpu.memref_slice %arg7[%add3A_11] : memref<320000xi32, #tpu.memory_space<hbm>> -> memref<2000xi32, #tpu.memory_space<hbm>>
        %dma_wait3A_19 = tpu.memref_slice %arg7[%add3A_11] : memref<320000xi32, #tpu.memory_space<hbm>> -> memref<2000xi32, #tpu.memory_space<hbm>>
        tpu.wait_dma2 semaphore(%run_scoped3A : memref<!tpu.dma_semaphore, #tpu.memory_space<semaphore_mem>>) src(%arg13 : memref<2000xi32, #tpu.memory_space<vmem>>) dst(%dma_wait3A_19 : memref<2000xi32, #tpu.memory_space<hbm>>)
        tpu.yield
      }) : () -> ()
    }
    %scan3A_7 = arith.constant 5 : i32
    return
  }
}

#map = affine_map<(d0, d1) -> (0, 0)>
#map1 = affine_map<(d0, d1) -> (0)>
#map2 = affine_map<(d0, d1) -> (0, 0, 0)>
module attributes {stable_mosaic.version = 14 : i64} {
  func.func @_gather_mul_scatter(%arg0: i32, %arg1: i32, %arg2: memref<8704x128xbf16, #tpu.memory_space<hbm>>, %arg3: memref<10000x128xbf16, #tpu.memory_space<hbm>>, %arg4: memref<320000xi32, #tpu.memory_space<hbm>>, %arg5: memref<320000xi32, #tpu.memory_space<hbm>>, %arg6: memref<8000x40xi32, #tpu.memory_space<hbm>>, %arg7: memref<10000x128xf32, #tpu.memory_space<hbm>>, %arg8: memref<2x10000x128xf32, #tpu.memory_space<hbm>>, %arg9: memref<2000xi32, #tpu.memory_space<vmem>>, %arg10: memref<2000xi32, #tpu.memory_space<vmem>>, %arg11: memref<50x40xi32, #tpu.memory_space<vmem>>, %arg12: memref<40x128xbf16, #tpu.memory_space<vmem>>, %arg13: memref<40x128xbf16, #tpu.memory_space<vmem>>, %arg14: memref<40x128xbf16, #tpu.memory_space<vmem>>, %arg15: memref<40x128xbf16, #tpu.memory_space<vmem>>, %arg16: memref<40x128xf32, #tpu.memory_space<vmem>>, %arg17: memref<40x128xf32, #tpu.memory_space<vmem>>, %arg18: memref<10000x128xf32, #tpu.memory_space<vmem_shared>>, %arg19: memref<!tpu.dma_semaphore, #tpu.memory_space<semaphore_mem>>, %arg20: memref<!tpu.dma_semaphore, #tpu.memory_space<semaphore_mem>>, %arg21: memref<!tpu.dma_semaphore, #tpu.memory_space<semaphore_mem>>, %arg22: memref<!tpu.dma_semaphore, #tpu.memory_space<semaphore_mem>>, %arg23: memref<!tpu.dma_semaphore, #tpu.memory_space<semaphore_mem>>, %arg24: memref<!tpu.dma_semaphore, #tpu.memory_space<semaphore_mem>>) attributes {dimension_semantics = [#tpu.dimension_semantics<core_parallel>, #tpu.dimension_semantics<subcore_parallel>], iteration_bounds = array<i64: 2, 16>, scalar_prefetch = 0 : i64, scratch_operands = 16 : i64, tpu.core_type = #tpu.core_type<sc_vector_subcore>, window_params = [{transform_indices = #map}, {transform_indices = #map}, {transform_indices = #map1}, {transform_indices = #map1}, {transform_indices = #map}, {transform_indices = #map}, {transform_indices = #map2}]} {
    %mul3A = arith.constant 2 : i32
    %mul3A_0 = arith.muli %arg1, %mul3A : i32
    %add3A = arith.addi %mul3A_0, %arg0 : i32
    %mul3A_1 = arith.constant 10000 : i32
    %mul3A_2 = arith.muli %add3A, %mul3A_1 : i32
    %mul3A_3 = arith.constant 625 : i32
    %mul3A_4 = arith.muli %arg1, %mul3A_3 : i32
    %mul3A_5 = arith.constant 625 : i32
    %mul3A_6 = arith.muli %arg1, %mul3A_5 : i32
    "tpu.region"() ({
      %run_scoped3A = tpu.sem_alloc : memref<!tpu.dma_semaphore, #tpu.memory_space<semaphore_mem>>
      %dma_start3A = arith.constant 0 : i32
      %dma_start3A_28 = tpu.memref_slice %arg18[%mul3A_6, %dma_start3A] : memref<10000x128xf32, #tpu.memory_space<vmem_shared>> -> memref<625x128xf32, #tpu.memory_space<vmem_shared>>
      %dma_start3A_29 = arith.constant 0 : i32
      %dma_start3A_30 = tpu.memref_slice %arg7[%mul3A_4, %dma_start3A_29] : memref<10000x128xf32, #tpu.memory_space<hbm>> -> memref<625x128xf32, #tpu.memory_space<hbm>>
      tpu.enqueue_dma source(%dma_start3A_30 : memref<625x128xf32, #tpu.memory_space<hbm>>) target(%dma_start3A_28 : memref<625x128xf32, #tpu.memory_space<vmem_shared>>) target_semaphore(%run_scoped3A : memref<!tpu.dma_semaphore, #tpu.memory_space<semaphore_mem>>)
      %dma_wait3A_31 = arith.constant 0 : i32
      %dma_wait3A_32 = tpu.memref_slice %arg18[%mul3A_6, %dma_wait3A_31] : memref<10000x128xf32, #tpu.memory_space<vmem_shared>> -> memref<625x128xf32, #tpu.memory_space<vmem_shared>>
      %dma_wait3A_33 = arith.constant 0 : i32
      %dma_wait3A_34 = tpu.memref_slice %arg7[%mul3A_4, %dma_wait3A_33] : memref<10000x128xf32, #tpu.memory_space<hbm>> -> memref<625x128xf32, #tpu.memory_space<hbm>>
      tpu.wait_dma2 semaphore(%run_scoped3A : memref<!tpu.dma_semaphore, #tpu.memory_space<semaphore_mem>>) src(%dma_wait3A_34 : memref<625x128xf32, #tpu.memory_space<hbm>>) dst(%dma_wait3A_32 : memref<625x128xf32, #tpu.memory_space<vmem_shared>>)
      tpu.yield
    }) : () -> ()
    %barrier3A = arith.constant 0 : index
    tpu.barrier barrier_id(%barrier3A)
    %scan3A = arith.constant 0 : i32
    %scan3A_7 = arith.constant 0 : i32
    %scan3A_8 = arith.constant 5 : i32
    %scan3A_9 = arith.addi %scan3A_7, %scan3A_8 : i32
    %scan3A_10 = arith.constant 1 : i32
    scf.for %scan3A_28 = %scan3A_7 to %scan3A_9 step %scan3A_10  : i32 {
      %gt3A = arith.constant 0 : i32
      %gt3A_29 = arith.cmpi sgt, %scan3A_28, %gt3A : i32
      %convert_element_type3A = arith.extui %gt3A_29 : i1 to i32
      %cond3A = arith.constant 0 : i32
      %cond3A_30 = arith.cmpi ne, %convert_element_type3A, %cond3A : i32
      scf.if %cond3A_30 {
        %dma_wait3A_64 = arith.constant 0 : i32
        %dma_wait3A_65 = arith.constant 0 : i32
        %dma_wait3A_66 = tpu.memref_slice %arg7[%dma_wait3A_64, %dma_wait3A_65] : memref<10000x128xf32, #tpu.memory_space<hbm>> -> memref<40x128xf32, #tpu.memory_space<hbm>>
        %dma_wait3A_67 = arith.constant 0 : i32
        %dma_wait3A_68 = arith.constant 0 : i32
        %dma_wait3A_69 = tpu.memref_slice %arg7[%dma_wait3A_67, %dma_wait3A_68] : memref<10000x128xf32, #tpu.memory_space<hbm>> -> memref<40x128xf32, #tpu.memory_space<hbm>>
        tpu.wait_dma2 semaphore(%arg23 : memref<!tpu.dma_semaphore, #tpu.memory_space<semaphore_mem>>) src(%dma_wait3A_69 : memref<40x128xf32, #tpu.memory_space<hbm>>) dst(%arg16 : memref<40x128xf32, #tpu.memory_space<vmem>>)
        %dma_wait3A_70 = arith.constant 0 : i32
        %dma_wait3A_71 = arith.constant 0 : i32
        %dma_wait3A_72 = tpu.memref_slice %arg7[%dma_wait3A_70, %dma_wait3A_71] : memref<10000x128xf32, #tpu.memory_space<hbm>> -> memref<40x128xf32, #tpu.memory_space<hbm>>
        %dma_wait3A_73 = arith.constant 0 : i32
        %dma_wait3A_74 = arith.constant 0 : i32
        %dma_wait3A_75 = tpu.memref_slice %arg7[%dma_wait3A_73, %dma_wait3A_74] : memref<10000x128xf32, #tpu.memory_space<hbm>> -> memref<40x128xf32, #tpu.memory_space<hbm>>
        tpu.wait_dma2 semaphore(%arg24 : memref<!tpu.dma_semaphore, #tpu.memory_space<semaphore_mem>>) src(%dma_wait3A_75 : memref<40x128xf32, #tpu.memory_space<hbm>>) dst(%arg17 : memref<40x128xf32, #tpu.memory_space<vmem>>)
      } else {
      }
      %mul3A_31 = arith.constant 2000 : i32
      %mul3A_32 = arith.muli %scan3A_28, %mul3A_31 : i32
      %add3A_33 = arith.addi %mul3A_2, %mul3A_32 : i32
      "tpu.region"() ({
        %run_scoped3A = tpu.sem_alloc : memref<!tpu.dma_semaphore, #tpu.memory_space<semaphore_mem>>
        %dma_start3A_64 = tpu.memref_slice %arg4[%add3A_33] : memref<320000xi32, #tpu.memory_space<hbm>> -> memref<2000xi32, #tpu.memory_space<hbm>>
        %dma_start3A_65 = tpu.memref_slice %arg4[%add3A_33] : memref<320000xi32, #tpu.memory_space<hbm>> -> memref<2000xi32, #tpu.memory_space<hbm>>
        tpu.enqueue_dma source(%dma_start3A_65 : memref<2000xi32, #tpu.memory_space<hbm>>) target(%arg9 : memref<2000xi32, #tpu.memory_space<vmem>>) target_semaphore(%run_scoped3A : memref<!tpu.dma_semaphore, #tpu.memory_space<semaphore_mem>>)
        %dma_wait3A_66 = tpu.memref_slice %arg4[%add3A_33] : memref<320000xi32, #tpu.memory_space<hbm>> -> memref<2000xi32, #tpu.memory_space<hbm>>
        %dma_wait3A_67 = tpu.memref_slice %arg4[%add3A_33] : memref<320000xi32, #tpu.memory_space<hbm>> -> memref<2000xi32, #tpu.memory_space<hbm>>
        tpu.wait_dma2 semaphore(%run_scoped3A : memref<!tpu.dma_semaphore, #tpu.memory_space<semaphore_mem>>) src(%dma_wait3A_67 : memref<2000xi32, #tpu.memory_space<hbm>>) dst(%arg9 : memref<2000xi32, #tpu.memory_space<vmem>>)
        tpu.yield
      }) : () -> ()
      "tpu.region"() ({
        %run_scoped3A = tpu.sem_alloc : memref<!tpu.dma_semaphore, #tpu.memory_space<semaphore_mem>>
        %dma_start3A_64 = tpu.memref_slice %arg5[%add3A_33] : memref<320000xi32, #tpu.memory_space<hbm>> -> memref<2000xi32, #tpu.memory_space<hbm>>
        %dma_start3A_65 = tpu.memref_slice %arg5[%add3A_33] : memref<320000xi32, #tpu.memory_space<hbm>> -> memref<2000xi32, #tpu.memory_space<hbm>>
        tpu.enqueue_dma source(%dma_start3A_65 : memref<2000xi32, #tpu.memory_space<hbm>>) target(%arg10 : memref<2000xi32, #tpu.memory_space<vmem>>) target_semaphore(%run_scoped3A : memref<!tpu.dma_semaphore, #tpu.memory_space<semaphore_mem>>)
        %dma_wait3A_66 = tpu.memref_slice %arg5[%add3A_33] : memref<320000xi32, #tpu.memory_space<hbm>> -> memref<2000xi32, #tpu.memory_space<hbm>>
        %dma_wait3A_67 = tpu.memref_slice %arg5[%add3A_33] : memref<320000xi32, #tpu.memory_space<hbm>> -> memref<2000xi32, #tpu.memory_space<hbm>>
        tpu.wait_dma2 semaphore(%run_scoped3A : memref<!tpu.dma_semaphore, #tpu.memory_space<semaphore_mem>>) src(%dma_wait3A_67 : memref<2000xi32, #tpu.memory_space<hbm>>) dst(%arg10 : memref<2000xi32, #tpu.memory_space<vmem>>)
        tpu.yield
      }) : () -> ()
      %mul3A_34 = arith.constant 250 : i32
      %mul3A_35 = arith.muli %add3A, %mul3A_34 : i32
      %mul3A_36 = arith.constant 50 : i32
      %mul3A_37 = arith.muli %scan3A_28, %mul3A_36 : i32
      %add3A_38 = arith.addi %mul3A_35, %mul3A_37 : i32
      "tpu.region"() ({
        %run_scoped3A = tpu.sem_alloc : memref<!tpu.dma_semaphore, #tpu.memory_space<semaphore_mem>>
        %dma_start3A_64 = arith.constant 0 : i32
        %dma_start3A_65 = tpu.memref_slice %arg6[%add3A_38, %dma_start3A_64] : memref<8000x40xi32, #tpu.memory_space<hbm>> -> memref<50x40xi32, #tpu.memory_space<hbm>>
        %dma_start3A_66 = arith.constant 0 : i32
        %dma_start3A_67 = tpu.memref_slice %arg6[%add3A_38, %dma_start3A_66] : memref<8000x40xi32, #tpu.memory_space<hbm>> -> memref<50x40xi32, #tpu.memory_space<hbm>>
        tpu.enqueue_dma source(%dma_start3A_67 : memref<50x40xi32, #tpu.memory_space<hbm>>) target(%arg11 : memref<50x40xi32, #tpu.memory_space<vmem>>) target_semaphore(%run_scoped3A : memref<!tpu.dma_semaphore, #tpu.memory_space<semaphore_mem>>)
        %dma_wait3A_68 = arith.constant 0 : i32
        %dma_wait3A_69 = tpu.memref_slice %arg6[%add3A_38, %dma_wait3A_68] : memref<8000x40xi32, #tpu.memory_space<hbm>> -> memref<50x40xi32, #tpu.memory_space<hbm>>
        %dma_wait3A_70 = arith.constant 0 : i32
        %dma_wait3A_71 = tpu.memref_slice %arg6[%add3A_38, %dma_wait3A_70] : memref<8000x40xi32, #tpu.memory_space<hbm>> -> memref<50x40xi32, #tpu.memory_space<hbm>>
        tpu.wait_dma2 semaphore(%run_scoped3A : memref<!tpu.dma_semaphore, #tpu.memory_space<semaphore_mem>>) src(%dma_wait3A_71 : memref<50x40xi32, #tpu.memory_space<hbm>>) dst(%arg11 : memref<50x40xi32, #tpu.memory_space<vmem>>)
        tpu.yield
      }) : () -> ()
      %dma_start3A = arith.constant 0 : i32
      %dma_start3A_39 = tpu.memref_slice %arg9[%dma_start3A] : memref<2000xi32, #tpu.memory_space<vmem>> -> memref<40xi32, #tpu.memory_space<vmem>>
      %dma_start3A_40 = arith.constant 0 : i32
      %dma_start3A_41 = arith.constant 0 : i32
      %dma_start3A_42 = tpu.memref_slice %arg2[%dma_start3A_40, %dma_start3A_41] : memref<8704x128xbf16, #tpu.memory_space<hbm>> -> memref<8704x128xbf16, #tpu.memory_space<hbm>>
      tpu.enqueue_indirect_dma source(%dma_start3A_42 : memref<8704x128xbf16, #tpu.memory_space<hbm>>) target(%arg12 : memref<40x128xbf16, #tpu.memory_space<vmem>>) offsets(%dma_start3A_39 : memref<40xi32, #tpu.memory_space<vmem>>) semaphore(%arg19 : memref<!tpu.dma_semaphore, #tpu.memory_space<semaphore_mem>>)
      %dma_start3A_43 = arith.constant 0 : i32
      %dma_start3A_44 = tpu.memref_slice %arg10[%dma_start3A_43] : memref<2000xi32, #tpu.memory_space<vmem>> -> memref<40xi32, #tpu.memory_space<vmem>>
      %dma_start3A_45 = arith.constant 0 : i32
      %dma_start3A_46 = arith.constant 0 : i32
      %dma_start3A_47 = tpu.memref_slice %arg3[%dma_start3A_45, %dma_start3A_46] : memref<10000x128xbf16, #tpu.memory_space<hbm>> -> memref<10000x128xbf16, #tpu.memory_space<hbm>>
      tpu.enqueue_indirect_dma source(%dma_start3A_47 : memref<10000x128xbf16, #tpu.memory_space<hbm>>) target(%arg14 : memref<40x128xbf16, #tpu.memory_space<vmem>>) offsets(%dma_start3A_44 : memref<40xi32, #tpu.memory_space<vmem>>) semaphore(%arg21 : memref<!tpu.dma_semaphore, #tpu.memory_space<semaphore_mem>>)
      %dma_start3A_48 = arith.constant 40 : i32
      %dma_start3A_49 = tpu.memref_slice %arg9[%dma_start3A_48] : memref<2000xi32, #tpu.memory_space<vmem>> -> memref<40xi32, #tpu.memory_space<vmem>>
      %dma_start3A_50 = arith.constant 0 : i32
      %dma_start3A_51 = arith.constant 0 : i32
      %dma_start3A_52 = tpu.memref_slice %arg2[%dma_start3A_50, %dma_start3A_51] : memref<8704x128xbf16, #tpu.memory_space<hbm>> -> memref<8704x128xbf16, #tpu.memory_space<hbm>>
      tpu.enqueue_indirect_dma source(%dma_start3A_52 : memref<8704x128xbf16, #tpu.memory_space<hbm>>) target(%arg13 : memref<40x128xbf16, #tpu.memory_space<vmem>>) offsets(%dma_start3A_49 : memref<40xi32, #tpu.memory_space<vmem>>) semaphore(%arg20 : memref<!tpu.dma_semaphore, #tpu.memory_space<semaphore_mem>>)
      %dma_start3A_53 = arith.constant 40 : i32
      %dma_start3A_54 = tpu.memref_slice %arg10[%dma_start3A_53] : memref<2000xi32, #tpu.memory_space<vmem>> -> memref<40xi32, #tpu.memory_space<vmem>>
      %dma_start3A_55 = arith.constant 0 : i32
      %dma_start3A_56 = arith.constant 0 : i32
      %dma_start3A_57 = tpu.memref_slice %arg3[%dma_start3A_55, %dma_start3A_56] : memref<10000x128xbf16, #tpu.memory_space<hbm>> -> memref<10000x128xbf16, #tpu.memory_space<hbm>>
      tpu.enqueue_indirect_dma source(%dma_start3A_57 : memref<10000x128xbf16, #tpu.memory_space<hbm>>) target(%arg15 : memref<40x128xbf16, #tpu.memory_space<vmem>>) offsets(%dma_start3A_54 : memref<40xi32, #tpu.memory_space<vmem>>) semaphore(%arg22 : memref<!tpu.dma_semaphore, #tpu.memory_space<semaphore_mem>>)
      %scan3A_58 = arith.constant 0 : i32
      %scan3A_59 = arith.constant 0 : i32
      %scan3A_60 = arith.constant 25 : i32
      %scan3A_61 = arith.addi %scan3A_59, %scan3A_60 : i32
      %scan3A_62 = arith.constant 1 : i32
      scf.for %scan3A_64 = %scan3A_59 to %scan3A_61 step %scan3A_62  : i32 {
        %mul3A_65 = arith.constant 2 : i32
        %mul3A_66 = arith.muli %mul3A_65, %scan3A_64 : i32
        %add3A_67 = arith.constant 0 : i32
        %add3A_68 = arith.addi %mul3A_66, %add3A_67 : i32
        %dma_wait3A_69 = arith.constant 0 : i32
        %dma_wait3A_70 = arith.constant 0 : i32
        %dma_wait3A_71 = tpu.memref_slice %arg2[%dma_wait3A_69, %dma_wait3A_70] : memref<8704x128xbf16, #tpu.memory_space<hbm>> -> memref<40x128xbf16, #tpu.memory_space<hbm>>
        %dma_wait3A_72 = arith.constant 0 : i32
        %dma_wait3A_73 = arith.constant 0 : i32
        %dma_wait3A_74 = tpu.memref_slice %arg2[%dma_wait3A_72, %dma_wait3A_73] : memref<8704x128xbf16, #tpu.memory_space<hbm>> -> memref<40x128xbf16, #tpu.memory_space<hbm>>
        tpu.wait_dma2 semaphore(%arg19 : memref<!tpu.dma_semaphore, #tpu.memory_space<semaphore_mem>>) src(%dma_wait3A_74 : memref<40x128xbf16, #tpu.memory_space<hbm>>) dst(%arg12 : memref<40x128xbf16, #tpu.memory_space<vmem>>)
        %dma_wait3A_75 = arith.constant 0 : i32
        %dma_wait3A_76 = arith.constant 0 : i32
        %dma_wait3A_77 = tpu.memref_slice %arg3[%dma_wait3A_75, %dma_wait3A_76] : memref<10000x128xbf16, #tpu.memory_space<hbm>> -> memref<40x128xbf16, #tpu.memory_space<hbm>>
        %dma_wait3A_78 = arith.constant 0 : i32
        %dma_wait3A_79 = arith.constant 0 : i32
        %dma_wait3A_80 = tpu.memref_slice %arg3[%dma_wait3A_78, %dma_wait3A_79] : memref<10000x128xbf16, #tpu.memory_space<hbm>> -> memref<40x128xbf16, #tpu.memory_space<hbm>>
        tpu.wait_dma2 semaphore(%arg21 : memref<!tpu.dma_semaphore, #tpu.memory_space<semaphore_mem>>) src(%dma_wait3A_80 : memref<40x128xbf16, #tpu.memory_space<hbm>>) dst(%arg14 : memref<40x128xbf16, #tpu.memory_space<vmem>>)
        %ge3A = arith.constant 2 : i32
        %ge3A_81 = arith.cmpi sge, %add3A_68, %ge3A : i32
        %convert_element_type3A_82 = arith.extui %ge3A_81 : i1 to i32
        %cond3A_83 = arith.constant 0 : i32
        %cond3A_84 = arith.cmpi ne, %convert_element_type3A_82, %cond3A_83 : i32
        scf.if %cond3A_84 {
          %dma_wait3A_136 = arith.constant 0 : i32
          %dma_wait3A_137 = arith.constant 0 : i32
          %dma_wait3A_138 = tpu.memref_slice %arg7[%dma_wait3A_136, %dma_wait3A_137] : memref<10000x128xf32, #tpu.memory_space<hbm>> -> memref<40x128xf32, #tpu.memory_space<hbm>>
          %dma_wait3A_139 = arith.constant 0 : i32
          %dma_wait3A_140 = arith.constant 0 : i32
          %dma_wait3A_141 = tpu.memref_slice %arg7[%dma_wait3A_139, %dma_wait3A_140] : memref<10000x128xf32, #tpu.memory_space<hbm>> -> memref<40x128xf32, #tpu.memory_space<hbm>>
          tpu.wait_dma2 semaphore(%arg23 : memref<!tpu.dma_semaphore, #tpu.memory_space<semaphore_mem>>) src(%dma_wait3A_141 : memref<40x128xf32, #tpu.memory_space<hbm>>) dst(%arg16 : memref<40x128xf32, #tpu.memory_space<vmem>>)
        } else {
        }
        %parallel_loop3A = arith.constant 0 : i32
        %parallel_loop3A_85 = arith.constant 40 : i32
        %parallel_loop3A_86 = arith.constant 1 : i32
        scf.for %parallel_loop3A_136 = %parallel_loop3A to %parallel_loop3A_85 step %parallel_loop3A_86  : i32 {
          %parallel_loop3A_137 = arith.index_cast %parallel_loop3A_136 : i32 to index
          %parallel_loop3A_138 = arith.constant 0 : index
          %parallel_loop3A_139 = tpu.vector_load %arg12[%parallel_loop3A_137, %parallel_loop3A_138] {strides = array<i32>} : memref<40x128xbf16, #tpu.memory_space<vmem>>, vector<32xbf16>,
          %parallel_loop3A_140 = tpu.unpack_subelements %parallel_loop3A_139, 0 {pack_format = #tpu.pack_format<interleaved>} : vector<32xbf16> -> vector<16xf32>
          %parallel_loop3A_141 = tpu.unpack_subelements %parallel_loop3A_139, 1 {pack_format = #tpu.pack_format<interleaved>} : vector<32xbf16> -> vector<16xf32>
          %parallel_loop3A_142 = arith.index_cast %parallel_loop3A_136 : i32 to index
          %parallel_loop3A_143 = arith.constant 0 : index
          %parallel_loop3A_144 = tpu.vector_load %arg14[%parallel_loop3A_142, %parallel_loop3A_143] {strides = array<i32>} : memref<40x128xbf16, #tpu.memory_space<vmem>>, vector<32xbf16>,
          %parallel_loop3A_145 = tpu.unpack_subelements %parallel_loop3A_144, 0 {pack_format = #tpu.pack_format<interleaved>} : vector<32xbf16> -> vector<16xf32>
          %parallel_loop3A_146 = tpu.unpack_subelements %parallel_loop3A_144, 1 {pack_format = #tpu.pack_format<interleaved>} : vector<32xbf16> -> vector<16xf32>
          %parallel_loop3A_147 = arith.mulf %parallel_loop3A_140, %parallel_loop3A_145 : vector<16xf32>
          %parallel_loop3A_148 = arith.index_cast %parallel_loop3A_136 : i32 to index
          %parallel_loop3A_149 = arith.constant 0 : index
          %parallel_loop3A_150 = tpu.vector_load %arg16[%parallel_loop3A_148, %parallel_loop3A_149] {strides = array<i32>} : memref<40x128xf32, #tpu.memory_space<vmem>>, vector<16xf32>,
          tpu.vector_store %arg16[%parallel_loop3A_148, %parallel_loop3A_149], %parallel_loop3A_147 {strides = array<i32>} : memref<40x128xf32, #tpu.memory_space<vmem>>, vector<16xf32>,
          %parallel_loop3A_151 = arith.mulf %parallel_loop3A_141, %parallel_loop3A_146 : vector<16xf32>
          %parallel_loop3A_152 = arith.index_cast %parallel_loop3A_136 : i32 to index
          %parallel_loop3A_153 = arith.constant 16 : index
          %parallel_loop3A_154 = tpu.vector_load %arg16[%parallel_loop3A_152, %parallel_loop3A_153] {strides = array<i32>} : memref<40x128xf32, #tpu.memory_space<vmem>>, vector<16xf32>,
          tpu.vector_store %arg16[%parallel_loop3A_152, %parallel_loop3A_153], %parallel_loop3A_151 {strides = array<i32>} : memref<40x128xf32, #tpu.memory_space<vmem>>, vector<16xf32>,
          %parallel_loop3A_155 = arith.index_cast %parallel_loop3A_136 : i32 to index
          %parallel_loop3A_156 = arith.constant 32 : index
          %parallel_loop3A_157 = tpu.vector_load %arg12[%parallel_loop3A_155, %parallel_loop3A_156] {strides = array<i32>} : memref<40x128xbf16, #tpu.memory_space<vmem>>, vector<32xbf16>,
          %parallel_loop3A_158 = tpu.unpack_subelements %parallel_loop3A_157, 0 {pack_format = #tpu.pack_format<interleaved>} : vector<32xbf16> -> vector<16xf32>
          %parallel_loop3A_159 = tpu.unpack_subelements %parallel_loop3A_157, 1 {pack_format = #tpu.pack_format<interleaved>} : vector<32xbf16> -> vector<16xf32>
          %parallel_loop3A_160 = arith.index_cast %parallel_loop3A_136 : i32 to index
          %parallel_loop3A_161 = arith.constant 32 : index
          %parallel_loop3A_162 = tpu.vector_load %arg14[%parallel_loop3A_160, %parallel_loop3A_161] {strides = array<i32>} : memref<40x128xbf16, #tpu.memory_space<vmem>>, vector<32xbf16>,
          %parallel_loop3A_163 = tpu.unpack_subelements %parallel_loop3A_162, 0 {pack_format = #tpu.pack_format<interleaved>} : vector<32xbf16> -> vector<16xf32>
          %parallel_loop3A_164 = tpu.unpack_subelements %parallel_loop3A_162, 1 {pack_format = #tpu.pack_format<interleaved>} : vector<32xbf16> -> vector<16xf32>
          %parallel_loop3A_165 = arith.mulf %parallel_loop3A_158, %parallel_loop3A_163 : vector<16xf32>
          %parallel_loop3A_166 = arith.index_cast %parallel_loop3A_136 : i32 to index
          %parallel_loop3A_167 = arith.constant 32 : index
          %parallel_loop3A_168 = tpu.vector_load %arg16[%parallel_loop3A_166, %parallel_loop3A_167] {strides = array<i32>} : memref<40x128xf32, #tpu.memory_space<vmem>>, vector<16xf32>,
          tpu.vector_store %arg16[%parallel_loop3A_166, %parallel_loop3A_167], %parallel_loop3A_165 {strides = array<i32>} : memref<40x128xf32, #tpu.memory_space<vmem>>, vector<16xf32>,
          %parallel_loop3A_169 = arith.mulf %parallel_loop3A_159, %parallel_loop3A_164 : vector<16xf32>
          %parallel_loop3A_170 = arith.index_cast %parallel_loop3A_136 : i32 to index
          %parallel_loop3A_171 = arith.constant 48 : index
          %parallel_loop3A_172 = tpu.vector_load %arg16[%parallel_loop3A_170, %parallel_loop3A_171] {strides = array<i32>} : memref<40x128xf32, #tpu.memory_space<vmem>>, vector<16xf32>,
          tpu.vector_store %arg16[%parallel_loop3A_170, %parallel_loop3A_171], %parallel_loop3A_169 {strides = array<i32>} : memref<40x128xf32, #tpu.memory_space<vmem>>, vector<16xf32>,
          %parallel_loop3A_173 = arith.index_cast %parallel_loop3A_136 : i32 to index
          %parallel_loop3A_174 = arith.constant 64 : index
          %parallel_loop3A_175 = tpu.vector_load %arg12[%parallel_loop3A_173, %parallel_loop3A_174] {strides = array<i32>} : memref<40x128xbf16, #tpu.memory_space<vmem>>, vector<32xbf16>,
          %parallel_loop3A_176 = tpu.unpack_subelements %parallel_loop3A_175, 0 {pack_format = #tpu.pack_format<interleaved>} : vector<32xbf16> -> vector<16xf32>
          %parallel_loop3A_177 = tpu.unpack_subelements %parallel_loop3A_175, 1 {pack_format = #tpu.pack_format<interleaved>} : vector<32xbf16> -> vector<16xf32>
          %parallel_loop3A_178 = arith.index_cast %parallel_loop3A_136 : i32 to index
          %parallel_loop3A_179 = arith.constant 64 : index
          %parallel_loop3A_180 = tpu.vector_load %arg14[%parallel_loop3A_178, %parallel_loop3A_179] {strides = array<i32>} : memref<40x128xbf16, #tpu.memory_space<vmem>>, vector<32xbf16>,
          %parallel_loop3A_181 = tpu.unpack_subelements %parallel_loop3A_180, 0 {pack_format = #tpu.pack_format<interleaved>} : vector<32xbf16> -> vector<16xf32>
          %parallel_loop3A_182 = tpu.unpack_subelements %parallel_loop3A_180, 1 {pack_format = #tpu.pack_format<interleaved>} : vector<32xbf16> -> vector<16xf32>
          %parallel_loop3A_183 = arith.mulf %parallel_loop3A_176, %parallel_loop3A_181 : vector<16xf32>
          %parallel_loop3A_184 = arith.index_cast %parallel_loop3A_136 : i32 to index
          %parallel_loop3A_185 = arith.constant 64 : index
          %parallel_loop3A_186 = tpu.vector_load %arg16[%parallel_loop3A_184, %parallel_loop3A_185] {strides = array<i32>} : memref<40x128xf32, #tpu.memory_space<vmem>>, vector<16xf32>,
          tpu.vector_store %arg16[%parallel_loop3A_184, %parallel_loop3A_185], %parallel_loop3A_183 {strides = array<i32>} : memref<40x128xf32, #tpu.memory_space<vmem>>, vector<16xf32>,
          %parallel_loop3A_187 = arith.mulf %parallel_loop3A_177, %parallel_loop3A_182 : vector<16xf32>
          %parallel_loop3A_188 = arith.index_cast %parallel_loop3A_136 : i32 to index
          %parallel_loop3A_189 = arith.constant 80 : index
          %parallel_loop3A_190 = tpu.vector_load %arg16[%parallel_loop3A_188, %parallel_loop3A_189] {strides = array<i32>} : memref<40x128xf32, #tpu.memory_space<vmem>>, vector<16xf32>,
          tpu.vector_store %arg16[%parallel_loop3A_188, %parallel_loop3A_189], %parallel_loop3A_187 {strides = array<i32>} : memref<40x128xf32, #tpu.memory_space<vmem>>, vector<16xf32>,
          %parallel_loop3A_191 = arith.index_cast %parallel_loop3A_136 : i32 to index
          %parallel_loop3A_192 = arith.constant 96 : index
          %parallel_loop3A_193 = tpu.vector_load %arg12[%parallel_loop3A_191, %parallel_loop3A_192] {strides = array<i32>} : memref<40x128xbf16, #tpu.memory_space<vmem>>, vector<32xbf16>,
          %parallel_loop3A_194 = tpu.unpack_subelements %parallel_loop3A_193, 0 {pack_format = #tpu.pack_format<interleaved>} : vector<32xbf16> -> vector<16xf32>
          %parallel_loop3A_195 = tpu.unpack_subelements %parallel_loop3A_193, 1 {pack_format = #tpu.pack_format<interleaved>} : vector<32xbf16> -> vector<16xf32>
          %parallel_loop3A_196 = arith.index_cast %parallel_loop3A_136 : i32 to index
          %parallel_loop3A_197 = arith.constant 96 : index
          %parallel_loop3A_198 = tpu.vector_load %arg14[%parallel_loop3A_196, %parallel_loop3A_197] {strides = array<i32>} : memref<40x128xbf16, #tpu.memory_space<vmem>>, vector<32xbf16>,
          %parallel_loop3A_199 = tpu.unpack_subelements %parallel_loop3A_198, 0 {pack_format = #tpu.pack_format<interleaved>} : vector<32xbf16> -> vector<16xf32>
          %parallel_loop3A_200 = tpu.unpack_subelements %parallel_loop3A_198, 1 {pack_format = #tpu.pack_format<interleaved>} : vector<32xbf16> -> vector<16xf32>
          %parallel_loop3A_201 = arith.mulf %parallel_loop3A_194, %parallel_loop3A_199 : vector<16xf32>
          %parallel_loop3A_202 = arith.index_cast %parallel_loop3A_136 : i32 to index
          %parallel_loop3A_203 = arith.constant 96 : index
          %parallel_loop3A_204 = tpu.vector_load %arg16[%parallel_loop3A_202, %parallel_loop3A_203] {strides = array<i32>} : memref<40x128xf32, #tpu.memory_space<vmem>>, vector<16xf32>,
          tpu.vector_store %arg16[%parallel_loop3A_202, %parallel_loop3A_203], %parallel_loop3A_201 {strides = array<i32>} : memref<40x128xf32, #tpu.memory_space<vmem>>, vector<16xf32>,
          %parallel_loop3A_205 = arith.mulf %parallel_loop3A_195, %parallel_loop3A_200 : vector<16xf32>
          %parallel_loop3A_206 = arith.index_cast %parallel_loop3A_136 : i32 to index
          %parallel_loop3A_207 = arith.constant 112 : index
          %parallel_loop3A_208 = tpu.vector_load %arg16[%parallel_loop3A_206, %parallel_loop3A_207] {strides = array<i32>} : memref<40x128xf32, #tpu.memory_space<vmem>>, vector<16xf32>,
          tpu.vector_store %arg16[%parallel_loop3A_206, %parallel_loop3A_207], %parallel_loop3A_205 {strides = array<i32>} : memref<40x128xf32, #tpu.memory_space<vmem>>, vector<16xf32>,
        } {sc.loop_unroll_factor = 4 : i64, sc.parallel_access}
        %add3A_87 = arith.constant 2 : i32
        %add3A_88 = arith.addi %add3A_68, %add3A_87 : i32
        %lt3A = arith.constant 50 : i32
        %lt3A_89 = arith.cmpi slt, %add3A_88, %lt3A : i32
        %convert_element_type3A_90 = arith.extui %lt3A_89 : i1 to i32
        %cond3A_91 = arith.constant 0 : i32
        %cond3A_92 = arith.cmpi ne, %convert_element_type3A_90, %cond3A_91 : i32
        scf.if %cond3A_92 {
          %mul3A_136 = arith.constant 40 : i32
          %mul3A_137 = arith.muli %add3A_88, %mul3A_136 : i32
          %dma_start3A_138 = tpu.memref_slice %arg9[%mul3A_137] : memref<2000xi32, #tpu.memory_space<vmem>> -> memref<40xi32, #tpu.memory_space<vmem>>
          %dma_start3A_139 = arith.constant 0 : i32
          %dma_start3A_140 = arith.constant 0 : i32
          %dma_start3A_141 = tpu.memref_slice %arg2[%dma_start3A_139, %dma_start3A_140] : memref<8704x128xbf16, #tpu.memory_space<hbm>> -> memref<8704x128xbf16, #tpu.memory_space<hbm>>
          tpu.enqueue_indirect_dma source(%dma_start3A_141 : memref<8704x128xbf16, #tpu.memory_space<hbm>>) target(%arg12 : memref<40x128xbf16, #tpu.memory_space<vmem>>) offsets(%dma_start3A_138 : memref<40xi32, #tpu.memory_space<vmem>>) semaphore(%arg19 : memref<!tpu.dma_semaphore, #tpu.memory_space<semaphore_mem>>)
          %dma_start3A_142 = tpu.memref_slice %arg10[%mul3A_137] : memref<2000xi32, #tpu.memory_space<vmem>> -> memref<40xi32, #tpu.memory_space<vmem>>
          %dma_start3A_143 = arith.constant 0 : i32
          %dma_start3A_144 = arith.constant 0 : i32
          %dma_start3A_145 = tpu.memref_slice %arg3[%dma_start3A_143, %dma_start3A_144] : memref<10000x128xbf16, #tpu.memory_space<hbm>> -> memref<10000x128xbf16, #tpu.memory_space<hbm>>
          tpu.enqueue_indirect_dma source(%dma_start3A_145 : memref<10000x128xbf16, #tpu.memory_space<hbm>>) target(%arg14 : memref<40x128xbf16, #tpu.memory_space<vmem>>) offsets(%dma_start3A_142 : memref<40xi32, #tpu.memory_space<vmem>>) semaphore(%arg21 : memref<!tpu.dma_semaphore, #tpu.memory_space<semaphore_mem>>)
        } else {
        }
        %dma_start3A_93 = arith.constant 0 : i32
        %dma_start3A_94 = tpu.memref_slice %arg11[%add3A_68, %dma_start3A_93] : memref<50x40xi32, #tpu.memory_space<vmem>> -> memref<1x40xi32, #tpu.memory_space<vmem>>
        %dma_start3A_95 = tpu.memref_squeeze %dma_start3A_94 : memref<1x40xi32, #tpu.memory_space<vmem>> -> memref<40xi32, #tpu.memory_space<vmem>>
        %dma_start3A_96 = arith.constant 0 : i32
        %dma_start3A_97 = arith.constant 0 : i32
        %dma_start3A_98 = tpu.memref_slice %arg18[%dma_start3A_96, %dma_start3A_97] : memref<10000x128xf32, #tpu.memory_space<vmem_shared>> -> memref<10000x128xf32, #tpu.memory_space<vmem_shared>>
        tpu.enqueue_indirect_dma source(%arg16 : memref<40x128xf32, #tpu.memory_space<vmem>>) target(%dma_start3A_98 : memref<10000x128xf32, #tpu.memory_space<vmem_shared>>) offsets(%dma_start3A_95 : memref<40xi32, #tpu.memory_space<vmem>>) semaphore(%arg23 : memref<!tpu.dma_semaphore, #tpu.memory_space<semaphore_mem>>) {add = true}
        %mul3A_99 = arith.constant 2 : i32
        %mul3A_100 = arith.muli %mul3A_99, %scan3A_64 : i32
        %add3A_101 = arith.constant 1 : i32
        %add3A_102 = arith.addi %mul3A_100, %add3A_101 : i32
        %dma_wait3A_103 = arith.constant 0 : i32
        %dma_wait3A_104 = arith.constant 0 : i32
        %dma_wait3A_105 = tpu.memref_slice %arg2[%dma_wait3A_103, %dma_wait3A_104] : memref<8704x128xbf16, #tpu.memory_space<hbm>> -> memref<40x128xbf16, #tpu.memory_space<hbm>>
        %dma_wait3A_106 = arith.constant 0 : i32
        %dma_wait3A_107 = arith.constant 0 : i32
        %dma_wait3A_108 = tpu.memref_slice %arg2[%dma_wait3A_106, %dma_wait3A_107] : memref<8704x128xbf16, #tpu.memory_space<hbm>> -> memref<40x128xbf16, #tpu.memory_space<hbm>>
        tpu.wait_dma2 semaphore(%arg20 : memref<!tpu.dma_semaphore, #tpu.memory_space<semaphore_mem>>) src(%dma_wait3A_108 : memref<40x128xbf16, #tpu.memory_space<hbm>>) dst(%arg13 : memref<40x128xbf16, #tpu.memory_space<vmem>>)
        %dma_wait3A_109 = arith.constant 0 : i32
        %dma_wait3A_110 = arith.constant 0 : i32
        %dma_wait3A_111 = tpu.memref_slice %arg3[%dma_wait3A_109, %dma_wait3A_110] : memref<10000x128xbf16, #tpu.memory_space<hbm>> -> memref<40x128xbf16, #tpu.memory_space<hbm>>
        %dma_wait3A_112 = arith.constant 0 : i32
        %dma_wait3A_113 = arith.constant 0 : i32
        %dma_wait3A_114 = tpu.memref_slice %arg3[%dma_wait3A_112, %dma_wait3A_113] : memref<10000x128xbf16, #tpu.memory_space<hbm>> -> memref<40x128xbf16, #tpu.memory_space<hbm>>
        tpu.wait_dma2 semaphore(%arg22 : memref<!tpu.dma_semaphore, #tpu.memory_space<semaphore_mem>>) src(%dma_wait3A_114 : memref<40x128xbf16, #tpu.memory_space<hbm>>) dst(%arg15 : memref<40x128xbf16, #tpu.memory_space<vmem>>)
        %ge3A_115 = arith.constant 2 : i32
        %ge3A_116 = arith.cmpi sge, %add3A_102, %ge3A_115 : i32
        %convert_element_type3A_117 = arith.extui %ge3A_116 : i1 to i32
        %cond3A_118 = arith.constant 0 : i32
        %cond3A_119 = arith.cmpi ne, %convert_element_type3A_117, %cond3A_118 : i32
        scf.if %cond3A_119 {
          %dma_wait3A_136 = arith.constant 0 : i32
          %dma_wait3A_137 = arith.constant 0 : i32
          %dma_wait3A_138 = tpu.memref_slice %arg7[%dma_wait3A_136, %dma_wait3A_137] : memref<10000x128xf32, #tpu.memory_space<hbm>> -> memref<40x128xf32, #tpu.memory_space<hbm>>
          %dma_wait3A_139 = arith.constant 0 : i32
          %dma_wait3A_140 = arith.constant 0 : i32
          %dma_wait3A_141 = tpu.memref_slice %arg7[%dma_wait3A_139, %dma_wait3A_140] : memref<10000x128xf32, #tpu.memory_space<hbm>> -> memref<40x128xf32, #tpu.memory_space<hbm>>
          tpu.wait_dma2 semaphore(%arg24 : memref<!tpu.dma_semaphore, #tpu.memory_space<semaphore_mem>>) src(%dma_wait3A_141 : memref<40x128xf32, #tpu.memory_space<hbm>>) dst(%arg17 : memref<40x128xf32, #tpu.memory_space<vmem>>)
        } else {
        }
        %parallel_loop3A_120 = arith.constant 0 : i32
        %parallel_loop3A_121 = arith.constant 40 : i32
        %parallel_loop3A_122 = arith.constant 1 : i32
        scf.for %parallel_loop3A_136 = %parallel_loop3A_120 to %parallel_loop3A_121 step %parallel_loop3A_122  : i32 {
          %parallel_loop3A_137 = arith.index_cast %parallel_loop3A_136 : i32 to index
          %parallel_loop3A_138 = arith.constant 0 : index
          %parallel_loop3A_139 = tpu.vector_load %arg13[%parallel_loop3A_137, %parallel_loop3A_138] {strides = array<i32>} : memref<40x128xbf16, #tpu.memory_space<vmem>>, vector<32xbf16>,
          %parallel_loop3A_140 = tpu.unpack_subelements %parallel_loop3A_139, 0 {pack_format = #tpu.pack_format<interleaved>} : vector<32xbf16> -> vector<16xf32>
          %parallel_loop3A_141 = tpu.unpack_subelements %parallel_loop3A_139, 1 {pack_format = #tpu.pack_format<interleaved>} : vector<32xbf16> -> vector<16xf32>
          %parallel_loop3A_142 = arith.index_cast %parallel_loop3A_136 : i32 to index
          %parallel_loop3A_143 = arith.constant 0 : index
          %parallel_loop3A_144 = tpu.vector_load %arg15[%parallel_loop3A_142, %parallel_loop3A_143] {strides = array<i32>} : memref<40x128xbf16, #tpu.memory_space<vmem>>, vector<32xbf16>,
          %parallel_loop3A_145 = tpu.unpack_subelements %parallel_loop3A_144, 0 {pack_format = #tpu.pack_format<interleaved>} : vector<32xbf16> -> vector<16xf32>
          %parallel_loop3A_146 = tpu.unpack_subelements %parallel_loop3A_144, 1 {pack_format = #tpu.pack_format<interleaved>} : vector<32xbf16> -> vector<16xf32>
          %parallel_loop3A_147 = arith.mulf %parallel_loop3A_140, %parallel_loop3A_145 : vector<16xf32>
          %parallel_loop3A_148 = arith.index_cast %parallel_loop3A_136 : i32 to index
          %parallel_loop3A_149 = arith.constant 0 : index
          %parallel_loop3A_150 = tpu.vector_load %arg17[%parallel_loop3A_148, %parallel_loop3A_149] {strides = array<i32>} : memref<40x128xf32, #tpu.memory_space<vmem>>, vector<16xf32>,
          tpu.vector_store %arg17[%parallel_loop3A_148, %parallel_loop3A_149], %parallel_loop3A_147 {strides = array<i32>} : memref<40x128xf32, #tpu.memory_space<vmem>>, vector<16xf32>,
          %parallel_loop3A_151 = arith.mulf %parallel_loop3A_141, %parallel_loop3A_146 : vector<16xf32>
          %parallel_loop3A_152 = arith.index_cast %parallel_loop3A_136 : i32 to index
          %parallel_loop3A_153 = arith.constant 16 : index
          %parallel_loop3A_154 = tpu.vector_load %arg17[%parallel_loop3A_152, %parallel_loop3A_153] {strides = array<i32>} : memref<40x128xf32, #tpu.memory_space<vmem>>, vector<16xf32>,
          tpu.vector_store %arg17[%parallel_loop3A_152, %parallel_loop3A_153], %parallel_loop3A_151 {strides = array<i32>} : memref<40x128xf32, #tpu.memory_space<vmem>>, vector<16xf32>,
          %parallel_loop3A_155 = arith.index_cast %parallel_loop3A_136 : i32 to index
          %parallel_loop3A_156 = arith.constant 32 : index
          %parallel_loop3A_157 = tpu.vector_load %arg13[%parallel_loop3A_155, %parallel_loop3A_156] {strides = array<i32>} : memref<40x128xbf16, #tpu.memory_space<vmem>>, vector<32xbf16>,
          %parallel_loop3A_158 = tpu.unpack_subelements %parallel_loop3A_157, 0 {pack_format = #tpu.pack_format<interleaved>} : vector<32xbf16> -> vector<16xf32>
          %parallel_loop3A_159 = tpu.unpack_subelements %parallel_loop3A_157, 1 {pack_format = #tpu.pack_format<interleaved>} : vector<32xbf16> -> vector<16xf32>
          %parallel_loop3A_160 = arith.index_cast %parallel_loop3A_136 : i32 to index
          %parallel_loop3A_161 = arith.constant 32 : index
          %parallel_loop3A_162 = tpu.vector_load %arg15[%parallel_loop3A_160, %parallel_loop3A_161] {strides = array<i32>} : memref<40x128xbf16, #tpu.memory_space<vmem>>, vector<32xbf16>,
          %parallel_loop3A_163 = tpu.unpack_subelements %parallel_loop3A_162, 0 {pack_format = #tpu.pack_format<interleaved>} : vector<32xbf16> -> vector<16xf32>
          %parallel_loop3A_164 = tpu.unpack_subelements %parallel_loop3A_162, 1 {pack_format = #tpu.pack_format<interleaved>} : vector<32xbf16> -> vector<16xf32>
          %parallel_loop3A_165 = arith.mulf %parallel_loop3A_158, %parallel_loop3A_163 : vector<16xf32>
          %parallel_loop3A_166 = arith.index_cast %parallel_loop3A_136 : i32 to index
          %parallel_loop3A_167 = arith.constant 32 : index
          %parallel_loop3A_168 = tpu.vector_load %arg17[%parallel_loop3A_166, %parallel_loop3A_167] {strides = array<i32>} : memref<40x128xf32, #tpu.memory_space<vmem>>, vector<16xf32>,
          tpu.vector_store %arg17[%parallel_loop3A_166, %parallel_loop3A_167], %parallel_loop3A_165 {strides = array<i32>} : memref<40x128xf32, #tpu.memory_space<vmem>>, vector<16xf32>,
          %parallel_loop3A_169 = arith.mulf %parallel_loop3A_159, %parallel_loop3A_164 : vector<16xf32>
          %parallel_loop3A_170 = arith.index_cast %parallel_loop3A_136 : i32 to index
          %parallel_loop3A_171 = arith.constant 48 : index
          %parallel_loop3A_172 = tpu.vector_load %arg17[%parallel_loop3A_170, %parallel_loop3A_171] {strides = array<i32>} : memref<40x128xf32, #tpu.memory_space<vmem>>, vector<16xf32>,
          tpu.vector_store %arg17[%parallel_loop3A_170, %parallel_loop3A_171], %parallel_loop3A_169 {strides = array<i32>} : memref<40x128xf32, #tpu.memory_space<vmem>>, vector<16xf32>,
          %parallel_loop3A_173 = arith.index_cast %parallel_loop3A_136 : i32 to index
          %parallel_loop3A_174 = arith.constant 64 : index
          %parallel_loop3A_175 = tpu.vector_load %arg13[%parallel_loop3A_173, %parallel_loop3A_174] {strides = array<i32>} : memref<40x128xbf16, #tpu.memory_space<vmem>>, vector<32xbf16>,
          %parallel_loop3A_176 = tpu.unpack_subelements %parallel_loop3A_175, 0 {pack_format = #tpu.pack_format<interleaved>} : vector<32xbf16> -> vector<16xf32>
          %parallel_loop3A_177 = tpu.unpack_subelements %parallel_loop3A_175, 1 {pack_format = #tpu.pack_format<interleaved>} : vector<32xbf16> -> vector<16xf32>
          %parallel_loop3A_178 = arith.index_cast %parallel_loop3A_136 : i32 to index
          %parallel_loop3A_179 = arith.constant 64 : index
          %parallel_loop3A_180 = tpu.vector_load %arg15[%parallel_loop3A_178, %parallel_loop3A_179] {strides = array<i32>} : memref<40x128xbf16, #tpu.memory_space<vmem>>, vector<32xbf16>,
          %parallel_loop3A_181 = tpu.unpack_subelements %parallel_loop3A_180, 0 {pack_format = #tpu.pack_format<interleaved>} : vector<32xbf16> -> vector<16xf32>
          %parallel_loop3A_182 = tpu.unpack_subelements %parallel_loop3A_180, 1 {pack_format = #tpu.pack_format<interleaved>} : vector<32xbf16> -> vector<16xf32>
          %parallel_loop3A_183 = arith.mulf %parallel_loop3A_176, %parallel_loop3A_181 : vector<16xf32>
          %parallel_loop3A_184 = arith.index_cast %parallel_loop3A_136 : i32 to index
          %parallel_loop3A_185 = arith.constant 64 : index
          %parallel_loop3A_186 = tpu.vector_load %arg17[%parallel_loop3A_184, %parallel_loop3A_185] {strides = array<i32>} : memref<40x128xf32, #tpu.memory_space<vmem>>, vector<16xf32>,
          tpu.vector_store %arg17[%parallel_loop3A_184, %parallel_loop3A_185], %parallel_loop3A_183 {strides = array<i32>} : memref<40x128xf32, #tpu.memory_space<vmem>>, vector<16xf32>,
          %parallel_loop3A_187 = arith.mulf %parallel_loop3A_177, %parallel_loop3A_182 : vector<16xf32>
          %parallel_loop3A_188 = arith.index_cast %parallel_loop3A_136 : i32 to index
          %parallel_loop3A_189 = arith.constant 80 : index
          %parallel_loop3A_190 = tpu.vector_load %arg17[%parallel_loop3A_188, %parallel_loop3A_189] {strides = array<i32>} : memref<40x128xf32, #tpu.memory_space<vmem>>, vector<16xf32>,
          tpu.vector_store %arg17[%parallel_loop3A_188, %parallel_loop3A_189], %parallel_loop3A_187 {strides = array<i32>} : memref<40x128xf32, #tpu.memory_space<vmem>>, vector<16xf32>,
          %parallel_loop3A_191 = arith.index_cast %parallel_loop3A_136 : i32 to index
          %parallel_loop3A_192 = arith.constant 96 : index
          %parallel_loop3A_193 = tpu.vector_load %arg13[%parallel_loop3A_191, %parallel_loop3A_192] {strides = array<i32>} : memref<40x128xbf16, #tpu.memory_space<vmem>>, vector<32xbf16>,
          %parallel_loop3A_194 = tpu.unpack_subelements %parallel_loop3A_193, 0 {pack_format = #tpu.pack_format<interleaved>} : vector<32xbf16> -> vector<16xf32>
          %parallel_loop3A_195 = tpu.unpack_subelements %parallel_loop3A_193, 1 {pack_format = #tpu.pack_format<interleaved>} : vector<32xbf16> -> vector<16xf32>
          %parallel_loop3A_196 = arith.index_cast %parallel_loop3A_136 : i32 to index
          %parallel_loop3A_197 = arith.constant 96 : index
          %parallel_loop3A_198 = tpu.vector_load %arg15[%parallel_loop3A_196, %parallel_loop3A_197] {strides = array<i32>} : memref<40x128xbf16, #tpu.memory_space<vmem>>, vector<32xbf16>,
          %parallel_loop3A_199 = tpu.unpack_subelements %parallel_loop3A_198, 0 {pack_format = #tpu.pack_format<interleaved>} : vector<32xbf16> -> vector<16xf32>
          %parallel_loop3A_200 = tpu.unpack_subelements %parallel_loop3A_198, 1 {pack_format = #tpu.pack_format<interleaved>} : vector<32xbf16> -> vector<16xf32>
          %parallel_loop3A_201 = arith.mulf %parallel_loop3A_194, %parallel_loop3A_199 : vector<16xf32>
          %parallel_loop3A_202 = arith.index_cast %parallel_loop3A_136 : i32 to index
          %parallel_loop3A_203 = arith.constant 96 : index
          %parallel_loop3A_204 = tpu.vector_load %arg17[%parallel_loop3A_202, %parallel_loop3A_203] {strides = array<i32>} : memref<40x128xf32, #tpu.memory_space<vmem>>, vector<16xf32>,
          tpu.vector_store %arg17[%parallel_loop3A_202, %parallel_loop3A_203], %parallel_loop3A_201 {strides = array<i32>} : memref<40x128xf32, #tpu.memory_space<vmem>>, vector<16xf32>,
          %parallel_loop3A_205 = arith.mulf %parallel_loop3A_195, %parallel_loop3A_200 : vector<16xf32>
          %parallel_loop3A_206 = arith.index_cast %parallel_loop3A_136 : i32 to index
          %parallel_loop3A_207 = arith.constant 112 : index
          %parallel_loop3A_208 = tpu.vector_load %arg17[%parallel_loop3A_206, %parallel_loop3A_207] {strides = array<i32>} : memref<40x128xf32, #tpu.memory_space<vmem>>, vector<16xf32>,
          tpu.vector_store %arg17[%parallel_loop3A_206, %parallel_loop3A_207], %parallel_loop3A_205 {strides = array<i32>} : memref<40x128xf32, #tpu.memory_space<vmem>>, vector<16xf32>,
        } {sc.loop_unroll_factor = 4 : i64, sc.parallel_access}
        %add3A_123 = arith.constant 2 : i32
        %add3A_124 = arith.addi %add3A_102, %add3A_123 : i32
        %lt3A_125 = arith.constant 50 : i32
        %lt3A_126 = arith.cmpi slt, %add3A_124, %lt3A_125 : i32
        %convert_element_type3A_127 = arith.extui %lt3A_126 : i1 to i32
        %cond3A_128 = arith.constant 0 : i32
        %cond3A_129 = arith.cmpi ne, %convert_element_type3A_127, %cond3A_128 : i32
        scf.if %cond3A_129 {
          %mul3A_136 = arith.constant 40 : i32
          %mul3A_137 = arith.muli %add3A_124, %mul3A_136 : i32
          %dma_start3A_138 = tpu.memref_slice %arg9[%mul3A_137] : memref<2000xi32, #tpu.memory_space<vmem>> -> memref<40xi32, #tpu.memory_space<vmem>>
          %dma_start3A_139 = arith.constant 0 : i32
          %dma_start3A_140 = arith.constant 0 : i32
          %dma_start3A_141 = tpu.memref_slice %arg2[%dma_start3A_139, %dma_start3A_140] : memref<8704x128xbf16, #tpu.memory_space<hbm>> -> memref<8704x128xbf16, #tpu.memory_space<hbm>>
          tpu.enqueue_indirect_dma source(%dma_start3A_141 : memref<8704x128xbf16, #tpu.memory_space<hbm>>) target(%arg13 : memref<40x128xbf16, #tpu.memory_space<vmem>>) offsets(%dma_start3A_138 : memref<40xi32, #tpu.memory_space<vmem>>) semaphore(%arg20 : memref<!tpu.dma_semaphore, #tpu.memory_space<semaphore_mem>>)
          %dma_start3A_142 = tpu.memref_slice %arg10[%mul3A_137] : memref<2000xi32, #tpu.memory_space<vmem>> -> memref<40xi32, #tpu.memory_space<vmem>>
          %dma_start3A_143 = arith.constant 0 : i32
          %dma_start3A_144 = arith.constant 0 : i32
          %dma_start3A_145 = tpu.memref_slice %arg3[%dma_start3A_143, %dma_start3A_144] : memref<10000x128xbf16, #tpu.memory_space<hbm>> -> memref<10000x128xbf16, #tpu.memory_space<hbm>>
          tpu.enqueue_indirect_dma source(%dma_start3A_145 : memref<10000x128xbf16, #tpu.memory_space<hbm>>) target(%arg15 : memref<40x128xbf16, #tpu.memory_space<vmem>>) offsets(%dma_start3A_142 : memref<40xi32, #tpu.memory_space<vmem>>) semaphore(%arg22 : memref<!tpu.dma_semaphore, #tpu.memory_space<semaphore_mem>>)
        } else {
        }
        %dma_start3A_130 = arith.constant 0 : i32
        %dma_start3A_131 = tpu.memref_slice %arg11[%add3A_102, %dma_start3A_130] : memref<50x40xi32, #tpu.memory_space<vmem>> -> memref<1x40xi32, #tpu.memory_space<vmem>>
        %dma_start3A_132 = tpu.memref_squeeze %dma_start3A_131 : memref<1x40xi32, #tpu.memory_space<vmem>> -> memref<40xi32, #tpu.memory_space<vmem>>
        %dma_start3A_133 = arith.constant 0 : i32
        %dma_start3A_134 = arith.constant 0 : i32
        %dma_start3A_135 = tpu.memref_slice %arg18[%dma_start3A_133, %dma_start3A_134] : memref<10000x128xf32, #tpu.memory_space<vmem_shared>> -> memref<10000x128xf32, #tpu.memory_space<vmem_shared>>
        tpu.enqueue_indirect_dma source(%arg17 : memref<40x128xf32, #tpu.memory_space<vmem>>) target(%dma_start3A_135 : memref<10000x128xf32, #tpu.memory_space<vmem_shared>>) offsets(%dma_start3A_132 : memref<40xi32, #tpu.memory_space<vmem>>) semaphore(%arg24 : memref<!tpu.dma_semaphore, #tpu.memory_space<semaphore_mem>>) {add = true}
      }
      %scan3A_63 = arith.constant 25 : i32
    }
    %scan3A_11 = arith.constant 5 : i32
    %dma_wait3A = arith.constant 0 : i32
    %dma_wait3A_12 = arith.constant 0 : i32
    %dma_wait3A_13 = tpu.memref_slice %arg7[%dma_wait3A, %dma_wait3A_12] : memref<10000x128xf32, #tpu.memory_space<hbm>> -> memref<40x128xf32, #tpu.memory_space<hbm>>
    %dma_wait3A_14 = arith.constant 0 : i32
    %dma_wait3A_15 = arith.constant 0 : i32
    %dma_wait3A_16 = tpu.memref_slice %arg7[%dma_wait3A_14, %dma_wait3A_15] : memref<10000x128xf32, #tpu.memory_space<hbm>> -> memref<40x128xf32, #tpu.memory_space<hbm>>
    tpu.wait_dma2 semaphore(%arg23 : memref<!tpu.dma_semaphore, #tpu.memory_space<semaphore_mem>>) src(%dma_wait3A_16 : memref<40x128xf32, #tpu.memory_space<hbm>>) dst(%arg16 : memref<40x128xf32, #tpu.memory_space<vmem>>)
    %dma_wait3A_17 = arith.constant 0 : i32
    %dma_wait3A_18 = arith.constant 0 : i32
    %dma_wait3A_19 = tpu.memref_slice %arg7[%dma_wait3A_17, %dma_wait3A_18] : memref<10000x128xf32, #tpu.memory_space<hbm>> -> memref<40x128xf32, #tpu.memory_space<hbm>>
    %dma_wait3A_20 = arith.constant 0 : i32
    %dma_wait3A_21 = arith.constant 0 : i32
    %dma_wait3A_22 = tpu.memref_slice %arg7[%dma_wait3A_20, %dma_wait3A_21] : memref<10000x128xf32, #tpu.memory_space<hbm>> -> memref<40x128xf32, #tpu.memory_space<hbm>>
    tpu.wait_dma2 semaphore(%arg24 : memref<!tpu.dma_semaphore, #tpu.memory_space<semaphore_mem>>) src(%dma_wait3A_22 : memref<40x128xf32, #tpu.memory_space<hbm>>) dst(%arg17 : memref<40x128xf32, #tpu.memory_space<vmem>>)
    %barrier3A_23 = arith.constant 0 : index
    tpu.barrier barrier_id(%barrier3A_23)
    %mul3A_24 = arith.constant 625 : i32
    %mul3A_25 = arith.muli %arg1, %mul3A_24 : i32
    %mul3A_26 = arith.constant 625 : i32
    %mul3A_27 = arith.muli %arg1, %mul3A_26 : i32
    "tpu.region"() ({
      %run_scoped3A = tpu.sem_alloc : memref<!tpu.dma_semaphore, #tpu.memory_space<semaphore_mem>>
      %dma_start3A = arith.constant 0 : i32
      %dma_start3A_28 = tpu.memref_slice %arg8[%arg0, %mul3A_27, %dma_start3A] : memref<2x10000x128xf32, #tpu.memory_space<hbm>> -> memref<1x625x128xf32, #tpu.memory_space<hbm>>
      %dma_start3A_29 = tpu.memref_squeeze %dma_start3A_28 : memref<1x625x128xf32, #tpu.memory_space<hbm>> -> memref<625x128xf32, #tpu.memory_space<hbm>>
      %dma_start3A_30 = arith.constant 0 : i32
      %dma_start3A_31 = tpu.memref_slice %arg18[%mul3A_25, %dma_start3A_30] : memref<10000x128xf32, #tpu.memory_space<vmem_shared>> -> memref<625x128xf32, #tpu.memory_space<vmem_shared>>
      tpu.enqueue_dma source(%dma_start3A_31 : memref<625x128xf32, #tpu.memory_space<vmem_shared>>) target(%dma_start3A_29 : memref<625x128xf32, #tpu.memory_space<hbm>>) target_semaphore(%run_scoped3A : memref<!tpu.dma_semaphore, #tpu.memory_space<semaphore_mem>>)
      %dma_wait3A_32 = arith.constant 0 : i32
      %dma_wait3A_33 = tpu.memref_slice %arg8[%arg0, %mul3A_27, %dma_wait3A_32] : memref<2x10000x128xf32, #tpu.memory_space<hbm>> -> memref<1x625x128xf32, #tpu.memory_space<hbm>>
      %dma_wait3A_34 = tpu.memref_squeeze %dma_wait3A_33 : memref<1x625x128xf32, #tpu.memory_space<hbm>> -> memref<625x128xf32, #tpu.memory_space<hbm>>
      %dma_wait3A_35 = arith.constant 0 : i32
      %dma_wait3A_36 = tpu.memref_slice %arg18[%mul3A_25, %dma_wait3A_35] : memref<10000x128xf32, #tpu.memory_space<vmem_shared>> -> memref<625x128xf32, #tpu.memory_space<vmem_shared>>
      tpu.wait_dma2 semaphore(%run_scoped3A : memref<!tpu.dma_semaphore, #tpu.memory_space<semaphore_mem>>) src(%dma_wait3A_36 : memref<625x128xf32, #tpu.memory_space<vmem_shared>>) dst(%dma_wait3A_34 : memref<625x128xf32, #tpu.memory_space<hbm>>)
      tpu.yield
    }) : () -> ()
    return
  }
}

#map = affine_map<(d0, d1) -> (0, 0)>
#map1 = affine_map<(d0, d1) -> (0)>
#map2 = affine_map<(d0, d1) -> (0, 0, 0)>
module attributes {stable_mosaic.version = 14 : i64} {
  func.func @_gather_mul_scatter(%arg0: i32, %arg1: i32, %arg2: memref<8704x128xbf16, #tpu.memory_space<hbm>>, %arg3: memref<10000x128xbf16, #tpu.memory_space<hbm>>, %arg4: memref<320000xi32, #tpu.memory_space<hbm>>, %arg5: memref<320000xi32, #tpu.memory_space<hbm>>, %arg6: memref<8000x40xi32, #tpu.memory_space<hbm>>, %arg7: memref<10000x128xf32, #tpu.memory_space<hbm>>, %arg8: memref<2x10000x128xf32, #tpu.memory_space<hbm>>, %arg9: memref<2000xi32, #tpu.memory_space<vmem>>, %arg10: memref<2000xi32, #tpu.memory_space<vmem>>, %arg11: memref<50x40xi32, #tpu.memory_space<vmem>>, %arg12: memref<40x128xbf16, #tpu.memory_space<vmem>>, %arg13: memref<40x128xbf16, #tpu.memory_space<vmem>>, %arg14: memref<40x128xbf16, #tpu.memory_space<vmem>>, %arg15: memref<40x128xbf16, #tpu.memory_space<vmem>>, %arg16: memref<40x128xf32, #tpu.memory_space<vmem>>, %arg17: memref<40x128xf32, #tpu.memory_space<vmem>>, %arg18: memref<10000x128xf32, #tpu.memory_space<vmem_shared>>, %arg19: memref<!tpu.dma_semaphore, #tpu.memory_space<semaphore_mem>>, %arg20: memref<!tpu.dma_semaphore, #tpu.memory_space<semaphore_mem>>, %arg21: memref<!tpu.dma_semaphore, #tpu.memory_space<semaphore_mem>>, %arg22: memref<!tpu.dma_semaphore, #tpu.memory_space<semaphore_mem>>, %arg23: memref<!tpu.dma_semaphore, #tpu.memory_space<semaphore_mem>>, %arg24: memref<!tpu.dma_semaphore, #tpu.memory_space<semaphore_mem>>) attributes {dimension_semantics = [#tpu.dimension_semantics<core_parallel>, #tpu.dimension_semantics<subcore_parallel>], iteration_bounds = array<i64: 2, 16>, scalar_prefetch = 0 : i64, scratch_operands = 16 : i64, tpu.core_type = #tpu.core_type<sc_vector_subcore>, window_params = [{transform_indices = #map}, {transform_indices = #map}, {transform_indices = #map1}, {transform_indices = #map1}, {transform_indices = #map}, {transform_indices = #map}, {transform_indices = #map2}]} {
    %mul3A = arith.constant 2 : i32
    %mul3A_0 = arith.muli %arg1, %mul3A : i32
    %add3A = arith.addi %mul3A_0, %arg0 : i32
    %mul3A_1 = arith.constant 10000 : i32
    %mul3A_2 = arith.muli %add3A, %mul3A_1 : i32
    %mul3A_3 = arith.constant 625 : i32
    %mul3A_4 = arith.muli %arg1, %mul3A_3 : i32
    %mul3A_5 = arith.constant 625 : i32
    %mul3A_6 = arith.muli %arg1, %mul3A_5 : i32
    "tpu.region"() ({
      %run_scoped3A = tpu.sem_alloc : memref<!tpu.dma_semaphore, #tpu.memory_space<semaphore_mem>>
      %dma_start3A = arith.constant 0 : i32
      %dma_start3A_28 = tpu.memref_slice %arg18[%mul3A_6, %dma_start3A] : memref<10000x128xf32, #tpu.memory_space<vmem_shared>> -> memref<625x128xf32, #tpu.memory_space<vmem_shared>>
      %dma_start3A_29 = arith.constant 0 : i32
      %dma_start3A_30 = tpu.memref_slice %arg7[%mul3A_4, %dma_start3A_29] : memref<10000x128xf32, #tpu.memory_space<hbm>> -> memref<625x128xf32, #tpu.memory_space<hbm>>
      tpu.enqueue_dma source(%dma_start3A_30 : memref<625x128xf32, #tpu.memory_space<hbm>>) target(%dma_start3A_28 : memref<625x128xf32, #tpu.memory_space<vmem_shared>>) target_semaphore(%run_scoped3A : memref<!tpu.dma_semaphore, #tpu.memory_space<semaphore_mem>>)
      %dma_wait3A_31 = arith.constant 0 : i32
      %dma_wait3A_32 = tpu.memref_slice %arg18[%mul3A_6, %dma_wait3A_31] : memref<10000x128xf32, #tpu.memory_space<vmem_shared>> -> memref<625x128xf32, #tpu.memory_space<vmem_shared>>
      %dma_wait3A_33 = arith.constant 0 : i32
      %dma_wait3A_34 = tpu.memref_slice %arg7[%mul3A_4, %dma_wait3A_33] : memref<10000x128xf32, #tpu.memory_space<hbm>> -> memref<625x128xf32, #tpu.memory_space<hbm>>
      tpu.wait_dma2 semaphore(%run_scoped3A : memref<!tpu.dma_semaphore, #tpu.memory_space<semaphore_mem>>) src(%dma_wait3A_34 : memref<625x128xf32, #tpu.memory_space<hbm>>) dst(%dma_wait3A_32 : memref<625x128xf32, #tpu.memory_space<vmem_shared>>)
      tpu.yield
    }) : () -> ()
    %barrier3A = arith.constant 0 : index
    tpu.barrier barrier_id(%barrier3A)
    %scan3A = arith.constant 0 : i32
    %scan3A_7 = arith.constant 0 : i32
    %scan3A_8 = arith.constant 5 : i32
    %scan3A_9 = arith.addi %scan3A_7, %scan3A_8 : i32
    %scan3A_10 = arith.constant 1 : i32
    scf.for %scan3A_28 = %scan3A_7 to %scan3A_9 step %scan3A_10  : i32 {
      %gt3A = arith.constant 0 : i32
      %gt3A_29 = arith.cmpi sgt, %scan3A_28, %gt3A : i32
      %convert_element_type3A = arith.extui %gt3A_29 : i1 to i32
      %cond3A = arith.constant 0 : i32
      %cond3A_30 = arith.cmpi ne, %convert_element_type3A, %cond3A : i32
      scf.if %cond3A_30 {
        %dma_wait3A_64 = arith.constant 0 : i32
        %dma_wait3A_65 = arith.constant 0 : i32
        %dma_wait3A_66 = tpu.memref_slice %arg7[%dma_wait3A_64, %dma_wait3A_65] : memref<10000x128xf32, #tpu.memory_space<hbm>> -> memref<40x128xf32, #tpu.memory_space<hbm>>
        %dma_wait3A_67 = arith.constant 0 : i32
        %dma_wait3A_68 = arith.constant 0 : i32
        %dma_wait3A_69 = tpu.memref_slice %arg7[%dma_wait3A_67, %dma_wait3A_68] : memref<10000x128xf32, #tpu.memory_space<hbm>> -> memref<40x128xf32, #tpu.memory_space<hbm>>
        tpu.wait_dma2 semaphore(%arg23 : memref<!tpu.dma_semaphore, #tpu.memory_space<semaphore_mem>>) src(%dma_wait3A_69 : memref<40x128xf32, #tpu.memory_space<hbm>>) dst(%arg16 : memref<40x128xf32, #tpu.memory_space<vmem>>)
        %dma_wait3A_70 = arith.constant 0 : i32
        %dma_wait3A_71 = arith.constant 0 : i32
        %dma_wait3A_72 = tpu.memref_slice %arg7[%dma_wait3A_70, %dma_wait3A_71] : memref<10000x128xf32, #tpu.memory_space<hbm>> -> memref<40x128xf32, #tpu.memory_space<hbm>>
        %dma_wait3A_73 = arith.constant 0 : i32
        %dma_wait3A_74 = arith.constant 0 : i32
        %dma_wait3A_75 = tpu.memref_slice %arg7[%dma_wait3A_73, %dma_wait3A_74] : memref<10000x128xf32, #tpu.memory_space<hbm>> -> memref<40x128xf32, #tpu.memory_space<hbm>>
        tpu.wait_dma2 semaphore(%arg24 : memref<!tpu.dma_semaphore, #tpu.memory_space<semaphore_mem>>) src(%dma_wait3A_75 : memref<40x128xf32, #tpu.memory_space<hbm>>) dst(%arg17 : memref<40x128xf32, #tpu.memory_space<vmem>>)
      } else {
      }
      %mul3A_31 = arith.constant 2000 : i32
      %mul3A_32 = arith.muli %scan3A_28, %mul3A_31 : i32
      %add3A_33 = arith.addi %mul3A_2, %mul3A_32 : i32
      "tpu.region"() ({
        %run_scoped3A = tpu.sem_alloc : memref<!tpu.dma_semaphore, #tpu.memory_space<semaphore_mem>>
        %dma_start3A_64 = tpu.memref_slice %arg4[%add3A_33] : memref<320000xi32, #tpu.memory_space<hbm>> -> memref<2000xi32, #tpu.memory_space<hbm>>
        %dma_start3A_65 = tpu.memref_slice %arg4[%add3A_33] : memref<320000xi32, #tpu.memory_space<hbm>> -> memref<2000xi32, #tpu.memory_space<hbm>>
        tpu.enqueue_dma source(%dma_start3A_65 : memref<2000xi32, #tpu.memory_space<hbm>>) target(%arg9 : memref<2000xi32, #tpu.memory_space<vmem>>) target_semaphore(%run_scoped3A : memref<!tpu.dma_semaphore, #tpu.memory_space<semaphore_mem>>)
        %dma_wait3A_66 = tpu.memref_slice %arg4[%add3A_33] : memref<320000xi32, #tpu.memory_space<hbm>> -> memref<2000xi32, #tpu.memory_space<hbm>>
        %dma_wait3A_67 = tpu.memref_slice %arg4[%add3A_33] : memref<320000xi32, #tpu.memory_space<hbm>> -> memref<2000xi32, #tpu.memory_space<hbm>>
        tpu.wait_dma2 semaphore(%run_scoped3A : memref<!tpu.dma_semaphore, #tpu.memory_space<semaphore_mem>>) src(%dma_wait3A_67 : memref<2000xi32, #tpu.memory_space<hbm>>) dst(%arg9 : memref<2000xi32, #tpu.memory_space<vmem>>)
        tpu.yield
      }) : () -> ()
      "tpu.region"() ({
        %run_scoped3A = tpu.sem_alloc : memref<!tpu.dma_semaphore, #tpu.memory_space<semaphore_mem>>
        %dma_start3A_64 = tpu.memref_slice %arg5[%add3A_33] : memref<320000xi32, #tpu.memory_space<hbm>> -> memref<2000xi32, #tpu.memory_space<hbm>>
        %dma_start3A_65 = tpu.memref_slice %arg5[%add3A_33] : memref<320000xi32, #tpu.memory_space<hbm>> -> memref<2000xi32, #tpu.memory_space<hbm>>
        tpu.enqueue_dma source(%dma_start3A_65 : memref<2000xi32, #tpu.memory_space<hbm>>) target(%arg10 : memref<2000xi32, #tpu.memory_space<vmem>>) target_semaphore(%run_scoped3A : memref<!tpu.dma_semaphore, #tpu.memory_space<semaphore_mem>>)
        %dma_wait3A_66 = tpu.memref_slice %arg5[%add3A_33] : memref<320000xi32, #tpu.memory_space<hbm>> -> memref<2000xi32, #tpu.memory_space<hbm>>
        %dma_wait3A_67 = tpu.memref_slice %arg5[%add3A_33] : memref<320000xi32, #tpu.memory_space<hbm>> -> memref<2000xi32, #tpu.memory_space<hbm>>
        tpu.wait_dma2 semaphore(%run_scoped3A : memref<!tpu.dma_semaphore, #tpu.memory_space<semaphore_mem>>) src(%dma_wait3A_67 : memref<2000xi32, #tpu.memory_space<hbm>>) dst(%arg10 : memref<2000xi32, #tpu.memory_space<vmem>>)
        tpu.yield
      }) : () -> ()
      %mul3A_34 = arith.constant 250 : i32
      %mul3A_35 = arith.muli %add3A, %mul3A_34 : i32
      %mul3A_36 = arith.constant 50 : i32
      %mul3A_37 = arith.muli %scan3A_28, %mul3A_36 : i32
      %add3A_38 = arith.addi %mul3A_35, %mul3A_37 : i32
      "tpu.region"() ({
        %run_scoped3A = tpu.sem_alloc : memref<!tpu.dma_semaphore, #tpu.memory_space<semaphore_mem>>
        %dma_start3A_64 = arith.constant 0 : i32
        %dma_start3A_65 = tpu.memref_slice %arg6[%add3A_38, %dma_start3A_64] : memref<8000x40xi32, #tpu.memory_space<hbm>> -> memref<50x40xi32, #tpu.memory_space<hbm>>
        %dma_start3A_66 = arith.constant 0 : i32
        %dma_start3A_67 = tpu.memref_slice %arg6[%add3A_38, %dma_start3A_66] : memref<8000x40xi32, #tpu.memory_space<hbm>> -> memref<50x40xi32, #tpu.memory_space<hbm>>
        tpu.enqueue_dma source(%dma_start3A_67 : memref<50x40xi32, #tpu.memory_space<hbm>>) target(%arg11 : memref<50x40xi32, #tpu.memory_space<vmem>>) target_semaphore(%run_scoped3A : memref<!tpu.dma_semaphore, #tpu.memory_space<semaphore_mem>>)
        %dma_wait3A_68 = arith.constant 0 : i32
        %dma_wait3A_69 = tpu.memref_slice %arg6[%add3A_38, %dma_wait3A_68] : memref<8000x40xi32, #tpu.memory_space<hbm>> -> memref<50x40xi32, #tpu.memory_space<hbm>>
        %dma_wait3A_70 = arith.constant 0 : i32
        %dma_wait3A_71 = tpu.memref_slice %arg6[%add3A_38, %dma_wait3A_70] : memref<8000x40xi32, #tpu.memory_space<hbm>> -> memref<50x40xi32, #tpu.memory_space<hbm>>
        tpu.wait_dma2 semaphore(%run_scoped3A : memref<!tpu.dma_semaphore, #tpu.memory_space<semaphore_mem>>) src(%dma_wait3A_71 : memref<50x40xi32, #tpu.memory_space<hbm>>) dst(%arg11 : memref<50x40xi32, #tpu.memory_space<vmem>>)
        tpu.yield
      }) : () -> ()
      %dma_start3A = arith.constant 0 : i32
      %dma_start3A_39 = tpu.memref_slice %arg9[%dma_start3A] : memref<2000xi32, #tpu.memory_space<vmem>> -> memref<40xi32, #tpu.memory_space<vmem>>
      %dma_start3A_40 = arith.constant 0 : i32
      %dma_start3A_41 = arith.constant 0 : i32
      %dma_start3A_42 = tpu.memref_slice %arg2[%dma_start3A_40, %dma_start3A_41] : memref<8704x128xbf16, #tpu.memory_space<hbm>> -> memref<8704x128xbf16, #tpu.memory_space<hbm>>
      tpu.enqueue_indirect_dma source(%dma_start3A_42 : memref<8704x128xbf16, #tpu.memory_space<hbm>>) target(%arg12 : memref<40x128xbf16, #tpu.memory_space<vmem>>) offsets(%dma_start3A_39 : memref<40xi32, #tpu.memory_space<vmem>>) semaphore(%arg19 : memref<!tpu.dma_semaphore, #tpu.memory_space<semaphore_mem>>)
      %dma_start3A_43 = arith.constant 0 : i32
      %dma_start3A_44 = tpu.memref_slice %arg10[%dma_start3A_43] : memref<2000xi32, #tpu.memory_space<vmem>> -> memref<40xi32, #tpu.memory_space<vmem>>
      %dma_start3A_45 = arith.constant 0 : i32
      %dma_start3A_46 = arith.constant 0 : i32
      %dma_start3A_47 = tpu.memref_slice %arg3[%dma_start3A_45, %dma_start3A_46] : memref<10000x128xbf16, #tpu.memory_space<hbm>> -> memref<10000x128xbf16, #tpu.memory_space<hbm>>
      tpu.enqueue_indirect_dma source(%dma_start3A_47 : memref<10000x128xbf16, #tpu.memory_space<hbm>>) target(%arg14 : memref<40x128xbf16, #tpu.memory_space<vmem>>) offsets(%dma_start3A_44 : memref<40xi32, #tpu.memory_space<vmem>>) semaphore(%arg21 : memref<!tpu.dma_semaphore, #tpu.memory_space<semaphore_mem>>)
      %dma_start3A_48 = arith.constant 40 : i32
      %dma_start3A_49 = tpu.memref_slice %arg9[%dma_start3A_48] : memref<2000xi32, #tpu.memory_space<vmem>> -> memref<40xi32, #tpu.memory_space<vmem>>
      %dma_start3A_50 = arith.constant 0 : i32
      %dma_start3A_51 = arith.constant 0 : i32
      %dma_start3A_52 = tpu.memref_slice %arg2[%dma_start3A_50, %dma_start3A_51] : memref<8704x128xbf16, #tpu.memory_space<hbm>> -> memref<8704x128xbf16, #tpu.memory_space<hbm>>
      tpu.enqueue_indirect_dma source(%dma_start3A_52 : memref<8704x128xbf16, #tpu.memory_space<hbm>>) target(%arg13 : memref<40x128xbf16, #tpu.memory_space<vmem>>) offsets(%dma_start3A_49 : memref<40xi32, #tpu.memory_space<vmem>>) semaphore(%arg20 : memref<!tpu.dma_semaphore, #tpu.memory_space<semaphore_mem>>)
      %dma_start3A_53 = arith.constant 40 : i32
      %dma_start3A_54 = tpu.memref_slice %arg10[%dma_start3A_53] : memref<2000xi32, #tpu.memory_space<vmem>> -> memref<40xi32, #tpu.memory_space<vmem>>
      %dma_start3A_55 = arith.constant 0 : i32
      %dma_start3A_56 = arith.constant 0 : i32
      %dma_start3A_57 = tpu.memref_slice %arg3[%dma_start3A_55, %dma_start3A_56] : memref<10000x128xbf16, #tpu.memory_space<hbm>> -> memref<10000x128xbf16, #tpu.memory_space<hbm>>
      tpu.enqueue_indirect_dma source(%dma_start3A_57 : memref<10000x128xbf16, #tpu.memory_space<hbm>>) target(%arg15 : memref<40x128xbf16, #tpu.memory_space<vmem>>) offsets(%dma_start3A_54 : memref<40xi32, #tpu.memory_space<vmem>>) semaphore(%arg22 : memref<!tpu.dma_semaphore, #tpu.memory_space<semaphore_mem>>)
      %scan3A_58 = arith.constant 0 : i32
      %scan3A_59 = arith.constant 0 : i32
      %scan3A_60 = arith.constant 25 : i32
      %scan3A_61 = arith.addi %scan3A_59, %scan3A_60 : i32
      %scan3A_62 = arith.constant 1 : i32
      scf.for %scan3A_64 = %scan3A_59 to %scan3A_61 step %scan3A_62  : i32 {
        %mul3A_65 = arith.constant 2 : i32
        %mul3A_66 = arith.muli %mul3A_65, %scan3A_64 : i32
        %add3A_67 = arith.constant 0 : i32
        %add3A_68 = arith.addi %mul3A_66, %add3A_67 : i32
        %dma_wait3A_69 = arith.constant 0 : i32
        %dma_wait3A_70 = arith.constant 0 : i32
        %dma_wait3A_71 = tpu.memref_slice %arg2[%dma_wait3A_69, %dma_wait3A_70] : memref<8704x128xbf16, #tpu.memory_space<hbm>> -> memref<40x128xbf16, #tpu.memory_space<hbm>>
        %dma_wait3A_72 = arith.constant 0 : i32
        %dma_wait3A_73 = arith.constant 0 : i32
        %dma_wait3A_74 = tpu.memref_slice %arg2[%dma_wait3A_72, %dma_wait3A_73] : memref<8704x128xbf16, #tpu.memory_space<hbm>> -> memref<40x128xbf16, #tpu.memory_space<hbm>>
        tpu.wait_dma2 semaphore(%arg19 : memref<!tpu.dma_semaphore, #tpu.memory_space<semaphore_mem>>) src(%dma_wait3A_74 : memref<40x128xbf16, #tpu.memory_space<hbm>>) dst(%arg12 : memref<40x128xbf16, #tpu.memory_space<vmem>>)
        %dma_wait3A_75 = arith.constant 0 : i32
        %dma_wait3A_76 = arith.constant 0 : i32
        %dma_wait3A_77 = tpu.memref_slice %arg3[%dma_wait3A_75, %dma_wait3A_76] : memref<10000x128xbf16, #tpu.memory_space<hbm>> -> memref<40x128xbf16, #tpu.memory_space<hbm>>
        %dma_wait3A_78 = arith.constant 0 : i32
        %dma_wait3A_79 = arith.constant 0 : i32
        %dma_wait3A_80 = tpu.memref_slice %arg3[%dma_wait3A_78, %dma_wait3A_79] : memref<10000x128xbf16, #tpu.memory_space<hbm>> -> memref<40x128xbf16, #tpu.memory_space<hbm>>
        tpu.wait_dma2 semaphore(%arg21 : memref<!tpu.dma_semaphore, #tpu.memory_space<semaphore_mem>>) src(%dma_wait3A_80 : memref<40x128xbf16, #tpu.memory_space<hbm>>) dst(%arg14 : memref<40x128xbf16, #tpu.memory_space<vmem>>)
        %ge3A = arith.constant 2 : i32
        %ge3A_81 = arith.cmpi sge, %add3A_68, %ge3A : i32
        %convert_element_type3A_82 = arith.extui %ge3A_81 : i1 to i32
        %cond3A_83 = arith.constant 0 : i32
        %cond3A_84 = arith.cmpi ne, %convert_element_type3A_82, %cond3A_83 : i32
        scf.if %cond3A_84 {
          %dma_wait3A_136 = arith.constant 0 : i32
          %dma_wait3A_137 = arith.constant 0 : i32
          %dma_wait3A_138 = tpu.memref_slice %arg7[%dma_wait3A_136, %dma_wait3A_137] : memref<10000x128xf32, #tpu.memory_space<hbm>> -> memref<40x128xf32, #tpu.memory_space<hbm>>
          %dma_wait3A_139 = arith.constant 0 : i32
          %dma_wait3A_140 = arith.constant 0 : i32
          %dma_wait3A_141 = tpu.memref_slice %arg7[%dma_wait3A_139, %dma_wait3A_140] : memref<10000x128xf32, #tpu.memory_space<hbm>> -> memref<40x128xf32, #tpu.memory_space<hbm>>
          tpu.wait_dma2 semaphore(%arg23 : memref<!tpu.dma_semaphore, #tpu.memory_space<semaphore_mem>>) src(%dma_wait3A_141 : memref<40x128xf32, #tpu.memory_space<hbm>>) dst(%arg16 : memref<40x128xf32, #tpu.memory_space<vmem>>)
        } else {
        }
        %parallel_loop3A = arith.constant 0 : i32
        %parallel_loop3A_85 = arith.constant 40 : i32
        %parallel_loop3A_86 = arith.constant 1 : i32
        scf.for %parallel_loop3A_136 = %parallel_loop3A to %parallel_loop3A_85 step %parallel_loop3A_86  : i32 {
          %parallel_loop3A_137 = arith.index_cast %parallel_loop3A_136 : i32 to index
          %parallel_loop3A_138 = arith.constant 0 : index
          %parallel_loop3A_139 = tpu.vector_load %arg12[%parallel_loop3A_137, %parallel_loop3A_138] {strides = array<i32>} : memref<40x128xbf16, #tpu.memory_space<vmem>>, vector<32xbf16>,
          %parallel_loop3A_140 = tpu.unpack_subelements %parallel_loop3A_139, 0 {pack_format = #tpu.pack_format<interleaved>} : vector<32xbf16> -> vector<16xf32>
          %parallel_loop3A_141 = tpu.unpack_subelements %parallel_loop3A_139, 1 {pack_format = #tpu.pack_format<interleaved>} : vector<32xbf16> -> vector<16xf32>
          %parallel_loop3A_142 = arith.index_cast %parallel_loop3A_136 : i32 to index
          %parallel_loop3A_143 = arith.constant 0 : index
          %parallel_loop3A_144 = tpu.vector_load %arg14[%parallel_loop3A_142, %parallel_loop3A_143] {strides = array<i32>} : memref<40x128xbf16, #tpu.memory_space<vmem>>, vector<32xbf16>,
          %parallel_loop3A_145 = tpu.unpack_subelements %parallel_loop3A_144, 0 {pack_format = #tpu.pack_format<interleaved>} : vector<32xbf16> -> vector<16xf32>
          %parallel_loop3A_146 = tpu.unpack_subelements %parallel_loop3A_144, 1 {pack_format = #tpu.pack_format<interleaved>} : vector<32xbf16> -> vector<16xf32>
          %parallel_loop3A_147 = arith.mulf %parallel_loop3A_140, %parallel_loop3A_145 : vector<16xf32>
          %parallel_loop3A_148 = arith.index_cast %parallel_loop3A_136 : i32 to index
          %parallel_loop3A_149 = arith.constant 0 : index
          %parallel_loop3A_150 = tpu.vector_load %arg16[%parallel_loop3A_148, %parallel_loop3A_149] {strides = array<i32>} : memref<40x128xf32, #tpu.memory_space<vmem>>, vector<16xf32>,
          tpu.vector_store %arg16[%parallel_loop3A_148, %parallel_loop3A_149], %parallel_loop3A_147 {strides = array<i32>} : memref<40x128xf32, #tpu.memory_space<vmem>>, vector<16xf32>,
          %parallel_loop3A_151 = arith.mulf %parallel_loop3A_141, %parallel_loop3A_146 : vector<16xf32>
          %parallel_loop3A_152 = arith.index_cast %parallel_loop3A_136 : i32 to index
          %parallel_loop3A_153 = arith.constant 16 : index
          %parallel_loop3A_154 = tpu.vector_load %arg16[%parallel_loop3A_152, %parallel_loop3A_153] {strides = array<i32>} : memref<40x128xf32, #tpu.memory_space<vmem>>, vector<16xf32>,
          tpu.vector_store %arg16[%parallel_loop3A_152, %parallel_loop3A_153], %parallel_loop3A_151 {strides = array<i32>} : memref<40x128xf32, #tpu.memory_space<vmem>>, vector<16xf32>,
          %parallel_loop3A_155 = arith.index_cast %parallel_loop3A_136 : i32 to index
          %parallel_loop3A_156 = arith.constant 32 : index
          %parallel_loop3A_157 = tpu.vector_load %arg12[%parallel_loop3A_155, %parallel_loop3A_156] {strides = array<i32>} : memref<40x128xbf16, #tpu.memory_space<vmem>>, vector<32xbf16>,
          %parallel_loop3A_158 = tpu.unpack_subelements %parallel_loop3A_157, 0 {pack_format = #tpu.pack_format<interleaved>} : vector<32xbf16> -> vector<16xf32>
          %parallel_loop3A_159 = tpu.unpack_subelements %parallel_loop3A_157, 1 {pack_format = #tpu.pack_format<interleaved>} : vector<32xbf16> -> vector<16xf32>
          %parallel_loop3A_160 = arith.index_cast %parallel_loop3A_136 : i32 to index
          %parallel_loop3A_161 = arith.constant 32 : index
          %parallel_loop3A_162 = tpu.vector_load %arg14[%parallel_loop3A_160, %parallel_loop3A_161] {strides = array<i32>} : memref<40x128xbf16, #tpu.memory_space<vmem>>, vector<32xbf16>,
          %parallel_loop3A_163 = tpu.unpack_subelements %parallel_loop3A_162, 0 {pack_format = #tpu.pack_format<interleaved>} : vector<32xbf16> -> vector<16xf32>
          %parallel_loop3A_164 = tpu.unpack_subelements %parallel_loop3A_162, 1 {pack_format = #tpu.pack_format<interleaved>} : vector<32xbf16> -> vector<16xf32>
          %parallel_loop3A_165 = arith.mulf %parallel_loop3A_158, %parallel_loop3A_163 : vector<16xf32>
          %parallel_loop3A_166 = arith.index_cast %parallel_loop3A_136 : i32 to index
          %parallel_loop3A_167 = arith.constant 32 : index
          %parallel_loop3A_168 = tpu.vector_load %arg16[%parallel_loop3A_166, %parallel_loop3A_167] {strides = array<i32>} : memref<40x128xf32, #tpu.memory_space<vmem>>, vector<16xf32>,
          tpu.vector_store %arg16[%parallel_loop3A_166, %parallel_loop3A_167], %parallel_loop3A_165 {strides = array<i32>} : memref<40x128xf32, #tpu.memory_space<vmem>>, vector<16xf32>,
          %parallel_loop3A_169 = arith.mulf %parallel_loop3A_159, %parallel_loop3A_164 : vector<16xf32>
          %parallel_loop3A_170 = arith.index_cast %parallel_loop3A_136 : i32 to index
          %parallel_loop3A_171 = arith.constant 48 : index
          %parallel_loop3A_172 = tpu.vector_load %arg16[%parallel_loop3A_170, %parallel_loop3A_171] {strides = array<i32>} : memref<40x128xf32, #tpu.memory_space<vmem>>, vector<16xf32>,
          tpu.vector_store %arg16[%parallel_loop3A_170, %parallel_loop3A_171], %parallel_loop3A_169 {strides = array<i32>} : memref<40x128xf32, #tpu.memory_space<vmem>>, vector<16xf32>,
          %parallel_loop3A_173 = arith.index_cast %parallel_loop3A_136 : i32 to index
          %parallel_loop3A_174 = arith.constant 64 : index
          %parallel_loop3A_175 = tpu.vector_load %arg12[%parallel_loop3A_173, %parallel_loop3A_174] {strides = array<i32>} : memref<40x128xbf16, #tpu.memory_space<vmem>>, vector<32xbf16>,
          %parallel_loop3A_176 = tpu.unpack_subelements %parallel_loop3A_175, 0 {pack_format = #tpu.pack_format<interleaved>} : vector<32xbf16> -> vector<16xf32>
          %parallel_loop3A_177 = tpu.unpack_subelements %parallel_loop3A_175, 1 {pack_format = #tpu.pack_format<interleaved>} : vector<32xbf16> -> vector<16xf32>
          %parallel_loop3A_178 = arith.index_cast %parallel_loop3A_136 : i32 to index
          %parallel_loop3A_179 = arith.constant 64 : index
          %parallel_loop3A_180 = tpu.vector_load %arg14[%parallel_loop3A_178, %parallel_loop3A_179] {strides = array<i32>} : memref<40x128xbf16, #tpu.memory_space<vmem>>, vector<32xbf16>,
          %parallel_loop3A_181 = tpu.unpack_subelements %parallel_loop3A_180, 0 {pack_format = #tpu.pack_format<interleaved>} : vector<32xbf16> -> vector<16xf32>
          %parallel_loop3A_182 = tpu.unpack_subelements %parallel_loop3A_180, 1 {pack_format = #tpu.pack_format<interleaved>} : vector<32xbf16> -> vector<16xf32>
          %parallel_loop3A_183 = arith.mulf %parallel_loop3A_176, %parallel_loop3A_181 : vector<16xf32>
          %parallel_loop3A_184 = arith.index_cast %parallel_loop3A_136 : i32 to index
          %parallel_loop3A_185 = arith.constant 64 : index
          %parallel_loop3A_186 = tpu.vector_load %arg16[%parallel_loop3A_184, %parallel_loop3A_185] {strides = array<i32>} : memref<40x128xf32, #tpu.memory_space<vmem>>, vector<16xf32>,
          tpu.vector_store %arg16[%parallel_loop3A_184, %parallel_loop3A_185], %parallel_loop3A_183 {strides = array<i32>} : memref<40x128xf32, #tpu.memory_space<vmem>>, vector<16xf32>,
          %parallel_loop3A_187 = arith.mulf %parallel_loop3A_177, %parallel_loop3A_182 : vector<16xf32>
          %parallel_loop3A_188 = arith.index_cast %parallel_loop3A_136 : i32 to index
          %parallel_loop3A_189 = arith.constant 80 : index
          %parallel_loop3A_190 = tpu.vector_load %arg16[%parallel_loop3A_188, %parallel_loop3A_189] {strides = array<i32>} : memref<40x128xf32, #tpu.memory_space<vmem>>, vector<16xf32>,
          tpu.vector_store %arg16[%parallel_loop3A_188, %parallel_loop3A_189], %parallel_loop3A_187 {strides = array<i32>} : memref<40x128xf32, #tpu.memory_space<vmem>>, vector<16xf32>,
          %parallel_loop3A_191 = arith.index_cast %parallel_loop3A_136 : i32 to index
          %parallel_loop3A_192 = arith.constant 96 : index
          %parallel_loop3A_193 = tpu.vector_load %arg12[%parallel_loop3A_191, %parallel_loop3A_192] {strides = array<i32>} : memref<40x128xbf16, #tpu.memory_space<vmem>>, vector<32xbf16>,
          %parallel_loop3A_194 = tpu.unpack_subelements %parallel_loop3A_193, 0 {pack_format = #tpu.pack_format<interleaved>} : vector<32xbf16> -> vector<16xf32>
          %parallel_loop3A_195 = tpu.unpack_subelements %parallel_loop3A_193, 1 {pack_format = #tpu.pack_format<interleaved>} : vector<32xbf16> -> vector<16xf32>
          %parallel_loop3A_196 = arith.index_cast %parallel_loop3A_136 : i32 to index
          %parallel_loop3A_197 = arith.constant 96 : index
          %parallel_loop3A_198 = tpu.vector_load %arg14[%parallel_loop3A_196, %parallel_loop3A_197] {strides = array<i32>} : memref<40x128xbf16, #tpu.memory_space<vmem>>, vector<32xbf16>,
          %parallel_loop3A_199 = tpu.unpack_subelements %parallel_loop3A_198, 0 {pack_format = #tpu.pack_format<interleaved>} : vector<32xbf16> -> vector<16xf32>
          %parallel_loop3A_200 = tpu.unpack_subelements %parallel_loop3A_198, 1 {pack_format = #tpu.pack_format<interleaved>} : vector<32xbf16> -> vector<16xf32>
          %parallel_loop3A_201 = arith.mulf %parallel_loop3A_194, %parallel_loop3A_199 : vector<16xf32>
          %parallel_loop3A_202 = arith.index_cast %parallel_loop3A_136 : i32 to index
          %parallel_loop3A_203 = arith.constant 96 : index
          %parallel_loop3A_204 = tpu.vector_load %arg16[%parallel_loop3A_202, %parallel_loop3A_203] {strides = array<i32>} : memref<40x128xf32, #tpu.memory_space<vmem>>, vector<16xf32>,
          tpu.vector_store %arg16[%parallel_loop3A_202, %parallel_loop3A_203], %parallel_loop3A_201 {strides = array<i32>} : memref<40x128xf32, #tpu.memory_space<vmem>>, vector<16xf32>,
          %parallel_loop3A_205 = arith.mulf %parallel_loop3A_195, %parallel_loop3A_200 : vector<16xf32>
          %parallel_loop3A_206 = arith.index_cast %parallel_loop3A_136 : i32 to index
          %parallel_loop3A_207 = arith.constant 112 : index
          %parallel_loop3A_208 = tpu.vector_load %arg16[%parallel_loop3A_206, %parallel_loop3A_207] {strides = array<i32>} : memref<40x128xf32, #tpu.memory_space<vmem>>, vector<16xf32>,
          tpu.vector_store %arg16[%parallel_loop3A_206, %parallel_loop3A_207], %parallel_loop3A_205 {strides = array<i32>} : memref<40x128xf32, #tpu.memory_space<vmem>>, vector<16xf32>,
        } {sc.loop_unroll_factor = 4 : i64, sc.parallel_access}
        %add3A_87 = arith.constant 2 : i32
        %add3A_88 = arith.addi %add3A_68, %add3A_87 : i32
        %lt3A = arith.constant 50 : i32
        %lt3A_89 = arith.cmpi slt, %add3A_88, %lt3A : i32
        %convert_element_type3A_90 = arith.extui %lt3A_89 : i1 to i32
        %cond3A_91 = arith.constant 0 : i32
        %cond3A_92 = arith.cmpi ne, %convert_element_type3A_90, %cond3A_91 : i32
        scf.if %cond3A_92 {
          %mul3A_136 = arith.constant 40 : i32
          %mul3A_137 = arith.muli %add3A_88, %mul3A_136 : i32
          %dma_start3A_138 = tpu.memref_slice %arg9[%mul3A_137] : memref<2000xi32, #tpu.memory_space<vmem>> -> memref<40xi32, #tpu.memory_space<vmem>>
          %dma_start3A_139 = arith.constant 0 : i32
          %dma_start3A_140 = arith.constant 0 : i32
          %dma_start3A_141 = tpu.memref_slice %arg2[%dma_start3A_139, %dma_start3A_140] : memref<8704x128xbf16, #tpu.memory_space<hbm>> -> memref<8704x128xbf16, #tpu.memory_space<hbm>>
          tpu.enqueue_indirect_dma source(%dma_start3A_141 : memref<8704x128xbf16, #tpu.memory_space<hbm>>) target(%arg12 : memref<40x128xbf16, #tpu.memory_space<vmem>>) offsets(%dma_start3A_138 : memref<40xi32, #tpu.memory_space<vmem>>) semaphore(%arg19 : memref<!tpu.dma_semaphore, #tpu.memory_space<semaphore_mem>>)
          %dma_start3A_142 = tpu.memref_slice %arg10[%mul3A_137] : memref<2000xi32, #tpu.memory_space<vmem>> -> memref<40xi32, #tpu.memory_space<vmem>>
          %dma_start3A_143 = arith.constant 0 : i32
          %dma_start3A_144 = arith.constant 0 : i32
          %dma_start3A_145 = tpu.memref_slice %arg3[%dma_start3A_143, %dma_start3A_144] : memref<10000x128xbf16, #tpu.memory_space<hbm>> -> memref<10000x128xbf16, #tpu.memory_space<hbm>>
          tpu.enqueue_indirect_dma source(%dma_start3A_145 : memref<10000x128xbf16, #tpu.memory_space<hbm>>) target(%arg14 : memref<40x128xbf16, #tpu.memory_space<vmem>>) offsets(%dma_start3A_142 : memref<40xi32, #tpu.memory_space<vmem>>) semaphore(%arg21 : memref<!tpu.dma_semaphore, #tpu.memory_space<semaphore_mem>>)
        } else {
        }
        %dma_start3A_93 = arith.constant 0 : i32
        %dma_start3A_94 = tpu.memref_slice %arg11[%add3A_68, %dma_start3A_93] : memref<50x40xi32, #tpu.memory_space<vmem>> -> memref<1x40xi32, #tpu.memory_space<vmem>>
        %dma_start3A_95 = tpu.memref_squeeze %dma_start3A_94 : memref<1x40xi32, #tpu.memory_space<vmem>> -> memref<40xi32, #tpu.memory_space<vmem>>
        %dma_start3A_96 = arith.constant 0 : i32
        %dma_start3A_97 = arith.constant 0 : i32
        %dma_start3A_98 = tpu.memref_slice %arg18[%dma_start3A_96, %dma_start3A_97] : memref<10000x128xf32, #tpu.memory_space<vmem_shared>> -> memref<10000x128xf32, #tpu.memory_space<vmem_shared>>
        tpu.enqueue_indirect_dma source(%arg16 : memref<40x128xf32, #tpu.memory_space<vmem>>) target(%dma_start3A_98 : memref<10000x128xf32, #tpu.memory_space<vmem_shared>>) offsets(%dma_start3A_95 : memref<40xi32, #tpu.memory_space<vmem>>) semaphore(%arg23 : memref<!tpu.dma_semaphore, #tpu.memory_space<semaphore_mem>>) {add = true}
        %mul3A_99 = arith.constant 2 : i32
        %mul3A_100 = arith.muli %mul3A_99, %scan3A_64 : i32
        %add3A_101 = arith.constant 1 : i32
        %add3A_102 = arith.addi %mul3A_100, %add3A_101 : i32
        %dma_wait3A_103 = arith.constant 0 : i32
        %dma_wait3A_104 = arith.constant 0 : i32
        %dma_wait3A_105 = tpu.memref_slice %arg2[%dma_wait3A_103, %dma_wait3A_104] : memref<8704x128xbf16, #tpu.memory_space<hbm>> -> memref<40x128xbf16, #tpu.memory_space<hbm>>
        %dma_wait3A_106 = arith.constant 0 : i32
        %dma_wait3A_107 = arith.constant 0 : i32
        %dma_wait3A_108 = tpu.memref_slice %arg2[%dma_wait3A_106, %dma_wait3A_107] : memref<8704x128xbf16, #tpu.memory_space<hbm>> -> memref<40x128xbf16, #tpu.memory_space<hbm>>
        tpu.wait_dma2 semaphore(%arg20 : memref<!tpu.dma_semaphore, #tpu.memory_space<semaphore_mem>>) src(%dma_wait3A_108 : memref<40x128xbf16, #tpu.memory_space<hbm>>) dst(%arg13 : memref<40x128xbf16, #tpu.memory_space<vmem>>)
        %dma_wait3A_109 = arith.constant 0 : i32
        %dma_wait3A_110 = arith.constant 0 : i32
        %dma_wait3A_111 = tpu.memref_slice %arg3[%dma_wait3A_109, %dma_wait3A_110] : memref<10000x128xbf16, #tpu.memory_space<hbm>> -> memref<40x128xbf16, #tpu.memory_space<hbm>>
        %dma_wait3A_112 = arith.constant 0 : i32
        %dma_wait3A_113 = arith.constant 0 : i32
        %dma_wait3A_114 = tpu.memref_slice %arg3[%dma_wait3A_112, %dma_wait3A_113] : memref<10000x128xbf16, #tpu.memory_space<hbm>> -> memref<40x128xbf16, #tpu.memory_space<hbm>>
        tpu.wait_dma2 semaphore(%arg22 : memref<!tpu.dma_semaphore, #tpu.memory_space<semaphore_mem>>) src(%dma_wait3A_114 : memref<40x128xbf16, #tpu.memory_space<hbm>>) dst(%arg15 : memref<40x128xbf16, #tpu.memory_space<vmem>>)
        %ge3A_115 = arith.constant 2 : i32
        %ge3A_116 = arith.cmpi sge, %add3A_102, %ge3A_115 : i32
        %convert_element_type3A_117 = arith.extui %ge3A_116 : i1 to i32
        %cond3A_118 = arith.constant 0 : i32
        %cond3A_119 = arith.cmpi ne, %convert_element_type3A_117, %cond3A_118 : i32
        scf.if %cond3A_119 {
          %dma_wait3A_136 = arith.constant 0 : i32
          %dma_wait3A_137 = arith.constant 0 : i32
          %dma_wait3A_138 = tpu.memref_slice %arg7[%dma_wait3A_136, %dma_wait3A_137] : memref<10000x128xf32, #tpu.memory_space<hbm>> -> memref<40x128xf32, #tpu.memory_space<hbm>>
          %dma_wait3A_139 = arith.constant 0 : i32
          %dma_wait3A_140 = arith.constant 0 : i32
          %dma_wait3A_141 = tpu.memref_slice %arg7[%dma_wait3A_139, %dma_wait3A_140] : memref<10000x128xf32, #tpu.memory_space<hbm>> -> memref<40x128xf32, #tpu.memory_space<hbm>>
          tpu.wait_dma2 semaphore(%arg24 : memref<!tpu.dma_semaphore, #tpu.memory_space<semaphore_mem>>) src(%dma_wait3A_141 : memref<40x128xf32, #tpu.memory_space<hbm>>) dst(%arg17 : memref<40x128xf32, #tpu.memory_space<vmem>>)
        } else {
        }
        %parallel_loop3A_120 = arith.constant 0 : i32
        %parallel_loop3A_121 = arith.constant 40 : i32
        %parallel_loop3A_122 = arith.constant 1 : i32
        scf.for %parallel_loop3A_136 = %parallel_loop3A_120 to %parallel_loop3A_121 step %parallel_loop3A_122  : i32 {
          %parallel_loop3A_137 = arith.index_cast %parallel_loop3A_136 : i32 to index
          %parallel_loop3A_138 = arith.constant 0 : index
          %parallel_loop3A_139 = tpu.vector_load %arg13[%parallel_loop3A_137, %parallel_loop3A_138] {strides = array<i32>} : memref<40x128xbf16, #tpu.memory_space<vmem>>, vector<32xbf16>,
          %parallel_loop3A_140 = tpu.unpack_subelements %parallel_loop3A_139, 0 {pack_format = #tpu.pack_format<interleaved>} : vector<32xbf16> -> vector<16xf32>
          %parallel_loop3A_141 = tpu.unpack_subelements %parallel_loop3A_139, 1 {pack_format = #tpu.pack_format<interleaved>} : vector<32xbf16> -> vector<16xf32>
          %parallel_loop3A_142 = arith.index_cast %parallel_loop3A_136 : i32 to index
          %parallel_loop3A_143 = arith.constant 0 : index
          %parallel_loop3A_144 = tpu.vector_load %arg15[%parallel_loop3A_142, %parallel_loop3A_143] {strides = array<i32>} : memref<40x128xbf16, #tpu.memory_space<vmem>>, vector<32xbf16>,
          %parallel_loop3A_145 = tpu.unpack_subelements %parallel_loop3A_144, 0 {pack_format = #tpu.pack_format<interleaved>} : vector<32xbf16> -> vector<16xf32>
          %parallel_loop3A_146 = tpu.unpack_subelements %parallel_loop3A_144, 1 {pack_format = #tpu.pack_format<interleaved>} : vector<32xbf16> -> vector<16xf32>
          %parallel_loop3A_147 = arith.mulf %parallel_loop3A_140, %parallel_loop3A_145 : vector<16xf32>
          %parallel_loop3A_148 = arith.index_cast %parallel_loop3A_136 : i32 to index
          %parallel_loop3A_149 = arith.constant 0 : index
          %parallel_loop3A_150 = tpu.vector_load %arg17[%parallel_loop3A_148, %parallel_loop3A_149] {strides = array<i32>} : memref<40x128xf32, #tpu.memory_space<vmem>>, vector<16xf32>,
          tpu.vector_store %arg17[%parallel_loop3A_148, %parallel_loop3A_149], %parallel_loop3A_147 {strides = array<i32>} : memref<40x128xf32, #tpu.memory_space<vmem>>, vector<16xf32>,
          %parallel_loop3A_151 = arith.mulf %parallel_loop3A_141, %parallel_loop3A_146 : vector<16xf32>
          %parallel_loop3A_152 = arith.index_cast %parallel_loop3A_136 : i32 to index
          %parallel_loop3A_153 = arith.constant 16 : index
          %parallel_loop3A_154 = tpu.vector_load %arg17[%parallel_loop3A_152, %parallel_loop3A_153] {strides = array<i32>} : memref<40x128xf32, #tpu.memory_space<vmem>>, vector<16xf32>,
          tpu.vector_store %arg17[%parallel_loop3A_152, %parallel_loop3A_153], %parallel_loop3A_151 {strides = array<i32>} : memref<40x128xf32, #tpu.memory_space<vmem>>, vector<16xf32>,
          %parallel_loop3A_155 = arith.index_cast %parallel_loop3A_136 : i32 to index
          %parallel_loop3A_156 = arith.constant 32 : index
          %parallel_loop3A_157 = tpu.vector_load %arg13[%parallel_loop3A_155, %parallel_loop3A_156] {strides = array<i32>} : memref<40x128xbf16, #tpu.memory_space<vmem>>, vector<32xbf16>,
          %parallel_loop3A_158 = tpu.unpack_subelements %parallel_loop3A_157, 0 {pack_format = #tpu.pack_format<interleaved>} : vector<32xbf16> -> vector<16xf32>
          %parallel_loop3A_159 = tpu.unpack_subelements %parallel_loop3A_157, 1 {pack_format = #tpu.pack_format<interleaved>} : vector<32xbf16> -> vector<16xf32>
          %parallel_loop3A_160 = arith.index_cast %parallel_loop3A_136 : i32 to index
          %parallel_loop3A_161 = arith.constant 32 : index
          %parallel_loop3A_162 = tpu.vector_load %arg15[%parallel_loop3A_160, %parallel_loop3A_161] {strides = array<i32>} : memref<40x128xbf16, #tpu.memory_space<vmem>>, vector<32xbf16>,
          %parallel_loop3A_163 = tpu.unpack_subelements %parallel_loop3A_162, 0 {pack_format = #tpu.pack_format<interleaved>} : vector<32xbf16> -> vector<16xf32>
          %parallel_loop3A_164 = tpu.unpack_subelements %parallel_loop3A_162, 1 {pack_format = #tpu.pack_format<interleaved>} : vector<32xbf16> -> vector<16xf32>
          %parallel_loop3A_165 = arith.mulf %parallel_loop3A_158, %parallel_loop3A_163 : vector<16xf32>
          %parallel_loop3A_166 = arith.index_cast %parallel_loop3A_136 : i32 to index
          %parallel_loop3A_167 = arith.constant 32 : index
          %parallel_loop3A_168 = tpu.vector_load %arg17[%parallel_loop3A_166, %parallel_loop3A_167] {strides = array<i32>} : memref<40x128xf32, #tpu.memory_space<vmem>>, vector<16xf32>,
          tpu.vector_store %arg17[%parallel_loop3A_166, %parallel_loop3A_167], %parallel_loop3A_165 {strides = array<i32>} : memref<40x128xf32, #tpu.memory_space<vmem>>, vector<16xf32>,
          %parallel_loop3A_169 = arith.mulf %parallel_loop3A_159, %parallel_loop3A_164 : vector<16xf32>
          %parallel_loop3A_170 = arith.index_cast %parallel_loop3A_136 : i32 to index
          %parallel_loop3A_171 = arith.constant 48 : index
          %parallel_loop3A_172 = tpu.vector_load %arg17[%parallel_loop3A_170, %parallel_loop3A_171] {strides = array<i32>} : memref<40x128xf32, #tpu.memory_space<vmem>>, vector<16xf32>,
          tpu.vector_store %arg17[%parallel_loop3A_170, %parallel_loop3A_171], %parallel_loop3A_169 {strides = array<i32>} : memref<40x128xf32, #tpu.memory_space<vmem>>, vector<16xf32>,
          %parallel_loop3A_173 = arith.index_cast %parallel_loop3A_136 : i32 to index
          %parallel_loop3A_174 = arith.constant 64 : index
          %parallel_loop3A_175 = tpu.vector_load %arg13[%parallel_loop3A_173, %parallel_loop3A_174] {strides = array<i32>} : memref<40x128xbf16, #tpu.memory_space<vmem>>, vector<32xbf16>,
          %parallel_loop3A_176 = tpu.unpack_subelements %parallel_loop3A_175, 0 {pack_format = #tpu.pack_format<interleaved>} : vector<32xbf16> -> vector<16xf32>
          %parallel_loop3A_177 = tpu.unpack_subelements %parallel_loop3A_175, 1 {pack_format = #tpu.pack_format<interleaved>} : vector<32xbf16> -> vector<16xf32>
          %parallel_loop3A_178 = arith.index_cast %parallel_loop3A_136 : i32 to index
          %parallel_loop3A_179 = arith.constant 64 : index
          %parallel_loop3A_180 = tpu.vector_load %arg15[%parallel_loop3A_178, %parallel_loop3A_179] {strides = array<i32>} : memref<40x128xbf16, #tpu.memory_space<vmem>>, vector<32xbf16>,
          %parallel_loop3A_181 = tpu.unpack_subelements %parallel_loop3A_180, 0 {pack_format = #tpu.pack_format<interleaved>} : vector<32xbf16> -> vector<16xf32>
          %parallel_loop3A_182 = tpu.unpack_subelements %parallel_loop3A_180, 1 {pack_format = #tpu.pack_format<interleaved>} : vector<32xbf16> -> vector<16xf32>
          %parallel_loop3A_183 = arith.mulf %parallel_loop3A_176, %parallel_loop3A_181 : vector<16xf32>
          %parallel_loop3A_184 = arith.index_cast %parallel_loop3A_136 : i32 to index
          %parallel_loop3A_185 = arith.constant 64 : index
          %parallel_loop3A_186 = tpu.vector_load %arg17[%parallel_loop3A_184, %parallel_loop3A_185] {strides = array<i32>} : memref<40x128xf32, #tpu.memory_space<vmem>>, vector<16xf32>,
          tpu.vector_store %arg17[%parallel_loop3A_184, %parallel_loop3A_185], %parallel_loop3A_183 {strides = array<i32>} : memref<40x128xf32, #tpu.memory_space<vmem>>, vector<16xf32>,
          %parallel_loop3A_187 = arith.mulf %parallel_loop3A_177, %parallel_loop3A_182 : vector<16xf32>
          %parallel_loop3A_188 = arith.index_cast %parallel_loop3A_136 : i32 to index
          %parallel_loop3A_189 = arith.constant 80 : index
          %parallel_loop3A_190 = tpu.vector_load %arg17[%parallel_loop3A_188, %parallel_loop3A_189] {strides = array<i32>} : memref<40x128xf32, #tpu.memory_space<vmem>>, vector<16xf32>,
          tpu.vector_store %arg17[%parallel_loop3A_188, %parallel_loop3A_189], %parallel_loop3A_187 {strides = array<i32>} : memref<40x128xf32, #tpu.memory_space<vmem>>, vector<16xf32>,
          %parallel_loop3A_191 = arith.index_cast %parallel_loop3A_136 : i32 to index
          %parallel_loop3A_192 = arith.constant 96 : index
          %parallel_loop3A_193 = tpu.vector_load %arg13[%parallel_loop3A_191, %parallel_loop3A_192] {strides = array<i32>} : memref<40x128xbf16, #tpu.memory_space<vmem>>, vector<32xbf16>,
          %parallel_loop3A_194 = tpu.unpack_subelements %parallel_loop3A_193, 0 {pack_format = #tpu.pack_format<interleaved>} : vector<32xbf16> -> vector<16xf32>
          %parallel_loop3A_195 = tpu.unpack_subelements %parallel_loop3A_193, 1 {pack_format = #tpu.pack_format<interleaved>} : vector<32xbf16> -> vector<16xf32>
          %parallel_loop3A_196 = arith.index_cast %parallel_loop3A_136 : i32 to index
          %parallel_loop3A_197 = arith.constant 96 : index
          %parallel_loop3A_198 = tpu.vector_load %arg15[%parallel_loop3A_196, %parallel_loop3A_197] {strides = array<i32>} : memref<40x128xbf16, #tpu.memory_space<vmem>>, vector<32xbf16>,
          %parallel_loop3A_199 = tpu.unpack_subelements %parallel_loop3A_198, 0 {pack_format = #tpu.pack_format<interleaved>} : vector<32xbf16> -> vector<16xf32>
          %parallel_loop3A_200 = tpu.unpack_subelements %parallel_loop3A_198, 1 {pack_format = #tpu.pack_format<interleaved>} : vector<32xbf16> -> vector<16xf32>
          %parallel_loop3A_201 = arith.mulf %parallel_loop3A_194, %parallel_loop3A_199 : vector<16xf32>
          %parallel_loop3A_202 = arith.index_cast %parallel_loop3A_136 : i32 to index
          %parallel_loop3A_203 = arith.constant 96 : index
          %parallel_loop3A_204 = tpu.vector_load %arg17[%parallel_loop3A_202, %parallel_loop3A_203] {strides = array<i32>} : memref<40x128xf32, #tpu.memory_space<vmem>>, vector<16xf32>,
          tpu.vector_store %arg17[%parallel_loop3A_202, %parallel_loop3A_203], %parallel_loop3A_201 {strides = array<i32>} : memref<40x128xf32, #tpu.memory_space<vmem>>, vector<16xf32>,
          %parallel_loop3A_205 = arith.mulf %parallel_loop3A_195, %parallel_loop3A_200 : vector<16xf32>
          %parallel_loop3A_206 = arith.index_cast %parallel_loop3A_136 : i32 to index
          %parallel_loop3A_207 = arith.constant 112 : index
          %parallel_loop3A_208 = tpu.vector_load %arg17[%parallel_loop3A_206, %parallel_loop3A_207] {strides = array<i32>} : memref<40x128xf32, #tpu.memory_space<vmem>>, vector<16xf32>,
          tpu.vector_store %arg17[%parallel_loop3A_206, %parallel_loop3A_207], %parallel_loop3A_205 {strides = array<i32>} : memref<40x128xf32, #tpu.memory_space<vmem>>, vector<16xf32>,
        } {sc.loop_unroll_factor = 4 : i64, sc.parallel_access}
        %add3A_123 = arith.constant 2 : i32
        %add3A_124 = arith.addi %add3A_102, %add3A_123 : i32
        %lt3A_125 = arith.constant 50 : i32
        %lt3A_126 = arith.cmpi slt, %add3A_124, %lt3A_125 : i32
        %convert_element_type3A_127 = arith.extui %lt3A_126 : i1 to i32
        %cond3A_128 = arith.constant 0 : i32
        %cond3A_129 = arith.cmpi ne, %convert_element_type3A_127, %cond3A_128 : i32
        scf.if %cond3A_129 {
          %mul3A_136 = arith.constant 40 : i32
          %mul3A_137 = arith.muli %add3A_124, %mul3A_136 : i32
          %dma_start3A_138 = tpu.memref_slice %arg9[%mul3A_137] : memref<2000xi32, #tpu.memory_space<vmem>> -> memref<40xi32, #tpu.memory_space<vmem>>
          %dma_start3A_139 = arith.constant 0 : i32
          %dma_start3A_140 = arith.constant 0 : i32
          %dma_start3A_141 = tpu.memref_slice %arg2[%dma_start3A_139, %dma_start3A_140] : memref<8704x128xbf16, #tpu.memory_space<hbm>> -> memref<8704x128xbf16, #tpu.memory_space<hbm>>
          tpu.enqueue_indirect_dma source(%dma_start3A_141 : memref<8704x128xbf16, #tpu.memory_space<hbm>>) target(%arg13 : memref<40x128xbf16, #tpu.memory_space<vmem>>) offsets(%dma_start3A_138 : memref<40xi32, #tpu.memory_space<vmem>>) semaphore(%arg20 : memref<!tpu.dma_semaphore, #tpu.memory_space<semaphore_mem>>)
          %dma_start3A_142 = tpu.memref_slice %arg10[%mul3A_137] : memref<2000xi32, #tpu.memory_space<vmem>> -> memref<40xi32, #tpu.memory_space<vmem>>
          %dma_start3A_143 = arith.constant 0 : i32
          %dma_start3A_144 = arith.constant 0 : i32
          %dma_start3A_145 = tpu.memref_slice %arg3[%dma_start3A_143, %dma_start3A_144] : memref<10000x128xbf16, #tpu.memory_space<hbm>> -> memref<10000x128xbf16, #tpu.memory_space<hbm>>
          tpu.enqueue_indirect_dma source(%dma_start3A_145 : memref<10000x128xbf16, #tpu.memory_space<hbm>>) target(%arg15 : memref<40x128xbf16, #tpu.memory_space<vmem>>) offsets(%dma_start3A_142 : memref<40xi32, #tpu.memory_space<vmem>>) semaphore(%arg22 : memref<!tpu.dma_semaphore, #tpu.memory_space<semaphore_mem>>)
        } else {
        }
        %dma_start3A_130 = arith.constant 0 : i32
        %dma_start3A_131 = tpu.memref_slice %arg11[%add3A_102, %dma_start3A_130] : memref<50x40xi32, #tpu.memory_space<vmem>> -> memref<1x40xi32, #tpu.memory_space<vmem>>
        %dma_start3A_132 = tpu.memref_squeeze %dma_start3A_131 : memref<1x40xi32, #tpu.memory_space<vmem>> -> memref<40xi32, #tpu.memory_space<vmem>>
        %dma_start3A_133 = arith.constant 0 : i32
        %dma_start3A_134 = arith.constant 0 : i32
        %dma_start3A_135 = tpu.memref_slice %arg18[%dma_start3A_133, %dma_start3A_134] : memref<10000x128xf32, #tpu.memory_space<vmem_shared>> -> memref<10000x128xf32, #tpu.memory_space<vmem_shared>>
        tpu.enqueue_indirect_dma source(%arg17 : memref<40x128xf32, #tpu.memory_space<vmem>>) target(%dma_start3A_135 : memref<10000x128xf32, #tpu.memory_space<vmem_shared>>) offsets(%dma_start3A_132 : memref<40xi32, #tpu.memory_space<vmem>>) semaphore(%arg24 : memref<!tpu.dma_semaphore, #tpu.memory_space<semaphore_mem>>) {add = true}
      }
      %scan3A_63 = arith.constant 25 : i32
    }
    %scan3A_11 = arith.constant 5 : i32
    %dma_wait3A = arith.constant 0 : i32
    %dma_wait3A_12 = arith.constant 0 : i32
    %dma_wait3A_13 = tpu.memref_slice %arg7[%dma_wait3A, %dma_wait3A_12] : memref<10000x128xf32, #tpu.memory_space<hbm>> -> memref<40x128xf32, #tpu.memory_space<hbm>>
    %dma_wait3A_14 = arith.constant 0 : i32
    %dma_wait3A_15 = arith.constant 0 : i32
    %dma_wait3A_16 = tpu.memref_slice %arg7[%dma_wait3A_14, %dma_wait3A_15] : memref<10000x128xf32, #tpu.memory_space<hbm>> -> memref<40x128xf32, #tpu.memory_space<hbm>>
    tpu.wait_dma2 semaphore(%arg23 : memref<!tpu.dma_semaphore, #tpu.memory_space<semaphore_mem>>) src(%dma_wait3A_16 : memref<40x128xf32, #tpu.memory_space<hbm>>) dst(%arg16 : memref<40x128xf32, #tpu.memory_space<vmem>>)
    %dma_wait3A_17 = arith.constant 0 : i32
    %dma_wait3A_18 = arith.constant 0 : i32
    %dma_wait3A_19 = tpu.memref_slice %arg7[%dma_wait3A_17, %dma_wait3A_18] : memref<10000x128xf32, #tpu.memory_space<hbm>> -> memref<40x128xf32, #tpu.memory_space<hbm>>
    %dma_wait3A_20 = arith.constant 0 : i32
    %dma_wait3A_21 = arith.constant 0 : i32
    %dma_wait3A_22 = tpu.memref_slice %arg7[%dma_wait3A_20, %dma_wait3A_21] : memref<10000x128xf32, #tpu.memory_space<hbm>> -> memref<40x128xf32, #tpu.memory_space<hbm>>
    tpu.wait_dma2 semaphore(%arg24 : memref<!tpu.dma_semaphore, #tpu.memory_space<semaphore_mem>>) src(%dma_wait3A_22 : memref<40x128xf32, #tpu.memory_space<hbm>>) dst(%arg17 : memref<40x128xf32, #tpu.memory_space<vmem>>)
    %barrier3A_23 = arith.constant 0 : index
    tpu.barrier barrier_id(%barrier3A_23)
    %mul3A_24 = arith.constant 625 : i32
    %mul3A_25 = arith.muli %arg1, %mul3A_24 : i32
    %mul3A_26 = arith.constant 625 : i32
    %mul3A_27 = arith.muli %arg1, %mul3A_26 : i32
    "tpu.region"() ({
      %run_scoped3A = tpu.sem_alloc : memref<!tpu.dma_semaphore, #tpu.memory_space<semaphore_mem>>
      %dma_start3A = arith.constant 0 : i32
      %dma_start3A_28 = tpu.memref_slice %arg8[%arg0, %mul3A_27, %dma_start3A] : memref<2x10000x128xf32, #tpu.memory_space<hbm>> -> memref<1x625x128xf32, #tpu.memory_space<hbm>>
      %dma_start3A_29 = tpu.memref_squeeze %dma_start3A_28 : memref<1x625x128xf32, #tpu.memory_space<hbm>> -> memref<625x128xf32, #tpu.memory_space<hbm>>
      %dma_start3A_30 = arith.constant 0 : i32
      %dma_start3A_31 = tpu.memref_slice %arg18[%mul3A_25, %dma_start3A_30] : memref<10000x128xf32, #tpu.memory_space<vmem_shared>> -> memref<625x128xf32, #tpu.memory_space<vmem_shared>>
      tpu.enqueue_dma source(%dma_start3A_31 : memref<625x128xf32, #tpu.memory_space<vmem_shared>>) target(%dma_start3A_29 : memref<625x128xf32, #tpu.memory_space<hbm>>) target_semaphore(%run_scoped3A : memref<!tpu.dma_semaphore, #tpu.memory_space<semaphore_mem>>)
      %dma_wait3A_32 = arith.constant 0 : i32
      %dma_wait3A_33 = tpu.memref_slice %arg8[%arg0, %mul3A_27, %dma_wait3A_32] : memref<2x10000x128xf32, #tpu.memory_space<hbm>> -> memref<1x625x128xf32, #tpu.memory_space<hbm>>
      %dma_wait3A_34 = tpu.memref_squeeze %dma_wait3A_33 : memref<1x625x128xf32, #tpu.memory_space<hbm>> -> memref<625x128xf32, #tpu.memory_space<hbm>>
      %dma_wait3A_35 = arith.constant 0 : i32
      %dma_wait3A_36 = tpu.memref_slice %arg18[%mul3A_25, %dma_wait3A_35] : memref<10000x128xf32, #tpu.memory_space<vmem_shared>> -> memref<625x128xf32, #tpu.memory_space<vmem_shared>>
      tpu.wait_dma2 semaphore(%run_scoped3A : memref<!tpu.dma_semaphore, #tpu.memory_space<semaphore_mem>>) src(%dma_wait3A_36 : memref<625x128xf32, #tpu.memory_space<vmem_shared>>) dst(%dma_wait3A_34 : memref<625x128xf32, #tpu.memory_space<hbm>>)
      tpu.yield
    }) : () -> ()
    return
  }
}

module attributes {stable_mosaic.version = 14 : i64} {
  func.func @_table_body(%arg0: i32, %arg1: memref<2x8x64xf32, #tpu.memory_space<vmem>>, %arg2: memref<2x64x64xf32, #tpu.memory_space<vmem>>, %arg3: memref<2x64x128xf32, #tpu.memory_space<vmem>>, %arg4: memref<512x128xbf16, #tpu.memory_space<vmem>>, %arg5: memref<512x128xbf16, #tpu.memory_space<vmem>>) attributes {dimension_semantics = [#tpu.dimension_semantics<arbitrary>], iteration_bounds = array<i64: 17>, scalar_prefetch = 0 : i64, scratch_operands = 0 : i64, tpu.core_type = #tpu.core_type<tc>, window_params = [{pipeline_mode = #tpu.pipeline_mode<synchronous>, transform_indices = @transform_0, window_bounds = array<i64: 2, 8, 64>}, {pipeline_mode = #tpu.pipeline_mode<synchronous>, transform_indices = @transform_1, window_bounds = array<i64: 2, 64, 64>}, {pipeline_mode = #tpu.pipeline_mode<synchronous>, transform_indices = @transform_2, window_bounds = array<i64: 2, 64, 128>}, {transform_indices = @transform_3, window_bounds = array<i64: 512, 128>}, {transform_indices = @transform_4, window_bounds = array<i64: 512, 128>}]} {
    %mul3A = arith.constant 512 : i32
    %mul3A_0 = arith.muli %arg0, %mul3A : i32
    %iota3A = tpu.iota {dimensions = array<i32: 0>} : vector<512x1xi32>
    %add3A = vector.broadcast %mul3A_0 : i32 to vector<512x1xi32>
    %add3A_1 = arith.addi %iota3A, %add3A : vector<512x1xi32>
    %convert_element_type3A = arith.sitofp %add3A_1 : vector<512x1xi32> to vector<512x1xf32>
    %mul3A_2 = arith.constant 6.4086914E-4 : f32
    %mul3A_3 = vector.broadcast %mul3A_2 : f32 to vector<512x1xf32>
    %mul3A_4 = arith.mulf %convert_element_type3A, %mul3A_3 : vector<512x1xf32>
    %max3A = arith.constant 9.99999971E-10 : f32
    %max3A_5 = vector.broadcast %max3A : f32 to vector<512x1xf32>
    %max3A_6 = arith.maximumf %mul3A_4, %max3A_5 : vector<512x1xf32>
    %iota3A_7 = tpu.iota {dimensions = array<i32: 1>} : vector<1x8xi32>
    %add3A_8 = arith.constant 1 : i32
    %add3A_9 = vector.broadcast %add3A_8 : i32 to vector<1x8xi32>
    %add3A_10 = arith.addi %iota3A_7, %add3A_9 : vector<1x8xi32>
    %convert_element_type3A_11 = arith.sitofp %add3A_10 : vector<1x8xi32> to vector<1x8xf32>
    %mul3A_12 = arith.constant 0.628318548 : f32
    %mul3A_13 = vector.broadcast %mul3A_12 : f32 to vector<512x1xf32>
    %mul3A_14 = arith.mulf %max3A_6, %mul3A_13 : vector<512x1xf32>
    %mul3A_15 = vector.broadcast %mul3A_14 : vector<512x1xf32> to vector<512x8xf32>
    %mul3A_16 = vector.broadcast %convert_element_type3A_11 : vector<1x8xf32> to vector<512x8xf32>
    %mul3A_17 = arith.mulf %mul3A_15, %mul3A_16 : vector<512x8xf32>
    %sin3A = math.sin %mul3A_17 : vector<512x8xf32>
    %mul3A_18 = arith.constant 0.632455527 : f32
    %mul3A_19 = vector.broadcast %mul3A_18 : f32 to vector<512x8xf32>
    %mul3A_20 = arith.mulf %mul3A_19, %sin3A : vector<512x8xf32>
    %div3A = vector.broadcast %max3A_6 : vector<512x1xf32> to vector<512x8xf32>
    %div3A_21 = arith.divf %mul3A_20, %div3A : vector<512x8xf32>
    %mul3A_22 = arith.constant 2.000000e-01 : f32
    %mul3A_23 = vector.broadcast %mul3A_22 : f32 to vector<512x1xf32>
    %mul3A_24 = arith.mulf %mul3A_4, %mul3A_23 : vector<512x1xf32>
    %mul3A_25 = arith.mulf %mul3A_24, %mul3A_24 : vector<512x1xf32>
    %mul3A_26 = arith.mulf %mul3A_25, %mul3A_25 : vector<512x1xf32>
    %mul3A_27 = arith.mulf %mul3A_26, %mul3A_24 : vector<512x1xf32>
    %mul3A_28 = arith.constant 2.100000e+01 : f32
    %mul3A_29 = vector.broadcast %mul3A_28 : f32 to vector<512x1xf32>
    %mul3A_30 = arith.mulf %mul3A_29, %mul3A_27 : vector<512x1xf32>
    %sub3A = arith.constant 1.000000e+00 : f32
    %sub3A_31 = vector.broadcast %sub3A : f32 to vector<512x1xf32>
    %sub3A_32 = arith.subf %sub3A_31, %mul3A_30 : vector<512x1xf32>
    %mul3A_33 = arith.constant 3.500000e+01 : f32
    %mul3A_34 = vector.broadcast %mul3A_33 : f32 to vector<512x1xf32>
    %mul3A_35 = arith.mulf %mul3A_34, %mul3A_27 : vector<512x1xf32>
    %mul3A_36 = arith.mulf %mul3A_35, %mul3A_24 : vector<512x1xf32>
    %add3A_37 = arith.addf %sub3A_32, %mul3A_36 : vector<512x1xf32>
    %mul3A_38 = arith.constant 1.500000e+01 : f32
    %mul3A_39 = vector.broadcast %mul3A_38 : f32 to vector<512x1xf32>
    %mul3A_40 = arith.mulf %mul3A_39, %mul3A_27 : vector<512x1xf32>
    %mul3A_41 = arith.mulf %mul3A_40, %mul3A_25 : vector<512x1xf32>
    %sub3A_42 = arith.subf %add3A_37, %mul3A_41 : vector<512x1xf32>
    %lt3A = arith.constant 1.000000e+00 : f32
    %lt3A_43 = vector.broadcast %lt3A : f32 to vector<512x1xf32>
    %lt3A_44 = arith.cmpf olt, %mul3A_24, %lt3A_43 : vector<512x1xf32>
    %jit3A = arith.constant 0.000000e+00 : f32
    %broadcast_in_dim3A = vector.broadcast %jit3A : f32 to vector<512x1xf32>
    %select_n3A = arith.select %lt3A_44, %sub3A_42, %broadcast_in_dim3A : vector<512x1xi1>, vector<512x1xf32>
    %mul3A_45 = vector.broadcast %select_n3A : vector<512x1xf32> to vector<512x8xf32>
    %mul3A_46 = arith.mulf %div3A_21, %mul3A_45 : vector<512x8xf32>
    %get3A = arith.constant 0 : index
    %get3A_47 = arith.constant 0 : index
    %get3A_48 = arith.constant 0 : index
    %get3A_49 = vector.load %arg1[%get3A, %get3A_47, %get3A_48] : memref<2x8x64xf32, #tpu.memory_space<vmem>>, vector<1x8x64xf32>
    %get3A_50 = vector.shape_cast %get3A_49 : vector<1x8x64xf32> to vector<8x64xf32>
    %dot_general3A = arith.constant dense<0.000000e+00> : vector<512x64xf32>
    %dot_general3A_51 = tpu.matmul %mul3A_46, %get3A_50, %dot_general3A {dimension_numbers = #tpu.dot_dimension_numbers<[1], [0], [0], [1], [0, 0, 1, 1], [], []>, transpose_lhs_hint = false} : vector<512x8xf32>, vector<8x64xf32>, vector<512x64xf32> -> vector<512x64xf32>
    %logistic3A = arith.negf %dot_general3A_51 : vector<512x64xf32>
    %logistic3A_52 = math.exp %logistic3A : vector<512x64xf32>
    %logistic3A_53 = arith.constant 1.000000e+00 : f32
    %logistic3A_54 = vector.broadcast %logistic3A_53 : f32 to vector<512x64xf32>
    %logistic3A_55 = arith.addf %logistic3A_54, %logistic3A_52 : vector<512x64xf32>
    %logistic3A_56 = arith.divf %logistic3A_54, %logistic3A_55 : vector<512x64xf32>
    %mul3A_57 = arith.mulf %dot_general3A_51, %logistic3A_56 : vector<512x64xf32>
    %get3A_58 = arith.constant 0 : index
    %get3A_59 = arith.constant 0 : index
    %get3A_60 = arith.constant 0 : index
    %get3A_61 = vector.load %arg2[%get3A_58, %get3A_59, %get3A_60] : memref<2x64x64xf32, #tpu.memory_space<vmem>>, vector<1x64x64xf32>
    %get3A_62 = vector.shape_cast %get3A_61 : vector<1x64x64xf32> to vector<64x64xf32>
    %dot_general3A_63 = arith.constant dense<0.000000e+00> : vector<512x64xf32>
    %dot_general3A_64 = tpu.matmul %mul3A_57, %get3A_62, %dot_general3A_63 {dimension_numbers = #tpu.dot_dimension_numbers<[1], [0], [0], [1], [0, 0, 1, 1], [], []>, transpose_lhs_hint = false} : vector<512x64xf32>, vector<64x64xf32>, vector<512x64xf32> -> vector<512x64xf32>
    %logistic3A_65 = arith.negf %dot_general3A_64 : vector<512x64xf32>
    %logistic3A_66 = math.exp %logistic3A_65 : vector<512x64xf32>
    %logistic3A_67 = arith.constant 1.000000e+00 : f32
    %logistic3A_68 = vector.broadcast %logistic3A_67 : f32 to vector<512x64xf32>
    %logistic3A_69 = arith.addf %logistic3A_68, %logistic3A_66 : vector<512x64xf32>
    %logistic3A_70 = arith.divf %logistic3A_68, %logistic3A_69 : vector<512x64xf32>
    %mul3A_71 = arith.mulf %dot_general3A_64, %logistic3A_70 : vector<512x64xf32>
    %get3A_72 = arith.constant 0 : index
    %get3A_73 = arith.constant 0 : index
    %get3A_74 = arith.constant 0 : index
    %get3A_75 = vector.load %arg3[%get3A_72, %get3A_73, %get3A_74] : memref<2x64x128xf32, #tpu.memory_space<vmem>>, vector<1x64x128xf32>
    %get3A_76 = vector.shape_cast %get3A_75 : vector<1x64x128xf32> to vector<64x128xf32>
    %dot_general3A_77 = arith.constant dense<0.000000e+00> : vector<512x128xf32>
    %dot_general3A_78 = tpu.matmul %mul3A_71, %get3A_76, %dot_general3A_77 {dimension_numbers = #tpu.dot_dimension_numbers<[1], [0], [0], [1], [0, 0, 1, 1], [], []>, transpose_lhs_hint = false} : vector<512x64xf32>, vector<64x128xf32>, vector<512x128xf32> -> vector<512x128xf32>
    %convert_element_type3A_79 = arith.truncf %dot_general3A_78 : vector<512x128xf32> to vector<512x128xbf16>
    %swap3A = arith.constant 0 : index
    %swap3A_80 = arith.constant 0 : index
    %swap3A_81 = vector.load %arg4[%swap3A, %swap3A_80] : memref<512x128xbf16, #tpu.memory_space<vmem>>, vector<512x128xbf16>
    tpu.vector_store %arg4[%swap3A, %swap3A_80], %convert_element_type3A_79 {strides = array<i32>} : memref<512x128xbf16, #tpu.memory_space<vmem>>, vector<512x128xbf16>,
    %get3A_82 = arith.constant 1 : index
    %get3A_83 = arith.constant 0 : index
    %get3A_84 = arith.constant 0 : index
    %get3A_85 = vector.load %arg1[%get3A_82, %get3A_83, %get3A_84] : memref<2x8x64xf32, #tpu.memory_space<vmem>>, vector<1x8x64xf32>
    %get3A_86 = vector.shape_cast %get3A_85 : vector<1x8x64xf32> to vector<8x64xf32>
    %dot_general3A_87 = arith.constant dense<0.000000e+00> : vector<512x64xf32>
    %dot_general3A_88 = tpu.matmul %mul3A_46, %get3A_86, %dot_general3A_87 {dimension_numbers = #tpu.dot_dimension_numbers<[1], [0], [0], [1], [0, 0, 1, 1], [], []>, transpose_lhs_hint = false} : vector<512x8xf32>, vector<8x64xf32>, vector<512x64xf32> -> vector<512x64xf32>
    %logistic3A_89 = arith.negf %dot_general3A_88 : vector<512x64xf32>
    %logistic3A_90 = math.exp %logistic3A_89 : vector<512x64xf32>
    %logistic3A_91 = arith.constant 1.000000e+00 : f32
    %logistic3A_92 = vector.broadcast %logistic3A_91 : f32 to vector<512x64xf32>
    %logistic3A_93 = arith.addf %logistic3A_92, %logistic3A_90 : vector<512x64xf32>
    %logistic3A_94 = arith.divf %logistic3A_92, %logistic3A_93 : vector<512x64xf32>
    %mul3A_95 = arith.mulf %dot_general3A_88, %logistic3A_94 : vector<512x64xf32>
    %get3A_96 = arith.constant 1 : index
    %get3A_97 = arith.constant 0 : index
    %get3A_98 = arith.constant 0 : index
    %get3A_99 = vector.load %arg2[%get3A_96, %get3A_97, %get3A_98] : memref<2x64x64xf32, #tpu.memory_space<vmem>>, vector<1x64x64xf32>
    %get3A_100 = vector.shape_cast %get3A_99 : vector<1x64x64xf32> to vector<64x64xf32>
    %dot_general3A_101 = arith.constant dense<0.000000e+00> : vector<512x64xf32>
    %dot_general3A_102 = tpu.matmul %mul3A_95, %get3A_100, %dot_general3A_101 {dimension_numbers = #tpu.dot_dimension_numbers<[1], [0], [0], [1], [0, 0, 1, 1], [], []>, transpose_lhs_hint = false} : vector<512x64xf32>, vector<64x64xf32>, vector<512x64xf32> -> vector<512x64xf32>
    %logistic3A_103 = arith.negf %dot_general3A_102 : vector<512x64xf32>
    %logistic3A_104 = math.exp %logistic3A_103 : vector<512x64xf32>
    %logistic3A_105 = arith.constant 1.000000e+00 : f32
    %logistic3A_106 = vector.broadcast %logistic3A_105 : f32 to vector<512x64xf32>
    %logistic3A_107 = arith.addf %logistic3A_106, %logistic3A_104 : vector<512x64xf32>
    %logistic3A_108 = arith.divf %logistic3A_106, %logistic3A_107 : vector<512x64xf32>
    %mul3A_109 = arith.mulf %dot_general3A_102, %logistic3A_108 : vector<512x64xf32>
    %get3A_110 = arith.constant 1 : index
    %get3A_111 = arith.constant 0 : index
    %get3A_112 = arith.constant 0 : index
    %get3A_113 = vector.load %arg3[%get3A_110, %get3A_111, %get3A_112] : memref<2x64x128xf32, #tpu.memory_space<vmem>>, vector<1x64x128xf32>
    %get3A_114 = vector.shape_cast %get3A_113 : vector<1x64x128xf32> to vector<64x128xf32>
    %dot_general3A_115 = arith.constant dense<0.000000e+00> : vector<512x128xf32>
    %dot_general3A_116 = tpu.matmul %mul3A_109, %get3A_114, %dot_general3A_115 {dimension_numbers = #tpu.dot_dimension_numbers<[1], [0], [0], [1], [0, 0, 1, 1], [], []>, transpose_lhs_hint = false} : vector<512x64xf32>, vector<64x128xf32>, vector<512x128xf32> -> vector<512x128xf32>
    %convert_element_type3A_117 = arith.truncf %dot_general3A_116 : vector<512x128xf32> to vector<512x128xbf16>
    %swap3A_118 = arith.constant 0 : index
    %swap3A_119 = arith.constant 0 : index
    %swap3A_120 = vector.load %arg5[%swap3A_118, %swap3A_119] : memref<512x128xbf16, #tpu.memory_space<vmem>>, vector<512x128xbf16>
    tpu.vector_store %arg5[%swap3A_118, %swap3A_119], %convert_element_type3A_117 {strides = array<i32>} : memref<512x128xbf16, #tpu.memory_space<vmem>>, vector<512x128xbf16>,
    return
  }
  func.func @transform_0(%arg0: i32) -> (i32, i32, i32) {
    %c0_i32 = arith.constant 0 : i32
    %c0_i32_0 = arith.constant 0 : i32
    %c0_i32_1 = arith.constant 0 : i32
    %c0_i32_2 = arith.constant 0 : i32
    return %c0_i32, %c0_i32_0, %c0_i32_1 : i32, i32, i32
  }
  func.func @transform_1(%arg0: i32) -> (i32, i32, i32) {
    %c0_i32 = arith.constant 0 : i32
    %c0_i32_0 = arith.constant 0 : i32
    %c0_i32_1 = arith.constant 0 : i32
    %c0_i32_2 = arith.constant 0 : i32
    return %c0_i32, %c0_i32_0, %c0_i32_1 : i32, i32, i32
  }
  func.func @transform_2(%arg0: i32) -> (i32, i32, i32) {
    %c0_i32 = arith.constant 0 : i32
    %c0_i32_0 = arith.constant 0 : i32
    %c0_i32_1 = arith.constant 0 : i32
    %c0_i32_2 = arith.constant 0 : i32
    return %c0_i32, %c0_i32_0, %c0_i32_1 : i32, i32, i32
  }
  func.func @transform_3(%arg0: i32) -> (i32, i32) {
    %c0_i32 = arith.constant 0 : i32
    %c0_i32_0 = arith.constant 0 : i32
    return %arg0, %c0_i32 : i32, i32
  }
  func.func @transform_4(%arg0: i32) -> (i32, i32) {
    %c0_i32 = arith.constant 0 : i32
    %c0_i32_0 = arith.constant 0 : i32
    return %arg0, %c0_i32 : i32, i32
  }
}

module attributes {stable_mosaic.version = 14 : i64} {
  func.func @_node_init_body(%arg0: i32, %arg1: memref<2000x1xi32, #tpu.memory_space<vmem>>, %arg2: memref<10x128xf32, #tpu.memory_space<vmem>>, %arg3: memref<10x1xf32, #tpu.memory_space<vmem>>, %arg4: memref<128x128xf32, #tpu.memory_space<vmem>>, %arg5: memref<2000x128xf32, #tpu.memory_space<vmem>>, %arg6: memref<2000x128xbf16, #tpu.memory_space<vmem>>, %arg7: memref<2000x1xf32, #tpu.memory_space<vmem>>) attributes {dimension_semantics = [#tpu.dimension_semantics<arbitrary>], iteration_bounds = array<i64: 5>, scalar_prefetch = 0 : i64, scratch_operands = 0 : i64, tpu.core_type = #tpu.core_type<tc>, window_params = [{transform_indices = @transform_0, window_bounds = array<i64: 2000, 1>}, {pipeline_mode = #tpu.pipeline_mode<synchronous>, transform_indices = @transform_1, window_bounds = array<i64: 10, 128>}, {pipeline_mode = #tpu.pipeline_mode<synchronous>, transform_indices = @transform_2, window_bounds = array<i64: 10, 1>}, {pipeline_mode = #tpu.pipeline_mode<synchronous>, transform_indices = @transform_3, window_bounds = array<i64: 128, 128>}, {transform_indices = @transform_4, window_bounds = array<i64: 2000, 128>}, {transform_indices = @transform_5, window_bounds = array<i64: 2000, 128>}, {transform_indices = @transform_6, window_bounds = array<i64: 2000, 1>}]} {
    %get3A = arith.constant 0 : index
    %get3A_0 = arith.constant 0 : index
    %get3A_1 = vector.load %arg1[%get3A, %get3A_0] : memref<2000x1xi32, #tpu.memory_space<vmem>>, vector<2000x1xi32>
    %iota3A = tpu.iota {dimensions = array<i32: 1>} : vector<1x10xi32>
    %eq3A = vector.broadcast %get3A_1 : vector<2000x1xi32> to vector<2000x10xi32>
    %eq3A_2 = vector.broadcast %iota3A : vector<1x10xi32> to vector<2000x10xi32>
    %eq3A_3 = arith.cmpi eq, %eq3A, %eq3A_2 : vector<2000x10xi32>
    %convert_element_type3A = arith.extui %eq3A_3 : vector<2000x10xi1> to vector<2000x10xi32>
    %convert_element_type3A_4 = arith.sitofp %convert_element_type3A : vector<2000x10xi32> to vector<2000x10xf32>
    %get3A_5 = arith.constant 0 : index
    %get3A_6 = arith.constant 0 : index
    %get3A_7 = vector.load %arg2[%get3A_5, %get3A_6] : memref<10x128xf32, #tpu.memory_space<vmem>>, vector<10x128xf32>
    %dot_general3A = arith.constant dense<0.000000e+00> : vector<2000x128xf32>
    %dot_general3A_8 = tpu.matmul %convert_element_type3A_4, %get3A_7, %dot_general3A {dimension_numbers = #tpu.dot_dimension_numbers<[1], [0], [0], [1], [0, 0, 1, 1], [], []>, transpose_lhs_hint = false} : vector<2000x10xf32>, vector<10x128xf32>, vector<2000x128xf32> -> vector<2000x128xf32>
    %swap3A = arith.constant 0 : index
    %swap3A_9 = arith.constant 0 : index
    %swap3A_10 = vector.load %arg5[%swap3A, %swap3A_9] : memref<2000x128xf32, #tpu.memory_space<vmem>>, vector<2000x128xf32>
    tpu.vector_store %arg5[%swap3A, %swap3A_9], %dot_general3A_8 {strides = array<i32>} : memref<2000x128xf32, #tpu.memory_space<vmem>>, vector<2000x128xf32>,
    %get3A_11 = arith.constant 0 : index
    %get3A_12 = arith.constant 0 : index
    %get3A_13 = vector.load %arg4[%get3A_11, %get3A_12] : memref<128x128xf32, #tpu.memory_space<vmem>>, vector<128x128xf32>
    %dot_general3A_14 = arith.constant dense<0.000000e+00> : vector<2000x128xf32>
    %dot_general3A_15 = tpu.matmul %dot_general3A_8, %get3A_13, %dot_general3A_14 {dimension_numbers = #tpu.dot_dimension_numbers<[1], [0], [0], [1], [0, 0, 1, 1], [], []>, transpose_lhs_hint = false} : vector<2000x128xf32>, vector<128x128xf32>, vector<2000x128xf32> -> vector<2000x128xf32>
    %convert_element_type3A_16 = arith.truncf %dot_general3A_15 : vector<2000x128xf32> to vector<2000x128xbf16>
    %swap3A_17 = arith.constant 0 : index
    %swap3A_18 = arith.constant 0 : index
    %swap3A_19 = vector.load %arg6[%swap3A_17, %swap3A_18] : memref<2000x128xbf16, #tpu.memory_space<vmem>>, vector<2000x128xbf16>
    tpu.vector_store %arg6[%swap3A_17, %swap3A_18], %convert_element_type3A_16 {strides = array<i32>} : memref<2000x128xbf16, #tpu.memory_space<vmem>>, vector<2000x128xbf16>,
    %get3A_20 = arith.constant 0 : index
    %get3A_21 = arith.constant 0 : index
    %get3A_22 = vector.load %arg3[%get3A_20, %get3A_21] : memref<10x1xf32, #tpu.memory_space<vmem>>, vector<10x1xf32>
    %dot_general3A_23 = arith.constant dense<0.000000e+00> : vector<2000x1xf32>
    %dot_general3A_24 = tpu.matmul %convert_element_type3A_4, %get3A_22, %dot_general3A_23 {dimension_numbers = #tpu.dot_dimension_numbers<[1], [0], [0], [1], [0, 0, 1, 1], [], []>, transpose_lhs_hint = false} : vector<2000x10xf32>, vector<10x1xf32>, vector<2000x1xf32> -> vector<2000x1xf32>
    %swap3A_25 = arith.constant 0 : index
    %swap3A_26 = arith.constant 0 : index
    %swap3A_27 = vector.load %arg7[%swap3A_25, %swap3A_26] : memref<2000x1xf32, #tpu.memory_space<vmem>>, vector<2000x1xf32>
    tpu.vector_store %arg7[%swap3A_25, %swap3A_26], %dot_general3A_24 {strides = array<i32>} : memref<2000x1xf32, #tpu.memory_space<vmem>>, vector<2000x1xf32>,
    return
  }
  func.func @transform_0(%arg0: i32) -> (i32, i32) {
    %c0_i32 = arith.constant 0 : i32
    %c0_i32_0 = arith.constant 0 : i32
    return %arg0, %c0_i32 : i32, i32
  }
  func.func @transform_1(%arg0: i32) -> (i32, i32) {
    %c0_i32 = arith.constant 0 : i32
    %c0_i32_0 = arith.constant 0 : i32
    %c0_i32_1 = arith.constant 0 : i32
    return %c0_i32, %c0_i32_0 : i32, i32
  }
  func.func @transform_2(%arg0: i32) -> (i32, i32) {
    %c0_i32 = arith.constant 0 : i32
    %c0_i32_0 = arith.constant 0 : i32
    %c0_i32_1 = arith.constant 0 : i32
    return %c0_i32, %c0_i32_0 : i32, i32
  }
  func.func @transform_3(%arg0: i32) -> (i32, i32) {
    %c0_i32 = arith.constant 0 : i32
    %c0_i32_0 = arith.constant 0 : i32
    %c0_i32_1 = arith.constant 0 : i32
    return %c0_i32, %c0_i32_0 : i32, i32
  }
  func.func @transform_4(%arg0: i32) -> (i32, i32) {
    %c0_i32 = arith.constant 0 : i32
    %c0_i32_0 = arith.constant 0 : i32
    return %arg0, %c0_i32 : i32, i32
  }
  func.func @transform_5(%arg0: i32) -> (i32, i32) {
    %c0_i32 = arith.constant 0 : i32
    %c0_i32_0 = arith.constant 0 : i32
    return %arg0, %c0_i32 : i32, i32
  }
  func.func @transform_6(%arg0: i32) -> (i32, i32) {
    %c0_i32 = arith.constant 0 : i32
    %c0_i32_0 = arith.constant 0 : i32
    return %arg0, %c0_i32 : i32, i32
  }
}

module attributes {stable_mosaic.version = 14 : i64} {
  func.func @_node_update_body(%arg0: i32, %arg1: memref<2x2000x128xf32, #tpu.memory_space<vmem>>, %arg2: memref<2000x128xf32, #tpu.memory_space<vmem>>, %arg3: memref<2000x1xi32, #tpu.memory_space<vmem>>, %arg4: memref<2000x1xf32, #tpu.memory_space<vmem>>, %arg5: memref<128x128xf32, #tpu.memory_space<vmem>>, %arg6: memref<128x128xf32, #tpu.memory_space<vmem>>, %arg7: memref<10x384xf32, #tpu.memory_space<vmem>>, %arg8: memref<128x128xf32, #tpu.memory_space<vmem>>, %arg9: memref<128x1xf32, #tpu.memory_space<vmem>>, %arg10: memref<128x128xf32, #tpu.memory_space<vmem>>, %arg11: memref<128x16xf32, #tpu.memory_space<vmem>>, %arg12: memref<16x1xf32, #tpu.memory_space<vmem>>, %arg13: memref<2000x128xf32, #tpu.memory_space<vmem>>, %arg14: memref<2000x128xbf16, #tpu.memory_space<vmem>>, %arg15: memref<2000x1xf32, #tpu.memory_space<vmem>>) attributes {dimension_semantics = [#tpu.dimension_semantics<arbitrary>], iteration_bounds = array<i64: 5>, scalar_prefetch = 0 : i64, scratch_operands = 0 : i64, tpu.core_type = #tpu.core_type<tc>, window_params = [{transform_indices = @transform_0, window_bounds = array<i64: 2, 2000, 128>}, {transform_indices = @transform_1, window_bounds = array<i64: 2000, 128>}, {transform_indices = @transform_2, window_bounds = array<i64: 2000, 1>}, {transform_indices = @transform_3, window_bounds = array<i64: 2000, 1>}, {pipeline_mode = #tpu.pipeline_mode<synchronous>, transform_indices = @transform_4, window_bounds = array<i64: 128, 128>}, {pipeline_mode = #tpu.pipeline_mode<synchronous>, transform_indices = @transform_5, window_bounds = array<i64: 128, 128>}, {pipeline_mode = #tpu.pipeline_mode<synchronous>, transform_indices = @transform_6, window_bounds = array<i64: 10, 384>}, {pipeline_mode = #tpu.pipeline_mode<synchronous>, transform_indices = @transform_7, window_bounds = array<i64: 128, 128>}, {pipeline_mode = #tpu.pipeline_mode<synchronous>, transform_indices = @transform_8, window_bounds = array<i64: 128, 1>}, {pipeline_mode = #tpu.pipeline_mode<synchronous>, transform_indices = @transform_9, window_bounds = array<i64: 128, 128>}, {pipeline_mode = #tpu.pipeline_mode<synchronous>, transform_indices = @transform_10, window_bounds = array<i64: 128, 16>}, {pipeline_mode = #tpu.pipeline_mode<synchronous>, transform_indices = @transform_11, window_bounds = array<i64: 16, 1>}, {transform_indices = @transform_12, window_bounds = array<i64: 2000, 128>}, {transform_indices = @transform_13, window_bounds = array<i64: 2000, 128>}, {transform_indices = @transform_14, window_bounds = array<i64: 2000, 1>}]} {
    %get3A = arith.constant 0 : index
    %get3A_0 = arith.constant 0 : index
    %get3A_1 = arith.constant 0 : index
    %get3A_2 = vector.load %arg1[%get3A, %get3A_0, %get3A_1] : memref<2x2000x128xf32, #tpu.memory_space<vmem>>, vector<1x2000x128xf32>
    %get3A_3 = vector.shape_cast %get3A_2 : vector<1x2000x128xf32> to vector<2000x128xf32>
    %get3A_4 = arith.constant 1 : index
    %get3A_5 = arith.constant 0 : index
    %get3A_6 = arith.constant 0 : index
    %get3A_7 = vector.load %arg1[%get3A_4, %get3A_5, %get3A_6] : memref<2x2000x128xf32, #tpu.memory_space<vmem>>, vector<1x2000x128xf32>
    %get3A_8 = vector.shape_cast %get3A_7 : vector<1x2000x128xf32> to vector<2000x128xf32>
    %add3A = arith.addf %get3A_3, %get3A_8 : vector<2000x128xf32>
    %mul3A = arith.constant 3.125000e-02 : f32
    %mul3A_9 = vector.broadcast %mul3A : f32 to vector<2000x128xf32>
    %mul3A_10 = arith.mulf %add3A, %mul3A_9 : vector<2000x128xf32>
    %get3A_11 = arith.constant 0 : index
    %get3A_12 = arith.constant 0 : index
    %get3A_13 = vector.load %arg5[%get3A_11, %get3A_12] : memref<128x128xf32, #tpu.memory_space<vmem>>, vector<128x128xf32>
    %dot_general3A = arith.constant dense<0.000000e+00> : vector<2000x128xf32>
    %dot_general3A_14 = tpu.matmul %mul3A_10, %get3A_13, %dot_general3A {dimension_numbers = #tpu.dot_dimension_numbers<[1], [0], [0], [1], [0, 0, 1, 1], [], []>, transpose_lhs_hint = false} : vector<2000x128xf32>, vector<128x128xf32>, vector<2000x128xf32> -> vector<2000x128xf32>
    %get3A_15 = arith.constant 0 : index
    %get3A_16 = arith.constant 0 : index
    %get3A_17 = vector.load %arg2[%get3A_15, %get3A_16] : memref<2000x128xf32, #tpu.memory_space<vmem>>, vector<2000x128xf32>
    %get3A_18 = arith.constant 0 : index
    %get3A_19 = arith.constant 0 : index
    %get3A_20 = vector.load %arg6[%get3A_18, %get3A_19] : memref<128x128xf32, #tpu.memory_space<vmem>>, vector<128x128xf32>
    %dot_general3A_21 = arith.constant dense<0.000000e+00> : vector<2000x128xf32>
    %dot_general3A_22 = tpu.matmul %get3A_17, %get3A_20, %dot_general3A_21 {dimension_numbers = #tpu.dot_dimension_numbers<[1], [0], [0], [1], [0, 0, 1, 1], [], []>, transpose_lhs_hint = false} : vector<2000x128xf32>, vector<128x128xf32>, vector<2000x128xf32> -> vector<2000x128xf32>
    %add3A_23 = arith.addf %dot_general3A_14, %dot_general3A_22 : vector<2000x128xf32>
    %get3A_24 = arith.constant 0 : index
    %get3A_25 = arith.constant 0 : index
    %get3A_26 = vector.load %arg3[%get3A_24, %get3A_25] : memref<2000x1xi32, #tpu.memory_space<vmem>>, vector<2000x1xi32>
    %iota3A = tpu.iota {dimensions = array<i32: 1>} : vector<1x10xi32>
    %eq3A = vector.broadcast %get3A_26 : vector<2000x1xi32> to vector<2000x10xi32>
    %eq3A_27 = vector.broadcast %iota3A : vector<1x10xi32> to vector<2000x10xi32>
    %eq3A_28 = arith.cmpi eq, %eq3A, %eq3A_27 : vector<2000x10xi32>
    %convert_element_type3A = arith.extui %eq3A_28 : vector<2000x10xi1> to vector<2000x10xi32>
    %convert_element_type3A_29 = arith.sitofp %convert_element_type3A : vector<2000x10xi32> to vector<2000x10xf32>
    %get3A_30 = arith.constant 0 : index
    %get3A_31 = arith.constant 0 : index
    %get3A_32 = vector.load %arg7[%get3A_30, %get3A_31] : memref<10x384xf32, #tpu.memory_space<vmem>>, vector<10x384xf32>
    %dot_general3A_33 = arith.constant dense<0.000000e+00> : vector<2000x384xf32>
    %dot_general3A_34 = tpu.matmul %convert_element_type3A_29, %get3A_32, %dot_general3A_33 {dimension_numbers = #tpu.dot_dimension_numbers<[1], [0], [0], [1], [0, 0, 1, 1], [], []>, transpose_lhs_hint = false} : vector<2000x10xf32>, vector<10x384xf32>, vector<2000x384xf32> -> vector<2000x384xf32>
    %slice3A = vector.extract_strided_slice %dot_general3A_34 {offsets = [0, 0], sizes = [2000, 128], strides = [1, 1]} : vector<2000x384xf32> to vector<2000x128xf32>
    %mul3A_35 = arith.mulf %slice3A, %add3A_23 : vector<2000x128xf32>
    %slice3A_36 = vector.extract_strided_slice %dot_general3A_34 {offsets = [0, 128], sizes = [2000, 128], strides = [1, 1]} : vector<2000x384xf32> to vector<2000x128xf32>
    %mul3A_37 = arith.mulf %add3A_23, %add3A_23 : vector<2000x128xf32>
    %mul3A_38 = arith.mulf %slice3A_36, %mul3A_37 : vector<2000x128xf32>
    %add3A_39 = arith.addf %mul3A_35, %mul3A_38 : vector<2000x128xf32>
    %slice3A_40 = vector.extract_strided_slice %dot_general3A_34 {offsets = [0, 256], sizes = [2000, 128], strides = [1, 1]} : vector<2000x384xf32> to vector<2000x128xf32>
    %mul3A_41 = arith.mulf %add3A_23, %add3A_23 : vector<2000x128xf32>
    %mul3A_42 = arith.mulf %mul3A_41, %add3A_23 : vector<2000x128xf32>
    %mul3A_43 = arith.mulf %slice3A_40, %mul3A_42 : vector<2000x128xf32>
    %add3A_44 = arith.addf %add3A_39, %mul3A_43 : vector<2000x128xf32>
    %get3A_45 = arith.constant 0 : index
    %get3A_46 = arith.constant 0 : index
    %get3A_47 = vector.load %arg8[%get3A_45, %get3A_46] : memref<128x128xf32, #tpu.memory_space<vmem>>, vector<128x128xf32>
    %dot_general3A_48 = arith.constant dense<0.000000e+00> : vector<2000x128xf32>
    %dot_general3A_49 = tpu.matmul %add3A_44, %get3A_47, %dot_general3A_48 {dimension_numbers = #tpu.dot_dimension_numbers<[1], [0], [0], [1], [0, 0, 1, 1], [], []>, transpose_lhs_hint = false} : vector<2000x128xf32>, vector<128x128xf32>, vector<2000x128xf32> -> vector<2000x128xf32>
    %swap3A = arith.constant 0 : index
    %swap3A_50 = arith.constant 0 : index
    %swap3A_51 = vector.load %arg13[%swap3A, %swap3A_50] : memref<2000x128xf32, #tpu.memory_space<vmem>>, vector<2000x128xf32>
    tpu.vector_store %arg13[%swap3A, %swap3A_50], %dot_general3A_49 {strides = array<i32>} : memref<2000x128xf32, #tpu.memory_space<vmem>>, vector<2000x128xf32>,
    %get3A_52 = arith.constant 0 : index
    %get3A_53 = arith.constant 0 : index
    %get3A_54 = vector.load %arg4[%get3A_52, %get3A_53] : memref<2000x1xf32, #tpu.memory_space<vmem>>, vector<2000x1xf32>
    %get3A_55 = arith.constant 0 : index
    %get3A_56 = arith.constant 0 : index
    %get3A_57 = vector.load %arg9[%get3A_55, %get3A_56] : memref<128x1xf32, #tpu.memory_space<vmem>>, vector<128x1xf32>
    %dot_general3A_58 = arith.constant dense<0.000000e+00> : vector<2000x1xf32>
    %dot_general3A_59 = tpu.matmul %dot_general3A_49, %get3A_57, %dot_general3A_58 {dimension_numbers = #tpu.dot_dimension_numbers<[1], [0], [0], [1], [0, 0, 1, 1], [], []>, transpose_lhs_hint = false} : vector<2000x128xf32>, vector<128x1xf32>, vector<2000x1xf32> -> vector<2000x1xf32>
    %add3A_60 = arith.addf %get3A_54, %dot_general3A_59 : vector<2000x1xf32>
    %swap3A_61 = arith.constant 0 : index
    %swap3A_62 = arith.constant 0 : index
    %swap3A_63 = vector.load %arg15[%swap3A_61, %swap3A_62] : memref<2000x1xf32, #tpu.memory_space<vmem>>, vector<2000x1xf32>
    tpu.vector_store %arg15[%swap3A_61, %swap3A_62], %add3A_60 {strides = array<i32>} : memref<2000x1xf32, #tpu.memory_space<vmem>>, vector<2000x1xf32>,
    %get3A_64 = arith.constant 0 : index
    %get3A_65 = arith.constant 0 : index
    %get3A_66 = vector.load %arg10[%get3A_64, %get3A_65] : memref<128x128xf32, #tpu.memory_space<vmem>>, vector<128x128xf32>
    %dot_general3A_67 = arith.constant dense<0.000000e+00> : vector<2000x128xf32>
    %dot_general3A_68 = tpu.matmul %dot_general3A_49, %get3A_66, %dot_general3A_67 {dimension_numbers = #tpu.dot_dimension_numbers<[1], [0], [0], [1], [0, 0, 1, 1], [], []>, transpose_lhs_hint = false} : vector<2000x128xf32>, vector<128x128xf32>, vector<2000x128xf32> -> vector<2000x128xf32>
    %convert_element_type3A_69 = arith.truncf %dot_general3A_68 : vector<2000x128xf32> to vector<2000x128xbf16>
    %swap3A_70 = arith.constant 0 : index
    %swap3A_71 = arith.constant 0 : index
    %swap3A_72 = vector.load %arg14[%swap3A_70, %swap3A_71] : memref<2000x128xbf16, #tpu.memory_space<vmem>>, vector<2000x128xbf16>
    tpu.vector_store %arg14[%swap3A_70, %swap3A_71], %convert_element_type3A_69 {strides = array<i32>} : memref<2000x128xbf16, #tpu.memory_space<vmem>>, vector<2000x128xbf16>,
    return
  }
  func.func @transform_0(%arg0: i32) -> (i32, i32, i32) {
    %c0_i32 = arith.constant 0 : i32
    %c0_i32_0 = arith.constant 0 : i32
    %c0_i32_1 = arith.constant 0 : i32
    return %c0_i32, %arg0, %c0_i32_0 : i32, i32, i32
  }
  func.func @transform_1(%arg0: i32) -> (i32, i32) {
    %c0_i32 = arith.constant 0 : i32
    %c0_i32_0 = arith.constant 0 : i32
    return %arg0, %c0_i32 : i32, i32
  }
  func.func @transform_2(%arg0: i32) -> (i32, i32) {
    %c0_i32 = arith.constant 0 : i32
    %c0_i32_0 = arith.constant 0 : i32
    return %arg0, %c0_i32 : i32, i32
  }
  func.func @transform_3(%arg0: i32) -> (i32, i32) {
    %c0_i32 = arith.constant 0 : i32
    %c0_i32_0 = arith.constant 0 : i32
    return %arg0, %c0_i32 : i32, i32
  }
  func.func @transform_4(%arg0: i32) -> (i32, i32) {
    %c0_i32 = arith.constant 0 : i32
    %c0_i32_0 = arith.constant 0 : i32
    %c0_i32_1 = arith.constant 0 : i32
    return %c0_i32, %c0_i32_0 : i32, i32
  }
  func.func @transform_5(%arg0: i32) -> (i32, i32) {
    %c0_i32 = arith.constant 0 : i32
    %c0_i32_0 = arith.constant 0 : i32
    %c0_i32_1 = arith.constant 0 : i32
    return %c0_i32, %c0_i32_0 : i32, i32
  }
  func.func @transform_6(%arg0: i32) -> (i32, i32) {
    %c0_i32 = arith.constant 0 : i32
    %c0_i32_0 = arith.constant 0 : i32
    %c0_i32_1 = arith.constant 0 : i32
    return %c0_i32, %c0_i32_0 : i32, i32
  }
  func.func @transform_7(%arg0: i32) -> (i32, i32) {
    %c0_i32 = arith.constant 0 : i32
    %c0_i32_0 = arith.constant 0 : i32
    %c0_i32_1 = arith.constant 0 : i32
    return %c0_i32, %c0_i32_0 : i32, i32
  }
  func.func @transform_8(%arg0: i32) -> (i32, i32) {
    %c0_i32 = arith.constant 0 : i32
    %c0_i32_0 = arith.constant 0 : i32
    %c0_i32_1 = arith.constant 0 : i32
    return %c0_i32, %c0_i32_0 : i32, i32
  }
  func.func @transform_9(%arg0: i32) -> (i32, i32) {
    %c0_i32 = arith.constant 0 : i32
    %c0_i32_0 = arith.constant 0 : i32
    %c0_i32_1 = arith.constant 0 : i32
    return %c0_i32, %c0_i32_0 : i32, i32
  }
  func.func @transform_10(%arg0: i32) -> (i32, i32) {
    %c0_i32 = arith.constant 0 : i32
    %c0_i32_0 = arith.constant 0 : i32
    %c0_i32_1 = arith.constant 0 : i32
    return %c0_i32, %c0_i32_0 : i32, i32
  }
  func.func @transform_11(%arg0: i32) -> (i32, i32) {
    %c0_i32 = arith.constant 0 : i32
    %c0_i32_0 = arith.constant 0 : i32
    %c0_i32_1 = arith.constant 0 : i32
    return %c0_i32, %c0_i32_0 : i32, i32
  }
  func.func @transform_12(%arg0: i32) -> (i32, i32) {
    %c0_i32 = arith.constant 0 : i32
    %c0_i32_0 = arith.constant 0 : i32
    return %arg0, %c0_i32 : i32, i32
  }
  func.func @transform_13(%arg0: i32) -> (i32, i32) {
    %c0_i32 = arith.constant 0 : i32
    %c0_i32_0 = arith.constant 0 : i32
    return %arg0, %c0_i32 : i32, i32
  }
  func.func @transform_14(%arg0: i32) -> (i32, i32) {
    %c0_i32 = arith.constant 0 : i32
    %c0_i32_0 = arith.constant 0 : i32
    return %arg0, %c0_i32 : i32, i32
  }
}

module attributes {stable_mosaic.version = 14 : i64} {
  func.func @_node_update_body(%arg0: i32, %arg1: memref<2x2000x128xf32, #tpu.memory_space<vmem>>, %arg2: memref<2000x128xf32, #tpu.memory_space<vmem>>, %arg3: memref<2000x1xi32, #tpu.memory_space<vmem>>, %arg4: memref<2000x1xf32, #tpu.memory_space<vmem>>, %arg5: memref<128x128xf32, #tpu.memory_space<vmem>>, %arg6: memref<128x128xf32, #tpu.memory_space<vmem>>, %arg7: memref<10x384xf32, #tpu.memory_space<vmem>>, %arg8: memref<128x128xf32, #tpu.memory_space<vmem>>, %arg9: memref<128x1xf32, #tpu.memory_space<vmem>>, %arg10: memref<128x128xf32, #tpu.memory_space<vmem>>, %arg11: memref<128x16xf32, #tpu.memory_space<vmem>>, %arg12: memref<16x1xf32, #tpu.memory_space<vmem>>, %arg13: memref<2000x128xf32, #tpu.memory_space<vmem>>, %arg14: memref<2000x128xbf16, #tpu.memory_space<vmem>>, %arg15: memref<2000x1xf32, #tpu.memory_space<vmem>>) attributes {dimension_semantics = [#tpu.dimension_semantics<arbitrary>], iteration_bounds = array<i64: 5>, scalar_prefetch = 0 : i64, scratch_operands = 0 : i64, tpu.core_type = #tpu.core_type<tc>, window_params = [{transform_indices = @transform_0, window_bounds = array<i64: 2, 2000, 128>}, {transform_indices = @transform_1, window_bounds = array<i64: 2000, 128>}, {transform_indices = @transform_2, window_bounds = array<i64: 2000, 1>}, {transform_indices = @transform_3, window_bounds = array<i64: 2000, 1>}, {pipeline_mode = #tpu.pipeline_mode<synchronous>, transform_indices = @transform_4, window_bounds = array<i64: 128, 128>}, {pipeline_mode = #tpu.pipeline_mode<synchronous>, transform_indices = @transform_5, window_bounds = array<i64: 128, 128>}, {pipeline_mode = #tpu.pipeline_mode<synchronous>, transform_indices = @transform_6, window_bounds = array<i64: 10, 384>}, {pipeline_mode = #tpu.pipeline_mode<synchronous>, transform_indices = @transform_7, window_bounds = array<i64: 128, 128>}, {pipeline_mode = #tpu.pipeline_mode<synchronous>, transform_indices = @transform_8, window_bounds = array<i64: 128, 1>}, {pipeline_mode = #tpu.pipeline_mode<synchronous>, transform_indices = @transform_9, window_bounds = array<i64: 128, 128>}, {pipeline_mode = #tpu.pipeline_mode<synchronous>, transform_indices = @transform_10, window_bounds = array<i64: 128, 16>}, {pipeline_mode = #tpu.pipeline_mode<synchronous>, transform_indices = @transform_11, window_bounds = array<i64: 16, 1>}, {transform_indices = @transform_12, window_bounds = array<i64: 2000, 128>}, {transform_indices = @transform_13, window_bounds = array<i64: 2000, 128>}, {transform_indices = @transform_14, window_bounds = array<i64: 2000, 1>}]} {
    %get3A = arith.constant 0 : index
    %get3A_0 = arith.constant 0 : index
    %get3A_1 = arith.constant 0 : index
    %get3A_2 = vector.load %arg1[%get3A, %get3A_0, %get3A_1] : memref<2x2000x128xf32, #tpu.memory_space<vmem>>, vector<1x2000x128xf32>
    %get3A_3 = vector.shape_cast %get3A_2 : vector<1x2000x128xf32> to vector<2000x128xf32>
    %get3A_4 = arith.constant 1 : index
    %get3A_5 = arith.constant 0 : index
    %get3A_6 = arith.constant 0 : index
    %get3A_7 = vector.load %arg1[%get3A_4, %get3A_5, %get3A_6] : memref<2x2000x128xf32, #tpu.memory_space<vmem>>, vector<1x2000x128xf32>
    %get3A_8 = vector.shape_cast %get3A_7 : vector<1x2000x128xf32> to vector<2000x128xf32>
    %add3A = arith.addf %get3A_3, %get3A_8 : vector<2000x128xf32>
    %mul3A = arith.constant 3.125000e-02 : f32
    %mul3A_9 = vector.broadcast %mul3A : f32 to vector<2000x128xf32>
    %mul3A_10 = arith.mulf %add3A, %mul3A_9 : vector<2000x128xf32>
    %get3A_11 = arith.constant 0 : index
    %get3A_12 = arith.constant 0 : index
    %get3A_13 = vector.load %arg5[%get3A_11, %get3A_12] : memref<128x128xf32, #tpu.memory_space<vmem>>, vector<128x128xf32>
    %dot_general3A = arith.constant dense<0.000000e+00> : vector<2000x128xf32>
    %dot_general3A_14 = tpu.matmul %mul3A_10, %get3A_13, %dot_general3A {dimension_numbers = #tpu.dot_dimension_numbers<[1], [0], [0], [1], [0, 0, 1, 1], [], []>, transpose_lhs_hint = false} : vector<2000x128xf32>, vector<128x128xf32>, vector<2000x128xf32> -> vector<2000x128xf32>
    %get3A_15 = arith.constant 0 : index
    %get3A_16 = arith.constant 0 : index
    %get3A_17 = vector.load %arg2[%get3A_15, %get3A_16] : memref<2000x128xf32, #tpu.memory_space<vmem>>, vector<2000x128xf32>
    %get3A_18 = arith.constant 0 : index
    %get3A_19 = arith.constant 0 : index
    %get3A_20 = vector.load %arg6[%get3A_18, %get3A_19] : memref<128x128xf32, #tpu.memory_space<vmem>>, vector<128x128xf32>
    %dot_general3A_21 = arith.constant dense<0.000000e+00> : vector<2000x128xf32>
    %dot_general3A_22 = tpu.matmul %get3A_17, %get3A_20, %dot_general3A_21 {dimension_numbers = #tpu.dot_dimension_numbers<[1], [0], [0], [1], [0, 0, 1, 1], [], []>, transpose_lhs_hint = false} : vector<2000x128xf32>, vector<128x128xf32>, vector<2000x128xf32> -> vector<2000x128xf32>
    %add3A_23 = arith.addf %dot_general3A_14, %dot_general3A_22 : vector<2000x128xf32>
    %get3A_24 = arith.constant 0 : index
    %get3A_25 = arith.constant 0 : index
    %get3A_26 = vector.load %arg3[%get3A_24, %get3A_25] : memref<2000x1xi32, #tpu.memory_space<vmem>>, vector<2000x1xi32>
    %iota3A = tpu.iota {dimensions = array<i32: 1>} : vector<1x10xi32>
    %eq3A = vector.broadcast %get3A_26 : vector<2000x1xi32> to vector<2000x10xi32>
    %eq3A_27 = vector.broadcast %iota3A : vector<1x10xi32> to vector<2000x10xi32>
    %eq3A_28 = arith.cmpi eq, %eq3A, %eq3A_27 : vector<2000x10xi32>
    %convert_element_type3A = arith.extui %eq3A_28 : vector<2000x10xi1> to vector<2000x10xi32>
    %convert_element_type3A_29 = arith.sitofp %convert_element_type3A : vector<2000x10xi32> to vector<2000x10xf32>
    %get3A_30 = arith.constant 0 : index
    %get3A_31 = arith.constant 0 : index
    %get3A_32 = vector.load %arg7[%get3A_30, %get3A_31] : memref<10x384xf32, #tpu.memory_space<vmem>>, vector<10x384xf32>
    %dot_general3A_33 = arith.constant dense<0.000000e+00> : vector<2000x384xf32>
    %dot_general3A_34 = tpu.matmul %convert_element_type3A_29, %get3A_32, %dot_general3A_33 {dimension_numbers = #tpu.dot_dimension_numbers<[1], [0], [0], [1], [0, 0, 1, 1], [], []>, transpose_lhs_hint = false} : vector<2000x10xf32>, vector<10x384xf32>, vector<2000x384xf32> -> vector<2000x384xf32>
    %slice3A = vector.extract_strided_slice %dot_general3A_34 {offsets = [0, 0], sizes = [2000, 128], strides = [1, 1]} : vector<2000x384xf32> to vector<2000x128xf32>
    %mul3A_35 = arith.mulf %slice3A, %add3A_23 : vector<2000x128xf32>
    %slice3A_36 = vector.extract_strided_slice %dot_general3A_34 {offsets = [0, 128], sizes = [2000, 128], strides = [1, 1]} : vector<2000x384xf32> to vector<2000x128xf32>
    %mul3A_37 = arith.mulf %add3A_23, %add3A_23 : vector<2000x128xf32>
    %mul3A_38 = arith.mulf %slice3A_36, %mul3A_37 : vector<2000x128xf32>
    %add3A_39 = arith.addf %mul3A_35, %mul3A_38 : vector<2000x128xf32>
    %slice3A_40 = vector.extract_strided_slice %dot_general3A_34 {offsets = [0, 256], sizes = [2000, 128], strides = [1, 1]} : vector<2000x384xf32> to vector<2000x128xf32>
    %mul3A_41 = arith.mulf %add3A_23, %add3A_23 : vector<2000x128xf32>
    %mul3A_42 = arith.mulf %mul3A_41, %add3A_23 : vector<2000x128xf32>
    %mul3A_43 = arith.mulf %slice3A_40, %mul3A_42 : vector<2000x128xf32>
    %add3A_44 = arith.addf %add3A_39, %mul3A_43 : vector<2000x128xf32>
    %get3A_45 = arith.constant 0 : index
    %get3A_46 = arith.constant 0 : index
    %get3A_47 = vector.load %arg8[%get3A_45, %get3A_46] : memref<128x128xf32, #tpu.memory_space<vmem>>, vector<128x128xf32>
    %dot_general3A_48 = arith.constant dense<0.000000e+00> : vector<2000x128xf32>
    %dot_general3A_49 = tpu.matmul %add3A_44, %get3A_47, %dot_general3A_48 {dimension_numbers = #tpu.dot_dimension_numbers<[1], [0], [0], [1], [0, 0, 1, 1], [], []>, transpose_lhs_hint = false} : vector<2000x128xf32>, vector<128x128xf32>, vector<2000x128xf32> -> vector<2000x128xf32>
    %swap3A = arith.constant 0 : index
    %swap3A_50 = arith.constant 0 : index
    %swap3A_51 = vector.load %arg13[%swap3A, %swap3A_50] : memref<2000x128xf32, #tpu.memory_space<vmem>>, vector<2000x128xf32>
    tpu.vector_store %arg13[%swap3A, %swap3A_50], %dot_general3A_49 {strides = array<i32>} : memref<2000x128xf32, #tpu.memory_space<vmem>>, vector<2000x128xf32>,
    %get3A_52 = arith.constant 0 : index
    %get3A_53 = arith.constant 0 : index
    %get3A_54 = vector.load %arg11[%get3A_52, %get3A_53] : memref<128x16xf32, #tpu.memory_space<vmem>>, vector<128x16xf32>
    %dot_general3A_55 = arith.constant dense<0.000000e+00> : vector<2000x16xf32>
    %dot_general3A_56 = tpu.matmul %dot_general3A_49, %get3A_54, %dot_general3A_55 {dimension_numbers = #tpu.dot_dimension_numbers<[1], [0], [0], [1], [0, 0, 1, 1], [], []>, transpose_lhs_hint = false} : vector<2000x128xf32>, vector<128x16xf32>, vector<2000x16xf32> -> vector<2000x16xf32>
    %logistic3A = arith.negf %dot_general3A_56 : vector<2000x16xf32>
    %logistic3A_57 = math.exp %logistic3A : vector<2000x16xf32>
    %logistic3A_58 = arith.constant 1.000000e+00 : f32
    %logistic3A_59 = vector.broadcast %logistic3A_58 : f32 to vector<2000x16xf32>
    %logistic3A_60 = arith.addf %logistic3A_59, %logistic3A_57 : vector<2000x16xf32>
    %logistic3A_61 = arith.divf %logistic3A_59, %logistic3A_60 : vector<2000x16xf32>
    %mul3A_62 = arith.mulf %dot_general3A_56, %logistic3A_61 : vector<2000x16xf32>
    %get3A_63 = arith.constant 0 : index
    %get3A_64 = arith.constant 0 : index
    %get3A_65 = vector.load %arg4[%get3A_63, %get3A_64] : memref<2000x1xf32, #tpu.memory_space<vmem>>, vector<2000x1xf32>
    %get3A_66 = arith.constant 0 : index
    %get3A_67 = arith.constant 0 : index
    %get3A_68 = vector.load %arg12[%get3A_66, %get3A_67] : memref<16x1xf32, #tpu.memory_space<vmem>>, vector<16x1xf32>
    %dot_general3A_69 = arith.constant dense<0.000000e+00> : vector<2000x1xf32>
    %dot_general3A_70 = tpu.matmul %mul3A_62, %get3A_68, %dot_general3A_69 {dimension_numbers = #tpu.dot_dimension_numbers<[1], [0], [0], [1], [0, 0, 1, 1], [], []>, transpose_lhs_hint = false} : vector<2000x16xf32>, vector<16x1xf32>, vector<2000x1xf32> -> vector<2000x1xf32>
    %add3A_71 = arith.addf %get3A_65, %dot_general3A_70 : vector<2000x1xf32>
    %swap3A_72 = arith.constant 0 : index
    %swap3A_73 = arith.constant 0 : index
    %swap3A_74 = vector.load %arg15[%swap3A_72, %swap3A_73] : memref<2000x1xf32, #tpu.memory_space<vmem>>, vector<2000x1xf32>
    tpu.vector_store %arg15[%swap3A_72, %swap3A_73], %add3A_71 {strides = array<i32>} : memref<2000x1xf32, #tpu.memory_space<vmem>>, vector<2000x1xf32>,
    %convert_element_type3A_75 = arith.truncf %dot_general3A_49 : vector<2000x128xf32> to vector<2000x128xbf16>
    %swap3A_76 = arith.constant 0 : index
    %swap3A_77 = arith.constant 0 : index
    %swap3A_78 = vector.load %arg14[%swap3A_76, %swap3A_77] : memref<2000x128xbf16, #tpu.memory_space<vmem>>, vector<2000x128xbf16>
    tpu.vector_store %arg14[%swap3A_76, %swap3A_77], %convert_element_type3A_75 {strides = array<i32>} : memref<2000x128xbf16, #tpu.memory_space<vmem>>, vector<2000x128xbf16>,
    return
  }
  func.func @transform_0(%arg0: i32) -> (i32, i32, i32) {
    %c0_i32 = arith.constant 0 : i32
    %c0_i32_0 = arith.constant 0 : i32
    %c0_i32_1 = arith.constant 0 : i32
    return %c0_i32, %arg0, %c0_i32_0 : i32, i32, i32
  }
  func.func @transform_1(%arg0: i32) -> (i32, i32) {
    %c0_i32 = arith.constant 0 : i32
    %c0_i32_0 = arith.constant 0 : i32
    return %arg0, %c0_i32 : i32, i32
  }
  func.func @transform_2(%arg0: i32) -> (i32, i32) {
    %c0_i32 = arith.constant 0 : i32
    %c0_i32_0 = arith.constant 0 : i32
    return %arg0, %c0_i32 : i32, i32
  }
  func.func @transform_3(%arg0: i32) -> (i32, i32) {
    %c0_i32 = arith.constant 0 : i32
    %c0_i32_0 = arith.constant 0 : i32
    return %arg0, %c0_i32 : i32, i32
  }
  func.func @transform_4(%arg0: i32) -> (i32, i32) {
    %c0_i32 = arith.constant 0 : i32
    %c0_i32_0 = arith.constant 0 : i32
    %c0_i32_1 = arith.constant 0 : i32
    return %c0_i32, %c0_i32_0 : i32, i32
  }
  func.func @transform_5(%arg0: i32) -> (i32, i32) {
    %c0_i32 = arith.constant 0 : i32
    %c0_i32_0 = arith.constant 0 : i32
    %c0_i32_1 = arith.constant 0 : i32
    return %c0_i32, %c0_i32_0 : i32, i32
  }
  func.func @transform_6(%arg0: i32) -> (i32, i32) {
    %c0_i32 = arith.constant 0 : i32
    %c0_i32_0 = arith.constant 0 : i32
    %c0_i32_1 = arith.constant 0 : i32
    return %c0_i32, %c0_i32_0 : i32, i32
  }
  func.func @transform_7(%arg0: i32) -> (i32, i32) {
    %c0_i32 = arith.constant 0 : i32
    %c0_i32_0 = arith.constant 0 : i32
    %c0_i32_1 = arith.constant 0 : i32
    return %c0_i32, %c0_i32_0 : i32, i32
  }
  func.func @transform_8(%arg0: i32) -> (i32, i32) {
    %c0_i32 = arith.constant 0 : i32
    %c0_i32_0 = arith.constant 0 : i32
    %c0_i32_1 = arith.constant 0 : i32
    return %c0_i32, %c0_i32_0 : i32, i32
  }
  func.func @transform_9(%arg0: i32) -> (i32, i32) {
    %c0_i32 = arith.constant 0 : i32
    %c0_i32_0 = arith.constant 0 : i32
    %c0_i32_1 = arith.constant 0 : i32
    return %c0_i32, %c0_i32_0 : i32, i32
  }
  func.func @transform_10(%arg0: i32) -> (i32, i32) {
    %c0_i32 = arith.constant 0 : i32
    %c0_i32_0 = arith.constant 0 : i32
    %c0_i32_1 = arith.constant 0 : i32
    return %c0_i32, %c0_i32_0 : i32, i32
  }
  func.func @transform_11(%arg0: i32) -> (i32, i32) {
    %c0_i32 = arith.constant 0 : i32
    %c0_i32_0 = arith.constant 0 : i32
    %c0_i32_1 = arith.constant 0 : i32
    return %c0_i32, %c0_i32_0 : i32, i32
  }
  func.func @transform_12(%arg0: i32) -> (i32, i32) {
    %c0_i32 = arith.constant 0 : i32
    %c0_i32_0 = arith.constant 0 : i32
    return %arg0, %c0_i32 : i32, i32
  }
  func.func @transform_13(%arg0: i32) -> (i32, i32) {
    %c0_i32 = arith.constant 0 : i32
    %c0_i32_0 = arith.constant 0 : i32
    return %arg0, %c0_i32 : i32, i32
  }
  func.func @transform_14(%arg0: i32) -> (i32, i32) {
    %c0_i32 = arith.constant 0 : i32
    %c0_i32_0 = arith.constant 0 : i32
    return %arg0, %c0_i32 : i32, i32
  }
}

</mosaic_0001>

<sc_bundles>
// kernel: kernel.12.cloned.1.call-start
scs
__scs_entry_jumppad:
0x0: {  	(pc) =	sbr.rel $0x88, $3  }
0x1: {  	(tag) =	ssettag $0x0;
	lr =	simm.s32 $0x1  }
0x2: {  	[smem:$0x3F91] =	sst lr;
	_ =	strace $0xD0000000  }
0x3: {  	_ = 	snop  }
0x4: {  	_ = 	snop  }
0x5: {  	_ = 	snop  }
0x6: {  	_ = 	snop  }
0x7: {  	_ = 	snop  }
__scs_overlays_trampoline_lowered:
0x8: {  	[smem:$0x3FA0] =	sst s0  }
0x9: {  	[smem:$0x3FA1] =	sst s1  }
0xa: {  	[smem:$0x3FA2] =	sst s2  }
0xb: {  	[smem:$0x3FA3] =	sst s3  }
0xc: {  	[smem:$0x3FA4] =	sst s4  }
0xd: {  	[smem:$0x3FA5] =	sst s5  }
0xe: {  	[smem:$0x3FA6] =	sst s6  }
0xf: {  	[smem:$0x3FA7] =	sst s7  }
0x10: {  	[smem:$0x3FA8] =	sst s8  }
0x11: {  	[smem:$0x3FA9] =	sst s9;
	s0 =	simm.s32 @!p0 $0x0  }
0x12: {  	s1 =	sld [smem:$0x3F8F];
	s0 =	simm.s32 @p0 $0x1  }
0x13: {  	[smem:$0x3FAA] =	sst s0;
	s0 =	simm.s32 @!p1 $0x0  }
0x14: {  	s2 =	sld [smem:$0x3F8E];
	s0 =	simm.s32 @p1 $0x1  }
0x15: {  	[smem:$0x3FAB] =	sst s0;
	s0 =	simm.s32 @!p2 $0x0  }
0x16: {  	s3 =	sld [smem:$0x3FDB];
	s0 =	simm.s32 @p2 $0x1  }
0x17: {  	s4 =	simm.s32 $0x1BF5;
	[smem:$0x3FAD] =	sst s0  }
0x18: {  	s0 =	sld [smem:$0x3F90];
	_ =	swait.ge [sflag:s4], $0x0  }
0x19: {  	s7 =	sld [smem:$0x3F91]  }
0x1a: {  	s8 =	sadd.s32 $0xFFFFE003, lr  }
0x1b: {  	s9 =	sadd.s32 $0xFFFFFEF7, lr;
	s5 =	simm.s32 $0xFFFFFFFF;
	p2 =	slt.u32 s8, $0xFFFFF086  }
0x1c: {  	p1 =	slt.u32 s9, $0xF7A;
	s5 =	simm.s32 @!p2 $0x0  }
0x1d: {  	s5 =	simm.s32 @p1 $0x1;
	p0 =	seq.s32 s7, s2  }
0x1e: {  	s7 =	smul.u32 @!p0 $0xF7A, s2;
	p2 =	seq.s32 @!p0 s5, $0x0  }
0x1f: {  	s9 =	smul.u32 $0xF7A, s1;
	s8 =	simm.s32 @!p0 $0x1BF5;
	p2 =	por !p2, p0  }
0x20: {  	[sflag:s8] =	ssyncset.s32 @!p0 $0xFFFFF086;
	s6 =	sadd.s32 @!p0 s3, s7;
	s7 =	simm.s32 @!p0 $0x108  }
0x21: {  	s3 =	sadd.s32 s3, s9;
	s6 =	sadd.s32 @!p0 $0x88, s6;
	s7 =	simm.s32 @p2 $0x1082  }
0x22: {  	[simem:s7], [sflag:s8] =	dma.local @!p0 [hbm:s6], $0xF7A  }
0x23: {  	s9 =	sor.u32 $0xD0000000, s2;
	s6 =	simm.s32 $0x108;
	_ =	swait.ge @!p0 [sflag:s8], $0x0  }
0x24: {  	s3 =	sadd.s32 $0x88, s3;
	s6 =	simm.s32 @!p1 $0x1082;
	[sflag:s4] =	ssyncset.s32 $0xFFFFF086  }
0x25: {  	[simem:s6], [sflag:s4] =	dma.local [hbm:s3], $0xF7A  }
0x26: {  	[smem:$0x3F91] =	sst s1;
	(tag) =	ssettag s2;
	_ =	strace s9  }
0x27: {  	s1 =	sld [smem:$0x3FA1]  }
0x28: {  	s2 =	sld [smem:$0x3FA2]  }
0x29: {  	s4 =	sld [smem:$0x3FA4]  }
0x2a: {  	p0 =	seq.s32 s5, $0x0;
	s5 =	sld [smem:$0x3FA5]  }
0x2b: {  	s6 =	sld [smem:$0x3FA6]  }
0x2c: {  	s7 =	sld [smem:$0x3FA7]  }
0x2d: {  	s3 =	simm.s32 $0x108;
	s8 =	sld [smem:$0x3FA8]  }
0x2e: {  	s3 =	simm.s32 @!p0 $0x1082;
	s9 =	sld [smem:$0x3FA9]  }
0x2f: {  	lr =	sadd.s32 s0, s3;
	s0 =	sld [smem:$0x3FA0]  }
0x30: {  	s3 =	sld [smem:$0x3FA3]  }
0x31: {  	[smem:$0x3FAC] =	sst s10  }
0x32: {  	s10 =	sld [smem:$0x3FAA];
	_ =	sdelay $0x3  }
0x33: {  	p0 =	seq.s32 s10, $0x1;
	s10 =	sld [smem:$0x3FAC];
	_ =	sdelay $0x3  }
0x34: {  	[smem:$0x3FAC] =	sst s10  }
0x35: {  	s10 =	sld [smem:$0x3FAB];
	_ =	sdelay $0x3  }
0x36: {  	p1 =	seq.s32 s10, $0x1;
	s10 =	sld [smem:$0x3FAC];
	_ =	sdelay $0x3  }
0x37: {  	[smem:$0x3FAC] =	sst s10  }
0x38: {  	s10 =	sld [smem:$0x3FAD]  }
0x39: {  	_ = 	snop;
	(pc) =	sbr.ind lr, $3  }
0x3a: {  	_ = 	snop  }
0x3b: {  	_ = 	snop  }
0x3c: {  	p2 =	seq.s32 s10, $0x1;
	s10 =	sld [smem:$0x3FAC]  }
0x3d: {  	_ =	shalt  }
0x3e: {  	_ =	shalt  }
0x3f: {  	_ =	shalt  }
0x40: {  	_ =	shalt  }
0x41: {  	_ =	shalt  }
0x42: {  	_ =	shalt  }
0x43: {  	_ =	shalt  }
0x44: {  	_ =	shalt  }
0x45: {  	_ =	shalt  }
0x46: {  	_ =	shalt  }
0x47: {  	_ =	shalt  }
0x48: {  	_ =	shalt  }
0x49: {  	_ =	shalt  }
0x4a: {  	_ =	shalt  }
0x4b: {  	_ =	shalt  }
0x4c: {  	_ =	shalt  }
0x4d: {  	_ =	shalt  }
0x4e: {  	_ =	shalt  }
0x4f: {  	_ =	shalt  }
0x50: {  	_ =	shalt  }
0x51: {  	_ =	shalt  }
0x52: {  	_ =	shalt  }
0x53: {  	_ =	shalt  }
0x54: {  	_ =	shalt  }
0x55: {  	_ =	shalt  }
0x56: {  	_ =	shalt  }
0x57: {  	_ =	shalt  }
0x58: {  	_ =	shalt  }
0x59: {  	_ =	shalt  }
0x5a: {  	_ =	shalt  }
0x5b: {  	_ =	shalt  }
0x5c: {  	_ =	shalt  }
0x5d: {  	_ =	shalt  }
0x5e: {  	_ =	shalt  }
0x5f: {  	_ =	shalt  }
0x60: {  	_ =	shalt  }
0x61: {  	_ =	shalt  }
0x62: {  	_ =	shalt  }
0x63: {  	_ =	shalt  }
0x64: {  	_ =	shalt  }
0x65: {  	_ =	shalt  }
0x66: {  	_ =	shalt  }
0x67: {  	_ =	shalt  }
0x68: {  	_ =	shalt  }
0x69: {  	_ =	shalt  }
0x6a: {  	_ =	shalt  }
0x6b: {  	_ =	shalt  }
0x6c: {  	_ =	shalt  }
0x6d: {  	_ =	shalt  }
0x6e: {  	_ =	shalt  }
0x6f: {  	_ =	shalt  }
0x70: {  	_ =	shalt  }
0x71: {  	_ =	shalt  }
0x72: {  	_ =	shalt  }
0x73: {  	_ =	shalt  }
0x74: {  	_ =	shalt  }
0x75: {  	_ =	shalt  }
0x76: {  	_ =	shalt  }
0x77: {  	_ =	shalt  }
0x78: {  	_ =	shalt  }
0x79: {  	_ =	shalt  }
0x7a: {  	_ =	shalt  }
0x7b: {  	_ =	shalt  }
0x7c: {  	_ =	shalt  }
0x7d: {  	_ =	shalt  }
0x7e: {  	_ =	shalt  }
0x7f: {  	_ =	shalt  }
0x80: {  	_ =	shalt  }
0x81: {  	_ =	shalt  }
0x82: {  	_ =	shalt  }
0x83: {  	_ =	shalt  }
0x84: {  	_ =	shalt  }
0x85: {  	_ =	shalt  }
0x86: {  	_ =	shalt  }
0x87: {  	_ =	shalt  }
.Lfunc_end0:
.L_simem_size_0:
called_computation.1_lowered:
.L_overlay_start_0:
0x88: {  	s2 =	sld [smem:$0x3FD9]  }
0x89: {  	s3 =	sld [smem:$0x3FFE];
	_ =	sdelay $0x1  }
0x8a: {  	s1 =	srdreg.scid  }
0x8b: {  	s0 =	sand.u32 $0x1, s1  }
0x8c: {  	s16 =	sshll.u32 s0, $0xA;
	s2 =	sadd.s32 s3, s2  }
0x8d: {  	s2 =	sadd.s32 s2, s16  }
0x8e: {  	[smem:$0x3FB8] =	sst s2  }
0x8f: {  	_ = 	snop  }
0x90: {  	(tm) =	ssettm $0x1  }
0x91: {  	s17 =	sld [smem:$0x3FFB];
	_ =	sdelay $0x3  }
0x92: {  	_ =	strace s17  }
0x93: {  	s2 =	sld [smem:$0x3FFC];
	_ =	sdelay $0x3  }
0x94: {  	_ =	strace s2  }
0x95: {  	s2 =	sld [smem:$0x3FFD];
	_ =	sdelay $0x3  }
0x96: {  	_ =	strace s2  }
0x97: {  	_ =	strace $0x8FFFFFFF  }
0x98: {  	s18 =	sld [smem:$0x3FDB];
	_ =	sdelay $0x1  }
0x99: {  	s19 =	simm.s32 $_scs_section_size  }
0x9a: {  	s4 =	simm.s32 $_size__tile_overlayer_lowered;
	s5 =	simm.s32 $_tile_overlayer_lowered  }
0x9b: {  	s22 =	simm.s32 $0x1BFF;
	s21 =	sshll.u32 s5, $0x1;
	s2 =	sadd.s32 s19, s18  }
0x9c: {  	s6 =	simm.s32 $0x0;
	s20 =	sshll.u32 s4, $0x1;
	s4 =	sadd.s32 s21, s2  }
0x9d: {  	[timem:s6], [sflag:s22] =	dma.local [hbm:s4], s20  }
0x9e: {  	_ =	swait.ge [sflag:s22], s20  }
0x9f: {  	s3 =	ssub.s32 $0x0, s20;
	[sflag:s22] =	ssyncset.done $0x0  }
0xa0: {  	[sflag:s22] =	ssyncadd.s32 s3;
	_ =	sdelay $0x1  }
0xa1: {  	s23 =	simm.s32 $0x1B8B  }
0xa2: {  	_ =	swait.ge [sflag:s23], $0x1  }
0xa3: {  	[sflag:s23] =	ssyncset.done $0x0  }
0xa4: {  	s25 =	simm.s32 $0x1B8E;
	s24 =	sld [smem:$0x3FFE];
	[sflag:s23] =	ssyncadd.s32 $0xFFFFFFFF  }
0xa5: {  	s26 =	simm.s32 $execute0_lowered;
	[smem:$0x3FD2] =	sst s25  }
0xa6: {  	s4 =	sshll.u32 s26, $0x1;
	_ =	strace $0x80000049;
	[dreg:$0x1] =	wrdreg $0xFFFFFFFF  }
0xa7: {  	s28 =	simm.s32 $_size_execute0_lowered;
	s2 =	sadd.s32 s2, s4;
	[dreg:$0x0] =	wrdreg $0x0  }
0xa8: {  	s4 =	sshll.u32 s28, $0x1;
	[dreg:$0x2] =	wrdreg s2  }
0xa9: {  	[dreg:$0x3] =	wrdreg s4  }
0xaa: {  	[dreg:$0x4] =	wrdreg $0xC0  }
0xab: {  	_ =	task [dreg:s6], $0x5FFFF  }
0xac: {  	[dreg:$0x1] =	wrdreg $0xFFFFFFFF  }
0xad: {  	[dreg:$0x0] =	wrdreg $0x60  }
0xae: {  	[dreg:$0x2] =	wrdreg s24  }
0xaf: {  	[dreg:$0x3] =	wrdreg $0x67700  }
0xb0: {  	[dreg:$0x4] =	wrdreg $0x9  }
0xb1: {  	_ =	task.clear_ibuf [dreg:s6], $0x5FFFF;
	_ =	strace $0x90000049  }
0xb2: {  	s29 =	simm.s32 $0x9;
	_ =	strace $0x8000004B  }
0xb3: {  	_ =	swait.ge [sflag:s29], $0x1  }
0xb4: {  	[sflag:s29] =	ssyncadd.s32 $0xFFFFFFFF  }
0xb5: {  	_ =	strace $0x9000004B  }
0xb6: {  	_ =	sfence  }
0xb7: {  	s30 =	sld [smem:$0x0];
	_ =	sdelay $0x2  }
0xb8: {  	s31 =	sshll.u32 s1, $0xD;
	s1 =	sshrl.u32 s1, $0x2  }
0xb9: {  	s3 =	sand.u32 $0x4000, s31;
	s1 =	sadd.s32 s1, s30  }
0xba: {  	s0 =	sor.u32 s3, s0;
	s1 =	sshll.u32 s1, $0x11  }
0xbb: {  	s0 =	sor.u32 s1, s0  }
0xbc: {  	s0 =	sadd.s32 $0x8F2B, s0  }
0xbd: {  	[sflag:s0] =	ssyncadd.remote.s32 $0x1  }
0xbe: {  	_ =	sfence.sel $0xFFFF  }
0xbf: {  	[dreg:$0x0] =	wrdreg $0xFFFFFFFF;
	(pc) =	sbr.abs _section_cstart, $3  }
0xc0: {  	[dreg:$0x1] =	wrdreg $0xFFFFFFFF  }
0xc1: {  	_ =	task.clear_ibuf [dreg:s6], $0x2FFFF;
	_ =	strace $0x9FFFFFFF  }
0xc2: {  	(tm) =	ssettm $0x7FFFFFFF  }
0xc3: {  	_ =	shalt  }
tec
execute0_lowered:
.L_overlay_start_1:
0x0: {  	(tag) =	ssettag $0x1  }
0x1: {  	s0 =	srdreg.scid;
	s1 =	rddreg [dreg:$0x0]  }
0x2: {  	s10 =	stileid.u32;
	s2 =	rddreg [dreg:$0x1]  }
0x3: {  	s12 =	simm.s32 $0x0;
	s15 =	simm.s32 $0x7;
	s16 =	simm.s32 $0x7D0  }
0x4: {  	s18 =	simm.s32 $0x28;
	s21 =	simm.s32 $0x2170;
	s28 =	simm.s32 $0x2  }
0x5: {  	s29 =	simm.s32 $0x4;
	s30 =	simm.s32 $0x5370;
	s0 =	sand.u32 $0x1, s0  }
0x6: {  	s3 =	sshll.u32 s10, $0x1;
	[smem:$0x7FF] =	sst s12;
	s7 =	smul.u32 $0x13880, s10  }
0x7: {  	s4 =	sadd.s32 $0x1FC00, s1;
	s5 =	sadd.s32 $0x7F000, s1;
	s9 =	sadd.s32 $0x15E00, s1  }
0x8: {  	s23 =	sadd.s32 $0xC000, s1;
	s26 =	sshll.u32 s10, $0x6;
	s3 =	sor.u32 s0, s3  }
0x9: {  	_ =	strace $0x8000004A;
	s8 =	smul.u32 $0x138800, s0;
	[dreg:$0x4] =	wrdreg s9  }
0xa: {  	[dreg:$0x5] =	wrdreg s23;
	s0 =	ssub.s32 $0x2, s0;
	s23 =	simm.s32 $0x3570  }
0xb: {  	s6 =	smul.u32 $0x4E2, s3;
	s24 =	sshrl.u32 s7, $0x3;
	s25 =	sshrl.u32 s0, $0x1  }
0xc: {  	s3 =	smul.u32 $0x2710, s3;
	s8 =	sadd.s32 s7, s8;
	s9 =	sadd.s32 s24, s1  }
0xd: {  	s0 =	ssub.s32 s0, s25;
	s7 =	sadd.s32 s7, s2;
	s6 =	sadd.s32 s6, s1  }
0xe: {  	s8 =	sshrl.u32 s8, $0x3;
	[dreg:$0x6] =	wrdreg s3;
	s31 =	sadd.s32 $0x92A00, s9  }
.Ltmp0:
0xf: {  	s0 =	smax.u32 s0, $0x1;
	[dreg:$0x7] =	wrdreg s31;
	(pc) =	sbr.rel .LBB2_1-.Ltmp0, $4  }
0x10: {  	s3 =	sor.u32 $0x1C07, s26;
	s1 =	sadd.s32 s8, s1;
	[dreg:$0xa] =	wrdreg s0  }
0x11: {  	s24 =	simm.s32 $0x1;
	[dreg:$0x8] =	wrdreg s3;
	s1 =	sadd.s32 $0xB9C00, s1  }
0x12: {  	s25 =	simm.s32 $0x3;
	[dreg:$0x9] =	wrdreg s1;
	s1 =	sshrl.u32 s7, $0x3  }
0x13: {  	s26 =	simm.s32 $0x3F70;
	s11 =	sadd.s32 $0x2200, s6;
	[dreg:$0xb] =	wrdreg s1  }
.LBB2_10:
0x14: {  	s0 =	simm.s32 $0x5  }
0x15: {  	_ =	swait.ge [sflag:s0], $0x1400  }
0x16: {  	[sflag:s0] =	ssyncset.done $0x0  }
0x17: {  	s20 =	simm.s32 $0x6;
	[sflag:s0] =	ssyncadd.s32 $0xFFFFEC00  }
0x18: {  	_ =	swait.ge [sflag:s20], $0x1400  }
0x19: {  	[sflag:s20] =	ssyncset.done $0x0  }
0x1a: {  	[sflag:s20] =	ssyncadd.s32 $0xFFFFEC00  }
0x1b: {  	[bflag:$0x0] =	sbarrier.arrive $0xFFFF  }
0x1c: {  	s3 =	rddreg [dreg:$0x8]  }
0x1d: {  	s22 =	rddreg [dreg:$0x9]  }
0x1e: {  	s1 =	rddreg [dreg:$0xb]  }
0x1f: {  	[hbm:s22], [sflag:s3] =	dma.local [spmem:s1], $0x2710  }
0x20: {  	_ =	swait.ge [sflag:s15], $0x2710  }
0x21: {  	s12 =	rddreg [dreg:$0x3]  }
0x22: {  	s31 =	rddreg [dreg:$0xa];
	s12 =	sadd.s32 $0x1, s12  }
0x23: {  	p0 =	sne.s32 s12, s31  }
.Ltmp1:
0x24: {  	_ = 	snop;
	(pc) =	sbr.rel @!p0 .LBB2_11-.Ltmp1, $3  }
0x25: {  	_ =	sdelay $0x1  }
0x26: {  	[sflag:s15] =	ssyncset.done $0x0  }
0x27: {  	[sflag:s15] =	ssyncadd.s32 $0xFFFFD8F0  }
.LBB2_1:
0x28: {  	[dreg:$0x3] =	wrdreg s12  }
0x29: {  	s0 =	rddreg [dreg:$0x7]  }
0x2a: {  	[spmem:s1], [sflag:s3] =	dma.local [hbm:s0], $0x2710  }
.Ltmp2:
0x2b: {  	_ =	swait.ge [sflag:s15], $0x2710;
	(pc) =	sbr.rel .LBB2_2-.Ltmp2, $4  }
0x2c: {  	[sflag:s15] =	ssyncset.done $0x0  }
0x2d: {  	[sflag:s15] =	ssyncadd.s32 $0xFFFFD8F0  }
0x2e: {  	[bflag:$0x0] =	sbarrier.arrive $0xFFFF  }
0x2f: {  	s0 =	simm.s32 $0x0  }
.LBB2_9:
0x30: {  	s0 =	sadd.s32 $0x1, s0  }
0x31: {  	p0 =	sne.s32 s0, $0x5  }
.Ltmp3:
0x32: {  	_ = 	snop;
	(pc) =	sbr.rel @!p0 .LBB2_10-.Ltmp3, $2  }
0x33: {  	_ =	sdelay $0x2  }
0x34: {  	[spmem:s2] =	stream.indirect.scatter.add.f32 [tilespmem:s30], [sflag:$0x6], $0x80, s1, s18, $0xb8;
	[tilespmem:$0x19FF0] =	vst v63  }
.LBB2_2:
0x35: {  	p0 =	seq.s32 s0, $0x0  }
0x36: {  	s1 =	simm.s32 @!p0 $0x5  }
0x37: {  	_ =	swait.ge @!p0 [sflag:s1], $0x1400  }
0x38: {  	[sflag:s1] =	ssyncset.done @!p0 $0x0  }
0x39: {  	[sflag:s1] =	ssyncadd.s32 @!p0 $0xFFFFEC00;
	s1 =	simm.s32 @!p0 $0x6  }
0x3a: {  	s3 =	smul.u32 $0x7D0, s0;
	_ =	swait.ge @!p0 [sflag:s1], $0x1400  }
0x3b: {  	s6 =	rddreg [dreg:$0x6]  }
0x3c: {  	s3 =	sadd.s32 s6, s3  }
0x3d: {  	[sflag:s1] =	ssyncset.done @!p0 $0x0;
	s13 =	rddreg [dreg:$0x4];
	s3 =	sshrl.u32 s3, $0x3  }
0x3e: {  	s9 =	simm.s32 $0x0;
	[sflag:s1] =	ssyncadd.s32 @!p0 $0xFFFFEC00;
	s1 =	sadd.s32 s13, s3  }
0x3f: {  	[tilespmem:s9], [sflag:$0x7] =	stream.linear.gather [hbm4b:s1+s9], $0x7D0, $0x38;
	[tilespmem:$0x19FF0] =	vst v63  }
0x40: {  	_ =	swait.ge [sflag:s15], $0x7D0  }
0x41: {  	[sflag:s15] =	ssyncset.done $0x0;
	s14 =	rddreg [dreg:$0x5]  }
0x42: {  	[sflag:s15] =	ssyncadd.s32 $0xFFFFF830;
	s1 =	sadd.s32 s14, s3  }
0x43: {  	[tilespmem:s16], [sflag:$0x7] =	stream.linear.gather [hbm4b:s1+s9], $0x7D0, $0x38;
	[tilespmem:$0x19FF0] =	vst v63  }
0x44: {  	s17 =	smul.u32 $0xFA, s0;
	_ =	swait.ge [sflag:s15], $0x7D0  }
0x45: {  	[sflag:s15] =	ssyncset.done $0x0  }
0x46: {  	s19 =	simm.s32 $0xFA0;
	s1 =	sadd.s32 s11, s17;
	[sflag:s15] =	ssyncadd.s32 $0xFFFFF830  }
0x47: {  	[tilespmem:s19], [sflag:$0x7] =	stream.linear.gather [hbm4b:s1+s9], $0x7D0, $0x38;
	[tilespmem:$0x19FF0] =	vst v63  }
0x48: {  	_ =	swait.ge [sflag:s15], $0x7D0  }
0x49: {  	[sflag:s15] =	ssyncset.done $0x0  }
0x4a: {  	s20 =	simm.s32 $0x1770;
	[sflag:s15] =	ssyncadd.s32 $0xFFFFF830  }
0x4b: {  	[tilespmem:s20], [sflag:$0x1] =	stream.indirect.gather [hbm4b:s4+s18], $0x40, s9, s18, $0xb8;
	[tilespmem:$0x19FF0] =	vst v63  }
0x4c: {  	s22 =	simm.s32 $0x2B70  }
0x4d: {  	[tilespmem:s22], [sflag:$0x3] =	stream.indirect.gather [hbm4b:s5+s18], $0x40, s16, s18, $0xb8;
	[tilespmem:$0x19FF0] =	vst v63  }
0x4e: {  	_ = 	snop  }
0x4f: {  	[tilespmem:s21], [sflag:$0x2] =	stream.indirect.gather [hbm4b:s4+s18], $0x40, s18, s18, $0xb8;
	[tilespmem:$0x19FF0] =	vst v63  }
0x50: {  	s31 =	simm.s32 $0x7F8  }
0x51: {  	[tilespmem:s23], [sflag:$0x4] =	stream.indirect.gather [hbm4b:s5+s18], $0x40, s31, s18, $0xb8;
	[tilespmem:$0x19FF0] =	vst v63  }
.LBB2_3:
0x52: {  	_ =	swait.ge [sflag:s24], $0xA00  }
0x53: {  	[sflag:s24] =	ssyncset.done $0x0  }
0x54: {  	[sflag:s24] =	ssyncadd.s32 $0xFFFFF600  }
0x55: {  	_ =	swait.ge [sflag:s25], $0xA00  }
0x56: {  	p0 =	seq.s32 s9, $0x0;
	[sflag:s25] =	ssyncset.done $0x0  }
0x57: {  	s1 =	simm.s32 @!p0 $0x5;
	[sflag:s25] =	ssyncadd.s32 $0xFFFFF600  }
0x58: {  	_ =	swait.ge @!p0 [sflag:s1], $0x1400  }
0x59: {  	[sflag:s1] =	ssyncset.done @!p0 $0x0  }
0x5a: {  	s7 =	simm.s32 $0x2BF0;
	[sflag:s1] =	ssyncadd.s32 @!p0 $0xFFFFEC00  }
0x5b: {  	s19 =	simm.s32 $0x17F0;
	v0 =	vld [tilespmem:s7+$0x40]  }
0x5c: {  	v1 =	vld [tilespmem:s19+$0x40]  }
0x5d: {  	v2 =	vld [tilespmem:s19+$0xFFFFFFC0]  }
0x5e: {  	v3 =	vld [tilespmem:s7+$0xFFFFFFC0]  }
0x5f: {  	v4 =	vld [tilespmem:s7+$0xFFFFFF80]  }
0x60: {  	s31 =	simm.s32 $0x2CF0;
	v7 =	vld [tilespmem:s19+$0x0]  }
0x61: {  	v13 =	vld [tilespmem:s31+$0x0];
	v5 =	vunpack.i.u.bf16.f32 v0;
	v6 =	vunpack.i.u.bf16.f32 v1  }
0x62: {  	s13 =	simm.s32 $0x19F0;
	v0 =	vunpack.i.l.bf16.f32 v0;
	v1 =	vunpack.i.l.bf16.f32 v1;
	v5 =	vmul.f32 v5, v6;
	v6 =	vld [tilespmem:s19+$0xFFFFFF80]  }
0x63: {  	s3 =	simm.s32 $0x4070;
	s6 =	simm.s32 $0x1AF0;
	v19 =	vld [tilespmem:s13+$0x40];
	v0 =	vmul.f32 v0, v1  }
0x64: {  	v29 =	vld [tilespmem:s6+$0x0];
	v8 =	vunpack.i.u.bf16.f32 v3;
	[tilespmem:s3+$0x90] =	vst v5;
	v5 =	vunpack.i.u.bf16.f32 v2  }
0x65: {  	v3 =	vunpack.i.l.bf16.f32 v3;
	v1 =	vld [tilespmem:s7+$0x0];
	[tilespmem:s3+$0x80] =	vst v0;
	v2 =	vunpack.i.l.bf16.f32 v2;
	v5 =	vmul.f32 v8, v5  }
0x66: {  	v10 =	vunpack.i.u.bf16.f32 v4;
	v9 =	vld [tilespmem:s19+$0x50];
	v2 =	vmul.f32 v3, v2  }
0x67: {  	s10 =	simm.s32 $0x18F0;
	v11 =	vld [tilespmem:s7+$0x50];
	v3 =	vunpack.i.l.bf16.f32 v4;
	v8 =	vunpack.i.u.bf16.f32 v6;
	v4 =	vunpack.i.l.bf16.f32 v6;
	[tilespmem:s3+$0xFFFFFF90] =	vst v5  }
0x68: {  	[tilespmem:s3+$0xFFFFFF80] =	vst v2;
	v6 =	vmul.f32 v10, v8;
	v8 =	vld [tilespmem:s10+$0x40];
	v3 =	vmul.f32 v3, v4  }
0x69: {  	v2 =	vld [tilespmem:s7+$0xFFFFFFD0]  }
0x6a: {  	s22 =	simm.s32 $0x2EF0;
	[tilespmem:s3+$0xFFFFFF00] =	vst v3;
	v3 =	vld [tilespmem:s19+$0xFFFFFFD0]  }
0x6b: {  	v30 =	vld [tilespmem:s22+$0x0];
	v5 =	vunpack.i.u.bf16.f32 v1;
	[tilespmem:s3+$0xFFFFFF10] =	vst v6;
	v6 =	vunpack.i.u.bf16.f32 v7  }
0x6c: {  	v0 =	vld [tilespmem:s31+$0x40];
	v1 =	vunpack.i.l.bf16.f32 v1;
	v7 =	vunpack.i.l.bf16.f32 v7;
	v5 =	vmul.f32 v5, v6  }
0x6d: {  	v4 =	vld [tilespmem:s31+$0xFFFFFF80];
	v12 =	vunpack.i.l.bf16.f32 v11;
	v1 =	vmul.f32 v1, v7  }
0x6e: {  	v10 =	vld [tilespmem:s19+$0xFFFFFF90];
	[tilespmem:s3+$0x10] =	vst v5;
	v5 =	vunpack.i.l.bf16.f32 v9;
	v14 =	vunpack.i.u.bf16.f32 v2;
	v2 =	vunpack.i.l.bf16.f32 v2  }
0x6f: {  	v6 =	vld [tilespmem:s7+$0xFFFFFF90];
	v16 =	vunpack.i.u.bf16.f32 v8;
	v5 =	vmul.f32 v12, v5;
	v12 =	vunpack.i.u.bf16.f32 v3  }
0x70: {  	v7 =	vld [tilespmem:s10+$0x0];
	v8 =	vunpack.i.l.bf16.f32 v8;
	v3 =	vunpack.i.l.bf16.f32 v3;
	v12 =	vmul.f32 v14, v12  }
0x71: {  	[tilespmem:s3+$0x0] =	vst v1;
	v1 =	vld [tilespmem:s10+$0xFFFFFF80];
	v14 =	vunpack.i.u.bf16.f32 v0;
	v2 =	vmul.f32 v2, v3;
	v3 =	vunpack.i.u.bf16.f32 v9  }
0x72: {  	v15 =	vld [tilespmem:s7+$0x10];
	[tilespmem:s3+$0xA0] =	vst v5;
	v9 =	vunpack.i.u.bf16.f32 v11;
	v0 =	vunpack.i.l.bf16.f32 v0;
	v11 =	vmul.f32 v14, v16  }
0x73: {  	s1 =	simm.s32 $0x4270;
	v5 =	vld [tilespmem:s10+$0xFFFFFFC0];
	v0 =	vmul.f32 v0, v8;
	[tilespmem:s3+$0xFFFFFFB0] =	vst v12  }
0x74: {  	v14 =	vld [tilespmem:s31+$0xFFFFFFC0];
	v3 =	vmul.f32 v9, v3;
	v8 =	vunpack.i.u.bf16.f32 v10;
	[tilespmem:s1+$0x90] =	vst v11  }
0x75: {  	v9 =	vld [tilespmem:s19+$0x10];
	v10 =	vunpack.i.l.bf16.f32 v10;
	v11 =	vunpack.i.u.bf16.f32 v6;
	v6 =	vunpack.i.l.bf16.f32 v6;
	[tilespmem:s1+$0x80] =	vst v0  }
0x76: {  	[tilespmem:s3+$0xB0] =	vst v3;
	v8 =	vmul.f32 v11, v8;
	v6 =	vmul.f32 v6, v10;
	v10 =	vld [tilespmem:s10+$0x50]  }
0x77: {  	v17 =	vunpack.i.u.bf16.f32 v7;
	v7 =	vunpack.i.l.bf16.f32 v7;
	[tilespmem:s3+$0xFFFFFFA0] =	vst v2;
	v12 =	vunpack.i.u.bf16.f32 v4;
	v16 =	vld [tilespmem:s7+$0x60]  }
0x78: {  	v4 =	vunpack.i.l.bf16.f32 v4;
	v2 =	vld [tilespmem:s19+$0xFFFFFFE0];
	v11 =	vunpack.i.u.bf16.f32 v15;
	[tilespmem:s3+$0xFFFFFF30] =	vst v8;
	v8 =	vunpack.i.u.bf16.f32 v1  }
0x79: {  	s12 =	simm.s32 $0x2DF0;
	v0 =	vld [tilespmem:s19+$0x60];
	[tilespmem:s3+$0xFFFFFF20] =	vst v6;
	v1 =	vunpack.i.l.bf16.f32 v1;
	v18 =	vunpack.i.l.bf16.f32 v14;
	v6 =	vmul.f32 v12, v8  }
0x7a: {  	v3 =	vld [tilespmem:s12+$0x40];
	v14 =	vunpack.i.u.bf16.f32 v14;
	v12 =	vunpack.i.u.bf16.f32 v13;
	v1 =	vmul.f32 v4, v1  }
0x7b: {  	v8 =	vld [tilespmem:s31+$0x50];
	v13 =	vunpack.i.l.bf16.f32 v13;
	[tilespmem:s1+$0xFFFFFF10] =	vst v6;
	v6 =	vmul.f32 v12, v17;
	v12 =	vunpack.i.u.bf16.f32 v5  }
0x7c: {  	v4 =	vld [tilespmem:s19+$0xFFFFFFA0];
	[tilespmem:s1+$0xFFFFFF00] =	vst v1;
	v1 =	vunpack.i.l.bf16.f32 v5;
	v20 =	vunpack.i.u.bf16.f32 v10;
	v22 =	vunpack.i.u.bf16.f32 v16  }
0x7d: {  	v24 =	vld [tilespmem:s7+$0xFFFFFFA0];
	v10 =	vunpack.i.l.bf16.f32 v10;
	v5 =	vmul.f32 v14, v12;
	v12 =	vunpack.i.u.bf16.f32 v2  }
0x7e: {  	v17 =	vld [tilespmem:s12+$0xFFFFFF80];
	v1 =	vmul.f32 v18, v1;
	v18 =	vunpack.i.u.bf16.f32 v0;
	v0 =	vunpack.i.l.bf16.f32 v0  }
0x7f: {  	v14 =	vld [tilespmem:s10+$0xFFFFFF90];
	v2 =	vunpack.i.l.bf16.f32 v2;
	v18 =	vmul.f32 v22, v18;
	[tilespmem:s1+$0x10] =	vst v6;
	v6 =	vunpack.i.l.bf16.f32 v16  }
0x80: {  	v21 =	vld [tilespmem:s31+$0xFFFFFF90];
	v23 =	vunpack.i.l.bf16.f32 v8;
	[tilespmem:s1+$0xFFFFFF90] =	vst v5;
	v5 =	vmul.f32 v13, v7;
	v7 =	vunpack.i.u.bf16.f32 v9  }
0x81: {  	v22 =	vld [tilespmem:s12+$0x0];
	[tilespmem:s1+$0xFFFFFF80] =	vst v1;
	v9 =	vunpack.i.l.bf16.f32 v9;
	v0 =	vmul.f32 v6, v0;
	v8 =	vunpack.i.u.bf16.f32 v8  }
0x82: {  	v13 =	vld [tilespmem:s13+$0x0];
	v1 =	vmul.f32 v23, v10;
	v10 =	vunpack.i.u.bf16.f32 v3;
	v3 =	vunpack.i.l.bf16.f32 v3;
	[tilespmem:s3+$0xD0] =	vst v18  }
0x83: {  	v23 =	vunpack.i.u.bf16.f32 v19;
	v19 =	vunpack.i.l.bf16.f32 v19;
	v25 =	vld [tilespmem:s31+$0xFFFFFFD0];
	v7 =	vmul.f32 v11, v7;
	[tilespmem:s1+$0x0] =	vst v5  }
0x84: {  	v16 =	vld [tilespmem:s10+$0xFFFFFFD0];
	v3 =	vmul.f32 v3, v19;
	v10 =	vmul.f32 v10, v23;
	v19 =	vunpack.i.u.bf16.f32 v24;
	[tilespmem:s3+$0xC0] =	vst v0  }
0x85: {  	v11 =	vld [tilespmem:s7+$0xFFFFFFE0];
	[tilespmem:s1+$0xA0] =	vst v1;
	v1 =	vunpack.i.l.bf16.f32 v15;
	v5 =	vunpack.i.u.bf16.f32 v14;
	v15 =	vunpack.i.u.bf16.f32 v4  }
0x86: {  	s14 =	simm.s32 $0x4470;
	v23 =	vld [tilespmem:s13+$0xFFFFFF80];
	v18 =	vunpack.i.u.bf16.f32 v21;
	[tilespmem:s3+$0x30] =	vst v7;
	v4 =	vunpack.i.l.bf16.f32 v4;
	v15 =	vmul.f32 v19, v15  }
0x87: {  	v6 =	vld [tilespmem:s31+$0x10];
	v19 =	vunpack.i.l.bf16.f32 v21;
	v1 =	vmul.f32 v1, v9;
	v9 =	vunpack.i.l.bf16.f32 v14;
	[tilespmem:s14+$0x90] =	vst v10  }
0x88: {  	v7 =	vld [tilespmem:s13+$0xFFFFFFC0];
	v21 =	vunpack.i.l.bf16.f32 v24;
	v5 =	vmul.f32 v18, v5;
	[tilespmem:s14+$0x80] =	vst v3;
	v9 =	vmul.f32 v19, v9  }
0x89: {  	v14 =	vld [tilespmem:s12+$0xFFFFFFC0];
	v19 =	vunpack.i.l.bf16.f32 v22;
	[tilespmem:s3+$0xFFFFFF50] =	vst v15;
	v15 =	vunpack.i.u.bf16.f32 v16;
	v18 =	vunpack.i.u.bf16.f32 v25  }
0x8a: {  	v24 =	vld [tilespmem:s10+$0x10];
	[tilespmem:s3+$0x20] =	vst v1;
	v1 =	vmul.f32 v21, v4;
	v4 =	vunpack.i.l.bf16.f32 v16;
	v16 =	vunpack.i.l.bf16.f32 v25  }
0x8b: {  	v26 =	vld [tilespmem:s13+$0x50];
	v10 =	vunpack.i.l.bf16.f32 v11;
	v21 =	vunpack.i.u.bf16.f32 v13;
	v13 =	vunpack.i.l.bf16.f32 v13;
	[tilespmem:s1+$0xFFFFFF30] =	vst v5  }
0x8c: {  	v25 =	vunpack.i.u.bf16.f32 v17;
	v17 =	vunpack.i.l.bf16.f32 v17;
	v15 =	vmul.f32 v18, v15;
	v0 =	vld [tilespmem:s7+$0x20];
	[tilespmem:s1+$0xFFFFFF20] =	vst v9  }
0x8d: {  	v4 =	vmul.f32 v16, v4;
	v16 =	vld [tilespmem:s19+$0x70];
	[tilespmem:s3+$0xFFFFFF40] =	vst v1;
	v1 =	vmul.f32 v8, v20;
	v8 =	vunpack.i.u.bf16.f32 v11  }
0x8e: {  	v2 =	vmul.f32 v10, v2;
	v11 =	vunpack.i.u.bf16.f32 v22;
	v22 =	vld [tilespmem:s22+$0x40];
	[tilespmem:s1+$0xFFFFFFB0] =	vst v15;
	v8 =	vmul.f32 v8, v12  }
0x8f: {  	v15 =	vld [tilespmem:s7+$0xFFFFFFB0];
	v12 =	vunpack.i.u.bf16.f32 v23;
	[tilespmem:s1+$0xFFFFFFA0] =	vst v4;
	v3 =	vmul.f32 v11, v21;
	v11 =	vunpack.i.u.bf16.f32 v7  }
0x90: {  	v4 =	vld [tilespmem:s19+$0xFFFFFFB0];
	v7 =	vunpack.i.l.bf16.f32 v7;
	v23 =	vunpack.i.l.bf16.f32 v23;
	[tilespmem:s3+$0xFFFFFFC0] =	vst v2;
	v12 =	vmul.f32 v25, v12  }
0x91: {  	v5 =	vunpack.i.u.bf16.f32 v14;
	v20 =	vld [tilespmem:s10+$0xFFFFFFE0];
	[tilespmem:s1+$0xB0] =	vst v1;
	v1 =	vunpack.i.l.bf16.f32 v14;
	v9 =	vmul.f32 v17, v23  }
0x92: {  	v18 =	vunpack.i.u.bf16.f32 v6;
	v17 =	vld [tilespmem:s12+$0x50];
	v5 =	vmul.f32 v5, v11;
	v7 =	vmul.f32 v1, v7;
	[tilespmem:s14+$0xFFFFFF10] =	vst v12  }
0x93: {  	v21 =	vld [tilespmem:s10+$0x60];
	v12 =	vunpack.i.u.bf16.f32 v26;
	v28 =	vunpack.i.l.bf16.f32 v16;
	[tilespmem:s14+$0xFFFFFF00] =	vst v9;
	v9 =	vunpack.i.l.bf16.f32 v26  }
0x94: {  	v14 =	vld [tilespmem:s31+$0x60];
	[tilespmem:s14+$0xFFFFFF90] =	vst v5;
	v5 =	vmul.f32 v19, v13;
	v13 =	vunpack.i.u.bf16.f32 v24;
	v19 =	vunpack.i.l.bf16.f32 v0  }
0x95: {  	v2 =	vld [tilespmem:s22+$0xFFFFFF80];
	[tilespmem:s3+$0xFFFFFFD0] =	vst v8;
	v0 =	vunpack.i.u.bf16.f32 v0;
	v25 =	vunpack.i.l.bf16.f32 v4;
	v23 =	vunpack.i.u.bf16.f32 v15  }
0x96: {  	v8 =	vld [tilespmem:s10+$0xFFFFFFA0];
	v11 =	vunpack.i.l.bf16.f32 v15;
	v1 =	vunpack.i.u.bf16.f32 v4;
	[tilespmem:s14+$0x0] =	vst v5;
	v5 =	vunpack.i.l.bf16.f32 v6  }
0x97: {  	v26 =	vld [tilespmem:s13+$0xFFFFFF90];
	v6 =	vmul.f32 v18, v13;
	v10 =	vunpack.i.u.bf16.f32 v20;
	v4 =	vmul.f32 v11, v25  }
0x98: {  	v11 =	vld [tilespmem:s19+$0x20];
	v15 =	vmul.f32 v23, v1;
	v1 =	vunpack.i.u.bf16.f32 v16;
	v16 =	vunpack.i.l.bf16.f32 v17  }
0x99: {  	[tilespmem:s14+$0x10] =	vst v3;
	v25 =	vld [tilespmem:s6+$0x40];
	v17 =	vunpack.i.u.bf16.f32 v17;
	v3 =	vunpack.i.u.bf16.f32 v21;
	v27 =	vunpack.i.u.bf16.f32 v14  }
0x9a: {  	[tilespmem:s14+$0xFFFFFF80] =	vst v7;
	v23 =	vld [tilespmem:s7+$0xFFFFFFF0];
	v7 =	vmul.f32 v16, v9;
	v9 =	vunpack.i.u.bf16.f32 v22;
	v16 =	vunpack.i.l.bf16.f32 v22  }
0x9b: {  	v22 =	vld [tilespmem:s31+$0xFFFFFFA0];
	v21 =	vunpack.i.l.bf16.f32 v21;
	[tilespmem:s1+$0x30] =	vst v6;
	v31 =	vmul.f32 v17, v12;
	v3 =	vmul.f32 v27, v3  }
0x9c: {  	v27 =	vld [tilespmem:s12+$0xFFFFFF90];
	[tilespmem:s14+$0xA0] =	vst v7;
	v7 =	vunpack.i.l.bf16.f32 v14;
	v14 =	vunpack.i.l.bf16.f32 v24;
	v13 =	vunpack.i.u.bf16.f32 v26  }
0x9d: {  	v24 =	vld [tilespmem:s31+$0xFFFFFFE0];
	v6 =	vunpack.i.l.bf16.f32 v26;
	[tilespmem:s1+$0xD0] =	vst v3;
	v5 =	vmul.f32 v5, v14;
	v3 =	vunpack.i.l.bf16.f32 v11  }
0x9e: {  	[tilespmem:s3+$0xFFFFFF70] =	vst v15;
	v14 =	vld [tilespmem:s6+$0xFFFFFFC0];
	v15 =	vunpack.i.u.bf16.f32 v25;
	v25 =	vunpack.i.l.bf16.f32 v25;
	v3 =	vmul.f32 v19, v3  }
0x9f: {  	[tilespmem:s3+$0xFFFFFF60] =	vst v4;
	v4 =	vunpack.i.u.bf16.f32 v11;
	v11 =	vunpack.i.u.bf16.f32 v8;
	v9 =	vmul.f32 v9, v15;
	v15 =	vld [tilespmem:s13+$0xFFFFFFD0]  }
0xa0: {  	s17 =	simm.s32 $0x4670;
	v25 =	vmul.f32 v16, v25;
	v16 =	vld [tilespmem:s12+$0xFFFFFFD0];
	v18 =	vunpack.i.u.bf16.f32 v22;
	[tilespmem:s3+$0x40] =	vst v3;
	v3 =	vmul.f32 v0, v4  }
0xa1: {  	v26 =	vunpack.i.u.bf16.f32 v29;
	[tilespmem:s17+$0x90] =	vst v9;
	v0 =	vunpack.i.u.bf16.f32 v27;
	v4 =	vmul.f32 v18, v11;
	v11 =	vld [tilespmem:s19+$0xFFFFFFF0]  }
0xa2: {  	v9 =	vmul.f32 v7, v21;
	v7 =	vld [tilespmem:s6+$0xFFFFFF80];
	v18 =	vunpack.i.l.bf16.f32 v27;
	v21 =	vunpack.i.l.bf16.f32 v22;
	[tilespmem:s3+$0x50] =	vst v3  }
0xa3: {  	v27 =	vunpack.i.l.bf16.f32 v23;
	v13 =	vmul.f32 v0, v13;
	v0 =	vld [tilespmem:s12+$0x10];
	v3 =	vmul.f32 v18, v6;
	[tilespmem:s1+$0xFFFFFF50] =	vst v4  }
0xa4: {  	[tilespmem:s1+$0xC0] =	vst v9;
	v9 =	vunpack.i.l.bf16.f32 v30;
	v6 =	vunpack.i.l.bf16.f32 v15;
	v17 =	vld [tilespmem:s19+$0x30];
	v4 =	vunpack.i.u.bf16.f32 v15  }
0xa5: {  	[tilespmem:s14+$0xFFFFFF30] =	vst v13;
	v12 =	vunpack.i.u.bf16.f32 v16;
	v19 =	vunpack.i.l.bf16.f32 v16;
	v18 =	vld [tilespmem:s7+$0x30];
	v13 =	vunpack.i.l.bf16.f32 v20  }
0xa6: {  	[tilespmem:s1+$0x20] =	vst v5;
	v16 =	vld [tilespmem:s7+$0x70];
	v20 =	vunpack.i.l.bf16.f32 v24;
	v4 =	vmul.f32 v12, v4;
	v12 =	vunpack.i.u.bf16.f32 v24  }
0xa7: {  	v15 =	vld [tilespmem:s22+$0xFFFFFFC0];
	[tilespmem:s14+$0xFFFFFF20] =	vst v3;
	v3 =	vunpack.i.l.bf16.f32 v8;
	v8 =	vunpack.i.u.bf16.f32 v23;
	v22 =	vunpack.i.u.bf16.f32 v11  }
0xa8: {  	[tilespmem:s17+$0x80] =	vst v25;
	v32 =	vunpack.i.l.bf16.f32 v11;
	v11 =	vmul.f32 v19, v6;
	v3 =	vmul.f32 v21, v3;
	v6 =	vld [tilespmem:s31+$0x20]  }
0xa9: {  	v19 =	vmul.f32 v12, v10;
	v12 =	vunpack.i.u.bf16.f32 v7;
	[tilespmem:s14+$0xFFFFFFB0] =	vst v4;
	v4 =	vld [tilespmem:s13+$0x10];
	v5 =	vunpack.i.u.bf16.f32 v0  }
0xaa: {  	v25 =	vmul.f32 v8, v22;
	v8 =	vunpack.i.u.bf16.f32 v30;
	v27 =	vmul.f32 v27, v32;
	[tilespmem:s1+$0xFFFFFF40] =	vst v3;
	v3 =	vld [tilespmem:s10+$0x70]  }
0xab: {  	[tilespmem:s14+$0xB0] =	vst v31;
	v21 =	vunpack.i.u.bf16.f32 v17;
	v24 =	vunpack.i.l.bf16.f32 v17;
	v10 =	vunpack.i.l.bf16.f32 v16;
	v17 =	vld [tilespmem:s31+$0xFFFFFFB0]  }
0xac: {  	s20 =	simm.s32 $0x1AF0;
	s7 =	simm.s32 $0xC;
	s19 =	simm.s32 $0x2EF0;
	[tilespmem:s14+$0xFFFFFFA0] =	vst v11;
	v22 =	vunpack.i.l.bf16.f32 v18;
	v11 =	vld [tilespmem:s10+$0xFFFFFFB0];
	v23 =	vmul.f32 v10, v28;
	v10 =	vunpack.i.l.bf16.f32 v29  }
.LBB2_4:
0xad: {  	s7 =	sadd.s32 $0x4, s7;
	v28 =	vunpack.i.l.bf16.f32 v15;
	v26 =	vmul.f32 v8, v26;
	s22 =	sadd.s32 $0x100, s22;
	v8 =	vld [tilespmem:s13+$0xFFFFFFE0];
	[tilespmem:s3+$0xFFFFFFF0] =	vst v25;
	v18 =	vunpack.i.u.bf16.f32 v18  }
0xae: {  	v29 =	vunpack.i.u.bf16.f32 v14;
	v14 =	vunpack.i.l.bf16.f32 v14;
	v25 =	vld [tilespmem:s22+$0x40];
	p1 =	slt.u32 s7, $0x24;
	[tilespmem:s3+$0xFFFFFFE0] =	vst v27;
	v18 =	vmul.f32 v18, v21  }
0xaf: {  	v21 =	vunpack.i.u.bf16.f32 v2;
	v2 =	vunpack.i.l.bf16.f32 v2;
	v27 =	vld [tilespmem:s13+$0x60];
	[tilespmem:s1+$0xFFFFFFD0] =	vst v19;
	v19 =	vmul.f32 v22, v24  }
0xb0: {  	v7 =	vunpack.i.l.bf16.f32 v7;
	v15 =	vunpack.i.u.bf16.f32 v15;
	v16 =	vunpack.i.u.bf16.f32 v16;
	v22 =	vld [tilespmem:s6+$0x50];
	[tilespmem:s3+$0x70] =	vst v18  }
0xb1: {  	v1 =	vmul.f32 v16, v1;
	v18 =	vmul.f32 v21, v12;
	v21 =	vld [tilespmem:s12+$0x60];
	v24 =	vunpack.i.l.bf16.f32 v11;
	[tilespmem:s3+$0xE0] =	vst v23  }
0xb2: {  	v13 =	vmul.f32 v20, v13;
	v7 =	vmul.f32 v2, v7;
	v2 =	vunpack.i.u.bf16.f32 v17;
	v16 =	vld [tilespmem:s19+$0x50];
	[tilespmem:s3+$0x60] =	vst v19  }
0xb3: {  	v15 =	vmul.f32 v15, v29;
	v17 =	vunpack.i.l.bf16.f32 v17;
	v12 =	vunpack.i.u.bf16.f32 v8;
	v19 =	vld [tilespmem:s13+$0xFFFFFFA0];
	[tilespmem:s3+$0xF0] =	vst v1;
	s3 =	smov.u32 s1;
	s1 =	smov.u32 s14;
	s14 =	smov.u32 s17  }
0xb4: {  	v14 =	vmul.f32 v28, v14;
	v17 =	vmul.f32 v17, v24;
	v1 =	vunpack.i.u.bf16.f32 v11;
	[tilespmem:s3+$0xFFFFFFC0] =	vst v13;
	v13 =	vld [tilespmem:s10+$0x20]  }
0xb5: {  	s6 =	sadd.s32 $0x100, s6;
	v20 =	vunpack.i.u.bf16.f32 v27;
	v23 =	vmul.f32 v2, v1;
	v1 =	vunpack.i.u.bf16.f32 v3;
	[tilespmem:s17+$0x10] =	vst v26;
	v24 =	vld [tilespmem:s31+$0xFFFFFFF0]  }
0xb6: {  	v11 =	vunpack.i.l.bf16.f32 v3;
	v26 =	vld [tilespmem:s6+$0x40];
	[tilespmem:s17+$0xFFFFFF10] =	vst v18;
	v18 =	vunpack.i.u.bf16.f32 v22;
	v28 =	vunpack.i.u.bf16.f32 v21  }
0xb7: {  	v3 =	vunpack.i.l.bf16.f32 v22;
	v2 =	vld [tilespmem:s22+$0xFFFFFF80];
	[tilespmem:s17+$0xFFFFFF00] =	vst v7;
	v7 =	vunpack.i.l.bf16.f32 v16;
	v20 =	vmul.f32 v28, v20  }
0xb8: {  	v9 =	vmul.f32 v9, v10;
	v10 =	vunpack.i.u.bf16.f32 v4;
	v22 =	vld [tilespmem:s20+$0xFFFFFF90];
	[tilespmem:s17+$0xFFFFFF90] =	vst v15;
	v15 =	vunpack.i.l.bf16.f32 v6  }
0xb9: {  	v3 =	vmul.f32 v7, v3;
	v6 =	vunpack.i.u.bf16.f32 v6;
	v28 =	vld [tilespmem:s19+$0xFFFFFF90];
	[tilespmem:s17+$0xFFFFFF80] =	vst v14;
	v14 =	vunpack.i.u.bf16.f32 v16  }
0xba: {  	v27 =	vunpack.i.l.bf16.f32 v27;
	v7 =	vunpack.i.u.bf16.f32 v25;
	v16 =	vunpack.i.l.bf16.f32 v25;
	v25 =	vld [tilespmem:s12+$0xFFFFFFA0];
	[tilespmem:s3+$0xFFFFFF70] =	vst v23  }
0xbb: {  	v29 =	vld [tilespmem:s6+$0x0];
	v23 =	vunpack.i.u.bf16.f32 v26;
	v26 =	vunpack.i.l.bf16.f32 v26;
	[tilespmem:s17+$0xA0] =	vst v3;
	v3 =	vunpack.i.l.bf16.f32 v21  }
0xbc: {  	v4 =	vunpack.i.l.bf16.f32 v4;
	v30 =	vld [tilespmem:s22+$0x0];
	v26 =	vmul.f32 v16, v26;
	[tilespmem:s1+$0xD0] =	vst v20;
	v16 =	vunpack.i.l.bf16.f32 v13  }
0xbd: {  	v0 =	vunpack.i.l.bf16.f32 v0;
	v5 =	vmul.f32 v5, v10;
	s17 =	sadd.s32 $0x200, s17;
	v20 =	vld [tilespmem:s19+$0xFFFFFFD0];
	[tilespmem:s14+$0x0] =	vst v9;
	v9 =	vmul.f32 v15, v16  }
0xbe: {  	v7 =	vmul.f32 v7, v23;
	v13 =	vunpack.i.u.bf16.f32 v13;
	v10 =	vunpack.i.u.bf16.f32 v22;
	v15 =	vld [tilespmem:s20+$0xFFFFFFD0];
	[tilespmem:s3+$0xFFFFFF60] =	vst v17  }
0xbf: {  	v16 =	vunpack.i.u.bf16.f32 v19;
	v6 =	vmul.f32 v6, v13;
	v17 =	vunpack.i.u.bf16.f32 v25;
	v23 =	vld [tilespmem:s12+$0xFFFFFFE0];
	[tilespmem:s3+$0x40] =	vst v9  }
0xc0: {  	v3 =	vmul.f32 v3, v27;
	v9 =	vunpack.i.u.bf16.f32 v28;
	[tilespmem:s17+$0x90] =	vst v7;
	v13 =	vmul.f32 v17, v16;
	v17 =	vld [tilespmem:s10+$0xFFFFFFF0]  }
0xc1: {  	v4 =	vmul.f32 v0, v4;
	v21 =	vunpack.i.l.bf16.f32 v25;
	v16 =	vunpack.i.l.bf16.f32 v28;
	v7 =	vld [tilespmem:s6+$0xFFFFFF80];
	[tilespmem:s1+$0x30] =	vst v5  }
0xc2: {  	v27 =	vunpack.i.l.bf16.f32 v24;
	v9 =	vmul.f32 v9, v10;
	v5 =	vunpack.i.l.bf16.f32 v22;
	v0 =	vld [tilespmem:s19+$0x10];
	[tilespmem:s3+$0x50] =	vst v6  }
0xc3: {  	v28 =	vmul.f32 v14, v18;
	v5 =	vmul.f32 v16, v5;
	v6 =	vunpack.i.l.bf16.f32 v15;
	[tilespmem:s1+$0xFFFFFF50] =	vst v13;
	v10 =	vld [tilespmem:s10+$0x30];
	s10 =	smov.u32 s13;
	s13 =	smov.u32 s20;
	s20 =	smov.u32 s6  }
0xc4: {  	v13 =	vunpack.i.u.bf16.f32 v20;
	v20 =	vunpack.i.l.bf16.f32 v20;
	[tilespmem:s14+$0xFFFFFF30] =	vst v9;
	v9 =	vunpack.i.u.bf16.f32 v15;
	v18 =	vld [tilespmem:s31+$0x30]  }
0xc5: {  	v22 =	vunpack.i.u.bf16.f32 v23;
	v9 =	vmul.f32 v13, v9;
	[tilespmem:s1+$0x20] =	vst v4;
	v25 =	vunpack.i.u.bf16.f32 v17;
	v16 =	vld [tilespmem:s31+$0x70];
	s31 =	smov.u32 s12;
	s12 =	smov.u32 s19;
	s19 =	smov.u32 s22  }
0xc6: {  	v13 =	vunpack.i.l.bf16.f32 v8;
	v31 =	vunpack.i.l.bf16.f32 v17;
	v14 =	vld [tilespmem:s6+$0xFFFFFFC0];
	[tilespmem:s14+$0xFFFFFF20] =	vst v5;
	v5 =	vunpack.i.l.bf16.f32 v19  }
0xc7: {  	v17 =	vmul.f32 v20, v6;
	v8 =	vunpack.i.u.bf16.f32 v24;
	v19 =	vmul.f32 v22, v12;
	v15 =	vld [tilespmem:s22+$0xFFFFFFC0];
	[tilespmem:s14+$0xFFFFFFB0] =	vst v9  }
.Ltmp4:
0xc8: {  	v12 =	vunpack.i.u.bf16.f32 v7;
	v9 =	vmul.f32 v21, v5;
	v4 =	vld [tilespmem:s13+$0x10];
	[tilespmem:s1+$0xC0] =	vst v3;
	v21 =	vunpack.i.u.bf16.f32 v10;
	(pc) =	sbr.rel @p1 .LBB2_4-.Ltmp4, $4  }
0xc9: {  	v25 =	vmul.f32 v8, v25;
	v5 =	vunpack.i.u.bf16.f32 v0;
	[tilespmem:s17+$0x80] =	vst v26;
	v6 =	vld [tilespmem:s31+$0x20];
	v22 =	vunpack.i.l.bf16.f32 v18  }
0xca: {  	v20 =	vunpack.i.l.bf16.f32 v23;
	v24 =	vunpack.i.l.bf16.f32 v10;
	[tilespmem:s1+$0xFFFFFF40] =	vst v9;
	v3 =	vld [tilespmem:s10+$0x70];
	v10 =	vunpack.i.l.bf16.f32 v16  }
0xcb: {  	v8 =	vunpack.i.u.bf16.f32 v30;
	v9 =	vunpack.i.l.bf16.f32 v30;
	[tilespmem:s14+$0xFFFFFFA0] =	vst v17;
	v17 =	vld [tilespmem:s31+$0xFFFFFFB0];
	v23 =	vmul.f32 v10, v11  }
0xcc: {  	v27 =	vmul.f32 v27, v31;
	v26 =	vunpack.i.u.bf16.f32 v29;
	v10 =	vunpack.i.l.bf16.f32 v29;
	[tilespmem:s14+$0xB0] =	vst v28;
	v11 =	vld [tilespmem:s10+$0xFFFFFFB0]  }
0xcd: {  	[tilespmem:s3+$0xFFFFFFF0] =	vst v25  }
0xce: {  	[tilespmem:s1+$0xFFFFFFD0] =	vst v19  }
0xcf: {  	v19 =	vmul.f32 v22, v24;
	[tilespmem:s3+$0xE0] =	vst v23  }
0xd0: {  	v13 =	vmul.f32 v20, v13;
	[tilespmem:s3+$0xFFFFFFE0] =	vst v27  }
0xd1: {  	v18 =	vunpack.i.u.bf16.f32 v18;
	v8 =	vmul.f32 v8, v26;
	[tilespmem:s3+$0x60] =	vst v19  }
0xd2: {  	v16 =	vunpack.i.u.bf16.f32 v16;
	v20 =	vld [tilespmem:s19+$0x50];
	v18 =	vmul.f32 v18, v21;
	[tilespmem:s1+$0xFFFFFFC0] =	vst v13  }
0xd3: {  	v1 =	vmul.f32 v16, v1;
	v16 =	vld [tilespmem:s6+$0x50];
	[tilespmem:s17+$0x10] =	vst v8  }
0xd4: {  	v9 =	vmul.f32 v9, v10;
	v19 =	vunpack.i.u.bf16.f32 v2;
	[tilespmem:s3+$0x70] =	vst v18;
	v18 =	vld [tilespmem:s13+$0x60]  }
0xd5: {  	[tilespmem:s3+$0xF0] =	vst v1;
	v1 =	vunpack.i.l.bf16.f32 v2;
	v2 =	vunpack.i.l.bf16.f32 v7;
	v7 =	vmul.f32 v19, v12;
	v12 =	vld [tilespmem:s12+$0x60]  }
0xd6: {  	v13 =	vunpack.i.u.bf16.f32 v14;
	[tilespmem:s17+$0x0] =	vst v9;
	v19 =	vunpack.i.u.bf16.f32 v15;
	v1 =	vmul.f32 v1, v2  }
0xd7: {  	v8 =	vunpack.i.l.bf16.f32 v14;
	v2 =	vunpack.i.l.bf16.f32 v15;
	v13 =	vmul.f32 v19, v13;
	[tilespmem:s17+$0xFFFFFF10] =	vst v7  }
0xd8: {  	v14 =	vld [tilespmem:s10+$0x20];
	v7 =	vunpack.i.u.bf16.f32 v17;
	v2 =	vmul.f32 v2, v8;
	v8 =	vunpack.i.u.bf16.f32 v11;
	[tilespmem:s17+$0xFFFFFF00] =	vst v1  }
0xd9: {  	v15 =	vunpack.i.l.bf16.f32 v20;
	v1 =	vld [tilespmem:s13+$0xFFFFFFA0];
	v7 =	vmul.f32 v7, v8;
	v8 =	vunpack.i.l.bf16.f32 v16;
	[tilespmem:s17+$0xFFFFFF90] =	vst v13  }
0xda: {  	v21 =	vld [tilespmem:s20+$0xFFFFFF90];
	[tilespmem:s17+$0xFFFFFF80] =	vst v2;
	v2 =	vmul.f32 v15, v8;
	v13 =	vunpack.i.u.bf16.f32 v18;
	v19 =	vunpack.i.u.bf16.f32 v12  }
0xdb: {  	[tilespmem:s1+$0xFFFFFF70] =	vst v7;
	v7 =	vunpack.i.l.bf16.f32 v11;
	v11 =	vunpack.i.l.bf16.f32 v17;
	v8 =	vmul.f32 v19, v13;
	v13 =	vld [tilespmem:s12+$0xFFFFFFA0]  }
0xdc: {  	v10 =	vld [tilespmem:s19+$0xFFFFFF90];
	[tilespmem:s17+$0xA0] =	vst v2;
	v2 =	vmul.f32 v11, v7;
	v11 =	vunpack.i.u.bf16.f32 v4  }
0xdd: {  	v0 =	vunpack.i.l.bf16.f32 v0;
	v4 =	vunpack.i.l.bf16.f32 v4;
	v5 =	vmul.f32 v5, v11;
	[tilespmem:s14+$0xD0] =	vst v8  }
0xde: {  	v15 =	vld [tilespmem:s19+$0xFFFFFFD0];
	v7 =	vunpack.i.l.bf16.f32 v6;
	v0 =	vmul.f32 v0, v4;
	v8 =	vunpack.i.l.bf16.f32 v14;
	[tilespmem:s1+$0xFFFFFF60] =	vst v2  }
0xdf: {  	v6 =	vunpack.i.u.bf16.f32 v6;
	v2 =	vunpack.i.u.bf16.f32 v14;
	v7 =	vmul.f32 v7, v8;
	v8 =	vld [tilespmem:s20+$0xFFFFFFD0];
	[tilespmem:s14+$0x30] =	vst v5  }
0xe0: {  	v9 =	vunpack.i.u.bf16.f32 v1;
	v2 =	vmul.f32 v6, v2;
	[tilespmem:s14+$0x20] =	vst v0;
	v11 =	vunpack.i.u.bf16.f32 v13  }
0xe1: {  	v6 =	vunpack.i.u.bf16.f32 v21;
	v5 =	vld [tilespmem:s13+$0xFFFFFFE0];
	[tilespmem:s1+$0x40] =	vst v7;
	v7 =	vunpack.i.u.bf16.f32 v10;
	v9 =	vmul.f32 v11, v9  }
0xe2: {  	v4 =	vunpack.i.l.bf16.f32 v21;
	[tilespmem:s1+$0x50] =	vst v2;
	v2 =	vld [tilespmem:s31+$0xFFFFFFF0];
	v6 =	vmul.f32 v7, v6;
	v7 =	vunpack.i.l.bf16.f32 v10  }
0xe3: {  	v10 =	vunpack.i.l.bf16.f32 v18;
	v11 =	vunpack.i.l.bf16.f32 v12;
	v4 =	vmul.f32 v7, v4;
	[tilespmem:s14+$0xFFFFFF50] =	vst v9;
	v9 =	vld [tilespmem:s10+$0xFFFFFFF0]  }
0xe4: {  	v12 =	vld [tilespmem:s12+$0xFFFFFFE0];
	v7 =	vunpack.i.u.bf16.f32 v15;
	v0 =	vmul.f32 v11, v10;
	[tilespmem:s17+$0xFFFFFF30] =	vst v6;
	v6 =	vunpack.i.u.bf16.f32 v8  }
0xe5: {  	v1 =	vunpack.i.l.bf16.f32 v1;
	v10 =	vld [tilespmem:s10+$0x30];
	v6 =	vmul.f32 v7, v6;
	v7 =	vunpack.i.l.bf16.f32 v13;
	[tilespmem:s17+$0xFFFFFF20] =	vst v4  }
0xe6: {  	v11 =	vld [tilespmem:s31+$0x30];
	v4 =	vunpack.i.l.bf16.f32 v8;
	v8 =	vunpack.i.l.bf16.f32 v15;
	[tilespmem:s14+$0xC0] =	vst v0;
	v1 =	vmul.f32 v7, v1  }
0xe7: {  	v13 =	vld [tilespmem:s31+$0x70];
	v7 =	vunpack.i.u.bf16.f32 v20;
	v4 =	vmul.f32 v8, v4;
	[tilespmem:s17+$0xFFFFFFB0] =	vst v6;
	v6 =	vunpack.i.u.bf16.f32 v16  }
0xe8: {  	v0 =	vld [tilespmem:s19+$0x10];
	v8 =	vunpack.i.u.bf16.f32 v2;
	v6 =	vmul.f32 v7, v6;
	[tilespmem:s14+$0xFFFFFF40] =	vst v1;
	v7 =	vunpack.i.u.bf16.f32 v9  }
0xe9: {  	v1 =	vunpack.i.l.bf16.f32 v2;
	[tilespmem:s17+$0xFFFFFFA0] =	vst v4;
	v2 =	vunpack.i.l.bf16.f32 v9;
	v4 =	vld [tilespmem:s12+$0xFFFFFFB0];
	v7 =	vmul.f32 v8, v7  }
0xea: {  	v9 =	vunpack.i.u.bf16.f32 v12;
	v8 =	vunpack.i.u.bf16.f32 v5;
	[tilespmem:s17+$0xB0] =	vst v6;
	v6 =	vld [tilespmem:s13+$0xFFFFFFB0];
	v1 =	vmul.f32 v1, v2  }
0xeb: {  	v2 =	vmul.f32 v9, v8;
	v8 =	vunpack.i.u.bf16.f32 v10;
	v9 =	vld [tilespmem:s20+$0x60];
	[tilespmem:s1+$0xFFFFFFF0] =	vst v7;
	v7 =	vunpack.i.u.bf16.f32 v11  }
0xec: {  	v14 =	vunpack.i.l.bf16.f32 v3;
	v15 =	vunpack.i.l.bf16.f32 v13;
	[tilespmem:s1+$0xFFFFFFE0] =	vst v1;
	v1 =	vmul.f32 v7, v8;
	v7 =	vld [tilespmem:s19+$0x60]  }
0xed: {  	v10 =	vunpack.i.l.bf16.f32 v10;
	v14 =	vmul.f32 v15, v14;
	v11 =	vunpack.i.l.bf16.f32 v11;
	v8 =	vld [tilespmem:s20+$0x10];
	[tilespmem:s14+$0xFFFFFFD0] =	vst v2  }
0xee: {  	v2 =	vunpack.i.u.bf16.f32 v3;
	v3 =	vmul.f32 v11, v10;
	[tilespmem:s1+$0x70] =	vst v1;
	v1 =	vunpack.i.u.bf16.f32 v13  }
0xef: {  	v5 =	vunpack.i.l.bf16.f32 v5;
	v10 =	vld [tilespmem:s12+$0x20];
	v11 =	vunpack.i.l.bf16.f32 v12;
	[tilespmem:s1+$0xE0] =	vst v14;
	v1 =	vmul.f32 v1, v2  }
0xf0: {  	v5 =	vmul.f32 v11, v5;
	v11 =	vld [tilespmem:s13+$0x20];
	[tilespmem:s1+$0x60] =	vst v3;
	v3 =	vunpack.i.u.bf16.f32 v6;
	v2 =	vunpack.i.u.bf16.f32 v4  }
0xf1: {  	v12 =	vld [tilespmem:s20+$0xFFFFFFA0];
	v2 =	vmul.f32 v2, v3;
	[tilespmem:s1+$0xF0] =	vst v1;
	v1 =	vunpack.i.u.bf16.f32 v9;
	v3 =	vunpack.i.u.bf16.f32 v7  }
0xf2: {  	v13 =	vunpack.i.u.bf16.f32 v0;
	[tilespmem:s14+$0xFFFFFFC0] =	vst v5;
	v5 =	vld [tilespmem:s19+$0xFFFFFFA0];
	v1 =	vmul.f32 v3, v1;
	v3 =	vunpack.i.u.bf16.f32 v8  }
0xf3: {  	v14 =	vld [tilespmem:s20+$0xFFFFFFE0];
	v0 =	vunpack.i.l.bf16.f32 v0;
	[tilespmem:s14+$0xFFFFFF70] =	vst v2;
	v2 =	vunpack.i.l.bf16.f32 v8;
	v3 =	vmul.f32 v13, v3  }
0xf4: {  	v6 =	vunpack.i.l.bf16.f32 v6;
	v4 =	vunpack.i.l.bf16.f32 v4;
	v8 =	vld [tilespmem:s12+$0xFFFFFFF0];
	v0 =	vmul.f32 v0, v2;
	[tilespmem:s17+$0xD0] =	vst v1  }
0xf5: {  	v2 =	vunpack.i.l.bf16.f32 v10;
	v1 =	vmul.f32 v4, v6;
	v4 =	vunpack.i.l.bf16.f32 v11;
	v6 =	vld [tilespmem:s13+$0xFFFFFFF0];
	[tilespmem:s17+$0x30] =	vst v3  }
0xf6: {  	v3 =	vunpack.i.u.bf16.f32 v10;
	v2 =	vmul.f32 v2, v4;
	v4 =	vunpack.i.u.bf16.f32 v11;
	v10 =	vld [tilespmem:s19+$0xFFFFFFE0];
	[tilespmem:s17+$0x20] =	vst v0  }
0xf7: {  	v0 =	vunpack.i.u.bf16.f32 v12;
	[tilespmem:s14+$0xFFFFFF60] =	vst v1;
	v1 =	vunpack.i.u.bf16.f32 v5;
	v3 =	vmul.f32 v3, v4;
	v4 =	vld [tilespmem:s19+$0x20]  }
0xf8: {  	v9 =	vunpack.i.l.bf16.f32 v9;
	v7 =	vunpack.i.l.bf16.f32 v7;
	[tilespmem:s14+$0x40] =	vst v2;
	v0 =	vmul.f32 v1, v0;
	v1 =	vld [tilespmem:s20+$0x20]  }
0xf9: {  	v7 =	vmul.f32 v7, v9;
	v5 =	vunpack.i.l.bf16.f32 v5;
	v2 =	vld [tilespmem:s13+$0x70];
	[tilespmem:s14+$0x50] =	vst v3;
	v3 =	vunpack.i.l.bf16.f32 v12  }
0xfa: {  	v11 =	vunpack.i.u.bf16.f32 v8;
	[tilespmem:s17+$0xFFFFFF50] =	vst v0;
	v0 =	vld [tilespmem:s13+$0x30];
	v9 =	vunpack.i.u.bf16.f32 v6;
	v3 =	vmul.f32 v5, v3  }
0xfb: {  	[tilespmem:s17+$0xC0] =	vst v7;
	v5 =	vunpack.i.u.bf16.f32 v14;
	v12 =	vld [tilespmem:s12+$0x30];
	v13 =	vunpack.i.u.bf16.f32 v10;
	v7 =	vmul.f32 v11, v9  }
0xfc: {  	v9 =	vld [tilespmem:s12+$0x70];
	v11 =	vunpack.i.l.bf16.f32 v14;
	v5 =	vmul.f32 v13, v5;
	[tilespmem:s17+$0xFFFFFF40] =	vst v3;
	v3 =	vunpack.i.l.bf16.f32 v10  }
0xfd: {  	v10 =	vld [tilespmem:s20+$0x70];
	[tilespmem:s14+$0xFFFFFFF0] =	vst v7;
	v3 =	vmul.f32 v3, v11;
	v7 =	vunpack.i.l.bf16.f32 v4;
	v11 =	vunpack.i.l.bf16.f32 v1  }
0xfe: {  	v13 =	vld [tilespmem:s19+$0xFFFFFFB0];
	v4 =	vunpack.i.u.bf16.f32 v4;
	v1 =	vunpack.i.u.bf16.f32 v1;
	[tilespmem:s17+$0xFFFFFFD0] =	vst v5;
	v5 =	vmul.f32 v7, v11  }
0xff: {  	v6 =	vunpack.i.l.bf16.f32 v6;
	v7 =	vunpack.i.l.bf16.f32 v8;
	v8 =	vld [tilespmem:s20+$0xFFFFFFB0];
	v1 =	vmul.f32 v4, v1;
	[tilespmem:s17+$0xFFFFFFC0] =	vst v3  }
0x100: {  	v3 =	vunpack.i.u.bf16.f32 v0;
	v4 =	vmul.f32 v7, v6;
	v6 =	vunpack.i.u.bf16.f32 v12;
	v7 =	vld [tilespmem:s19+$0xFFFFFFF0];
	[tilespmem:s17+$0x40] =	vst v5  }
0x101: {  	v5 =	vunpack.i.l.bf16.f32 v2;
	v11 =	vunpack.i.l.bf16.f32 v9;
	v3 =	vmul.f32 v6, v3;
	v6 =	vld [tilespmem:s20+$0xFFFFFFF0];
	[tilespmem:s17+$0x50] =	vst v1  }
0x102: {  	v0 =	vunpack.i.l.bf16.f32 v0;
	v1 =	vunpack.i.l.bf16.f32 v12;
	v5 =	vmul.f32 v11, v5;
	[tilespmem:s14+$0xFFFFFFE0] =	vst v4;
	v4 =	vld [tilespmem:s20+$0x30]  }
0x103: {  	v2 =	vunpack.i.u.bf16.f32 v2;
	v0 =	vmul.f32 v1, v0;
	v1 =	vunpack.i.u.bf16.f32 v9;
	[tilespmem:s14+$0x70] =	vst v3;
	v3 =	vld [tilespmem:s19+$0x30]  }
0x104: {  	v9 =	vld [tilespmem:s19+$0x70];
	v1 =	vmul.f32 v1, v2;
	v2 =	vunpack.i.u.bf16.f32 v13;
	[tilespmem:s14+$0xE0] =	vst v5;
	v5 =	vunpack.i.u.bf16.f32 v8  }
0x105: {  	v8 =	vunpack.i.l.bf16.f32 v8;
	[tilespmem:s14+$0x60] =	vst v0;
	v0 =	vunpack.i.l.bf16.f32 v13;
	v2 =	vmul.f32 v2, v5  }
0x106: {  	[tilespmem:s14+$0xF0] =	vst v1;
	v0 =	vmul.f32 v0, v8;
	v1 =	vunpack.i.u.bf16.f32 v6;
	v5 =	vunpack.i.u.bf16.f32 v7  }
0x107: {  	v6 =	vunpack.i.l.bf16.f32 v6;
	[tilespmem:s17+$0xFFFFFF70] =	vst v2;
	v2 =	vunpack.i.l.bf16.f32 v7;
	v1 =	vmul.f32 v5, v1  }
0x108: {  	[tilespmem:s17+$0xFFFFFF60] =	vst v0;
	v0 =	vunpack.i.u.bf16.f32 v4;
	v2 =	vmul.f32 v2, v6;
	v5 =	vunpack.i.u.bf16.f32 v3  }
0x109: {  	v7 =	vunpack.i.l.bf16.f32 v9;
	v6 =	vunpack.i.l.bf16.f32 v10;
	[tilespmem:s17+$0xFFFFFFF0] =	vst v1;
	v0 =	vmul.f32 v5, v0  }
0x10a: {  	v1 =	vunpack.i.l.bf16.f32 v3;
	v3 =	vunpack.i.l.bf16.f32 v4;
	v4 =	vmul.f32 v7, v6;
	[tilespmem:s17+$0xFFFFFFE0] =	vst v2  }
0x10b: {  	p1 =	seq.s32 s9, $0x18;
	v2 =	vunpack.i.u.bf16.f32 v10;
	v1 =	vmul.f32 v1, v3;
	[tilespmem:s17+$0x70] =	vst v0;
	v0 =	vunpack.i.u.bf16.f32 v9  }
0x10c: {  	s1 =	smul.u32 @!p1 $0x50, s9;
	[tilespmem:s17+$0xE0] =	vst v4;
	v0 =	vmul.f32 v0, v2  }
0x10d: {  	s22 =	smul.u32 $0x140, s9;
	[tilespmem:s17+$0x60] =	vst v1  }
0x10e: {  	s6 =	simm.s32 @!p1 $0x28;
	s7 =	simm.s32 @!p1 $0x1770;
	s3 =	sadd.s32 @!p1 $0x50, s1;
	[tilespmem:s17+$0xF0] =	vst v0  }
0x10f: {  	[tilespmem:s7], [sflag:$0x1] =	stream.indirect.gather @!p1 [hbm4b:s4+s6], $0x40, s3, s6, $0xb8;
	[tilespmem:$0x19FF0] =	vst v63  }
0x110: {  	s1 =	sadd.s32 @!p1 $0x820, s1;
	s12 =	sshra.s32 s22, $0x2;
	s3 =	simm.s32 @!p1 $0x2B70  }
0x111: {  	[tilespmem:s3], [sflag:$0x3] =	stream.indirect.gather @!p1 [hbm4b:s5+s6], $0x40, s1, s6, $0xb8;
	[tilespmem:$0x19FF0] =	vst v63  }
0x112: {  	s7 =	sadd.s32 $0xFA0, s12  }
0x113: {  	[spmem:s2] =	stream.indirect.scatter.add.f32 [tilespmem:s26], [sflag:$0x5], $0x80, s7, s18, $0xb8;
	[tilespmem:$0x19FF0] =	vst v63  }
0x114: {  	_ =	swait.ge [sflag:s28], $0xA00  }
0x115: {  	[sflag:s28] =	ssyncset.done $0x0  }
0x116: {  	[sflag:s28] =	ssyncadd.s32 $0xFFFFF600  }
0x117: {  	_ =	swait.ge [sflag:s29], $0xA00  }
0x118: {  	[sflag:s29] =	ssyncset.done $0x0  }
0x119: {  	s1 =	simm.s32 @!p0 $0x6;
	[sflag:s29] =	ssyncadd.s32 $0xFFFFF600  }
0x11a: {  	_ =	swait.ge @!p0 [sflag:s1], $0x1400  }
0x11b: {  	[sflag:s1] =	ssyncset.done @!p0 $0x0  }
0x11c: {  	s8 =	simm.s32 $0x35F0;
	[sflag:s1] =	ssyncadd.s32 @!p0 $0xFFFFEC00  }
0x11d: {  	s22 =	simm.s32 $0x21F0;
	v0 =	vld [tilespmem:s8+$0x40]  }
0x11e: {  	v1 =	vld [tilespmem:s22+$0x40]  }
0x11f: {  	v2 =	vld [tilespmem:s22+$0xFFFFFFC0]  }
0x120: {  	v3 =	vld [tilespmem:s8+$0xFFFFFFC0]  }
0x121: {  	v4 =	vld [tilespmem:s8+$0xFFFFFF80]  }
0x122: {  	s1 =	simm.s32 $0x36F0;
	v7 =	vld [tilespmem:s22+$0x0]  }
0x123: {  	v13 =	vld [tilespmem:s1+$0x0];
	v5 =	vunpack.i.u.bf16.f32 v0;
	v6 =	vunpack.i.u.bf16.f32 v1  }
0x124: {  	s31 =	simm.s32 $0x23F0;
	v0 =	vunpack.i.l.bf16.f32 v0;
	v1 =	vunpack.i.l.bf16.f32 v1;
	v5 =	vmul.f32 v5, v6;
	v6 =	vld [tilespmem:s22+$0xFFFFFF80]  }
0x125: {  	s17 =	simm.s32 $0x5470;
	s7 =	simm.s32 $0x24F0;
	v19 =	vld [tilespmem:s31+$0x40];
	v0 =	vmul.f32 v0, v1  }
0x126: {  	v29 =	vld [tilespmem:s7+$0x0];
	v8 =	vunpack.i.u.bf16.f32 v3;
	[tilespmem:s17+$0x90] =	vst v5;
	v5 =	vunpack.i.u.bf16.f32 v2  }
0x127: {  	v3 =	vunpack.i.l.bf16.f32 v3;
	v1 =	vld [tilespmem:s8+$0x0];
	[tilespmem:s17+$0x80] =	vst v0;
	v2 =	vunpack.i.l.bf16.f32 v2;
	v5 =	vmul.f32 v8, v5  }
0x128: {  	v10 =	vunpack.i.u.bf16.f32 v4;
	v9 =	vld [tilespmem:s22+$0x50];
	v2 =	vmul.f32 v3, v2  }
0x129: {  	s14 =	simm.s32 $0x22F0;
	v11 =	vld [tilespmem:s8+$0x50];
	v3 =	vunpack.i.l.bf16.f32 v4;
	v8 =	vunpack.i.u.bf16.f32 v6;
	v4 =	vunpack.i.l.bf16.f32 v6;
	[tilespmem:s17+$0xFFFFFF90] =	vst v5  }
0x12a: {  	[tilespmem:s17+$0xFFFFFF80] =	vst v2;
	v6 =	vmul.f32 v10, v8;
	v8 =	vld [tilespmem:s14+$0x40];
	v3 =	vmul.f32 v3, v4  }
0x12b: {  	v2 =	vld [tilespmem:s8+$0xFFFFFFD0]  }
0x12c: {  	s6 =	simm.s32 $0x38F0;
	[tilespmem:s17+$0xFFFFFF00] =	vst v3;
	v3 =	vld [tilespmem:s22+$0xFFFFFFD0]  }
0x12d: {  	v30 =	vld [tilespmem:s6+$0x0];
	v5 =	vunpack.i.u.bf16.f32 v1;
	[tilespmem:s17+$0xFFFFFF10] =	vst v6;
	v6 =	vunpack.i.u.bf16.f32 v7  }
0x12e: {  	v0 =	vld [tilespmem:s1+$0x40];
	v1 =	vunpack.i.l.bf16.f32 v1;
	v7 =	vunpack.i.l.bf16.f32 v7;
	v5 =	vmul.f32 v5, v6  }
0x12f: {  	v4 =	vld [tilespmem:s1+$0xFFFFFF80];
	v12 =	vunpack.i.l.bf16.f32 v11;
	v1 =	vmul.f32 v1, v7  }
0x130: {  	v10 =	vld [tilespmem:s22+$0xFFFFFF90];
	[tilespmem:s17+$0x10] =	vst v5;
	v5 =	vunpack.i.l.bf16.f32 v9;
	v14 =	vunpack.i.u.bf16.f32 v2;
	v2 =	vunpack.i.l.bf16.f32 v2  }
0x131: {  	v6 =	vld [tilespmem:s8+$0xFFFFFF90];
	v16 =	vunpack.i.u.bf16.f32 v8;
	v5 =	vmul.f32 v12, v5;
	v12 =	vunpack.i.u.bf16.f32 v3  }
0x132: {  	v7 =	vld [tilespmem:s14+$0x0];
	v8 =	vunpack.i.l.bf16.f32 v8;
	v3 =	vunpack.i.l.bf16.f32 v3;
	v12 =	vmul.f32 v14, v12  }
0x133: {  	[tilespmem:s17+$0x0] =	vst v1;
	v1 =	vld [tilespmem:s14+$0xFFFFFF80];
	v14 =	vunpack.i.u.bf16.f32 v0;
	v2 =	vmul.f32 v2, v3;
	v3 =	vunpack.i.u.bf16.f32 v9  }
0x134: {  	v15 =	vld [tilespmem:s8+$0x10];
	[tilespmem:s17+$0xA0] =	vst v5;
	v9 =	vunpack.i.u.bf16.f32 v11;
	v0 =	vunpack.i.l.bf16.f32 v0;
	v11 =	vmul.f32 v14, v16  }
0x135: {  	s10 =	simm.s32 $0x5670;
	v5 =	vld [tilespmem:s14+$0xFFFFFFC0];
	v0 =	vmul.f32 v0, v8;
	[tilespmem:s17+$0xFFFFFFB0] =	vst v12  }
0x136: {  	v14 =	vld [tilespmem:s1+$0xFFFFFFC0];
	v3 =	vmul.f32 v9, v3;
	v8 =	vunpack.i.u.bf16.f32 v10;
	[tilespmem:s10+$0x90] =	vst v11  }
0x137: {  	v9 =	vld [tilespmem:s22+$0x10];
	v10 =	vunpack.i.l.bf16.f32 v10;
	v11 =	vunpack.i.u.bf16.f32 v6;
	v6 =	vunpack.i.l.bf16.f32 v6;
	[tilespmem:s10+$0x80] =	vst v0  }
0x138: {  	[tilespmem:s17+$0xB0] =	vst v3;
	v8 =	vmul.f32 v11, v8;
	v6 =	vmul.f32 v6, v10;
	v10 =	vld [tilespmem:s14+$0x50]  }
0x139: {  	v17 =	vunpack.i.u.bf16.f32 v7;
	v7 =	vunpack.i.l.bf16.f32 v7;
	[tilespmem:s17+$0xFFFFFFA0] =	vst v2;
	v12 =	vunpack.i.u.bf16.f32 v4;
	v16 =	vld [tilespmem:s8+$0x60]  }
0x13a: {  	v4 =	vunpack.i.l.bf16.f32 v4;
	v2 =	vld [tilespmem:s22+$0xFFFFFFE0];
	v11 =	vunpack.i.u.bf16.f32 v15;
	[tilespmem:s17+$0xFFFFFF30] =	vst v8;
	v8 =	vunpack.i.u.bf16.f32 v1  }
0x13b: {  	s13 =	simm.s32 $0x37F0;
	v0 =	vld [tilespmem:s22+$0x60];
	[tilespmem:s17+$0xFFFFFF20] =	vst v6;
	v1 =	vunpack.i.l.bf16.f32 v1;
	v18 =	vunpack.i.l.bf16.f32 v14;
	v6 =	vmul.f32 v12, v8  }
0x13c: {  	v3 =	vld [tilespmem:s13+$0x40];
	v14 =	vunpack.i.u.bf16.f32 v14;
	v12 =	vunpack.i.u.bf16.f32 v13;
	v1 =	vmul.f32 v4, v1  }
0x13d: {  	v8 =	vld [tilespmem:s1+$0x50];
	v13 =	vunpack.i.l.bf16.f32 v13;
	[tilespmem:s10+$0xFFFFFF10] =	vst v6;
	v6 =	vmul.f32 v12, v17;
	v12 =	vunpack.i.u.bf16.f32 v5  }
0x13e: {  	v4 =	vld [tilespmem:s22+$0xFFFFFFA0];
	[tilespmem:s10+$0xFFFFFF00] =	vst v1;
	v1 =	vunpack.i.l.bf16.f32 v5;
	v20 =	vunpack.i.u.bf16.f32 v10;
	v22 =	vunpack.i.u.bf16.f32 v16  }
0x13f: {  	v24 =	vld [tilespmem:s8+$0xFFFFFFA0];
	v10 =	vunpack.i.l.bf16.f32 v10;
	v5 =	vmul.f32 v14, v12;
	v12 =	vunpack.i.u.bf16.f32 v2  }
0x140: {  	v17 =	vld [tilespmem:s13+$0xFFFFFF80];
	v1 =	vmul.f32 v18, v1;
	v18 =	vunpack.i.u.bf16.f32 v0;
	v0 =	vunpack.i.l.bf16.f32 v0  }
0x141: {  	v14 =	vld [tilespmem:s14+$0xFFFFFF90];
	v2 =	vunpack.i.l.bf16.f32 v2;
	v18 =	vmul.f32 v22, v18;
	[tilespmem:s10+$0x10] =	vst v6;
	v6 =	vunpack.i.l.bf16.f32 v16  }
0x142: {  	v21 =	vld [tilespmem:s1+$0xFFFFFF90];
	v23 =	vunpack.i.l.bf16.f32 v8;
	[tilespmem:s10+$0xFFFFFF90] =	vst v5;
	v5 =	vmul.f32 v13, v7;
	v7 =	vunpack.i.u.bf16.f32 v9  }
0x143: {  	v22 =	vld [tilespmem:s13+$0x0];
	[tilespmem:s10+$0xFFFFFF80] =	vst v1;
	v9 =	vunpack.i.l.bf16.f32 v9;
	v0 =	vmul.f32 v6, v0;
	v8 =	vunpack.i.u.bf16.f32 v8  }
0x144: {  	v13 =	vld [tilespmem:s31+$0x0];
	v1 =	vmul.f32 v23, v10;
	v10 =	vunpack.i.u.bf16.f32 v3;
	v3 =	vunpack.i.l.bf16.f32 v3;
	[tilespmem:s17+$0xD0] =	vst v18  }
0x145: {  	v23 =	vunpack.i.u.bf16.f32 v19;
	v19 =	vunpack.i.l.bf16.f32 v19;
	v25 =	vld [tilespmem:s1+$0xFFFFFFD0];
	v7 =	vmul.f32 v11, v7;
	[tilespmem:s10+$0x0] =	vst v5  }
0x146: {  	v16 =	vld [tilespmem:s14+$0xFFFFFFD0];
	v3 =	vmul.f32 v3, v19;
	v10 =	vmul.f32 v10, v23;
	v19 =	vunpack.i.u.bf16.f32 v24;
	[tilespmem:s17+$0xC0] =	vst v0  }
0x147: {  	v11 =	vld [tilespmem:s8+$0xFFFFFFE0];
	[tilespmem:s10+$0xA0] =	vst v1;
	v1 =	vunpack.i.l.bf16.f32 v15;
	v5 =	vunpack.i.u.bf16.f32 v14;
	v15 =	vunpack.i.u.bf16.f32 v4  }
0x148: {  	s3 =	simm.s32 $0x5870;
	v23 =	vld [tilespmem:s31+$0xFFFFFF80];
	v18 =	vunpack.i.u.bf16.f32 v21;
	[tilespmem:s17+$0x30] =	vst v7;
	v4 =	vunpack.i.l.bf16.f32 v4;
	v15 =	vmul.f32 v19, v15  }
0x149: {  	v6 =	vld [tilespmem:s1+$0x10];
	v19 =	vunpack.i.l.bf16.f32 v21;
	v1 =	vmul.f32 v1, v9;
	v9 =	vunpack.i.l.bf16.f32 v14;
	[tilespmem:s3+$0x90] =	vst v10  }
0x14a: {  	v7 =	vld [tilespmem:s31+$0xFFFFFFC0];
	v21 =	vunpack.i.l.bf16.f32 v24;
	v5 =	vmul.f32 v18, v5;
	[tilespmem:s3+$0x80] =	vst v3;
	v9 =	vmul.f32 v19, v9  }
0x14b: {  	v14 =	vld [tilespmem:s13+$0xFFFFFFC0];
	v19 =	vunpack.i.l.bf16.f32 v22;
	[tilespmem:s17+$0xFFFFFF50] =	vst v15;
	v15 =	vunpack.i.u.bf16.f32 v16;
	v18 =	vunpack.i.u.bf16.f32 v25  }
0x14c: {  	v24 =	vld [tilespmem:s14+$0x10];
	[tilespmem:s17+$0x20] =	vst v1;
	v1 =	vmul.f32 v21, v4;
	v4 =	vunpack.i.l.bf16.f32 v16;
	v16 =	vunpack.i.l.bf16.f32 v25  }
0x14d: {  	v26 =	vld [tilespmem:s31+$0x50];
	v10 =	vunpack.i.l.bf16.f32 v11;
	v21 =	vunpack.i.u.bf16.f32 v13;
	v13 =	vunpack.i.l.bf16.f32 v13;
	[tilespmem:s10+$0xFFFFFF30] =	vst v5  }
0x14e: {  	v25 =	vunpack.i.u.bf16.f32 v17;
	v17 =	vunpack.i.l.bf16.f32 v17;
	v15 =	vmul.f32 v18, v15;
	v0 =	vld [tilespmem:s8+$0x20];
	[tilespmem:s10+$0xFFFFFF20] =	vst v9  }
0x14f: {  	v4 =	vmul.f32 v16, v4;
	v16 =	vld [tilespmem:s22+$0x70];
	[tilespmem:s17+$0xFFFFFF40] =	vst v1;
	v1 =	vmul.f32 v8, v20;
	v8 =	vunpack.i.u.bf16.f32 v11  }
0x150: {  	v2 =	vmul.f32 v10, v2;
	v11 =	vunpack.i.u.bf16.f32 v22;
	v22 =	vld [tilespmem:s6+$0x40];
	[tilespmem:s10+$0xFFFFFFB0] =	vst v15;
	v8 =	vmul.f32 v8, v12  }
0x151: {  	v15 =	vld [tilespmem:s8+$0xFFFFFFB0];
	v12 =	vunpack.i.u.bf16.f32 v23;
	[tilespmem:s10+$0xFFFFFFA0] =	vst v4;
	v3 =	vmul.f32 v11, v21;
	v11 =	vunpack.i.u.bf16.f32 v7  }
0x152: {  	v4 =	vld [tilespmem:s22+$0xFFFFFFB0];
	v7 =	vunpack.i.l.bf16.f32 v7;
	v23 =	vunpack.i.l.bf16.f32 v23;
	[tilespmem:s17+$0xFFFFFFC0] =	vst v2;
	v12 =	vmul.f32 v25, v12  }
0x153: {  	v5 =	vunpack.i.u.bf16.f32 v14;
	v20 =	vld [tilespmem:s14+$0xFFFFFFE0];
	[tilespmem:s10+$0xB0] =	vst v1;
	v1 =	vunpack.i.l.bf16.f32 v14;
	v9 =	vmul.f32 v17, v23  }
0x154: {  	v18 =	vunpack.i.u.bf16.f32 v6;
	v17 =	vld [tilespmem:s13+$0x50];
	v5 =	vmul.f32 v5, v11;
	v7 =	vmul.f32 v1, v7;
	[tilespmem:s3+$0xFFFFFF10] =	vst v12  }
0x155: {  	v21 =	vld [tilespmem:s14+$0x60];
	v12 =	vunpack.i.u.bf16.f32 v26;
	v28 =	vunpack.i.l.bf16.f32 v16;
	[tilespmem:s3+$0xFFFFFF00] =	vst v9;
	v9 =	vunpack.i.l.bf16.f32 v26  }
0x156: {  	v14 =	vld [tilespmem:s1+$0x60];
	[tilespmem:s3+$0xFFFFFF90] =	vst v5;
	v5 =	vmul.f32 v19, v13;
	v13 =	vunpack.i.u.bf16.f32 v24;
	v19 =	vunpack.i.l.bf16.f32 v0  }
0x157: {  	v2 =	vld [tilespmem:s6+$0xFFFFFF80];
	[tilespmem:s17+$0xFFFFFFD0] =	vst v8;
	v0 =	vunpack.i.u.bf16.f32 v0;
	v25 =	vunpack.i.l.bf16.f32 v4;
	v23 =	vunpack.i.u.bf16.f32 v15  }
0x158: {  	v8 =	vld [tilespmem:s14+$0xFFFFFFA0];
	v11 =	vunpack.i.l.bf16.f32 v15;
	v1 =	vunpack.i.u.bf16.f32 v4;
	[tilespmem:s3+$0x0] =	vst v5;
	v5 =	vunpack.i.l.bf16.f32 v6  }
0x159: {  	v26 =	vld [tilespmem:s31+$0xFFFFFF90];
	v6 =	vmul.f32 v18, v13;
	v10 =	vunpack.i.u.bf16.f32 v20;
	v4 =	vmul.f32 v11, v25  }
0x15a: {  	v11 =	vld [tilespmem:s22+$0x20];
	v15 =	vmul.f32 v23, v1;
	v1 =	vunpack.i.u.bf16.f32 v16;
	v16 =	vunpack.i.l.bf16.f32 v17  }
0x15b: {  	[tilespmem:s3+$0x10] =	vst v3;
	v25 =	vld [tilespmem:s7+$0x40];
	v17 =	vunpack.i.u.bf16.f32 v17;
	v3 =	vunpack.i.u.bf16.f32 v21;
	v27 =	vunpack.i.u.bf16.f32 v14  }
0x15c: {  	[tilespmem:s3+$0xFFFFFF80] =	vst v7;
	v23 =	vld [tilespmem:s8+$0xFFFFFFF0];
	v7 =	vmul.f32 v16, v9;
	v9 =	vunpack.i.u.bf16.f32 v22;
	v16 =	vunpack.i.l.bf16.f32 v22  }
0x15d: {  	v22 =	vld [tilespmem:s1+$0xFFFFFFA0];
	v21 =	vunpack.i.l.bf16.f32 v21;
	[tilespmem:s10+$0x30] =	vst v6;
	v31 =	vmul.f32 v17, v12;
	v3 =	vmul.f32 v27, v3  }
0x15e: {  	v27 =	vld [tilespmem:s13+$0xFFFFFF90];
	[tilespmem:s3+$0xA0] =	vst v7;
	v7 =	vunpack.i.l.bf16.f32 v14;
	v14 =	vunpack.i.l.bf16.f32 v24;
	v13 =	vunpack.i.u.bf16.f32 v26  }
0x15f: {  	v24 =	vld [tilespmem:s1+$0xFFFFFFE0];
	v6 =	vunpack.i.l.bf16.f32 v26;
	[tilespmem:s10+$0xD0] =	vst v3;
	v5 =	vmul.f32 v5, v14;
	v3 =	vunpack.i.l.bf16.f32 v11  }
0x160: {  	[tilespmem:s17+$0xFFFFFF70] =	vst v15;
	v14 =	vld [tilespmem:s7+$0xFFFFFFC0];
	v15 =	vunpack.i.u.bf16.f32 v25;
	v25 =	vunpack.i.l.bf16.f32 v25;
	v3 =	vmul.f32 v19, v3  }
0x161: {  	[tilespmem:s17+$0xFFFFFF60] =	vst v4;
	v4 =	vunpack.i.u.bf16.f32 v11;
	v11 =	vunpack.i.u.bf16.f32 v8;
	v9 =	vmul.f32 v9, v15;
	v15 =	vld [tilespmem:s31+$0xFFFFFFD0]  }
0x162: {  	s19 =	simm.s32 $0x5A70;
	v25 =	vmul.f32 v16, v25;
	v16 =	vld [tilespmem:s13+$0xFFFFFFD0];
	v18 =	vunpack.i.u.bf16.f32 v22;
	[tilespmem:s17+$0x40] =	vst v3;
	v3 =	vmul.f32 v0, v4  }
0x163: {  	v26 =	vunpack.i.u.bf16.f32 v29;
	[tilespmem:s19+$0x90] =	vst v9;
	v0 =	vunpack.i.u.bf16.f32 v27;
	v4 =	vmul.f32 v18, v11;
	v11 =	vld [tilespmem:s22+$0xFFFFFFF0]  }
0x164: {  	v9 =	vmul.f32 v7, v21;
	v7 =	vld [tilespmem:s7+$0xFFFFFF80];
	v18 =	vunpack.i.l.bf16.f32 v27;
	v21 =	vunpack.i.l.bf16.f32 v22;
	[tilespmem:s17+$0x50] =	vst v3  }
0x165: {  	v27 =	vunpack.i.l.bf16.f32 v23;
	v13 =	vmul.f32 v0, v13;
	v0 =	vld [tilespmem:s13+$0x10];
	v3 =	vmul.f32 v18, v6;
	[tilespmem:s10+$0xFFFFFF50] =	vst v4  }
0x166: {  	[tilespmem:s10+$0xC0] =	vst v9;
	v9 =	vunpack.i.l.bf16.f32 v30;
	v6 =	vunpack.i.l.bf16.f32 v15;
	v17 =	vld [tilespmem:s22+$0x30];
	v4 =	vunpack.i.u.bf16.f32 v15  }
0x167: {  	[tilespmem:s3+$0xFFFFFF30] =	vst v13;
	v12 =	vunpack.i.u.bf16.f32 v16;
	v19 =	vunpack.i.l.bf16.f32 v16;
	v18 =	vld [tilespmem:s8+$0x30];
	v13 =	vunpack.i.l.bf16.f32 v20  }
0x168: {  	[tilespmem:s10+$0x20] =	vst v5;
	v16 =	vld [tilespmem:s8+$0x70];
	v20 =	vunpack.i.l.bf16.f32 v24;
	v4 =	vmul.f32 v12, v4;
	v12 =	vunpack.i.u.bf16.f32 v24  }
0x169: {  	v15 =	vld [tilespmem:s6+$0xFFFFFFC0];
	[tilespmem:s3+$0xFFFFFF20] =	vst v3;
	v3 =	vunpack.i.l.bf16.f32 v8;
	v8 =	vunpack.i.u.bf16.f32 v23;
	v22 =	vunpack.i.u.bf16.f32 v11  }
0x16a: {  	[tilespmem:s19+$0x80] =	vst v25;
	v32 =	vunpack.i.l.bf16.f32 v11;
	v11 =	vmul.f32 v19, v6;
	v3 =	vmul.f32 v21, v3;
	v6 =	vld [tilespmem:s1+$0x20]  }
0x16b: {  	v19 =	vmul.f32 v12, v10;
	v12 =	vunpack.i.u.bf16.f32 v7;
	[tilespmem:s3+$0xFFFFFFB0] =	vst v4;
	v4 =	vld [tilespmem:s31+$0x10];
	v5 =	vunpack.i.u.bf16.f32 v0  }
0x16c: {  	v25 =	vmul.f32 v8, v22;
	v8 =	vunpack.i.u.bf16.f32 v30;
	v27 =	vmul.f32 v27, v32;
	[tilespmem:s10+$0xFFFFFF40] =	vst v3;
	v3 =	vld [tilespmem:s14+$0x70]  }
0x16d: {  	[tilespmem:s3+$0xB0] =	vst v31;
	v21 =	vunpack.i.u.bf16.f32 v17;
	v24 =	vunpack.i.l.bf16.f32 v17;
	v10 =	vunpack.i.l.bf16.f32 v16;
	v17 =	vld [tilespmem:s1+$0xFFFFFFB0]  }
0x16e: {  	s20 =	simm.s32 $0x38F0;
	s8 =	simm.s32 $0xC;
	s22 =	simm.s32 $0x24F0;
	[tilespmem:s3+$0xFFFFFFA0] =	vst v11;
	v22 =	vunpack.i.l.bf16.f32 v18;
	v11 =	vld [tilespmem:s14+$0xFFFFFFB0];
	v23 =	vmul.f32 v10, v28;
	v10 =	vunpack.i.l.bf16.f32 v29  }
.LBB2_6:
0x16f: {  	s8 =	sadd.s32 $0x4, s8;
	v28 =	vunpack.i.l.bf16.f32 v15;
	v26 =	vmul.f32 v8, v26;
	s6 =	sadd.s32 $0x100, s6;
	v8 =	vld [tilespmem:s31+$0xFFFFFFE0];
	[tilespmem:s17+$0xFFFFFFF0] =	vst v25;
	v18 =	vunpack.i.u.bf16.f32 v18  }
0x170: {  	v29 =	vunpack.i.u.bf16.f32 v14;
	v14 =	vunpack.i.l.bf16.f32 v14;
	v25 =	vld [tilespmem:s6+$0x40];
	p0 =	slt.u32 s8, $0x24;
	[tilespmem:s17+$0xFFFFFFE0] =	vst v27;
	v18 =	vmul.f32 v18, v21  }
0x171: {  	v21 =	vunpack.i.u.bf16.f32 v2;
	v2 =	vunpack.i.l.bf16.f32 v2;
	v27 =	vld [tilespmem:s31+$0x60];
	[tilespmem:s10+$0xFFFFFFD0] =	vst v19;
	v19 =	vmul.f32 v22, v24  }
0x172: {  	v7 =	vunpack.i.l.bf16.f32 v7;
	v15 =	vunpack.i.u.bf16.f32 v15;
	v16 =	vunpack.i.u.bf16.f32 v16;
	v22 =	vld [tilespmem:s7+$0x50];
	[tilespmem:s17+$0x70] =	vst v18  }
0x173: {  	v1 =	vmul.f32 v16, v1;
	v18 =	vmul.f32 v21, v12;
	v21 =	vld [tilespmem:s13+$0x60];
	v24 =	vunpack.i.l.bf16.f32 v11;
	[tilespmem:s17+$0xE0] =	vst v23  }
0x174: {  	v13 =	vmul.f32 v20, v13;
	v7 =	vmul.f32 v2, v7;
	v2 =	vunpack.i.u.bf16.f32 v17;
	v16 =	vld [tilespmem:s20+$0x50];
	[tilespmem:s17+$0x60] =	vst v19  }
0x175: {  	v15 =	vmul.f32 v15, v29;
	v17 =	vunpack.i.l.bf16.f32 v17;
	v12 =	vunpack.i.u.bf16.f32 v8;
	v19 =	vld [tilespmem:s31+$0xFFFFFFA0];
	[tilespmem:s17+$0xF0] =	vst v1;
	s17 =	smov.u32 s10;
	s10 =	smov.u32 s3;
	s3 =	smov.u32 s19  }
0x176: {  	v14 =	vmul.f32 v28, v14;
	v17 =	vmul.f32 v17, v24;
	v1 =	vunpack.i.u.bf16.f32 v11;
	[tilespmem:s17+$0xFFFFFFC0] =	vst v13;
	v13 =	vld [tilespmem:s14+$0x20]  }
0x177: {  	s7 =	sadd.s32 $0x100, s7;
	v20 =	vunpack.i.u.bf16.f32 v27;
	v23 =	vmul.f32 v2, v1;
	v1 =	vunpack.i.u.bf16.f32 v3;
	[tilespmem:s19+$0x10] =	vst v26;
	v24 =	vld [tilespmem:s1+$0xFFFFFFF0]  }
0x178: {  	v11 =	vunpack.i.l.bf16.f32 v3;
	v26 =	vld [tilespmem:s7+$0x40];
	[tilespmem:s19+$0xFFFFFF10] =	vst v18;
	v18 =	vunpack.i.u.bf16.f32 v22;
	v28 =	vunpack.i.u.bf16.f32 v21  }
0x179: {  	v3 =	vunpack.i.l.bf16.f32 v22;
	v2 =	vld [tilespmem:s6+$0xFFFFFF80];
	[tilespmem:s19+$0xFFFFFF00] =	vst v7;
	v7 =	vunpack.i.l.bf16.f32 v16;
	v20 =	vmul.f32 v28, v20  }
0x17a: {  	v9 =	vmul.f32 v9, v10;
	v10 =	vunpack.i.u.bf16.f32 v4;
	v22 =	vld [tilespmem:s22+$0xFFFFFF90];
	[tilespmem:s19+$0xFFFFFF90] =	vst v15;
	v15 =	vunpack.i.l.bf16.f32 v6  }
0x17b: {  	v3 =	vmul.f32 v7, v3;
	v6 =	vunpack.i.u.bf16.f32 v6;
	v28 =	vld [tilespmem:s20+$0xFFFFFF90];
	[tilespmem:s19+$0xFFFFFF80] =	vst v14;
	v14 =	vunpack.i.u.bf16.f32 v16  }
0x17c: {  	v27 =	vunpack.i.l.bf16.f32 v27;
	v7 =	vunpack.i.u.bf16.f32 v25;
	v16 =	vunpack.i.l.bf16.f32 v25;
	v25 =	vld [tilespmem:s13+$0xFFFFFFA0];
	[tilespmem:s17+$0xFFFFFF70] =	vst v23  }
0x17d: {  	v29 =	vld [tilespmem:s7+$0x0];
	v23 =	vunpack.i.u.bf16.f32 v26;
	v26 =	vunpack.i.l.bf16.f32 v26;
	[tilespmem:s19+$0xA0] =	vst v3;
	v3 =	vunpack.i.l.bf16.f32 v21  }
0x17e: {  	v4 =	vunpack.i.l.bf16.f32 v4;
	v30 =	vld [tilespmem:s6+$0x0];
	v26 =	vmul.f32 v16, v26;
	[tilespmem:s10+$0xD0] =	vst v20;
	v16 =	vunpack.i.l.bf16.f32 v13  }
0x17f: {  	v0 =	vunpack.i.l.bf16.f32 v0;
	v5 =	vmul.f32 v5, v10;
	s19 =	sadd.s32 $0x200, s19;
	v20 =	vld [tilespmem:s20+$0xFFFFFFD0];
	[tilespmem:s3+$0x0] =	vst v9;
	v9 =	vmul.f32 v15, v16  }
0x180: {  	v7 =	vmul.f32 v7, v23;
	v13 =	vunpack.i.u.bf16.f32 v13;
	v10 =	vunpack.i.u.bf16.f32 v22;
	v15 =	vld [tilespmem:s22+$0xFFFFFFD0];
	[tilespmem:s17+$0xFFFFFF60] =	vst v17  }
0x181: {  	v16 =	vunpack.i.u.bf16.f32 v19;
	v6 =	vmul.f32 v6, v13;
	v17 =	vunpack.i.u.bf16.f32 v25;
	v23 =	vld [tilespmem:s13+$0xFFFFFFE0];
	[tilespmem:s17+$0x40] =	vst v9  }
0x182: {  	v3 =	vmul.f32 v3, v27;
	v9 =	vunpack.i.u.bf16.f32 v28;
	[tilespmem:s19+$0x90] =	vst v7;
	v13 =	vmul.f32 v17, v16;
	v17 =	vld [tilespmem:s14+$0xFFFFFFF0]  }
0x183: {  	v4 =	vmul.f32 v0, v4;
	v21 =	vunpack.i.l.bf16.f32 v25;
	v16 =	vunpack.i.l.bf16.f32 v28;
	v7 =	vld [tilespmem:s7+$0xFFFFFF80];
	[tilespmem:s10+$0x30] =	vst v5  }
0x184: {  	v27 =	vunpack.i.l.bf16.f32 v24;
	v9 =	vmul.f32 v9, v10;
	v5 =	vunpack.i.l.bf16.f32 v22;
	v0 =	vld [tilespmem:s20+$0x10];
	[tilespmem:s17+$0x50] =	vst v6  }
0x185: {  	v28 =	vmul.f32 v14, v18;
	v5 =	vmul.f32 v16, v5;
	v6 =	vunpack.i.l.bf16.f32 v15;
	[tilespmem:s10+$0xFFFFFF50] =	vst v13;
	v10 =	vld [tilespmem:s14+$0x30];
	s14 =	smov.u32 s31;
	s31 =	smov.u32 s22;
	s22 =	smov.u32 s7  }
0x186: {  	v13 =	vunpack.i.u.bf16.f32 v20;
	v20 =	vunpack.i.l.bf16.f32 v20;
	[tilespmem:s3+$0xFFFFFF30] =	vst v9;
	v9 =	vunpack.i.u.bf16.f32 v15;
	v18 =	vld [tilespmem:s1+$0x30]  }
0x187: {  	v22 =	vunpack.i.u.bf16.f32 v23;
	v9 =	vmul.f32 v13, v9;
	[tilespmem:s10+$0x20] =	vst v4;
	v25 =	vunpack.i.u.bf16.f32 v17;
	v16 =	vld [tilespmem:s1+$0x70];
	s1 =	smov.u32 s13;
	s13 =	smov.u32 s20;
	s20 =	smov.u32 s6  }
0x188: {  	v13 =	vunpack.i.l.bf16.f32 v8;
	v31 =	vunpack.i.l.bf16.f32 v17;
	v14 =	vld [tilespmem:s7+$0xFFFFFFC0];
	[tilespmem:s3+$0xFFFFFF20] =	vst v5;
	v5 =	vunpack.i.l.bf16.f32 v19  }
0x189: {  	v17 =	vmul.f32 v20, v6;
	v8 =	vunpack.i.u.bf16.f32 v24;
	v19 =	vmul.f32 v22, v12;
	v15 =	vld [tilespmem:s6+$0xFFFFFFC0];
	[tilespmem:s3+$0xFFFFFFB0] =	vst v9  }
.Ltmp5:
0x18a: {  	v12 =	vunpack.i.u.bf16.f32 v7;
	v9 =	vmul.f32 v21, v5;
	v4 =	vld [tilespmem:s31+$0x10];
	[tilespmem:s10+$0xC0] =	vst v3;
	v21 =	vunpack.i.u.bf16.f32 v10;
	(pc) =	sbr.rel @p0 .LBB2_6-.Ltmp5, $4  }
0x18b: {  	v25 =	vmul.f32 v8, v25;
	v5 =	vunpack.i.u.bf16.f32 v0;
	[tilespmem:s19+$0x80] =	vst v26;
	v6 =	vld [tilespmem:s1+$0x20];
	v22 =	vunpack.i.l.bf16.f32 v18  }
0x18c: {  	v20 =	vunpack.i.l.bf16.f32 v23;
	v24 =	vunpack.i.l.bf16.f32 v10;
	[tilespmem:s10+$0xFFFFFF40] =	vst v9;
	v3 =	vld [tilespmem:s14+$0x70];
	v10 =	vunpack.i.l.bf16.f32 v16  }
0x18d: {  	v8 =	vunpack.i.u.bf16.f32 v30;
	v9 =	vunpack.i.l.bf16.f32 v30;
	[tilespmem:s3+$0xFFFFFFA0] =	vst v17;
	v17 =	vld [tilespmem:s1+$0xFFFFFFB0];
	v23 =	vmul.f32 v10, v11  }
0x18e: {  	v27 =	vmul.f32 v27, v31;
	v26 =	vunpack.i.u.bf16.f32 v29;
	v10 =	vunpack.i.l.bf16.f32 v29;
	[tilespmem:s3+$0xB0] =	vst v28;
	v11 =	vld [tilespmem:s14+$0xFFFFFFB0]  }
0x18f: {  	[tilespmem:s17+$0xFFFFFFF0] =	vst v25  }
0x190: {  	[tilespmem:s10+$0xFFFFFFD0] =	vst v19  }
0x191: {  	v55 =	vmul.f32 v22, v24;
	[tilespmem:s17+$0xE0] =	vst v23  }
0x192: {  	v13 =	vmul.f32 v20, v13;
	[tilespmem:s17+$0xFFFFFFE0] =	vst v27  }
0x193: {  	v8 =	vmul.f32 v8, v26;
	[tilespmem:s17+$0x60] =	vst v55  }
0x194: {  	v18 =	vunpack.i.u.bf16.f32 v18;
	v9 =	vmul.f32 v9, v10;
	[tilespmem:s10+$0xFFFFFFC0] =	vst v13  }
0x195: {  	v16 =	vunpack.i.u.bf16.f32 v16;
	v18 =	vmul.f32 v18, v21;
	[tilespmem:s19+$0x10] =	vst v8  }
0x196: {  	v56 =	vunpack.i.u.bf16.f32 v2;
	v57 =	vunpack.i.l.bf16.f32 v2;
	v1 =	vmul.f32 v16, v1;
	[tilespmem:s19+$0x0] =	vst v9  }
0x197: {  	v20 =	vld [tilespmem:s20+$0x50];
	v58 =	vunpack.i.l.bf16.f32 v7;
	v40 =	vunpack.i.u.bf16.f32 v4;
	v59 =	vmul.f32 v56, v12;
	[tilespmem:s17+$0x70] =	vst v18  }
0x198: {  	v24 =	vld [tilespmem:s14+$0x20];
	v50 =	vunpack.i.l.bf16.f32 v4;
	v0 =	vunpack.i.l.bf16.f32 v0;
	v5 =	vmul.f32 v5, v40;
	[tilespmem:s17+$0xF0] =	vst v1  }
0x199: {  	v61 =	vunpack.i.u.bf16.f32 v14;
	v62 =	vunpack.i.u.bf16.f32 v15;
	v25 =	vld [tilespmem:s31+$0xFFFFFFA0];
	v0 =	vmul.f32 v0, v50;
	[tilespmem:s19+$0xFFFFFF10] =	vst v59  }
0x19a: {  	v63 =	vunpack.i.l.bf16.f32 v15;
	v33 =	vld [tilespmem:s13+$0xFFFFFFA0];
	v21 =	vunpack.i.l.bf16.f32 v14;
	v13 =	vmul.f32 v62, v61;
	[tilespmem:s3+$0x30] =	vst v5  }
0x19b: {  	v60 =	vld [tilespmem:s13+$0x60];
	v38 =	vunpack.i.l.bf16.f32 v6;
	v42 =	vunpack.i.u.bf16.f32 v6;
	v2 =	vmul.f32 v63, v21;
	[tilespmem:s3+$0x20] =	vst v0  }
0x19c: {  	v16 =	vld [tilespmem:s7+$0x50];
	v1 =	vmul.f32 v57, v58;
	v22 =	vunpack.i.u.bf16.f32 v17;
	v23 =	vunpack.i.u.bf16.f32 v11;
	[tilespmem:s19+$0xFFFFFF90] =	vst v13  }
0x19d: {  	v49 =	vld [tilespmem:s31+$0xFFFFFFE0];
	v35 =	vunpack.i.l.bf16.f32 v17;
	[tilespmem:s19+$0xFFFFFF80] =	vst v2;
	v34 =	vunpack.i.l.bf16.f32 v11;
	v7 =	vmul.f32 v22, v23  }
0x19e: {  	v40 =	vunpack.i.u.bf16.f32 v3;
	v18 =	vld [tilespmem:s31+$0x60];
	[tilespmem:s19+$0xFFFFFF00] =	vst v1;
	v37 =	vmul.f32 v35, v34;
	v44 =	vunpack.i.u.bf16.f32 v24  }
0x19f: {  	v51 =	vld [tilespmem:s1+$0xFFFFFFF0];
	v45 =	vunpack.i.u.bf16.f32 v25;
	v46 =	vunpack.i.u.bf16.f32 v33;
	v2 =	vmul.f32 v42, v44;
	[tilespmem:s10+$0xFFFFFF70] =	vst v7  }
0x1a0: {  	v54 =	vld [tilespmem:s14+$0xFFFFFFF0];
	v61 =	vunpack.i.l.bf16.f32 v33;
	v1 =	vunpack.i.l.bf16.f32 v25;
	v9 =	vmul.f32 v46, v45;
	[tilespmem:s10+$0xFFFFFF60] =	vst v37  }
0x1a1: {  	v21 =	vld [tilespmem:s1+$0x70];
	v27 =	vunpack.i.l.bf16.f32 v20;
	v26 =	vunpack.i.l.bf16.f32 v16;
	v1 =	vmul.f32 v61, v1;
	[tilespmem:s10+$0x50] =	vst v2  }
0x1a2: {  	v59 =	vld [tilespmem:s13+$0xFFFFFFE0];
	v29 =	vunpack.i.u.bf16.f32 v60;
	v39 =	vunpack.i.l.bf16.f32 v24;
	v31 =	vmul.f32 v27, v26;
	[tilespmem:s3+$0xFFFFFF50] =	vst v9  }
0x1a3: {  	v43 =	vld [tilespmem:s22+$0xFFFFFFD0];
	v58 =	vunpack.i.l.bf16.f32 v60;
	v7 =	vmul.f32 v38, v39;
	v28 =	vunpack.i.u.bf16.f32 v18;
	[tilespmem:s3+$0xFFFFFF40] =	vst v1  }
0x1a4: {  	v35 =	vunpack.i.l.bf16.f32 v3;
	v30 =	vld [tilespmem:s22+$0xFFFFFF90];
	v57 =	vunpack.i.l.bf16.f32 v18;
	v32 =	vmul.f32 v29, v28;
	[tilespmem:s19+$0xA0] =	vst v31  }
0x1a5: {  	v36 =	vld [tilespmem:s20+$0xFFFFFF90];
	v23 =	vunpack.i.u.bf16.f32 v54;
	v24 =	vunpack.i.u.bf16.f32 v51;
	[tilespmem:s10+$0x40] =	vst v7;
	v60 =	vmul.f32 v58, v57  }
0x1a6: {  	v25 =	vunpack.i.l.bf16.f32 v51;
	v26 =	vunpack.i.l.bf16.f32 v54;
	v7 =	vmul.f32 v24, v23;
	[tilespmem:s3+$0xD0] =	vst v32  }
0x1a7: {  	v22 =	vld [tilespmem:s20+$0x10];
	v5 =	vunpack.i.l.bf16.f32 v49;
	v44 =	vunpack.i.l.bf16.f32 v59;
	v1 =	vmul.f32 v25, v26;
	[tilespmem:s3+$0xC0] =	vst v60  }
0x1a8: {  	v39 =	vld [tilespmem:s22+$0x10];
	v28 =	vunpack.i.u.bf16.f32 v49;
	v29 =	vunpack.i.u.bf16.f32 v59;
	v5 =	vmul.f32 v44, v5;
	[tilespmem:s10+$0xFFFFFFF0] =	vst v7  }
0x1a9: {  	v41 =	vld [tilespmem:s20+$0xFFFFFFD0];
	v42 =	vunpack.i.u.bf16.f32 v21;
	v55 =	vunpack.i.u.bf16.f32 v43;
	v31 =	vmul.f32 v29, v28;
	[tilespmem:s10+$0xFFFFFFE0] =	vst v1  }
0x1aa: {  	v27 =	vld [tilespmem:s13+$0xFFFFFFB0];
	v47 =	vunpack.i.u.bf16.f32 v30;
	v48 =	vunpack.i.u.bf16.f32 v36;
	v1 =	vmul.f32 v42, v40;
	[tilespmem:s3+$0xFFFFFFC0] =	vst v5  }
0x1ab: {  	v62 =	vld [tilespmem:s14+$0x30];
	v52 =	vunpack.i.l.bf16.f32 v36;
	v53 =	vunpack.i.l.bf16.f32 v30;
	v6 =	vmul.f32 v48, v47;
	[tilespmem:s3+$0xFFFFFFD0] =	vst v31  }
0x1ac: {  	v63 =	vunpack.i.l.bf16.f32 v43;
	v18 =	vld [tilespmem:s1+$0x30];
	v36 =	vunpack.i.l.bf16.f32 v21;
	v4 =	vmul.f32 v52, v53;
	[tilespmem:s10+$0xF0] =	vst v1  }
0x1ad: {  	v43 =	vld [tilespmem:s13+$0x20];
	v51 =	vunpack.i.u.bf16.f32 v22;
	v14 =	vmul.f32 v36, v35;
	v52 =	vunpack.i.u.bf16.f32 v39;
	[tilespmem:s19+$0xFFFFFF30] =	vst v6  }
0x1ae: {  	v20 =	vunpack.i.u.bf16.f32 v20;
	v56 =	vunpack.i.u.bf16.f32 v41;
	v30 =	vld [tilespmem:s31+$0xFFFFFFB0];
	v3 =	vmul.f32 v51, v52;
	[tilespmem:s19+$0xFFFFFF20] =	vst v4  }
0x1af: {  	v19 =	vunpack.i.u.bf16.f32 v16;
	v17 =	vunpack.i.l.bf16.f32 v41;
	v47 =	vld [tilespmem:s31+$0x20];
	v6 =	vmul.f32 v56, v55;
	[tilespmem:s10+$0xE0] =	vst v14  }
0x1b0: {  	v0 =	vunpack.i.l.bf16.f32 v22;
	v60 =	vld [tilespmem:s31+$0xFFFFFFF0];
	v4 =	vmul.f32 v17, v63;
	v55 =	vunpack.i.l.bf16.f32 v39;
	[tilespmem:s19+$0x30] =	vst v3  }
0x1b1: {  	v45 =	vunpack.i.u.bf16.f32 v27;
	v56 =	vld [tilespmem:s13+$0xFFFFFFF0];
	v32 =	vunpack.i.u.bf16.f32 v62;
	v0 =	vmul.f32 v0, v55;
	[tilespmem:s19+$0xFFFFFFB0] =	vst v6  }
0x1b2: {  	v33 =	vunpack.i.u.bf16.f32 v18;
	v11 =	vunpack.i.l.bf16.f32 v18;
	v48 =	vld [tilespmem:s22+$0xFFFFFFA0];
	v6 =	vmul.f32 v20, v19;
	[tilespmem:s19+$0xFFFFFFA0] =	vst v4  }
0x1b3: {  	v10 =	vunpack.i.l.bf16.f32 v62;
	v53 =	vld [tilespmem:s20+$0xFFFFFFA0];
	v58 =	vunpack.i.l.bf16.f32 v43;
	v37 =	vmul.f32 v33, v32;
	[tilespmem:s19+$0x20] =	vst v0  }
0x1b4: {  	v61 =	vunpack.i.u.bf16.f32 v43;
	v41 =	vmul.f32 v11, v10;
	v46 =	vunpack.i.u.bf16.f32 v30;
	v54 =	vld [tilespmem:s22+$0xFFFFFFE0];
	[tilespmem:s19+$0xB0] =	vst v6  }
0x1b5: {  	v4 =	vunpack.i.l.bf16.f32 v27;
	v2 =	vmul.f32 v45, v46;
	v62 =	vunpack.i.u.bf16.f32 v47;
	v63 =	vld [tilespmem:s20+$0xFFFFFFE0];
	[tilespmem:s10+$0x70] =	vst v37  }
0x1b6: {  	v59 =	vunpack.i.l.bf16.f32 v47;
	[tilespmem:s10+$0x60] =	vst v41;
	v6 =	vunpack.i.l.bf16.f32 v30;
	v3 =	vmul.f32 v61, v62;
	v16 =	vld [tilespmem:s20+$0x20]  }
0x1b7: {  	v17 =	vld [tilespmem:s22+$0x20];
	v21 =	vunpack.i.u.bf16.f32 v60;
	[tilespmem:s3+$0xFFFFFF70] =	vst v2;
	v57 =	vmul.f32 v4, v6;
	v2 =	vmul.f32 v58, v59  }
0x1b8: {  	v34 =	vld [tilespmem:s22+$0x60];
	v22 =	vunpack.i.u.bf16.f32 v56;
	v13 =	vunpack.i.u.bf16.f32 v48;
	v15 =	vunpack.i.u.bf16.f32 v53;
	[tilespmem:s3+$0x50] =	vst v3  }
0x1b9: {  	v38 =	vld [tilespmem:s20+$0x60];
	v5 =	vunpack.i.l.bf16.f32 v53;
	v19 =	vunpack.i.l.bf16.f32 v48;
	v26 =	vmul.f32 v22, v21;
	[tilespmem:s3+$0xFFFFFF60] =	vst v57  }
0x1ba: {  	[tilespmem:s3+$0x40] =	vst v2;
	v0 =	vmul.f32 v15, v13;
	v3 =	vmul.f32 v5, v19;
	v23 =	vunpack.i.u.bf16.f32 v54  }
0x1bb: {  	v18 =	vld [tilespmem:s31+$0x70];
	v25 =	vunpack.i.u.bf16.f32 v63;
	v28 =	vunpack.i.l.bf16.f32 v54;
	v29 =	vunpack.i.l.bf16.f32 v63;
	[tilespmem:s3+$0xFFFFFFF0] =	vst v26  }
0x1bc: {  	v27 =	vld [tilespmem:s13+$0x70];
	v5 =	vmul.f32 v25, v23;
	[tilespmem:s19+$0xFFFFFF40] =	vst v3;
	v3 =	vmul.f32 v29, v28  }
0x1bd: {  	v20 =	vld [tilespmem:s31+$0x30];
	[tilespmem:s19+$0xFFFFFF50] =	vst v0;
	v31 =	vunpack.i.l.bf16.f32 v16;
	v32 =	vunpack.i.l.bf16.f32 v17;
	v49 =	vunpack.i.u.bf16.f32 v34  }
0x1be: {  	v24 =	vld [tilespmem:s13+$0x30];
	v50 =	vunpack.i.u.bf16.f32 v38;
	v9 =	vunpack.i.l.bf16.f32 v34;
	v34 =	vmul.f32 v31, v32;
	[tilespmem:s19+$0xFFFFFFD0] =	vst v5  }
0x1bf: {  	v7 =	vunpack.i.l.bf16.f32 v38;
	v33 =	vld [tilespmem:s20+$0xFFFFFFB0];
	v1 =	vmul.f32 v50, v49;
	[tilespmem:s19+$0xFFFFFFC0] =	vst v3  }
0x1c0: {  	v35 =	vunpack.i.l.bf16.f32 v56;
	v6 =	vunpack.i.l.bf16.f32 v60;
	v36 =	vld [tilespmem:s22+$0xFFFFFFB0];
	v7 =	vmul.f32 v7, v9;
	[tilespmem:s19+$0x40] =	vst v34  }
0x1c1: {  	v4 =	vunpack.i.u.bf16.f32 v16;
	v38 =	vmul.f32 v35, v6;
	v40 =	vld [tilespmem:s20+$0xFFFFFFF0];
	[tilespmem:s19+$0xD0] =	vst v1;
	v1 =	vunpack.i.u.bf16.f32 v17  }
0x1c2: {  	v41 =	vunpack.i.l.bf16.f32 v18;
	v42 =	vunpack.i.l.bf16.f32 v27;
	v43 =	vld [tilespmem:s22+$0xFFFFFFF0];
	[tilespmem:s19+$0xC0] =	vst v7;
	v1 =	vmul.f32 v4, v1  }
0x1c3: {  	v5 =	vmul.f32 v42, v41;
	[tilespmem:s3+$0xFFFFFFE0] =	vst v38;
	v37 =	vunpack.i.u.bf16.f32 v20;
	v39 =	vunpack.i.u.bf16.f32 v24;
	v30 =	vld [tilespmem:s22+$0x70]  }
0x1c4: {  	v44 =	vunpack.i.l.bf16.f32 v24;
	v0 =	vunpack.i.l.bf16.f32 v20;
	v3 =	vmul.f32 v39, v37;
	v50 =	vld [tilespmem:s20+$0x70];
	[tilespmem:s19+$0x50] =	vst v1  }
0x1c5: {  	v2 =	vunpack.i.u.bf16.f32 v18;
	v46 =	vunpack.i.u.bf16.f32 v27;
	[tilespmem:s3+$0xE0] =	vst v5;
	v0 =	vmul.f32 v44, v0;
	v45 =	vld [tilespmem:s22+$0x30]  }
0x1c6: {  	v48 =	vunpack.i.u.bf16.f32 v33;
	v49 =	vunpack.i.u.bf16.f32 v36;
	[tilespmem:s3+$0x70] =	vst v3;
	v1 =	vmul.f32 v46, v2;
	v47 =	vld [tilespmem:s20+$0x30]  }
0x1c7: {  	v8 =	vunpack.i.l.bf16.f32 v36;
	v51 =	vunpack.i.l.bf16.f32 v33;
	[tilespmem:s3+$0x60] =	vst v0;
	v2 =	vmul.f32 v48, v49  }
0x1c8: {  	v0 =	vmul.f32 v51, v8;
	v52 =	vunpack.i.u.bf16.f32 v43;
	v53 =	vunpack.i.u.bf16.f32 v40;
	[tilespmem:s3+$0xF0] =	vst v1  }
0x1c9: {  	v54 =	vunpack.i.l.bf16.f32 v40;
	v6 =	vunpack.i.l.bf16.f32 v43;
	[tilespmem:s19+$0xFFFFFF70] =	vst v2;
	v1 =	vmul.f32 v53, v52  }
0x1ca: {  	[tilespmem:s19+$0xFFFFFF60] =	vst v0;
	v2 =	vmul.f32 v54, v6;
	v57 =	vunpack.i.l.bf16.f32 v30;
	v58 =	vunpack.i.l.bf16.f32 v50  }
0x1cb: {  	[tilespmem:s19+$0xFFFFFFF0] =	vst v1;
	v61 =	vmul.f32 v58, v57;
	v55 =	vunpack.i.u.bf16.f32 v45;
	v56 =	vunpack.i.u.bf16.f32 v47  }
.Ltmp6:
0x1cc: {  	[tilespmem:s19+$0xFFFFFFE0] =	vst v2;
	v59 =	vunpack.i.l.bf16.f32 v47;
	v60 =	vunpack.i.l.bf16.f32 v45;
	v0 =	vmul.f32 v56, v55;
	(pc) =	sbr.rel @p1 .LBB2_9-.Ltmp6, $4  }
0x1cd: {  	v62 =	vunpack.i.u.bf16.f32 v30;
	v63 =	vunpack.i.u.bf16.f32 v50;
	[tilespmem:s19+$0xE0] =	vst v61;
	v1 =	vmul.f32 v59, v60  }
0x1ce: {  	[tilespmem:s19+$0x70] =	vst v0;
	v0 =	vmul.f32 v63, v62  }
0x1cf: {  	[tilespmem:s19+$0x60] =	vst v1  }
0x1d0: {  	s1 =	sadd.s32 $0xFC8, s12;
	[tilespmem:s19+$0xF0] =	vst v0  }
0x1d1: {  	s3 =	smul.u32 $0x50, s9;
	_ =	sdelay $0x1  }
0x1d2: {  	s6 =	sadd.s32 $0x78, s3  }
0x1d3: {  	[tilespmem:s21], [sflag:$0x2] =	stream.indirect.gather [hbm4b:s4+s18], $0x40, s6, s18, $0xb8;
	[tilespmem:$0x19FF0] =	vst v63  }
.Ltmp7:
0x1d4: {  	_ = 	snop;
	(pc) =	sbr.rel .LBB2_3-.Ltmp7, $4  }
0x1d5: {  	s3 =	sadd.s32 $0x848, s3  }
0x1d6: {  	[tilespmem:s23], [sflag:$0x4] =	stream.indirect.gather [hbm4b:s5+s18], $0x40, s3, s18, $0xb8;
	[tilespmem:$0x19FF0] =	vst v63  }
0x1d7: {  	s9 =	sadd.s32 $0x1, s9  }
0x1d8: {  	[spmem:s2] =	stream.indirect.scatter.add.f32 [tilespmem:s30], [sflag:$0x6], $0x80, s1, s18, $0xb8;
	[tilespmem:$0x19FF0] =	vst v63  }
.LBB2_11:
0x1d9: {  	_ =	sfence.sel $0x180000  }
0x1da: {  	[bflag:$0x0] =	sbarrier.arrive $0xFFFF  }
0x1db: {  	_ =	strace $0x9000004A  }
0x1dc: {  	s0 =	stileid.u32;
	[bflag:$0x2] =	sbarrier.arrive $0xFFFF  }
0x1dd: {  	p0 =	sne.s32 s0, $0x0;
	s0 =	rddreg [dreg:$0x2]  }
0x1de: {  	s0 =	sadd.s32 @!p0 $0x100000, s0  }
0x1df: {  	[sflag:s0] =	ssyncadd.tile.s32 @!p0 $0x1;
	_ =	shalt  }
.Lfunc_end2:
_tile_overlayer_lowered:
.L_overlay_start_2:
0x1e0: {  	(tag) =	ssettag $0x2  }
0x1e1: {  	s0 =	rddreg [dreg:$0x0];
	s2 =	stileid.u32  }
0x1e2: {  	s1 =	rddreg [dreg:$0x1];
	p0 =	sne.s32 s2, $0x0  }
0x1e3: {  	s3 =	rddreg [dreg:$0x2];
	[bflag:$0x3] =	sbarrier.arrive $0xFFFF;
	s2 =	simm.s32 @!p0 $0x1C07  }
0x1e4: {  	[timem:s3], [sflag:s2] =	dma.local @!p0 [hbm:s0], s1  }
0x1e5: {  	s0 =	simm.s32 @!p0 $0x7  }
0x1e6: {  	_ =	swait.ge @!p0 [sflag:s0], s1  }
0x1e7: {  	s1 =	ssub.s32 @!p0 $0x0, s1;
	[sflag:s0] =	ssyncset.done @!p0 $0x0  }
0x1e8: {  	[sflag:s0] =	ssyncadd.s32 @!p0 s1  }
0x1e9: {  	[bflag:$0x3] =	sbarrier.arrive $0xFFFF  }
0x1ea: {  	_ =	shalt  }

// kernel: kernel.15.cloned.1.call-start
scs
__scs_entry_jumppad:
0x0: {  	(pc) =	sbr.rel $0x88, $3  }
0x1: {  	(tag) =	ssettag $0x0;
	lr =	simm.s32 $0x1  }
0x2: {  	[smem:$0x3F91] =	sst lr;
	_ =	strace $0xD0000000  }
0x3: {  	_ = 	snop  }
0x4: {  	_ = 	snop  }
0x5: {  	_ = 	snop  }
0x6: {  	_ = 	snop  }
0x7: {  	_ = 	snop  }
__scs_overlays_trampoline_lowered:
0x8: {  	[smem:$0x3FA0] =	sst s0  }
0x9: {  	[smem:$0x3FA1] =	sst s1  }
0xa: {  	[smem:$0x3FA2] =	sst s2  }
0xb: {  	[smem:$0x3FA3] =	sst s3  }
0xc: {  	[smem:$0x3FA4] =	sst s4  }
0xd: {  	[smem:$0x3FA5] =	sst s5  }
0xe: {  	[smem:$0x3FA6] =	sst s6  }
0xf: {  	[smem:$0x3FA7] =	sst s7  }
0x10: {  	[smem:$0x3FA8] =	sst s8  }
0x11: {  	[smem:$0x3FA9] =	sst s9;
	s0 =	simm.s32 @!p0 $0x0  }
0x12: {  	s1 =	sld [smem:$0x3F8F];
	s0 =	simm.s32 @p0 $0x1  }
0x13: {  	[smem:$0x3FAA] =	sst s0;
	s0 =	simm.s32 @!p1 $0x0  }
0x14: {  	s2 =	sld [smem:$0x3F8E];
	s0 =	simm.s32 @p1 $0x1  }
0x15: {  	[smem:$0x3FAB] =	sst s0;
	s0 =	simm.s32 @!p2 $0x0  }
0x16: {  	s3 =	sld [smem:$0x3FDB];
	s0 =	simm.s32 @p2 $0x1  }
0x17: {  	s4 =	simm.s32 $0x1BF5;
	[smem:$0x3FAD] =	sst s0  }
0x18: {  	s0 =	sld [smem:$0x3F90];
	_ =	swait.ge [sflag:s4], $0x0  }
0x19: {  	s7 =	sld [smem:$0x3F91]  }
0x1a: {  	s8 =	sadd.s32 $0xFFFFE003, lr  }
0x1b: {  	s9 =	sadd.s32 $0xFFFFFEF7, lr;
	s5 =	simm.s32 $0xFFFFFFFF;
	p2 =	slt.u32 s8, $0xFFFFF086  }
0x1c: {  	p1 =	slt.u32 s9, $0xF7A;
	s5 =	simm.s32 @!p2 $0x0  }
0x1d: {  	s5 =	simm.s32 @p1 $0x1;
	p0 =	seq.s32 s7, s2  }
0x1e: {  	s7 =	smul.u32 @!p0 $0xF7A, s2;
	p2 =	seq.s32 @!p0 s5, $0x0  }
0x1f: {  	s9 =	smul.u32 $0xF7A, s1;
	s8 =	simm.s32 @!p0 $0x1BF5;
	p2 =	por !p2, p0  }
0x20: {  	[sflag:s8] =	ssyncset.s32 @!p0 $0xFFFFF086;
	s6 =	sadd.s32 @!p0 s3, s7;
	s7 =	simm.s32 @!p0 $0x108  }
0x21: {  	s3 =	sadd.s32 s3, s9;
	s6 =	sadd.s32 @!p0 $0x88, s6;
	s7 =	simm.s32 @p2 $0x1082  }
0x22: {  	[simem:s7], [sflag:s8] =	dma.local @!p0 [hbm:s6], $0xF7A  }
0x23: {  	s9 =	sor.u32 $0xD0000000, s2;
	s6 =	simm.s32 $0x108;
	_ =	swait.ge @!p0 [sflag:s8], $0x0  }
0x24: {  	s3 =	sadd.s32 $0x88, s3;
	s6 =	simm.s32 @!p1 $0x1082;
	[sflag:s4] =	ssyncset.s32 $0xFFFFF086  }
0x25: {  	[simem:s6], [sflag:s4] =	dma.local [hbm:s3], $0xF7A  }
0x26: {  	[smem:$0x3F91] =	sst s1;
	(tag) =	ssettag s2;
	_ =	strace s9  }
0x27: {  	s1 =	sld [smem:$0x3FA1]  }
0x28: {  	s2 =	sld [smem:$0x3FA2]  }
0x29: {  	s4 =	sld [smem:$0x3FA4]  }
0x2a: {  	p0 =	seq.s32 s5, $0x0;
	s5 =	sld [smem:$0x3FA5]  }
0x2b: {  	s6 =	sld [smem:$0x3FA6]  }
0x2c: {  	s7 =	sld [smem:$0x3FA7]  }
0x2d: {  	s3 =	simm.s32 $0x108;
	s8 =	sld [smem:$0x3FA8]  }
0x2e: {  	s3 =	simm.s32 @!p0 $0x1082;
	s9 =	sld [smem:$0x3FA9]  }
0x2f: {  	lr =	sadd.s32 s0, s3;
	s0 =	sld [smem:$0x3FA0]  }
0x30: {  	s3 =	sld [smem:$0x3FA3]  }
0x31: {  	[smem:$0x3FAC] =	sst s10  }
0x32: {  	s10 =	sld [smem:$0x3FAA];
	_ =	sdelay $0x3  }
0x33: {  	p0 =	seq.s32 s10, $0x1;
	s10 =	sld [smem:$0x3FAC];
	_ =	sdelay $0x3  }
0x34: {  	[smem:$0x3FAC] =	sst s10  }
0x35: {  	s10 =	sld [smem:$0x3FAB];
	_ =	sdelay $0x3  }
0x36: {  	p1 =	seq.s32 s10, $0x1;
	s10 =	sld [smem:$0x3FAC];
	_ =	sdelay $0x3  }
0x37: {  	[smem:$0x3FAC] =	sst s10  }
0x38: {  	s10 =	sld [smem:$0x3FAD]  }
0x39: {  	_ = 	snop;
	(pc) =	sbr.ind lr, $3  }
0x3a: {  	_ = 	snop  }
0x3b: {  	_ = 	snop  }
0x3c: {  	p2 =	seq.s32 s10, $0x1;
	s10 =	sld [smem:$0x3FAC]  }
0x3d: {  	_ =	shalt  }
0x3e: {  	_ =	shalt  }
0x3f: {  	_ =	shalt  }
0x40: {  	_ =	shalt  }
0x41: {  	_ =	shalt  }
0x42: {  	_ =	shalt  }
0x43: {  	_ =	shalt  }
0x44: {  	_ =	shalt  }
0x45: {  	_ =	shalt  }
0x46: {  	_ =	shalt  }
0x47: {  	_ =	shalt  }
0x48: {  	_ =	shalt  }
0x49: {  	_ =	shalt  }
0x4a: {  	_ =	shalt  }
0x4b: {  	_ =	shalt  }
0x4c: {  	_ =	shalt  }
0x4d: {  	_ =	shalt  }
0x4e: {  	_ =	shalt  }
0x4f: {  	_ =	shalt  }
0x50: {  	_ =	shalt  }
0x51: {  	_ =	shalt  }
0x52: {  	_ =	shalt  }
0x53: {  	_ =	shalt  }
0x54: {  	_ =	shalt  }
0x55: {  	_ =	shalt  }
0x56: {  	_ =	shalt  }
0x57: {  	_ =	shalt  }
0x58: {  	_ =	shalt  }
0x59: {  	_ =	shalt  }
0x5a: {  	_ =	shalt  }
0x5b: {  	_ =	shalt  }
0x5c: {  	_ =	shalt  }
0x5d: {  	_ =	shalt  }
0x5e: {  	_ =	shalt  }
0x5f: {  	_ =	shalt  }
0x60: {  	_ =	shalt  }
0x61: {  	_ =	shalt  }
0x62: {  	_ =	shalt  }
0x63: {  	_ =	shalt  }
0x64: {  	_ =	shalt  }
0x65: {  	_ =	shalt  }
0x66: {  	_ =	shalt  }
0x67: {  	_ =	shalt  }
0x68: {  	_ =	shalt  }
0x69: {  	_ =	shalt  }
0x6a: {  	_ =	shalt  }
0x6b: {  	_ =	shalt  }
0x6c: {  	_ =	shalt  }
0x6d: {  	_ =	shalt  }
0x6e: {  	_ =	shalt  }
0x6f: {  	_ =	shalt  }
0x70: {  	_ =	shalt  }
0x71: {  	_ =	shalt  }
0x72: {  	_ =	shalt  }
0x73: {  	_ =	shalt  }
0x74: {  	_ =	shalt  }
0x75: {  	_ =	shalt  }
0x76: {  	_ =	shalt  }
0x77: {  	_ =	shalt  }
0x78: {  	_ =	shalt  }
0x79: {  	_ =	shalt  }
0x7a: {  	_ =	shalt  }
0x7b: {  	_ =	shalt  }
0x7c: {  	_ =	shalt  }
0x7d: {  	_ =	shalt  }
0x7e: {  	_ =	shalt  }
0x7f: {  	_ =	shalt  }
0x80: {  	_ =	shalt  }
0x81: {  	_ =	shalt  }
0x82: {  	_ =	shalt  }
0x83: {  	_ =	shalt  }
0x84: {  	_ =	shalt  }
0x85: {  	_ =	shalt  }
0x86: {  	_ =	shalt  }
0x87: {  	_ =	shalt  }
.Lfunc_end0:
.L_simem_size_0:
called_computation.2_lowered:
.L_overlay_start_0:
0x88: {  	s2 =	sld [smem:$0x3FD9]  }
0x89: {  	s3 =	sld [smem:$0x3FFE];
	_ =	sdelay $0x1  }
0x8a: {  	s1 =	srdreg.scid  }
0x8b: {  	s0 =	sand.u32 $0x1, s1  }
0x8c: {  	s16 =	sshll.u32 s0, $0xA;
	s2 =	sadd.s32 s3, s2  }
0x8d: {  	s2 =	sadd.s32 s2, s16  }
0x8e: {  	[smem:$0x3FB8] =	sst s2  }
0x8f: {  	_ = 	snop  }
0x90: {  	(tm) =	ssettm $0x1  }
0x91: {  	s17 =	sld [smem:$0x3FFB];
	_ =	sdelay $0x3  }
0x92: {  	_ =	strace s17  }
0x93: {  	s2 =	sld [smem:$0x3FFC];
	_ =	sdelay $0x3  }
0x94: {  	_ =	strace s2  }
0x95: {  	s2 =	sld [smem:$0x3FFD];
	_ =	sdelay $0x3  }
0x96: {  	_ =	strace s2  }
0x97: {  	_ =	strace $0x8FFFFFFF  }
0x98: {  	s18 =	sld [smem:$0x3FDB];
	_ =	sdelay $0x1  }
0x99: {  	s19 =	simm.s32 $_scs_section_size  }
0x9a: {  	s4 =	simm.s32 $_size__tile_overlayer_lowered;
	s5 =	simm.s32 $_tile_overlayer_lowered  }
0x9b: {  	s22 =	simm.s32 $0x1BFF;
	s21 =	sshll.u32 s5, $0x1;
	s2 =	sadd.s32 s19, s18  }
0x9c: {  	s6 =	simm.s32 $0x0;
	s20 =	sshll.u32 s4, $0x1;
	s4 =	sadd.s32 s21, s2  }
0x9d: {  	[timem:s6], [sflag:s22] =	dma.local [hbm:s4], s20  }
0x9e: {  	_ =	swait.ge [sflag:s22], s20  }
0x9f: {  	s3 =	ssub.s32 $0x0, s20;
	[sflag:s22] =	ssyncset.done $0x0  }
0xa0: {  	[sflag:s22] =	ssyncadd.s32 s3;
	_ =	sdelay $0x1  }
0xa1: {  	s23 =	simm.s32 $0x1B8B  }
0xa2: {  	_ =	swait.ge [sflag:s23], $0x1  }
0xa3: {  	[sflag:s23] =	ssyncset.done $0x0  }
0xa4: {  	s25 =	simm.s32 $0x1B8E;
	s24 =	sld [smem:$0x3FFE];
	[sflag:s23] =	ssyncadd.s32 $0xFFFFFFFF  }
0xa5: {  	s26 =	simm.s32 $execute0_lowered;
	[smem:$0x3FD2] =	sst s25  }
0xa6: {  	s4 =	sshll.u32 s26, $0x1;
	_ =	strace $0x8000004C;
	[dreg:$0x1] =	wrdreg $0xFFFFFFFF  }
0xa7: {  	s28 =	simm.s32 $_size_execute0_lowered;
	s2 =	sadd.s32 s2, s4;
	[dreg:$0x0] =	wrdreg $0x0  }
0xa8: {  	s4 =	sshll.u32 s28, $0x1;
	[dreg:$0x2] =	wrdreg s2  }
0xa9: {  	[dreg:$0x3] =	wrdreg s4  }
0xaa: {  	[dreg:$0x4] =	wrdreg $0xC0  }
0xab: {  	_ =	task [dreg:s6], $0x5FFFF  }
0xac: {  	[dreg:$0x1] =	wrdreg $0xFFFFFFFF  }
0xad: {  	[dreg:$0x0] =	wrdreg $0x60  }
0xae: {  	[dreg:$0x2] =	wrdreg s24  }
0xaf: {  	[dreg:$0x3] =	wrdreg $0x67700  }
0xb0: {  	[dreg:$0x4] =	wrdreg $0x9  }
0xb1: {  	_ =	task.clear_ibuf [dreg:s6], $0x5FFFF;
	_ =	strace $0x9000004C  }
0xb2: {  	s29 =	simm.s32 $0x9;
	_ =	strace $0x8000004E  }
0xb3: {  	_ =	swait.ge [sflag:s29], $0x1  }
0xb4: {  	[sflag:s29] =	ssyncadd.s32 $0xFFFFFFFF  }
0xb5: {  	_ =	strace $0x9000004E  }
0xb6: {  	_ =	sfence  }
0xb7: {  	s30 =	sld [smem:$0x0];
	_ =	sdelay $0x2  }
0xb8: {  	s31 =	sshll.u32 s1, $0xD;
	s1 =	sshrl.u32 s1, $0x2  }
0xb9: {  	s3 =	sand.u32 $0x4000, s31;
	s1 =	sadd.s32 s1, s30  }
0xba: {  	s0 =	sor.u32 s3, s0;
	s1 =	sshll.u32 s1, $0x11  }
0xbb: {  	s0 =	sor.u32 s1, s0  }
0xbc: {  	s0 =	sadd.s32 $0x8F2B, s0  }
0xbd: {  	[sflag:s0] =	ssyncadd.remote.s32 $0x1  }
0xbe: {  	_ =	sfence.sel $0xFFFF  }
0xbf: {  	[dreg:$0x0] =	wrdreg $0xFFFFFFFF;
	(pc) =	sbr.abs _section_cstart, $3  }
0xc0: {  	[dreg:$0x1] =	wrdreg $0xFFFFFFFF  }
0xc1: {  	_ =	task.clear_ibuf [dreg:s6], $0x2FFFF;
	_ =	strace $0x9FFFFFFF  }
0xc2: {  	(tm) =	ssettm $0x7FFFFFFF  }
0xc3: {  	_ =	shalt  }
tec
execute0_lowered:
.L_overlay_start_1:
0x0: {  	(tag) =	ssettag $0x1  }
0x1: {  	s0 =	srdreg.scid;
	s1 =	rddreg [dreg:$0x0]  }
0x2: {  	s10 =	stileid.u32;
	s2 =	rddreg [dreg:$0x1]  }
0x3: {  	s12 =	simm.s32 $0x0;
	s15 =	simm.s32 $0x7;
	s16 =	simm.s32 $0x7D0  }
0x4: {  	s18 =	simm.s32 $0x28;
	s21 =	simm.s32 $0x2170;
	s28 =	simm.s32 $0x2  }
0x5: {  	s29 =	simm.s32 $0x4;
	s30 =	simm.s32 $0x5370;
	s0 =	sand.u32 $0x1, s0  }
0x6: {  	s3 =	sshll.u32 s10, $0x1;
	[smem:$0x7FF] =	sst s12;
	s7 =	smul.u32 $0x13880, s10  }
0x7: {  	s4 =	sadd.s32 $0x107E00, s1;
	s5 =	sadd.s32 $0x7F000, s1;
	s9 =	sadd.s32 $0x15E00, s1  }
0x8: {  	s23 =	sadd.s32 $0xC000, s1;
	s26 =	sshll.u32 s10, $0x6;
	s3 =	sor.u32 s0, s3  }
0x9: {  	_ =	strace $0x8000004D;
	s8 =	smul.u32 $0x138800, s0;
	[dreg:$0x4] =	wrdreg s9  }
0xa: {  	[dreg:$0x5] =	wrdreg s23;
	s0 =	ssub.s32 $0x2, s0;
	s23 =	simm.s32 $0x3570  }
0xb: {  	s6 =	smul.u32 $0x4E2, s3;
	s24 =	sshrl.u32 s7, $0x3;
	s25 =	sshrl.u32 s0, $0x1  }
0xc: {  	s3 =	smul.u32 $0x2710, s3;
	s8 =	sadd.s32 s7, s8;
	s9 =	sadd.s32 s24, s1  }
0xd: {  	s0 =	ssub.s32 s0, s25;
	s7 =	sadd.s32 s7, s2;
	s6 =	sadd.s32 s6, s1  }
0xe: {  	s8 =	sshrl.u32 s8, $0x3;
	[dreg:$0x6] =	wrdreg s3;
	s31 =	sadd.s32 $0x92A00, s9  }
.Ltmp0:
0xf: {  	s0 =	smax.u32 s0, $0x1;
	[dreg:$0x7] =	wrdreg s31;
	(pc) =	sbr.rel .LBB2_1-.Ltmp0, $4  }
0x10: {  	s3 =	sor.u32 $0x1C07, s26;
	s1 =	sadd.s32 s8, s1;
	[dreg:$0xa] =	wrdreg s0  }
0x11: {  	s24 =	simm.s32 $0x1;
	[dreg:$0x8] =	wrdreg s3;
	s1 =	sadd.s32 $0xB9C00, s1  }
0x12: {  	s25 =	simm.s32 $0x3;
	[dreg:$0x9] =	wrdreg s1;
	s1 =	sshrl.u32 s7, $0x3  }
0x13: {  	s26 =	simm.s32 $0x3F70;
	s11 =	sadd.s32 $0x2200, s6;
	[dreg:$0xb] =	wrdreg s1  }
.LBB2_10:
0x14: {  	s0 =	simm.s32 $0x5  }
0x15: {  	_ =	swait.ge [sflag:s0], $0x1400  }
0x16: {  	[sflag:s0] =	ssyncset.done $0x0  }
0x17: {  	s20 =	simm.s32 $0x6;
	[sflag:s0] =	ssyncadd.s32 $0xFFFFEC00  }
0x18: {  	_ =	swait.ge [sflag:s20], $0x1400  }
0x19: {  	[sflag:s20] =	ssyncset.done $0x0  }
0x1a: {  	[sflag:s20] =	ssyncadd.s32 $0xFFFFEC00  }
0x1b: {  	[bflag:$0x0] =	sbarrier.arrive $0xFFFF  }
0x1c: {  	s3 =	rddreg [dreg:$0x8]  }
0x1d: {  	s22 =	rddreg [dreg:$0x9]  }
0x1e: {  	s1 =	rddreg [dreg:$0xb]  }
0x1f: {  	[hbm:s22], [sflag:s3] =	dma.local [spmem:s1], $0x2710  }
0x20: {  	_ =	swait.ge [sflag:s15], $0x2710  }
0x21: {  	s12 =	rddreg [dreg:$0x3]  }
0x22: {  	s31 =	rddreg [dreg:$0xa];
	s12 =	sadd.s32 $0x1, s12  }
0x23: {  	p0 =	sne.s32 s12, s31  }
.Ltmp1:
0x24: {  	_ = 	snop;
	(pc) =	sbr.rel @!p0 .LBB2_11-.Ltmp1, $3  }
0x25: {  	_ =	sdelay $0x1  }
0x26: {  	[sflag:s15] =	ssyncset.done $0x0  }
0x27: {  	[sflag:s15] =	ssyncadd.s32 $0xFFFFD8F0  }
.LBB2_1:
0x28: {  	[dreg:$0x3] =	wrdreg s12  }
0x29: {  	s0 =	rddreg [dreg:$0x7]  }
0x2a: {  	[spmem:s1], [sflag:s3] =	dma.local [hbm:s0], $0x2710  }
.Ltmp2:
0x2b: {  	_ =	swait.ge [sflag:s15], $0x2710;
	(pc) =	sbr.rel .LBB2_2-.Ltmp2, $4  }
0x2c: {  	[sflag:s15] =	ssyncset.done $0x0  }
0x2d: {  	[sflag:s15] =	ssyncadd.s32 $0xFFFFD8F0  }
0x2e: {  	[bflag:$0x0] =	sbarrier.arrive $0xFFFF  }
0x2f: {  	s0 =	simm.s32 $0x0  }
.LBB2_9:
0x30: {  	s0 =	sadd.s32 $0x1, s0  }
0x31: {  	p0 =	sne.s32 s0, $0x5  }
.Ltmp3:
0x32: {  	_ = 	snop;
	(pc) =	sbr.rel @!p0 .LBB2_10-.Ltmp3, $2  }
0x33: {  	_ =	sdelay $0x2  }
0x34: {  	[spmem:s2] =	stream.indirect.scatter.add.f32 [tilespmem:s30], [sflag:$0x6], $0x80, s1, s18, $0xb8;
	[tilespmem:$0x19FF0] =	vst v63  }
.LBB2_2:
0x35: {  	p0 =	seq.s32 s0, $0x0  }
0x36: {  	s1 =	simm.s32 @!p0 $0x5  }
0x37: {  	_ =	swait.ge @!p0 [sflag:s1], $0x1400  }
0x38: {  	[sflag:s1] =	ssyncset.done @!p0 $0x0  }
0x39: {  	[sflag:s1] =	ssyncadd.s32 @!p0 $0xFFFFEC00;
	s1 =	simm.s32 @!p0 $0x6  }
0x3a: {  	s3 =	smul.u32 $0x7D0, s0;
	_ =	swait.ge @!p0 [sflag:s1], $0x1400  }
0x3b: {  	s6 =	rddreg [dreg:$0x6]  }
0x3c: {  	s3 =	sadd.s32 s6, s3  }
0x3d: {  	[sflag:s1] =	ssyncset.done @!p0 $0x0;
	s13 =	rddreg [dreg:$0x4];
	s3 =	sshrl.u32 s3, $0x3  }
0x3e: {  	s9 =	simm.s32 $0x0;
	[sflag:s1] =	ssyncadd.s32 @!p0 $0xFFFFEC00;
	s1 =	sadd.s32 s13, s3  }
0x3f: {  	[tilespmem:s9], [sflag:$0x7] =	stream.linear.gather [hbm4b:s1+s9], $0x7D0, $0x38;
	[tilespmem:$0x19FF0] =	vst v63  }
0x40: {  	_ =	swait.ge [sflag:s15], $0x7D0  }
0x41: {  	[sflag:s15] =	ssyncset.done $0x0;
	s14 =	rddreg [dreg:$0x5]  }
0x42: {  	[sflag:s15] =	ssyncadd.s32 $0xFFFFF830;
	s1 =	sadd.s32 s14, s3  }
0x43: {  	[tilespmem:s16], [sflag:$0x7] =	stream.linear.gather [hbm4b:s1+s9], $0x7D0, $0x38;
	[tilespmem:$0x19FF0] =	vst v63  }
0x44: {  	s17 =	smul.u32 $0xFA, s0;
	_ =	swait.ge [sflag:s15], $0x7D0  }
0x45: {  	[sflag:s15] =	ssyncset.done $0x0  }
0x46: {  	s19 =	simm.s32 $0xFA0;
	s1 =	sadd.s32 s11, s17;
	[sflag:s15] =	ssyncadd.s32 $0xFFFFF830  }
0x47: {  	[tilespmem:s19], [sflag:$0x7] =	stream.linear.gather [hbm4b:s1+s9], $0x7D0, $0x38;
	[tilespmem:$0x19FF0] =	vst v63  }
0x48: {  	_ =	swait.ge [sflag:s15], $0x7D0  }
0x49: {  	[sflag:s15] =	ssyncset.done $0x0  }
0x4a: {  	s20 =	simm.s32 $0x1770;
	[sflag:s15] =	ssyncadd.s32 $0xFFFFF830  }
0x4b: {  	[tilespmem:s20], [sflag:$0x1] =	stream.indirect.gather [hbm4b:s4+s18], $0x40, s9, s18, $0xb8;
	[tilespmem:$0x19FF0] =	vst v63  }
0x4c: {  	s22 =	simm.s32 $0x2B70  }
0x4d: {  	[tilespmem:s22], [sflag:$0x3] =	stream.indirect.gather [hbm4b:s5+s18], $0x40, s16, s18, $0xb8;
	[tilespmem:$0x19FF0] =	vst v63  }
0x4e: {  	_ = 	snop  }
0x4f: {  	[tilespmem:s21], [sflag:$0x2] =	stream.indirect.gather [hbm4b:s4+s18], $0x40, s18, s18, $0xb8;
	[tilespmem:$0x19FF0] =	vst v63  }
0x50: {  	s31 =	simm.s32 $0x7F8  }
0x51: {  	[tilespmem:s23], [sflag:$0x4] =	stream.indirect.gather [hbm4b:s5+s18], $0x40, s31, s18, $0xb8;
	[tilespmem:$0x19FF0] =	vst v63  }
.LBB2_3:
0x52: {  	_ =	swait.ge [sflag:s24], $0xA00  }
0x53: {  	[sflag:s24] =	ssyncset.done $0x0  }
0x54: {  	[sflag:s24] =	ssyncadd.s32 $0xFFFFF600  }
0x55: {  	_ =	swait.ge [sflag:s25], $0xA00  }
0x56: {  	p0 =	seq.s32 s9, $0x0;
	[sflag:s25] =	ssyncset.done $0x0  }
0x57: {  	s1 =	simm.s32 @!p0 $0x5;
	[sflag:s25] =	ssyncadd.s32 $0xFFFFF600  }
0x58: {  	_ =	swait.ge @!p0 [sflag:s1], $0x1400  }
0x59: {  	[sflag:s1] =	ssyncset.done @!p0 $0x0  }
0x5a: {  	s7 =	simm.s32 $0x2BF0;
	[sflag:s1] =	ssyncadd.s32 @!p0 $0xFFFFEC00  }
0x5b: {  	s19 =	simm.s32 $0x17F0;
	v0 =	vld [tilespmem:s7+$0x40]  }
0x5c: {  	v1 =	vld [tilespmem:s19+$0x40]  }
0x5d: {  	v2 =	vld [tilespmem:s19+$0xFFFFFFC0]  }
0x5e: {  	v3 =	vld [tilespmem:s7+$0xFFFFFFC0]  }
0x5f: {  	v4 =	vld [tilespmem:s7+$0xFFFFFF80]  }
0x60: {  	s31 =	simm.s32 $0x2CF0;
	v7 =	vld [tilespmem:s19+$0x0]  }
0x61: {  	v13 =	vld [tilespmem:s31+$0x0];
	v5 =	vunpack.i.u.bf16.f32 v0;
	v6 =	vunpack.i.u.bf16.f32 v1  }
0x62: {  	s13 =	simm.s32 $0x19F0;
	v0 =	vunpack.i.l.bf16.f32 v0;
	v1 =	vunpack.i.l.bf16.f32 v1;
	v5 =	vmul.f32 v5, v6;
	v6 =	vld [tilespmem:s19+$0xFFFFFF80]  }
0x63: {  	s3 =	simm.s32 $0x4070;
	s6 =	simm.s32 $0x1AF0;
	v19 =	vld [tilespmem:s13+$0x40];
	v0 =	vmul.f32 v0, v1  }
0x64: {  	v29 =	vld [tilespmem:s6+$0x0];
	v8 =	vunpack.i.u.bf16.f32 v3;
	[tilespmem:s3+$0x90] =	vst v5;
	v5 =	vunpack.i.u.bf16.f32 v2  }
0x65: {  	v3 =	vunpack.i.l.bf16.f32 v3;
	v1 =	vld [tilespmem:s7+$0x0];
	[tilespmem:s3+$0x80] =	vst v0;
	v2 =	vunpack.i.l.bf16.f32 v2;
	v5 =	vmul.f32 v8, v5  }
0x66: {  	v10 =	vunpack.i.u.bf16.f32 v4;
	v9 =	vld [tilespmem:s19+$0x50];
	v2 =	vmul.f32 v3, v2  }
0x67: {  	s10 =	simm.s32 $0x18F0;
	v11 =	vld [tilespmem:s7+$0x50];
	v3 =	vunpack.i.l.bf16.f32 v4;
	v8 =	vunpack.i.u.bf16.f32 v6;
	v4 =	vunpack.i.l.bf16.f32 v6;
	[tilespmem:s3+$0xFFFFFF90] =	vst v5  }
0x68: {  	[tilespmem:s3+$0xFFFFFF80] =	vst v2;
	v6 =	vmul.f32 v10, v8;
	v8 =	vld [tilespmem:s10+$0x40];
	v3 =	vmul.f32 v3, v4  }
0x69: {  	v2 =	vld [tilespmem:s7+$0xFFFFFFD0]  }
0x6a: {  	s22 =	simm.s32 $0x2EF0;
	[tilespmem:s3+$0xFFFFFF00] =	vst v3;
	v3 =	vld [tilespmem:s19+$0xFFFFFFD0]  }
0x6b: {  	v30 =	vld [tilespmem:s22+$0x0];
	v5 =	vunpack.i.u.bf16.f32 v1;
	[tilespmem:s3+$0xFFFFFF10] =	vst v6;
	v6 =	vunpack.i.u.bf16.f32 v7  }
0x6c: {  	v0 =	vld [tilespmem:s31+$0x40];
	v1 =	vunpack.i.l.bf16.f32 v1;
	v7 =	vunpack.i.l.bf16.f32 v7;
	v5 =	vmul.f32 v5, v6  }
0x6d: {  	v4 =	vld [tilespmem:s31+$0xFFFFFF80];
	v12 =	vunpack.i.l.bf16.f32 v11;
	v1 =	vmul.f32 v1, v7  }
0x6e: {  	v10 =	vld [tilespmem:s19+$0xFFFFFF90];
	[tilespmem:s3+$0x10] =	vst v5;
	v5 =	vunpack.i.l.bf16.f32 v9;
	v14 =	vunpack.i.u.bf16.f32 v2;
	v2 =	vunpack.i.l.bf16.f32 v2  }
0x6f: {  	v6 =	vld [tilespmem:s7+$0xFFFFFF90];
	v16 =	vunpack.i.u.bf16.f32 v8;
	v5 =	vmul.f32 v12, v5;
	v12 =	vunpack.i.u.bf16.f32 v3  }
0x70: {  	v7 =	vld [tilespmem:s10+$0x0];
	v8 =	vunpack.i.l.bf16.f32 v8;
	v3 =	vunpack.i.l.bf16.f32 v3;
	v12 =	vmul.f32 v14, v12  }
0x71: {  	[tilespmem:s3+$0x0] =	vst v1;
	v1 =	vld [tilespmem:s10+$0xFFFFFF80];
	v14 =	vunpack.i.u.bf16.f32 v0;
	v2 =	vmul.f32 v2, v3;
	v3 =	vunpack.i.u.bf16.f32 v9  }
0x72: {  	v15 =	vld [tilespmem:s7+$0x10];
	[tilespmem:s3+$0xA0] =	vst v5;
	v9 =	vunpack.i.u.bf16.f32 v11;
	v0 =	vunpack.i.l.bf16.f32 v0;
	v11 =	vmul.f32 v14, v16  }
0x73: {  	s1 =	simm.s32 $0x4270;
	v5 =	vld [tilespmem:s10+$0xFFFFFFC0];
	v0 =	vmul.f32 v0, v8;
	[tilespmem:s3+$0xFFFFFFB0] =	vst v12  }
0x74: {  	v14 =	vld [tilespmem:s31+$0xFFFFFFC0];
	v3 =	vmul.f32 v9, v3;
	v8 =	vunpack.i.u.bf16.f32 v10;
	[tilespmem:s1+$0x90] =	vst v11  }
0x75: {  	v9 =	vld [tilespmem:s19+$0x10];
	v10 =	vunpack.i.l.bf16.f32 v10;
	v11 =	vunpack.i.u.bf16.f32 v6;
	v6 =	vunpack.i.l.bf16.f32 v6;
	[tilespmem:s1+$0x80] =	vst v0  }
0x76: {  	[tilespmem:s3+$0xB0] =	vst v3;
	v8 =	vmul.f32 v11, v8;
	v6 =	vmul.f32 v6, v10;
	v10 =	vld [tilespmem:s10+$0x50]  }
0x77: {  	v17 =	vunpack.i.u.bf16.f32 v7;
	v7 =	vunpack.i.l.bf16.f32 v7;
	[tilespmem:s3+$0xFFFFFFA0] =	vst v2;
	v12 =	vunpack.i.u.bf16.f32 v4;
	v16 =	vld [tilespmem:s7+$0x60]  }
0x78: {  	v4 =	vunpack.i.l.bf16.f32 v4;
	v2 =	vld [tilespmem:s19+$0xFFFFFFE0];
	v11 =	vunpack.i.u.bf16.f32 v15;
	[tilespmem:s3+$0xFFFFFF30] =	vst v8;
	v8 =	vunpack.i.u.bf16.f32 v1  }
0x79: {  	s12 =	simm.s32 $0x2DF0;
	v0 =	vld [tilespmem:s19+$0x60];
	[tilespmem:s3+$0xFFFFFF20] =	vst v6;
	v1 =	vunpack.i.l.bf16.f32 v1;
	v18 =	vunpack.i.l.bf16.f32 v14;
	v6 =	vmul.f32 v12, v8  }
0x7a: {  	v3 =	vld [tilespmem:s12+$0x40];
	v14 =	vunpack.i.u.bf16.f32 v14;
	v12 =	vunpack.i.u.bf16.f32 v13;
	v1 =	vmul.f32 v4, v1  }
0x7b: {  	v8 =	vld [tilespmem:s31+$0x50];
	v13 =	vunpack.i.l.bf16.f32 v13;
	[tilespmem:s1+$0xFFFFFF10] =	vst v6;
	v6 =	vmul.f32 v12, v17;
	v12 =	vunpack.i.u.bf16.f32 v5  }
0x7c: {  	v4 =	vld [tilespmem:s19+$0xFFFFFFA0];
	[tilespmem:s1+$0xFFFFFF00] =	vst v1;
	v1 =	vunpack.i.l.bf16.f32 v5;
	v20 =	vunpack.i.u.bf16.f32 v10;
	v22 =	vunpack.i.u.bf16.f32 v16  }
0x7d: {  	v24 =	vld [tilespmem:s7+$0xFFFFFFA0];
	v10 =	vunpack.i.l.bf16.f32 v10;
	v5 =	vmul.f32 v14, v12;
	v12 =	vunpack.i.u.bf16.f32 v2  }
0x7e: {  	v17 =	vld [tilespmem:s12+$0xFFFFFF80];
	v1 =	vmul.f32 v18, v1;
	v18 =	vunpack.i.u.bf16.f32 v0;
	v0 =	vunpack.i.l.bf16.f32 v0  }
0x7f: {  	v14 =	vld [tilespmem:s10+$0xFFFFFF90];
	v2 =	vunpack.i.l.bf16.f32 v2;
	v18 =	vmul.f32 v22, v18;
	[tilespmem:s1+$0x10] =	vst v6;
	v6 =	vunpack.i.l.bf16.f32 v16  }
0x80: {  	v21 =	vld [tilespmem:s31+$0xFFFFFF90];
	v23 =	vunpack.i.l.bf16.f32 v8;
	[tilespmem:s1+$0xFFFFFF90] =	vst v5;
	v5 =	vmul.f32 v13, v7;
	v7 =	vunpack.i.u.bf16.f32 v9  }
0x81: {  	v22 =	vld [tilespmem:s12+$0x0];
	[tilespmem:s1+$0xFFFFFF80] =	vst v1;
	v9 =	vunpack.i.l.bf16.f32 v9;
	v0 =	vmul.f32 v6, v0;
	v8 =	vunpack.i.u.bf16.f32 v8  }
0x82: {  	v13 =	vld [tilespmem:s13+$0x0];
	v1 =	vmul.f32 v23, v10;
	v10 =	vunpack.i.u.bf16.f32 v3;
	v3 =	vunpack.i.l.bf16.f32 v3;
	[tilespmem:s3+$0xD0] =	vst v18  }
0x83: {  	v23 =	vunpack.i.u.bf16.f32 v19;
	v19 =	vunpack.i.l.bf16.f32 v19;
	v25 =	vld [tilespmem:s31+$0xFFFFFFD0];
	v7 =	vmul.f32 v11, v7;
	[tilespmem:s1+$0x0] =	vst v5  }
0x84: {  	v16 =	vld [tilespmem:s10+$0xFFFFFFD0];
	v3 =	vmul.f32 v3, v19;
	v10 =	vmul.f32 v10, v23;
	v19 =	vunpack.i.u.bf16.f32 v24;
	[tilespmem:s3+$0xC0] =	vst v0  }
0x85: {  	v11 =	vld [tilespmem:s7+$0xFFFFFFE0];
	[tilespmem:s1+$0xA0] =	vst v1;
	v1 =	vunpack.i.l.bf16.f32 v15;
	v5 =	vunpack.i.u.bf16.f32 v14;
	v15 =	vunpack.i.u.bf16.f32 v4  }
0x86: {  	s14 =	simm.s32 $0x4470;
	v23 =	vld [tilespmem:s13+$0xFFFFFF80];
	v18 =	vunpack.i.u.bf16.f32 v21;
	[tilespmem:s3+$0x30] =	vst v7;
	v4 =	vunpack.i.l.bf16.f32 v4;
	v15 =	vmul.f32 v19, v15  }
0x87: {  	v6 =	vld [tilespmem:s31+$0x10];
	v19 =	vunpack.i.l.bf16.f32 v21;
	v1 =	vmul.f32 v1, v9;
	v9 =	vunpack.i.l.bf16.f32 v14;
	[tilespmem:s14+$0x90] =	vst v10  }
0x88: {  	v7 =	vld [tilespmem:s13+$0xFFFFFFC0];
	v21 =	vunpack.i.l.bf16.f32 v24;
	v5 =	vmul.f32 v18, v5;
	[tilespmem:s14+$0x80] =	vst v3;
	v9 =	vmul.f32 v19, v9  }
0x89: {  	v14 =	vld [tilespmem:s12+$0xFFFFFFC0];
	v19 =	vunpack.i.l.bf16.f32 v22;
	[tilespmem:s3+$0xFFFFFF50] =	vst v15;
	v15 =	vunpack.i.u.bf16.f32 v16;
	v18 =	vunpack.i.u.bf16.f32 v25  }
0x8a: {  	v24 =	vld [tilespmem:s10+$0x10];
	[tilespmem:s3+$0x20] =	vst v1;
	v1 =	vmul.f32 v21, v4;
	v4 =	vunpack.i.l.bf16.f32 v16;
	v16 =	vunpack.i.l.bf16.f32 v25  }
0x8b: {  	v26 =	vld [tilespmem:s13+$0x50];
	v10 =	vunpack.i.l.bf16.f32 v11;
	v21 =	vunpack.i.u.bf16.f32 v13;
	v13 =	vunpack.i.l.bf16.f32 v13;
	[tilespmem:s1+$0xFFFFFF30] =	vst v5  }
0x8c: {  	v25 =	vunpack.i.u.bf16.f32 v17;
	v17 =	vunpack.i.l.bf16.f32 v17;
	v15 =	vmul.f32 v18, v15;
	v0 =	vld [tilespmem:s7+$0x20];
	[tilespmem:s1+$0xFFFFFF20] =	vst v9  }
0x8d: {  	v4 =	vmul.f32 v16, v4;
	v16 =	vld [tilespmem:s19+$0x70];
	[tilespmem:s3+$0xFFFFFF40] =	vst v1;
	v1 =	vmul.f32 v8, v20;
	v8 =	vunpack.i.u.bf16.f32 v11  }
0x8e: {  	v2 =	vmul.f32 v10, v2;
	v11 =	vunpack.i.u.bf16.f32 v22;
	v22 =	vld [tilespmem:s22+$0x40];
	[tilespmem:s1+$0xFFFFFFB0] =	vst v15;
	v8 =	vmul.f32 v8, v12  }
0x8f: {  	v15 =	vld [tilespmem:s7+$0xFFFFFFB0];
	v12 =	vunpack.i.u.bf16.f32 v23;
	[tilespmem:s1+$0xFFFFFFA0] =	vst v4;
	v3 =	vmul.f32 v11, v21;
	v11 =	vunpack.i.u.bf16.f32 v7  }
0x90: {  	v4 =	vld [tilespmem:s19+$0xFFFFFFB0];
	v7 =	vunpack.i.l.bf16.f32 v7;
	v23 =	vunpack.i.l.bf16.f32 v23;
	[tilespmem:s3+$0xFFFFFFC0] =	vst v2;
	v12 =	vmul.f32 v25, v12  }
0x91: {  	v5 =	vunpack.i.u.bf16.f32 v14;
	v20 =	vld [tilespmem:s10+$0xFFFFFFE0];
	[tilespmem:s1+$0xB0] =	vst v1;
	v1 =	vunpack.i.l.bf16.f32 v14;
	v9 =	vmul.f32 v17, v23  }
0x92: {  	v18 =	vunpack.i.u.bf16.f32 v6;
	v17 =	vld [tilespmem:s12+$0x50];
	v5 =	vmul.f32 v5, v11;
	v7 =	vmul.f32 v1, v7;
	[tilespmem:s14+$0xFFFFFF10] =	vst v12  }
0x93: {  	v21 =	vld [tilespmem:s10+$0x60];
	v12 =	vunpack.i.u.bf16.f32 v26;
	v28 =	vunpack.i.l.bf16.f32 v16;
	[tilespmem:s14+$0xFFFFFF00] =	vst v9;
	v9 =	vunpack.i.l.bf16.f32 v26  }
0x94: {  	v14 =	vld [tilespmem:s31+$0x60];
	[tilespmem:s14+$0xFFFFFF90] =	vst v5;
	v5 =	vmul.f32 v19, v13;
	v13 =	vunpack.i.u.bf16.f32 v24;
	v19 =	vunpack.i.l.bf16.f32 v0  }
0x95: {  	v2 =	vld [tilespmem:s22+$0xFFFFFF80];
	[tilespmem:s3+$0xFFFFFFD0] =	vst v8;
	v0 =	vunpack.i.u.bf16.f32 v0;
	v25 =	vunpack.i.l.bf16.f32 v4;
	v23 =	vunpack.i.u.bf16.f32 v15  }
0x96: {  	v8 =	vld [tilespmem:s10+$0xFFFFFFA0];
	v11 =	vunpack.i.l.bf16.f32 v15;
	v1 =	vunpack.i.u.bf16.f32 v4;
	[tilespmem:s14+$0x0] =	vst v5;
	v5 =	vunpack.i.l.bf16.f32 v6  }
0x97: {  	v26 =	vld [tilespmem:s13+$0xFFFFFF90];
	v6 =	vmul.f32 v18, v13;
	v10 =	vunpack.i.u.bf16.f32 v20;
	v4 =	vmul.f32 v11, v25  }
0x98: {  	v11 =	vld [tilespmem:s19+$0x20];
	v15 =	vmul.f32 v23, v1;
	v1 =	vunpack.i.u.bf16.f32 v16;
	v16 =	vunpack.i.l.bf16.f32 v17  }
0x99: {  	[tilespmem:s14+$0x10] =	vst v3;
	v25 =	vld [tilespmem:s6+$0x40];
	v17 =	vunpack.i.u.bf16.f32 v17;
	v3 =	vunpack.i.u.bf16.f32 v21;
	v27 =	vunpack.i.u.bf16.f32 v14  }
0x9a: {  	[tilespmem:s14+$0xFFFFFF80] =	vst v7;
	v23 =	vld [tilespmem:s7+$0xFFFFFFF0];
	v7 =	vmul.f32 v16, v9;
	v9 =	vunpack.i.u.bf16.f32 v22;
	v16 =	vunpack.i.l.bf16.f32 v22  }
0x9b: {  	v22 =	vld [tilespmem:s31+$0xFFFFFFA0];
	v21 =	vunpack.i.l.bf16.f32 v21;
	[tilespmem:s1+$0x30] =	vst v6;
	v31 =	vmul.f32 v17, v12;
	v3 =	vmul.f32 v27, v3  }
0x9c: {  	v27 =	vld [tilespmem:s12+$0xFFFFFF90];
	[tilespmem:s14+$0xA0] =	vst v7;
	v7 =	vunpack.i.l.bf16.f32 v14;
	v14 =	vunpack.i.l.bf16.f32 v24;
	v13 =	vunpack.i.u.bf16.f32 v26  }
0x9d: {  	v24 =	vld [tilespmem:s31+$0xFFFFFFE0];
	v6 =	vunpack.i.l.bf16.f32 v26;
	[tilespmem:s1+$0xD0] =	vst v3;
	v5 =	vmul.f32 v5, v14;
	v3 =	vunpack.i.l.bf16.f32 v11  }
0x9e: {  	[tilespmem:s3+$0xFFFFFF70] =	vst v15;
	v14 =	vld [tilespmem:s6+$0xFFFFFFC0];
	v15 =	vunpack.i.u.bf16.f32 v25;
	v25 =	vunpack.i.l.bf16.f32 v25;
	v3 =	vmul.f32 v19, v3  }
0x9f: {  	[tilespmem:s3+$0xFFFFFF60] =	vst v4;
	v4 =	vunpack.i.u.bf16.f32 v11;
	v11 =	vunpack.i.u.bf16.f32 v8;
	v9 =	vmul.f32 v9, v15;
	v15 =	vld [tilespmem:s13+$0xFFFFFFD0]  }
0xa0: {  	s17 =	simm.s32 $0x4670;
	v25 =	vmul.f32 v16, v25;
	v16 =	vld [tilespmem:s12+$0xFFFFFFD0];
	v18 =	vunpack.i.u.bf16.f32 v22;
	[tilespmem:s3+$0x40] =	vst v3;
	v3 =	vmul.f32 v0, v4  }
0xa1: {  	v26 =	vunpack.i.u.bf16.f32 v29;
	[tilespmem:s17+$0x90] =	vst v9;
	v0 =	vunpack.i.u.bf16.f32 v27;
	v4 =	vmul.f32 v18, v11;
	v11 =	vld [tilespmem:s19+$0xFFFFFFF0]  }
0xa2: {  	v9 =	vmul.f32 v7, v21;
	v7 =	vld [tilespmem:s6+$0xFFFFFF80];
	v18 =	vunpack.i.l.bf16.f32 v27;
	v21 =	vunpack.i.l.bf16.f32 v22;
	[tilespmem:s3+$0x50] =	vst v3  }
0xa3: {  	v27 =	vunpack.i.l.bf16.f32 v23;
	v13 =	vmul.f32 v0, v13;
	v0 =	vld [tilespmem:s12+$0x10];
	v3 =	vmul.f32 v18, v6;
	[tilespmem:s1+$0xFFFFFF50] =	vst v4  }
0xa4: {  	[tilespmem:s1+$0xC0] =	vst v9;
	v9 =	vunpack.i.l.bf16.f32 v30;
	v6 =	vunpack.i.l.bf16.f32 v15;
	v17 =	vld [tilespmem:s19+$0x30];
	v4 =	vunpack.i.u.bf16.f32 v15  }
0xa5: {  	[tilespmem:s14+$0xFFFFFF30] =	vst v13;
	v12 =	vunpack.i.u.bf16.f32 v16;
	v19 =	vunpack.i.l.bf16.f32 v16;
	v18 =	vld [tilespmem:s7+$0x30];
	v13 =	vunpack.i.l.bf16.f32 v20  }
0xa6: {  	[tilespmem:s1+$0x20] =	vst v5;
	v16 =	vld [tilespmem:s7+$0x70];
	v20 =	vunpack.i.l.bf16.f32 v24;
	v4 =	vmul.f32 v12, v4;
	v12 =	vunpack.i.u.bf16.f32 v24  }
0xa7: {  	v15 =	vld [tilespmem:s22+$0xFFFFFFC0];
	[tilespmem:s14+$0xFFFFFF20] =	vst v3;
	v3 =	vunpack.i.l.bf16.f32 v8;
	v8 =	vunpack.i.u.bf16.f32 v23;
	v22 =	vunpack.i.u.bf16.f32 v11  }
0xa8: {  	[tilespmem:s17+$0x80] =	vst v25;
	v32 =	vunpack.i.l.bf16.f32 v11;
	v11 =	vmul.f32 v19, v6;
	v3 =	vmul.f32 v21, v3;
	v6 =	vld [tilespmem:s31+$0x20]  }
0xa9: {  	v19 =	vmul.f32 v12, v10;
	v12 =	vunpack.i.u.bf16.f32 v7;
	[tilespmem:s14+$0xFFFFFFB0] =	vst v4;
	v4 =	vld [tilespmem:s13+$0x10];
	v5 =	vunpack.i.u.bf16.f32 v0  }
0xaa: {  	v25 =	vmul.f32 v8, v22;
	v8 =	vunpack.i.u.bf16.f32 v30;
	v27 =	vmul.f32 v27, v32;
	[tilespmem:s1+$0xFFFFFF40] =	vst v3;
	v3 =	vld [tilespmem:s10+$0x70]  }
0xab: {  	[tilespmem:s14+$0xB0] =	vst v31;
	v21 =	vunpack.i.u.bf16.f32 v17;
	v24 =	vunpack.i.l.bf16.f32 v17;
	v10 =	vunpack.i.l.bf16.f32 v16;
	v17 =	vld [tilespmem:s31+$0xFFFFFFB0]  }
0xac: {  	s20 =	simm.s32 $0x1AF0;
	s7 =	simm.s32 $0xC;
	s19 =	simm.s32 $0x2EF0;
	[tilespmem:s14+$0xFFFFFFA0] =	vst v11;
	v22 =	vunpack.i.l.bf16.f32 v18;
	v11 =	vld [tilespmem:s10+$0xFFFFFFB0];
	v23 =	vmul.f32 v10, v28;
	v10 =	vunpack.i.l.bf16.f32 v29  }
.LBB2_4:
0xad: {  	s7 =	sadd.s32 $0x4, s7;
	v28 =	vunpack.i.l.bf16.f32 v15;
	v26 =	vmul.f32 v8, v26;
	s22 =	sadd.s32 $0x100, s22;
	v8 =	vld [tilespmem:s13+$0xFFFFFFE0];
	[tilespmem:s3+$0xFFFFFFF0] =	vst v25;
	v18 =	vunpack.i.u.bf16.f32 v18  }
0xae: {  	v29 =	vunpack.i.u.bf16.f32 v14;
	v14 =	vunpack.i.l.bf16.f32 v14;
	v25 =	vld [tilespmem:s22+$0x40];
	p1 =	slt.u32 s7, $0x24;
	[tilespmem:s3+$0xFFFFFFE0] =	vst v27;
	v18 =	vmul.f32 v18, v21  }
0xaf: {  	v21 =	vunpack.i.u.bf16.f32 v2;
	v2 =	vunpack.i.l.bf16.f32 v2;
	v27 =	vld [tilespmem:s13+$0x60];
	[tilespmem:s1+$0xFFFFFFD0] =	vst v19;
	v19 =	vmul.f32 v22, v24  }
0xb0: {  	v7 =	vunpack.i.l.bf16.f32 v7;
	v15 =	vunpack.i.u.bf16.f32 v15;
	v16 =	vunpack.i.u.bf16.f32 v16;
	v22 =	vld [tilespmem:s6+$0x50];
	[tilespmem:s3+$0x70] =	vst v18  }
0xb1: {  	v1 =	vmul.f32 v16, v1;
	v18 =	vmul.f32 v21, v12;
	v21 =	vld [tilespmem:s12+$0x60];
	v24 =	vunpack.i.l.bf16.f32 v11;
	[tilespmem:s3+$0xE0] =	vst v23  }
0xb2: {  	v13 =	vmul.f32 v20, v13;
	v7 =	vmul.f32 v2, v7;
	v2 =	vunpack.i.u.bf16.f32 v17;
	v16 =	vld [tilespmem:s19+$0x50];
	[tilespmem:s3+$0x60] =	vst v19  }
0xb3: {  	v15 =	vmul.f32 v15, v29;
	v17 =	vunpack.i.l.bf16.f32 v17;
	v12 =	vunpack.i.u.bf16.f32 v8;
	v19 =	vld [tilespmem:s13+$0xFFFFFFA0];
	[tilespmem:s3+$0xF0] =	vst v1;
	s3 =	smov.u32 s1;
	s1 =	smov.u32 s14;
	s14 =	smov.u32 s17  }
0xb4: {  	v14 =	vmul.f32 v28, v14;
	v17 =	vmul.f32 v17, v24;
	v1 =	vunpack.i.u.bf16.f32 v11;
	[tilespmem:s3+$0xFFFFFFC0] =	vst v13;
	v13 =	vld [tilespmem:s10+$0x20]  }
0xb5: {  	s6 =	sadd.s32 $0x100, s6;
	v20 =	vunpack.i.u.bf16.f32 v27;
	v23 =	vmul.f32 v2, v1;
	v1 =	vunpack.i.u.bf16.f32 v3;
	[tilespmem:s17+$0x10] =	vst v26;
	v24 =	vld [tilespmem:s31+$0xFFFFFFF0]  }
0xb6: {  	v11 =	vunpack.i.l.bf16.f32 v3;
	v26 =	vld [tilespmem:s6+$0x40];
	[tilespmem:s17+$0xFFFFFF10] =	vst v18;
	v18 =	vunpack.i.u.bf16.f32 v22;
	v28 =	vunpack.i.u.bf16.f32 v21  }
0xb7: {  	v3 =	vunpack.i.l.bf16.f32 v22;
	v2 =	vld [tilespmem:s22+$0xFFFFFF80];
	[tilespmem:s17+$0xFFFFFF00] =	vst v7;
	v7 =	vunpack.i.l.bf16.f32 v16;
	v20 =	vmul.f32 v28, v20  }
0xb8: {  	v9 =	vmul.f32 v9, v10;
	v10 =	vunpack.i.u.bf16.f32 v4;
	v22 =	vld [tilespmem:s20+$0xFFFFFF90];
	[tilespmem:s17+$0xFFFFFF90] =	vst v15;
	v15 =	vunpack.i.l.bf16.f32 v6  }
0xb9: {  	v3 =	vmul.f32 v7, v3;
	v6 =	vunpack.i.u.bf16.f32 v6;
	v28 =	vld [tilespmem:s19+$0xFFFFFF90];
	[tilespmem:s17+$0xFFFFFF80] =	vst v14;
	v14 =	vunpack.i.u.bf16.f32 v16  }
0xba: {  	v27 =	vunpack.i.l.bf16.f32 v27;
	v7 =	vunpack.i.u.bf16.f32 v25;
	v16 =	vunpack.i.l.bf16.f32 v25;
	v25 =	vld [tilespmem:s12+$0xFFFFFFA0];
	[tilespmem:s3+$0xFFFFFF70] =	vst v23  }
0xbb: {  	v29 =	vld [tilespmem:s6+$0x0];
	v23 =	vunpack.i.u.bf16.f32 v26;
	v26 =	vunpack.i.l.bf16.f32 v26;
	[tilespmem:s17+$0xA0] =	vst v3;
	v3 =	vunpack.i.l.bf16.f32 v21  }
0xbc: {  	v4 =	vunpack.i.l.bf16.f32 v4;
	v30 =	vld [tilespmem:s22+$0x0];
	v26 =	vmul.f32 v16, v26;
	[tilespmem:s1+$0xD0] =	vst v20;
	v16 =	vunpack.i.l.bf16.f32 v13  }
0xbd: {  	v0 =	vunpack.i.l.bf16.f32 v0;
	v5 =	vmul.f32 v5, v10;
	s17 =	sadd.s32 $0x200, s17;
	v20 =	vld [tilespmem:s19+$0xFFFFFFD0];
	[tilespmem:s14+$0x0] =	vst v9;
	v9 =	vmul.f32 v15, v16  }
0xbe: {  	v7 =	vmul.f32 v7, v23;
	v13 =	vunpack.i.u.bf16.f32 v13;
	v10 =	vunpack.i.u.bf16.f32 v22;
	v15 =	vld [tilespmem:s20+$0xFFFFFFD0];
	[tilespmem:s3+$0xFFFFFF60] =	vst v17  }
0xbf: {  	v16 =	vunpack.i.u.bf16.f32 v19;
	v6 =	vmul.f32 v6, v13;
	v17 =	vunpack.i.u.bf16.f32 v25;
	v23 =	vld [tilespmem:s12+$0xFFFFFFE0];
	[tilespmem:s3+$0x40] =	vst v9  }
0xc0: {  	v3 =	vmul.f32 v3, v27;
	v9 =	vunpack.i.u.bf16.f32 v28;
	[tilespmem:s17+$0x90] =	vst v7;
	v13 =	vmul.f32 v17, v16;
	v17 =	vld [tilespmem:s10+$0xFFFFFFF0]  }
0xc1: {  	v4 =	vmul.f32 v0, v4;
	v21 =	vunpack.i.l.bf16.f32 v25;
	v16 =	vunpack.i.l.bf16.f32 v28;
	v7 =	vld [tilespmem:s6+$0xFFFFFF80];
	[tilespmem:s1+$0x30] =	vst v5  }
0xc2: {  	v27 =	vunpack.i.l.bf16.f32 v24;
	v9 =	vmul.f32 v9, v10;
	v5 =	vunpack.i.l.bf16.f32 v22;
	v0 =	vld [tilespmem:s19+$0x10];
	[tilespmem:s3+$0x50] =	vst v6  }
0xc3: {  	v28 =	vmul.f32 v14, v18;
	v5 =	vmul.f32 v16, v5;
	v6 =	vunpack.i.l.bf16.f32 v15;
	[tilespmem:s1+$0xFFFFFF50] =	vst v13;
	v10 =	vld [tilespmem:s10+$0x30];
	s10 =	smov.u32 s13;
	s13 =	smov.u32 s20;
	s20 =	smov.u32 s6  }
0xc4: {  	v13 =	vunpack.i.u.bf16.f32 v20;
	v20 =	vunpack.i.l.bf16.f32 v20;
	[tilespmem:s14+$0xFFFFFF30] =	vst v9;
	v9 =	vunpack.i.u.bf16.f32 v15;
	v18 =	vld [tilespmem:s31+$0x30]  }
0xc5: {  	v22 =	vunpack.i.u.bf16.f32 v23;
	v9 =	vmul.f32 v13, v9;
	[tilespmem:s1+$0x20] =	vst v4;
	v25 =	vunpack.i.u.bf16.f32 v17;
	v16 =	vld [tilespmem:s31+$0x70];
	s31 =	smov.u32 s12;
	s12 =	smov.u32 s19;
	s19 =	smov.u32 s22  }
0xc6: {  	v13 =	vunpack.i.l.bf16.f32 v8;
	v31 =	vunpack.i.l.bf16.f32 v17;
	v14 =	vld [tilespmem:s6+$0xFFFFFFC0];
	[tilespmem:s14+$0xFFFFFF20] =	vst v5;
	v5 =	vunpack.i.l.bf16.f32 v19  }
0xc7: {  	v17 =	vmul.f32 v20, v6;
	v8 =	vunpack.i.u.bf16.f32 v24;
	v19 =	vmul.f32 v22, v12;
	v15 =	vld [tilespmem:s22+$0xFFFFFFC0];
	[tilespmem:s14+$0xFFFFFFB0] =	vst v9  }
.Ltmp4:
0xc8: {  	v12 =	vunpack.i.u.bf16.f32 v7;
	v9 =	vmul.f32 v21, v5;
	v4 =	vld [tilespmem:s13+$0x10];
	[tilespmem:s1+$0xC0] =	vst v3;
	v21 =	vunpack.i.u.bf16.f32 v10;
	(pc) =	sbr.rel @p1 .LBB2_4-.Ltmp4, $4  }
0xc9: {  	v25 =	vmul.f32 v8, v25;
	v5 =	vunpack.i.u.bf16.f32 v0;
	[tilespmem:s17+$0x80] =	vst v26;
	v6 =	vld [tilespmem:s31+$0x20];
	v22 =	vunpack.i.l.bf16.f32 v18  }
0xca: {  	v20 =	vunpack.i.l.bf16.f32 v23;
	v24 =	vunpack.i.l.bf16.f32 v10;
	[tilespmem:s1+$0xFFFFFF40] =	vst v9;
	v3 =	vld [tilespmem:s10+$0x70];
	v10 =	vunpack.i.l.bf16.f32 v16  }
0xcb: {  	v8 =	vunpack.i.u.bf16.f32 v30;
	v9 =	vunpack.i.l.bf16.f32 v30;
	[tilespmem:s14+$0xFFFFFFA0] =	vst v17;
	v17 =	vld [tilespmem:s31+$0xFFFFFFB0];
	v23 =	vmul.f32 v10, v11  }
0xcc: {  	v27 =	vmul.f32 v27, v31;
	v26 =	vunpack.i.u.bf16.f32 v29;
	v10 =	vunpack.i.l.bf16.f32 v29;
	[tilespmem:s14+$0xB0] =	vst v28;
	v11 =	vld [tilespmem:s10+$0xFFFFFFB0]  }
0xcd: {  	[tilespmem:s3+$0xFFFFFFF0] =	vst v25  }
0xce: {  	[tilespmem:s1+$0xFFFFFFD0] =	vst v19  }
0xcf: {  	v19 =	vmul.f32 v22, v24;
	[tilespmem:s3+$0xE0] =	vst v23  }
0xd0: {  	v13 =	vmul.f32 v20, v13;
	[tilespmem:s3+$0xFFFFFFE0] =	vst v27  }
0xd1: {  	v18 =	vunpack.i.u.bf16.f32 v18;
	v8 =	vmul.f32 v8, v26;
	[tilespmem:s3+$0x60] =	vst v19  }
0xd2: {  	v16 =	vunpack.i.u.bf16.f32 v16;
	v20 =	vld [tilespmem:s19+$0x50];
	v18 =	vmul.f32 v18, v21;
	[tilespmem:s1+$0xFFFFFFC0] =	vst v13  }
0xd3: {  	v1 =	vmul.f32 v16, v1;
	v16 =	vld [tilespmem:s6+$0x50];
	[tilespmem:s17+$0x10] =	vst v8  }
0xd4: {  	v9 =	vmul.f32 v9, v10;
	v19 =	vunpack.i.u.bf16.f32 v2;
	[tilespmem:s3+$0x70] =	vst v18;
	v18 =	vld [tilespmem:s13+$0x60]  }
0xd5: {  	[tilespmem:s3+$0xF0] =	vst v1;
	v1 =	vunpack.i.l.bf16.f32 v2;
	v2 =	vunpack.i.l.bf16.f32 v7;
	v7 =	vmul.f32 v19, v12;
	v12 =	vld [tilespmem:s12+$0x60]  }
0xd6: {  	v13 =	vunpack.i.u.bf16.f32 v14;
	[tilespmem:s17+$0x0] =	vst v9;
	v19 =	vunpack.i.u.bf16.f32 v15;
	v1 =	vmul.f32 v1, v2  }
0xd7: {  	v8 =	vunpack.i.l.bf16.f32 v14;
	v2 =	vunpack.i.l.bf16.f32 v15;
	v13 =	vmul.f32 v19, v13;
	[tilespmem:s17+$0xFFFFFF10] =	vst v7  }
0xd8: {  	v14 =	vld [tilespmem:s10+$0x20];
	v7 =	vunpack.i.u.bf16.f32 v17;
	v2 =	vmul.f32 v2, v8;
	v8 =	vunpack.i.u.bf16.f32 v11;
	[tilespmem:s17+$0xFFFFFF00] =	vst v1  }
0xd9: {  	v15 =	vunpack.i.l.bf16.f32 v20;
	v1 =	vld [tilespmem:s13+$0xFFFFFFA0];
	v7 =	vmul.f32 v7, v8;
	v8 =	vunpack.i.l.bf16.f32 v16;
	[tilespmem:s17+$0xFFFFFF90] =	vst v13  }
0xda: {  	v21 =	vld [tilespmem:s20+$0xFFFFFF90];
	[tilespmem:s17+$0xFFFFFF80] =	vst v2;
	v2 =	vmul.f32 v15, v8;
	v13 =	vunpack.i.u.bf16.f32 v18;
	v19 =	vunpack.i.u.bf16.f32 v12  }
0xdb: {  	[tilespmem:s1+$0xFFFFFF70] =	vst v7;
	v7 =	vunpack.i.l.bf16.f32 v11;
	v11 =	vunpack.i.l.bf16.f32 v17;
	v8 =	vmul.f32 v19, v13;
	v13 =	vld [tilespmem:s12+$0xFFFFFFA0]  }
0xdc: {  	v10 =	vld [tilespmem:s19+$0xFFFFFF90];
	[tilespmem:s17+$0xA0] =	vst v2;
	v2 =	vmul.f32 v11, v7;
	v11 =	vunpack.i.u.bf16.f32 v4  }
0xdd: {  	v0 =	vunpack.i.l.bf16.f32 v0;
	v4 =	vunpack.i.l.bf16.f32 v4;
	v5 =	vmul.f32 v5, v11;
	[tilespmem:s14+$0xD0] =	vst v8  }
0xde: {  	v15 =	vld [tilespmem:s19+$0xFFFFFFD0];
	v7 =	vunpack.i.l.bf16.f32 v6;
	v0 =	vmul.f32 v0, v4;
	v8 =	vunpack.i.l.bf16.f32 v14;
	[tilespmem:s1+$0xFFFFFF60] =	vst v2  }
0xdf: {  	v6 =	vunpack.i.u.bf16.f32 v6;
	v2 =	vunpack.i.u.bf16.f32 v14;
	v7 =	vmul.f32 v7, v8;
	v8 =	vld [tilespmem:s20+$0xFFFFFFD0];
	[tilespmem:s14+$0x30] =	vst v5  }
0xe0: {  	v9 =	vunpack.i.u.bf16.f32 v1;
	v2 =	vmul.f32 v6, v2;
	[tilespmem:s14+$0x20] =	vst v0;
	v11 =	vunpack.i.u.bf16.f32 v13  }
0xe1: {  	v6 =	vunpack.i.u.bf16.f32 v21;
	v5 =	vld [tilespmem:s13+$0xFFFFFFE0];
	[tilespmem:s1+$0x40] =	vst v7;
	v7 =	vunpack.i.u.bf16.f32 v10;
	v9 =	vmul.f32 v11, v9  }
0xe2: {  	v4 =	vunpack.i.l.bf16.f32 v21;
	[tilespmem:s1+$0x50] =	vst v2;
	v2 =	vld [tilespmem:s31+$0xFFFFFFF0];
	v6 =	vmul.f32 v7, v6;
	v7 =	vunpack.i.l.bf16.f32 v10  }
0xe3: {  	v10 =	vunpack.i.l.bf16.f32 v18;
	v11 =	vunpack.i.l.bf16.f32 v12;
	v4 =	vmul.f32 v7, v4;
	[tilespmem:s14+$0xFFFFFF50] =	vst v9;
	v9 =	vld [tilespmem:s10+$0xFFFFFFF0]  }
0xe4: {  	v12 =	vld [tilespmem:s12+$0xFFFFFFE0];
	v7 =	vunpack.i.u.bf16.f32 v15;
	v0 =	vmul.f32 v11, v10;
	[tilespmem:s17+$0xFFFFFF30] =	vst v6;
	v6 =	vunpack.i.u.bf16.f32 v8  }
0xe5: {  	v1 =	vunpack.i.l.bf16.f32 v1;
	v10 =	vld [tilespmem:s10+$0x30];
	v6 =	vmul.f32 v7, v6;
	v7 =	vunpack.i.l.bf16.f32 v13;
	[tilespmem:s17+$0xFFFFFF20] =	vst v4  }
0xe6: {  	v11 =	vld [tilespmem:s31+$0x30];
	v4 =	vunpack.i.l.bf16.f32 v8;
	v8 =	vunpack.i.l.bf16.f32 v15;
	[tilespmem:s14+$0xC0] =	vst v0;
	v1 =	vmul.f32 v7, v1  }
0xe7: {  	v13 =	vld [tilespmem:s31+$0x70];
	v7 =	vunpack.i.u.bf16.f32 v20;
	v4 =	vmul.f32 v8, v4;
	[tilespmem:s17+$0xFFFFFFB0] =	vst v6;
	v6 =	vunpack.i.u.bf16.f32 v16  }
0xe8: {  	v0 =	vld [tilespmem:s19+$0x10];
	v8 =	vunpack.i.u.bf16.f32 v2;
	v6 =	vmul.f32 v7, v6;
	[tilespmem:s14+$0xFFFFFF40] =	vst v1;
	v7 =	vunpack.i.u.bf16.f32 v9  }
0xe9: {  	v1 =	vunpack.i.l.bf16.f32 v2;
	[tilespmem:s17+$0xFFFFFFA0] =	vst v4;
	v2 =	vunpack.i.l.bf16.f32 v9;
	v4 =	vld [tilespmem:s12+$0xFFFFFFB0];
	v7 =	vmul.f32 v8, v7  }
0xea: {  	v9 =	vunpack.i.u.bf16.f32 v12;
	v8 =	vunpack.i.u.bf16.f32 v5;
	[tilespmem:s17+$0xB0] =	vst v6;
	v6 =	vld [tilespmem:s13+$0xFFFFFFB0];
	v1 =	vmul.f32 v1, v2  }
0xeb: {  	v2 =	vmul.f32 v9, v8;
	v8 =	vunpack.i.u.bf16.f32 v10;
	v9 =	vld [tilespmem:s20+$0x60];
	[tilespmem:s1+$0xFFFFFFF0] =	vst v7;
	v7 =	vunpack.i.u.bf16.f32 v11  }
0xec: {  	v14 =	vunpack.i.l.bf16.f32 v3;
	v15 =	vunpack.i.l.bf16.f32 v13;
	[tilespmem:s1+$0xFFFFFFE0] =	vst v1;
	v1 =	vmul.f32 v7, v8;
	v7 =	vld [tilespmem:s19+$0x60]  }
0xed: {  	v10 =	vunpack.i.l.bf16.f32 v10;
	v14 =	vmul.f32 v15, v14;
	v11 =	vunpack.i.l.bf16.f32 v11;
	v8 =	vld [tilespmem:s20+$0x10];
	[tilespmem:s14+$0xFFFFFFD0] =	vst v2  }
0xee: {  	v2 =	vunpack.i.u.bf16.f32 v3;
	v3 =	vmul.f32 v11, v10;
	[tilespmem:s1+$0x70] =	vst v1;
	v1 =	vunpack.i.u.bf16.f32 v13  }
0xef: {  	v5 =	vunpack.i.l.bf16.f32 v5;
	v10 =	vld [tilespmem:s12+$0x20];
	v11 =	vunpack.i.l.bf16.f32 v12;
	[tilespmem:s1+$0xE0] =	vst v14;
	v1 =	vmul.f32 v1, v2  }
0xf0: {  	v5 =	vmul.f32 v11, v5;
	v11 =	vld [tilespmem:s13+$0x20];
	[tilespmem:s1+$0x60] =	vst v3;
	v3 =	vunpack.i.u.bf16.f32 v6;
	v2 =	vunpack.i.u.bf16.f32 v4  }
0xf1: {  	v12 =	vld [tilespmem:s20+$0xFFFFFFA0];
	v2 =	vmul.f32 v2, v3;
	[tilespmem:s1+$0xF0] =	vst v1;
	v1 =	vunpack.i.u.bf16.f32 v9;
	v3 =	vunpack.i.u.bf16.f32 v7  }
0xf2: {  	v13 =	vunpack.i.u.bf16.f32 v0;
	[tilespmem:s14+$0xFFFFFFC0] =	vst v5;
	v5 =	vld [tilespmem:s19+$0xFFFFFFA0];
	v1 =	vmul.f32 v3, v1;
	v3 =	vunpack.i.u.bf16.f32 v8  }
0xf3: {  	v14 =	vld [tilespmem:s20+$0xFFFFFFE0];
	v0 =	vunpack.i.l.bf16.f32 v0;
	[tilespmem:s14+$0xFFFFFF70] =	vst v2;
	v2 =	vunpack.i.l.bf16.f32 v8;
	v3 =	vmul.f32 v13, v3  }
0xf4: {  	v6 =	vunpack.i.l.bf16.f32 v6;
	v4 =	vunpack.i.l.bf16.f32 v4;
	v8 =	vld [tilespmem:s12+$0xFFFFFFF0];
	v0 =	vmul.f32 v0, v2;
	[tilespmem:s17+$0xD0] =	vst v1  }
0xf5: {  	v2 =	vunpack.i.l.bf16.f32 v10;
	v1 =	vmul.f32 v4, v6;
	v4 =	vunpack.i.l.bf16.f32 v11;
	v6 =	vld [tilespmem:s13+$0xFFFFFFF0];
	[tilespmem:s17+$0x30] =	vst v3  }
0xf6: {  	v3 =	vunpack.i.u.bf16.f32 v10;
	v2 =	vmul.f32 v2, v4;
	v4 =	vunpack.i.u.bf16.f32 v11;
	v10 =	vld [tilespmem:s19+$0xFFFFFFE0];
	[tilespmem:s17+$0x20] =	vst v0  }
0xf7: {  	v0 =	vunpack.i.u.bf16.f32 v12;
	[tilespmem:s14+$0xFFFFFF60] =	vst v1;
	v1 =	vunpack.i.u.bf16.f32 v5;
	v3 =	vmul.f32 v3, v4;
	v4 =	vld [tilespmem:s19+$0x20]  }
0xf8: {  	v9 =	vunpack.i.l.bf16.f32 v9;
	v7 =	vunpack.i.l.bf16.f32 v7;
	[tilespmem:s14+$0x40] =	vst v2;
	v0 =	vmul.f32 v1, v0;
	v1 =	vld [tilespmem:s20+$0x20]  }
0xf9: {  	v7 =	vmul.f32 v7, v9;
	v5 =	vunpack.i.l.bf16.f32 v5;
	v2 =	vld [tilespmem:s13+$0x70];
	[tilespmem:s14+$0x50] =	vst v3;
	v3 =	vunpack.i.l.bf16.f32 v12  }
0xfa: {  	v11 =	vunpack.i.u.bf16.f32 v8;
	[tilespmem:s17+$0xFFFFFF50] =	vst v0;
	v0 =	vld [tilespmem:s13+$0x30];
	v9 =	vunpack.i.u.bf16.f32 v6;
	v3 =	vmul.f32 v5, v3  }
0xfb: {  	[tilespmem:s17+$0xC0] =	vst v7;
	v5 =	vunpack.i.u.bf16.f32 v14;
	v12 =	vld [tilespmem:s12+$0x30];
	v13 =	vunpack.i.u.bf16.f32 v10;
	v7 =	vmul.f32 v11, v9  }
0xfc: {  	v9 =	vld [tilespmem:s12+$0x70];
	v11 =	vunpack.i.l.bf16.f32 v14;
	v5 =	vmul.f32 v13, v5;
	[tilespmem:s17+$0xFFFFFF40] =	vst v3;
	v3 =	vunpack.i.l.bf16.f32 v10  }
0xfd: {  	v10 =	vld [tilespmem:s20+$0x70];
	[tilespmem:s14+$0xFFFFFFF0] =	vst v7;
	v3 =	vmul.f32 v3, v11;
	v7 =	vunpack.i.l.bf16.f32 v4;
	v11 =	vunpack.i.l.bf16.f32 v1  }
0xfe: {  	v13 =	vld [tilespmem:s19+$0xFFFFFFB0];
	v4 =	vunpack.i.u.bf16.f32 v4;
	v1 =	vunpack.i.u.bf16.f32 v1;
	[tilespmem:s17+$0xFFFFFFD0] =	vst v5;
	v5 =	vmul.f32 v7, v11  }
0xff: {  	v6 =	vunpack.i.l.bf16.f32 v6;
	v7 =	vunpack.i.l.bf16.f32 v8;
	v8 =	vld [tilespmem:s20+$0xFFFFFFB0];
	v1 =	vmul.f32 v4, v1;
	[tilespmem:s17+$0xFFFFFFC0] =	vst v3  }
0x100: {  	v3 =	vunpack.i.u.bf16.f32 v0;
	v4 =	vmul.f32 v7, v6;
	v6 =	vunpack.i.u.bf16.f32 v12;
	v7 =	vld [tilespmem:s19+$0xFFFFFFF0];
	[tilespmem:s17+$0x40] =	vst v5  }
0x101: {  	v5 =	vunpack.i.l.bf16.f32 v2;
	v11 =	vunpack.i.l.bf16.f32 v9;
	v3 =	vmul.f32 v6, v3;
	v6 =	vld [tilespmem:s20+$0xFFFFFFF0];
	[tilespmem:s17+$0x50] =	vst v1  }
0x102: {  	v0 =	vunpack.i.l.bf16.f32 v0;
	v1 =	vunpack.i.l.bf16.f32 v12;
	v5 =	vmul.f32 v11, v5;
	[tilespmem:s14+$0xFFFFFFE0] =	vst v4;
	v4 =	vld [tilespmem:s20+$0x30]  }
0x103: {  	v2 =	vunpack.i.u.bf16.f32 v2;
	v0 =	vmul.f32 v1, v0;
	v1 =	vunpack.i.u.bf16.f32 v9;
	[tilespmem:s14+$0x70] =	vst v3;
	v3 =	vld [tilespmem:s19+$0x30]  }
0x104: {  	v9 =	vld [tilespmem:s19+$0x70];
	v1 =	vmul.f32 v1, v2;
	v2 =	vunpack.i.u.bf16.f32 v13;
	[tilespmem:s14+$0xE0] =	vst v5;
	v5 =	vunpack.i.u.bf16.f32 v8  }
0x105: {  	v8 =	vunpack.i.l.bf16.f32 v8;
	[tilespmem:s14+$0x60] =	vst v0;
	v0 =	vunpack.i.l.bf16.f32 v13;
	v2 =	vmul.f32 v2, v5  }
0x106: {  	[tilespmem:s14+$0xF0] =	vst v1;
	v0 =	vmul.f32 v0, v8;
	v1 =	vunpack.i.u.bf16.f32 v6;
	v5 =	vunpack.i.u.bf16.f32 v7  }
0x107: {  	v6 =	vunpack.i.l.bf16.f32 v6;
	[tilespmem:s17+$0xFFFFFF70] =	vst v2;
	v2 =	vunpack.i.l.bf16.f32 v7;
	v1 =	vmul.f32 v5, v1  }
0x108: {  	[tilespmem:s17+$0xFFFFFF60] =	vst v0;
	v0 =	vunpack.i.u.bf16.f32 v4;
	v2 =	vmul.f32 v2, v6;
	v5 =	vunpack.i.u.bf16.f32 v3  }
0x109: {  	v7 =	vunpack.i.l.bf16.f32 v9;
	v6 =	vunpack.i.l.bf16.f32 v10;
	[tilespmem:s17+$0xFFFFFFF0] =	vst v1;
	v0 =	vmul.f32 v5, v0  }
0x10a: {  	v1 =	vunpack.i.l.bf16.f32 v3;
	v3 =	vunpack.i.l.bf16.f32 v4;
	v4 =	vmul.f32 v7, v6;
	[tilespmem:s17+$0xFFFFFFE0] =	vst v2  }
0x10b: {  	p1 =	seq.s32 s9, $0x18;
	v2 =	vunpack.i.u.bf16.f32 v10;
	v1 =	vmul.f32 v1, v3;
	[tilespmem:s17+$0x70] =	vst v0;
	v0 =	vunpack.i.u.bf16.f32 v9  }
0x10c: {  	s1 =	smul.u32 @!p1 $0x50, s9;
	[tilespmem:s17+$0xE0] =	vst v4;
	v0 =	vmul.f32 v0, v2  }
0x10d: {  	s22 =	smul.u32 $0x140, s9;
	[tilespmem:s17+$0x60] =	vst v1  }
0x10e: {  	s6 =	simm.s32 @!p1 $0x28;
	s7 =	simm.s32 @!p1 $0x1770;
	s3 =	sadd.s32 @!p1 $0x50, s1;
	[tilespmem:s17+$0xF0] =	vst v0  }
0x10f: {  	[tilespmem:s7], [sflag:$0x1] =	stream.indirect.gather @!p1 [hbm4b:s4+s6], $0x40, s3, s6, $0xb8;
	[tilespmem:$0x19FF0] =	vst v63  }
0x110: {  	s1 =	sadd.s32 @!p1 $0x820, s1;
	s12 =	sshra.s32 s22, $0x2;
	s3 =	simm.s32 @!p1 $0x2B70  }
0x111: {  	[tilespmem:s3], [sflag:$0x3] =	stream.indirect.gather @!p1 [hbm4b:s5+s6], $0x40, s1, s6, $0xb8;
	[tilespmem:$0x19FF0] =	vst v63  }
0x112: {  	s7 =	sadd.s32 $0xFA0, s12  }
0x113: {  	[spmem:s2] =	stream.indirect.scatter.add.f32 [tilespmem:s26], [sflag:$0x5], $0x80, s7, s18, $0xb8;
	[tilespmem:$0x19FF0] =	vst v63  }
0x114: {  	_ =	swait.ge [sflag:s28], $0xA00  }
0x115: {  	[sflag:s28] =	ssyncset.done $0x0  }
0x116: {  	[sflag:s28] =	ssyncadd.s32 $0xFFFFF600  }
0x117: {  	_ =	swait.ge [sflag:s29], $0xA00  }
0x118: {  	[sflag:s29] =	ssyncset.done $0x0  }
0x119: {  	s1 =	simm.s32 @!p0 $0x6;
	[sflag:s29] =	ssyncadd.s32 $0xFFFFF600  }
0x11a: {  	_ =	swait.ge @!p0 [sflag:s1], $0x1400  }
0x11b: {  	[sflag:s1] =	ssyncset.done @!p0 $0x0  }
0x11c: {  	s8 =	simm.s32 $0x35F0;
	[sflag:s1] =	ssyncadd.s32 @!p0 $0xFFFFEC00  }
0x11d: {  	s22 =	simm.s32 $0x21F0;
	v0 =	vld [tilespmem:s8+$0x40]  }
0x11e: {  	v1 =	vld [tilespmem:s22+$0x40]  }
0x11f: {  	v2 =	vld [tilespmem:s22+$0xFFFFFFC0]  }
0x120: {  	v3 =	vld [tilespmem:s8+$0xFFFFFFC0]  }
0x121: {  	v4 =	vld [tilespmem:s8+$0xFFFFFF80]  }
0x122: {  	s1 =	simm.s32 $0x36F0;
	v7 =	vld [tilespmem:s22+$0x0]  }
0x123: {  	v13 =	vld [tilespmem:s1+$0x0];
	v5 =	vunpack.i.u.bf16.f32 v0;
	v6 =	vunpack.i.u.bf16.f32 v1  }
0x124: {  	s31 =	simm.s32 $0x23F0;
	v0 =	vunpack.i.l.bf16.f32 v0;
	v1 =	vunpack.i.l.bf16.f32 v1;
	v5 =	vmul.f32 v5, v6;
	v6 =	vld [tilespmem:s22+$0xFFFFFF80]  }
0x125: {  	s17 =	simm.s32 $0x5470;
	s7 =	simm.s32 $0x24F0;
	v19 =	vld [tilespmem:s31+$0x40];
	v0 =	vmul.f32 v0, v1  }
0x126: {  	v29 =	vld [tilespmem:s7+$0x0];
	v8 =	vunpack.i.u.bf16.f32 v3;
	[tilespmem:s17+$0x90] =	vst v5;
	v5 =	vunpack.i.u.bf16.f32 v2  }
0x127: {  	v3 =	vunpack.i.l.bf16.f32 v3;
	v1 =	vld [tilespmem:s8+$0x0];
	[tilespmem:s17+$0x80] =	vst v0;
	v2 =	vunpack.i.l.bf16.f32 v2;
	v5 =	vmul.f32 v8, v5  }
0x128: {  	v10 =	vunpack.i.u.bf16.f32 v4;
	v9 =	vld [tilespmem:s22+$0x50];
	v2 =	vmul.f32 v3, v2  }
0x129: {  	s14 =	simm.s32 $0x22F0;
	v11 =	vld [tilespmem:s8+$0x50];
	v3 =	vunpack.i.l.bf16.f32 v4;
	v8 =	vunpack.i.u.bf16.f32 v6;
	v4 =	vunpack.i.l.bf16.f32 v6;
	[tilespmem:s17+$0xFFFFFF90] =	vst v5  }
0x12a: {  	[tilespmem:s17+$0xFFFFFF80] =	vst v2;
	v6 =	vmul.f32 v10, v8;
	v8 =	vld [tilespmem:s14+$0x40];
	v3 =	vmul.f32 v3, v4  }
0x12b: {  	v2 =	vld [tilespmem:s8+$0xFFFFFFD0]  }
0x12c: {  	s6 =	simm.s32 $0x38F0;
	[tilespmem:s17+$0xFFFFFF00] =	vst v3;
	v3 =	vld [tilespmem:s22+$0xFFFFFFD0]  }
0x12d: {  	v30 =	vld [tilespmem:s6+$0x0];
	v5 =	vunpack.i.u.bf16.f32 v1;
	[tilespmem:s17+$0xFFFFFF10] =	vst v6;
	v6 =	vunpack.i.u.bf16.f32 v7  }
0x12e: {  	v0 =	vld [tilespmem:s1+$0x40];
	v1 =	vunpack.i.l.bf16.f32 v1;
	v7 =	vunpack.i.l.bf16.f32 v7;
	v5 =	vmul.f32 v5, v6  }
0x12f: {  	v4 =	vld [tilespmem:s1+$0xFFFFFF80];
	v12 =	vunpack.i.l.bf16.f32 v11;
	v1 =	vmul.f32 v1, v7  }
0x130: {  	v10 =	vld [tilespmem:s22+$0xFFFFFF90];
	[tilespmem:s17+$0x10] =	vst v5;
	v5 =	vunpack.i.l.bf16.f32 v9;
	v14 =	vunpack.i.u.bf16.f32 v2;
	v2 =	vunpack.i.l.bf16.f32 v2  }
0x131: {  	v6 =	vld [tilespmem:s8+$0xFFFFFF90];
	v16 =	vunpack.i.u.bf16.f32 v8;
	v5 =	vmul.f32 v12, v5;
	v12 =	vunpack.i.u.bf16.f32 v3  }
0x132: {  	v7 =	vld [tilespmem:s14+$0x0];
	v8 =	vunpack.i.l.bf16.f32 v8;
	v3 =	vunpack.i.l.bf16.f32 v3;
	v12 =	vmul.f32 v14, v12  }
0x133: {  	[tilespmem:s17+$0x0] =	vst v1;
	v1 =	vld [tilespmem:s14+$0xFFFFFF80];
	v14 =	vunpack.i.u.bf16.f32 v0;
	v2 =	vmul.f32 v2, v3;
	v3 =	vunpack.i.u.bf16.f32 v9  }
0x134: {  	v15 =	vld [tilespmem:s8+$0x10];
	[tilespmem:s17+$0xA0] =	vst v5;
	v9 =	vunpack.i.u.bf16.f32 v11;
	v0 =	vunpack.i.l.bf16.f32 v0;
	v11 =	vmul.f32 v14, v16  }
0x135: {  	s10 =	simm.s32 $0x5670;
	v5 =	vld [tilespmem:s14+$0xFFFFFFC0];
	v0 =	vmul.f32 v0, v8;
	[tilespmem:s17+$0xFFFFFFB0] =	vst v12  }
0x136: {  	v14 =	vld [tilespmem:s1+$0xFFFFFFC0];
	v3 =	vmul.f32 v9, v3;
	v8 =	vunpack.i.u.bf16.f32 v10;
	[tilespmem:s10+$0x90] =	vst v11  }
0x137: {  	v9 =	vld [tilespmem:s22+$0x10];
	v10 =	vunpack.i.l.bf16.f32 v10;
	v11 =	vunpack.i.u.bf16.f32 v6;
	v6 =	vunpack.i.l.bf16.f32 v6;
	[tilespmem:s10+$0x80] =	vst v0  }
0x138: {  	[tilespmem:s17+$0xB0] =	vst v3;
	v8 =	vmul.f32 v11, v8;
	v6 =	vmul.f32 v6, v10;
	v10 =	vld [tilespmem:s14+$0x50]  }
0x139: {  	v17 =	vunpack.i.u.bf16.f32 v7;
	v7 =	vunpack.i.l.bf16.f32 v7;
	[tilespmem:s17+$0xFFFFFFA0] =	vst v2;
	v12 =	vunpack.i.u.bf16.f32 v4;
	v16 =	vld [tilespmem:s8+$0x60]  }
0x13a: {  	v4 =	vunpack.i.l.bf16.f32 v4;
	v2 =	vld [tilespmem:s22+$0xFFFFFFE0];
	v11 =	vunpack.i.u.bf16.f32 v15;
	[tilespmem:s17+$0xFFFFFF30] =	vst v8;
	v8 =	vunpack.i.u.bf16.f32 v1  }
0x13b: {  	s13 =	simm.s32 $0x37F0;
	v0 =	vld [tilespmem:s22+$0x60];
	[tilespmem:s17+$0xFFFFFF20] =	vst v6;
	v1 =	vunpack.i.l.bf16.f32 v1;
	v18 =	vunpack.i.l.bf16.f32 v14;
	v6 =	vmul.f32 v12, v8  }
0x13c: {  	v3 =	vld [tilespmem:s13+$0x40];
	v14 =	vunpack.i.u.bf16.f32 v14;
	v12 =	vunpack.i.u.bf16.f32 v13;
	v1 =	vmul.f32 v4, v1  }
0x13d: {  	v8 =	vld [tilespmem:s1+$0x50];
	v13 =	vunpack.i.l.bf16.f32 v13;
	[tilespmem:s10+$0xFFFFFF10] =	vst v6;
	v6 =	vmul.f32 v12, v17;
	v12 =	vunpack.i.u.bf16.f32 v5  }
0x13e: {  	v4 =	vld [tilespmem:s22+$0xFFFFFFA0];
	[tilespmem:s10+$0xFFFFFF00] =	vst v1;
	v1 =	vunpack.i.l.bf16.f32 v5;
	v20 =	vunpack.i.u.bf16.f32 v10;
	v22 =	vunpack.i.u.bf16.f32 v16  }
0x13f: {  	v24 =	vld [tilespmem:s8+$0xFFFFFFA0];
	v10 =	vunpack.i.l.bf16.f32 v10;
	v5 =	vmul.f32 v14, v12;
	v12 =	vunpack.i.u.bf16.f32 v2  }
0x140: {  	v17 =	vld [tilespmem:s13+$0xFFFFFF80];
	v1 =	vmul.f32 v18, v1;
	v18 =	vunpack.i.u.bf16.f32 v0;
	v0 =	vunpack.i.l.bf16.f32 v0  }
0x141: {  	v14 =	vld [tilespmem:s14+$0xFFFFFF90];
	v2 =	vunpack.i.l.bf16.f32 v2;
	v18 =	vmul.f32 v22, v18;
	[tilespmem:s10+$0x10] =	vst v6;
	v6 =	vunpack.i.l.bf16.f32 v16  }
0x142: {  	v21 =	vld [tilespmem:s1+$0xFFFFFF90];
	v23 =	vunpack.i.l.bf16.f32 v8;
	[tilespmem:s10+$0xFFFFFF90] =	vst v5;
	v5 =	vmul.f32 v13, v7;
	v7 =	vunpack.i.u.bf16.f32 v9  }
0x143: {  	v22 =	vld [tilespmem:s13+$0x0];
	[tilespmem:s10+$0xFFFFFF80] =	vst v1;
	v9 =	vunpack.i.l.bf16.f32 v9;
	v0 =	vmul.f32 v6, v0;
	v8 =	vunpack.i.u.bf16.f32 v8  }
0x144: {  	v13 =	vld [tilespmem:s31+$0x0];
	v1 =	vmul.f32 v23, v10;
	v10 =	vunpack.i.u.bf16.f32 v3;
	v3 =	vunpack.i.l.bf16.f32 v3;
	[tilespmem:s17+$0xD0] =	vst v18  }
0x145: {  	v23 =	vunpack.i.u.bf16.f32 v19;
	v19 =	vunpack.i.l.bf16.f32 v19;
	v25 =	vld [tilespmem:s1+$0xFFFFFFD0];
	v7 =	vmul.f32 v11, v7;
	[tilespmem:s10+$0x0] =	vst v5  }
0x146: {  	v16 =	vld [tilespmem:s14+$0xFFFFFFD0];
	v3 =	vmul.f32 v3, v19;
	v10 =	vmul.f32 v10, v23;
	v19 =	vunpack.i.u.bf16.f32 v24;
	[tilespmem:s17+$0xC0] =	vst v0  }
0x147: {  	v11 =	vld [tilespmem:s8+$0xFFFFFFE0];
	[tilespmem:s10+$0xA0] =	vst v1;
	v1 =	vunpack.i.l.bf16.f32 v15;
	v5 =	vunpack.i.u.bf16.f32 v14;
	v15 =	vunpack.i.u.bf16.f32 v4  }
0x148: {  	s3 =	simm.s32 $0x5870;
	v23 =	vld [tilespmem:s31+$0xFFFFFF80];
	v18 =	vunpack.i.u.bf16.f32 v21;
	[tilespmem:s17+$0x30] =	vst v7;
	v4 =	vunpack.i.l.bf16.f32 v4;
	v15 =	vmul.f32 v19, v15  }
0x149: {  	v6 =	vld [tilespmem:s1+$0x10];
	v19 =	vunpack.i.l.bf16.f32 v21;
	v1 =	vmul.f32 v1, v9;
	v9 =	vunpack.i.l.bf16.f32 v14;
	[tilespmem:s3+$0x90] =	vst v10  }
0x14a: {  	v7 =	vld [tilespmem:s31+$0xFFFFFFC0];
	v21 =	vunpack.i.l.bf16.f32 v24;
	v5 =	vmul.f32 v18, v5;
	[tilespmem:s3+$0x80] =	vst v3;
	v9 =	vmul.f32 v19, v9  }
0x14b: {  	v14 =	vld [tilespmem:s13+$0xFFFFFFC0];
	v19 =	vunpack.i.l.bf16.f32 v22;
	[tilespmem:s17+$0xFFFFFF50] =	vst v15;
	v15 =	vunpack.i.u.bf16.f32 v16;
	v18 =	vunpack.i.u.bf16.f32 v25  }
0x14c: {  	v24 =	vld [tilespmem:s14+$0x10];
	[tilespmem:s17+$0x20] =	vst v1;
	v1 =	vmul.f32 v21, v4;
	v4 =	vunpack.i.l.bf16.f32 v16;
	v16 =	vunpack.i.l.bf16.f32 v25  }
0x14d: {  	v26 =	vld [tilespmem:s31+$0x50];
	v10 =	vunpack.i.l.bf16.f32 v11;
	v21 =	vunpack.i.u.bf16.f32 v13;
	v13 =	vunpack.i.l.bf16.f32 v13;
	[tilespmem:s10+$0xFFFFFF30] =	vst v5  }
0x14e: {  	v25 =	vunpack.i.u.bf16.f32 v17;
	v17 =	vunpack.i.l.bf16.f32 v17;
	v15 =	vmul.f32 v18, v15;
	v0 =	vld [tilespmem:s8+$0x20];
	[tilespmem:s10+$0xFFFFFF20] =	vst v9  }
0x14f: {  	v4 =	vmul.f32 v16, v4;
	v16 =	vld [tilespmem:s22+$0x70];
	[tilespmem:s17+$0xFFFFFF40] =	vst v1;
	v1 =	vmul.f32 v8, v20;
	v8 =	vunpack.i.u.bf16.f32 v11  }
0x150: {  	v2 =	vmul.f32 v10, v2;
	v11 =	vunpack.i.u.bf16.f32 v22;
	v22 =	vld [tilespmem:s6+$0x40];
	[tilespmem:s10+$0xFFFFFFB0] =	vst v15;
	v8 =	vmul.f32 v8, v12  }
0x151: {  	v15 =	vld [tilespmem:s8+$0xFFFFFFB0];
	v12 =	vunpack.i.u.bf16.f32 v23;
	[tilespmem:s10+$0xFFFFFFA0] =	vst v4;
	v3 =	vmul.f32 v11, v21;
	v11 =	vunpack.i.u.bf16.f32 v7  }
0x152: {  	v4 =	vld [tilespmem:s22+$0xFFFFFFB0];
	v7 =	vunpack.i.l.bf16.f32 v7;
	v23 =	vunpack.i.l.bf16.f32 v23;
	[tilespmem:s17+$0xFFFFFFC0] =	vst v2;
	v12 =	vmul.f32 v25, v12  }
0x153: {  	v5 =	vunpack.i.u.bf16.f32 v14;
	v20 =	vld [tilespmem:s14+$0xFFFFFFE0];
	[tilespmem:s10+$0xB0] =	vst v1;
	v1 =	vunpack.i.l.bf16.f32 v14;
	v9 =	vmul.f32 v17, v23  }
0x154: {  	v18 =	vunpack.i.u.bf16.f32 v6;
	v17 =	vld [tilespmem:s13+$0x50];
	v5 =	vmul.f32 v5, v11;
	v7 =	vmul.f32 v1, v7;
	[tilespmem:s3+$0xFFFFFF10] =	vst v12  }
0x155: {  	v21 =	vld [tilespmem:s14+$0x60];
	v12 =	vunpack.i.u.bf16.f32 v26;
	v28 =	vunpack.i.l.bf16.f32 v16;
	[tilespmem:s3+$0xFFFFFF00] =	vst v9;
	v9 =	vunpack.i.l.bf16.f32 v26  }
0x156: {  	v14 =	vld [tilespmem:s1+$0x60];
	[tilespmem:s3+$0xFFFFFF90] =	vst v5;
	v5 =	vmul.f32 v19, v13;
	v13 =	vunpack.i.u.bf16.f32 v24;
	v19 =	vunpack.i.l.bf16.f32 v0  }
0x157: {  	v2 =	vld [tilespmem:s6+$0xFFFFFF80];
	[tilespmem:s17+$0xFFFFFFD0] =	vst v8;
	v0 =	vunpack.i.u.bf16.f32 v0;
	v25 =	vunpack.i.l.bf16.f32 v4;
	v23 =	vunpack.i.u.bf16.f32 v15  }
0x158: {  	v8 =	vld [tilespmem:s14+$0xFFFFFFA0];
	v11 =	vunpack.i.l.bf16.f32 v15;
	v1 =	vunpack.i.u.bf16.f32 v4;
	[tilespmem:s3+$0x0] =	vst v5;
	v5 =	vunpack.i.l.bf16.f32 v6  }
0x159: {  	v26 =	vld [tilespmem:s31+$0xFFFFFF90];
	v6 =	vmul.f32 v18, v13;
	v10 =	vunpack.i.u.bf16.f32 v20;
	v4 =	vmul.f32 v11, v25  }
0x15a: {  	v11 =	vld [tilespmem:s22+$0x20];
	v15 =	vmul.f32 v23, v1;
	v1 =	vunpack.i.u.bf16.f32 v16;
	v16 =	vunpack.i.l.bf16.f32 v17  }
0x15b: {  	[tilespmem:s3+$0x10] =	vst v3;
	v25 =	vld [tilespmem:s7+$0x40];
	v17 =	vunpack.i.u.bf16.f32 v17;
	v3 =	vunpack.i.u.bf16.f32 v21;
	v27 =	vunpack.i.u.bf16.f32 v14  }
0x15c: {  	[tilespmem:s3+$0xFFFFFF80] =	vst v7;
	v23 =	vld [tilespmem:s8+$0xFFFFFFF0];
	v7 =	vmul.f32 v16, v9;
	v9 =	vunpack.i.u.bf16.f32 v22;
	v16 =	vunpack.i.l.bf16.f32 v22  }
0x15d: {  	v22 =	vld [tilespmem:s1+$0xFFFFFFA0];
	v21 =	vunpack.i.l.bf16.f32 v21;
	[tilespmem:s10+$0x30] =	vst v6;
	v31 =	vmul.f32 v17, v12;
	v3 =	vmul.f32 v27, v3  }
0x15e: {  	v27 =	vld [tilespmem:s13+$0xFFFFFF90];
	[tilespmem:s3+$0xA0] =	vst v7;
	v7 =	vunpack.i.l.bf16.f32 v14;
	v14 =	vunpack.i.l.bf16.f32 v24;
	v13 =	vunpack.i.u.bf16.f32 v26  }
0x15f: {  	v24 =	vld [tilespmem:s1+$0xFFFFFFE0];
	v6 =	vunpack.i.l.bf16.f32 v26;
	[tilespmem:s10+$0xD0] =	vst v3;
	v5 =	vmul.f32 v5, v14;
	v3 =	vunpack.i.l.bf16.f32 v11  }
0x160: {  	[tilespmem:s17+$0xFFFFFF70] =	vst v15;
	v14 =	vld [tilespmem:s7+$0xFFFFFFC0];
	v15 =	vunpack.i.u.bf16.f32 v25;
	v25 =	vunpack.i.l.bf16.f32 v25;
	v3 =	vmul.f32 v19, v3  }
0x161: {  	[tilespmem:s17+$0xFFFFFF60] =	vst v4;
	v4 =	vunpack.i.u.bf16.f32 v11;
	v11 =	vunpack.i.u.bf16.f32 v8;
	v9 =	vmul.f32 v9, v15;
	v15 =	vld [tilespmem:s31+$0xFFFFFFD0]  }
0x162: {  	s19 =	simm.s32 $0x5A70;
	v25 =	vmul.f32 v16, v25;
	v16 =	vld [tilespmem:s13+$0xFFFFFFD0];
	v18 =	vunpack.i.u.bf16.f32 v22;
	[tilespmem:s17+$0x40] =	vst v3;
	v3 =	vmul.f32 v0, v4  }
0x163: {  	v26 =	vunpack.i.u.bf16.f32 v29;
	[tilespmem:s19+$0x90] =	vst v9;
	v0 =	vunpack.i.u.bf16.f32 v27;
	v4 =	vmul.f32 v18, v11;
	v11 =	vld [tilespmem:s22+$0xFFFFFFF0]  }
0x164: {  	v9 =	vmul.f32 v7, v21;
	v7 =	vld [tilespmem:s7+$0xFFFFFF80];
	v18 =	vunpack.i.l.bf16.f32 v27;
	v21 =	vunpack.i.l.bf16.f32 v22;
	[tilespmem:s17+$0x50] =	vst v3  }
0x165: {  	v27 =	vunpack.i.l.bf16.f32 v23;
	v13 =	vmul.f32 v0, v13;
	v0 =	vld [tilespmem:s13+$0x10];
	v3 =	vmul.f32 v18, v6;
	[tilespmem:s10+$0xFFFFFF50] =	vst v4  }
0x166: {  	[tilespmem:s10+$0xC0] =	vst v9;
	v9 =	vunpack.i.l.bf16.f32 v30;
	v6 =	vunpack.i.l.bf16.f32 v15;
	v17 =	vld [tilespmem:s22+$0x30];
	v4 =	vunpack.i.u.bf16.f32 v15  }
0x167: {  	[tilespmem:s3+$0xFFFFFF30] =	vst v13;
	v12 =	vunpack.i.u.bf16.f32 v16;
	v19 =	vunpack.i.l.bf16.f32 v16;
	v18 =	vld [tilespmem:s8+$0x30];
	v13 =	vunpack.i.l.bf16.f32 v20  }
0x168: {  	[tilespmem:s10+$0x20] =	vst v5;
	v16 =	vld [tilespmem:s8+$0x70];
	v20 =	vunpack.i.l.bf16.f32 v24;
	v4 =	vmul.f32 v12, v4;
	v12 =	vunpack.i.u.bf16.f32 v24  }
0x169: {  	v15 =	vld [tilespmem:s6+$0xFFFFFFC0];
	[tilespmem:s3+$0xFFFFFF20] =	vst v3;
	v3 =	vunpack.i.l.bf16.f32 v8;
	v8 =	vunpack.i.u.bf16.f32 v23;
	v22 =	vunpack.i.u.bf16.f32 v11  }
0x16a: {  	[tilespmem:s19+$0x80] =	vst v25;
	v32 =	vunpack.i.l.bf16.f32 v11;
	v11 =	vmul.f32 v19, v6;
	v3 =	vmul.f32 v21, v3;
	v6 =	vld [tilespmem:s1+$0x20]  }
0x16b: {  	v19 =	vmul.f32 v12, v10;
	v12 =	vunpack.i.u.bf16.f32 v7;
	[tilespmem:s3+$0xFFFFFFB0] =	vst v4;
	v4 =	vld [tilespmem:s31+$0x10];
	v5 =	vunpack.i.u.bf16.f32 v0  }
0x16c: {  	v25 =	vmul.f32 v8, v22;
	v8 =	vunpack.i.u.bf16.f32 v30;
	v27 =	vmul.f32 v27, v32;
	[tilespmem:s10+$0xFFFFFF40] =	vst v3;
	v3 =	vld [tilespmem:s14+$0x70]  }
0x16d: {  	[tilespmem:s3+$0xB0] =	vst v31;
	v21 =	vunpack.i.u.bf16.f32 v17;
	v24 =	vunpack.i.l.bf16.f32 v17;
	v10 =	vunpack.i.l.bf16.f32 v16;
	v17 =	vld [tilespmem:s1+$0xFFFFFFB0]  }
0x16e: {  	s20 =	simm.s32 $0x38F0;
	s8 =	simm.s32 $0xC;
	s22 =	simm.s32 $0x24F0;
	[tilespmem:s3+$0xFFFFFFA0] =	vst v11;
	v22 =	vunpack.i.l.bf16.f32 v18;
	v11 =	vld [tilespmem:s14+$0xFFFFFFB0];
	v23 =	vmul.f32 v10, v28;
	v10 =	vunpack.i.l.bf16.f32 v29  }
.LBB2_6:
0x16f: {  	s8 =	sadd.s32 $0x4, s8;
	v28 =	vunpack.i.l.bf16.f32 v15;
	v26 =	vmul.f32 v8, v26;
	s6 =	sadd.s32 $0x100, s6;
	v8 =	vld [tilespmem:s31+$0xFFFFFFE0];
	[tilespmem:s17+$0xFFFFFFF0] =	vst v25;
	v18 =	vunpack.i.u.bf16.f32 v18  }
0x170: {  	v29 =	vunpack.i.u.bf16.f32 v14;
	v14 =	vunpack.i.l.bf16.f32 v14;
	v25 =	vld [tilespmem:s6+$0x40];
	p0 =	slt.u32 s8, $0x24;
	[tilespmem:s17+$0xFFFFFFE0] =	vst v27;
	v18 =	vmul.f32 v18, v21  }
0x171: {  	v21 =	vunpack.i.u.bf16.f32 v2;
	v2 =	vunpack.i.l.bf16.f32 v2;
	v27 =	vld [tilespmem:s31+$0x60];
	[tilespmem:s10+$0xFFFFFFD0] =	vst v19;
	v19 =	vmul.f32 v22, v24  }
0x172: {  	v7 =	vunpack.i.l.bf16.f32 v7;
	v15 =	vunpack.i.u.bf16.f32 v15;
	v16 =	vunpack.i.u.bf16.f32 v16;
	v22 =	vld [tilespmem:s7+$0x50];
	[tilespmem:s17+$0x70] =	vst v18  }
0x173: {  	v1 =	vmul.f32 v16, v1;
	v18 =	vmul.f32 v21, v12;
	v21 =	vld [tilespmem:s13+$0x60];
	v24 =	vunpack.i.l.bf16.f32 v11;
	[tilespmem:s17+$0xE0] =	vst v23  }
0x174: {  	v13 =	vmul.f32 v20, v13;
	v7 =	vmul.f32 v2, v7;
	v2 =	vunpack.i.u.bf16.f32 v17;
	v16 =	vld [tilespmem:s20+$0x50];
	[tilespmem:s17+$0x60] =	vst v19  }
0x175: {  	v15 =	vmul.f32 v15, v29;
	v17 =	vunpack.i.l.bf16.f32 v17;
	v12 =	vunpack.i.u.bf16.f32 v8;
	v19 =	vld [tilespmem:s31+$0xFFFFFFA0];
	[tilespmem:s17+$0xF0] =	vst v1;
	s17 =	smov.u32 s10;
	s10 =	smov.u32 s3;
	s3 =	smov.u32 s19  }
0x176: {  	v14 =	vmul.f32 v28, v14;
	v17 =	vmul.f32 v17, v24;
	v1 =	vunpack.i.u.bf16.f32 v11;
	[tilespmem:s17+$0xFFFFFFC0] =	vst v13;
	v13 =	vld [tilespmem:s14+$0x20]  }
0x177: {  	s7 =	sadd.s32 $0x100, s7;
	v20 =	vunpack.i.u.bf16.f32 v27;
	v23 =	vmul.f32 v2, v1;
	v1 =	vunpack.i.u.bf16.f32 v3;
	[tilespmem:s19+$0x10] =	vst v26;
	v24 =	vld [tilespmem:s1+$0xFFFFFFF0]  }
0x178: {  	v11 =	vunpack.i.l.bf16.f32 v3;
	v26 =	vld [tilespmem:s7+$0x40];
	[tilespmem:s19+$0xFFFFFF10] =	vst v18;
	v18 =	vunpack.i.u.bf16.f32 v22;
	v28 =	vunpack.i.u.bf16.f32 v21  }
0x179: {  	v3 =	vunpack.i.l.bf16.f32 v22;
	v2 =	vld [tilespmem:s6+$0xFFFFFF80];
	[tilespmem:s19+$0xFFFFFF00] =	vst v7;
	v7 =	vunpack.i.l.bf16.f32 v16;
	v20 =	vmul.f32 v28, v20  }
0x17a: {  	v9 =	vmul.f32 v9, v10;
	v10 =	vunpack.i.u.bf16.f32 v4;
	v22 =	vld [tilespmem:s22+$0xFFFFFF90];
	[tilespmem:s19+$0xFFFFFF90] =	vst v15;
	v15 =	vunpack.i.l.bf16.f32 v6  }
0x17b: {  	v3 =	vmul.f32 v7, v3;
	v6 =	vunpack.i.u.bf16.f32 v6;
	v28 =	vld [tilespmem:s20+$0xFFFFFF90];
	[tilespmem:s19+$0xFFFFFF80] =	vst v14;
	v14 =	vunpack.i.u.bf16.f32 v16  }
0x17c: {  	v27 =	vunpack.i.l.bf16.f32 v27;
	v7 =	vunpack.i.u.bf16.f32 v25;
	v16 =	vunpack.i.l.bf16.f32 v25;
	v25 =	vld [tilespmem:s13+$0xFFFFFFA0];
	[tilespmem:s17+$0xFFFFFF70] =	vst v23  }
0x17d: {  	v29 =	vld [tilespmem:s7+$0x0];
	v23 =	vunpack.i.u.bf16.f32 v26;
	v26 =	vunpack.i.l.bf16.f32 v26;
	[tilespmem:s19+$0xA0] =	vst v3;
	v3 =	vunpack.i.l.bf16.f32 v21  }
0x17e: {  	v4 =	vunpack.i.l.bf16.f32 v4;
	v30 =	vld [tilespmem:s6+$0x0];
	v26 =	vmul.f32 v16, v26;
	[tilespmem:s10+$0xD0] =	vst v20;
	v16 =	vunpack.i.l.bf16.f32 v13  }
0x17f: {  	v0 =	vunpack.i.l.bf16.f32 v0;
	v5 =	vmul.f32 v5, v10;
	s19 =	sadd.s32 $0x200, s19;
	v20 =	vld [tilespmem:s20+$0xFFFFFFD0];
	[tilespmem:s3+$0x0] =	vst v9;
	v9 =	vmul.f32 v15, v16  }
0x180: {  	v7 =	vmul.f32 v7, v23;
	v13 =	vunpack.i.u.bf16.f32 v13;
	v10 =	vunpack.i.u.bf16.f32 v22;
	v15 =	vld [tilespmem:s22+$0xFFFFFFD0];
	[tilespmem:s17+$0xFFFFFF60] =	vst v17  }
0x181: {  	v16 =	vunpack.i.u.bf16.f32 v19;
	v6 =	vmul.f32 v6, v13;
	v17 =	vunpack.i.u.bf16.f32 v25;
	v23 =	vld [tilespmem:s13+$0xFFFFFFE0];
	[tilespmem:s17+$0x40] =	vst v9  }
0x182: {  	v3 =	vmul.f32 v3, v27;
	v9 =	vunpack.i.u.bf16.f32 v28;
	[tilespmem:s19+$0x90] =	vst v7;
	v13 =	vmul.f32 v17, v16;
	v17 =	vld [tilespmem:s14+$0xFFFFFFF0]  }
0x183: {  	v4 =	vmul.f32 v0, v4;
	v21 =	vunpack.i.l.bf16.f32 v25;
	v16 =	vunpack.i.l.bf16.f32 v28;
	v7 =	vld [tilespmem:s7+$0xFFFFFF80];
	[tilespmem:s10+$0x30] =	vst v5  }
0x184: {  	v27 =	vunpack.i.l.bf16.f32 v24;
	v9 =	vmul.f32 v9, v10;
	v5 =	vunpack.i.l.bf16.f32 v22;
	v0 =	vld [tilespmem:s20+$0x10];
	[tilespmem:s17+$0x50] =	vst v6  }
0x185: {  	v28 =	vmul.f32 v14, v18;
	v5 =	vmul.f32 v16, v5;
	v6 =	vunpack.i.l.bf16.f32 v15;
	[tilespmem:s10+$0xFFFFFF50] =	vst v13;
	v10 =	vld [tilespmem:s14+$0x30];
	s14 =	smov.u32 s31;
	s31 =	smov.u32 s22;
	s22 =	smov.u32 s7  }
0x186: {  	v13 =	vunpack.i.u.bf16.f32 v20;
	v20 =	vunpack.i.l.bf16.f32 v20;
	[tilespmem:s3+$0xFFFFFF30] =	vst v9;
	v9 =	vunpack.i.u.bf16.f32 v15;
	v18 =	vld [tilespmem:s1+$0x30]  }
0x187: {  	v22 =	vunpack.i.u.bf16.f32 v23;
	v9 =	vmul.f32 v13, v9;
	[tilespmem:s10+$0x20] =	vst v4;
	v25 =	vunpack.i.u.bf16.f32 v17;
	v16 =	vld [tilespmem:s1+$0x70];
	s1 =	smov.u32 s13;
	s13 =	smov.u32 s20;
	s20 =	smov.u32 s6  }
0x188: {  	v13 =	vunpack.i.l.bf16.f32 v8;
	v31 =	vunpack.i.l.bf16.f32 v17;
	v14 =	vld [tilespmem:s7+$0xFFFFFFC0];
	[tilespmem:s3+$0xFFFFFF20] =	vst v5;
	v5 =	vunpack.i.l.bf16.f32 v19  }
0x189: {  	v17 =	vmul.f32 v20, v6;
	v8 =	vunpack.i.u.bf16.f32 v24;
	v19 =	vmul.f32 v22, v12;
	v15 =	vld [tilespmem:s6+$0xFFFFFFC0];
	[tilespmem:s3+$0xFFFFFFB0] =	vst v9  }
.Ltmp5:
0x18a: {  	v12 =	vunpack.i.u.bf16.f32 v7;
	v9 =	vmul.f32 v21, v5;
	v4 =	vld [tilespmem:s31+$0x10];
	[tilespmem:s10+$0xC0] =	vst v3;
	v21 =	vunpack.i.u.bf16.f32 v10;
	(pc) =	sbr.rel @p0 .LBB2_6-.Ltmp5, $4  }
0x18b: {  	v25 =	vmul.f32 v8, v25;
	v5 =	vunpack.i.u.bf16.f32 v0;
	[tilespmem:s19+$0x80] =	vst v26;
	v6 =	vld [tilespmem:s1+$0x20];
	v22 =	vunpack.i.l.bf16.f32 v18  }
0x18c: {  	v20 =	vunpack.i.l.bf16.f32 v23;
	v24 =	vunpack.i.l.bf16.f32 v10;
	[tilespmem:s10+$0xFFFFFF40] =	vst v9;
	v3 =	vld [tilespmem:s14+$0x70];
	v10 =	vunpack.i.l.bf16.f32 v16  }
0x18d: {  	v8 =	vunpack.i.u.bf16.f32 v30;
	v9 =	vunpack.i.l.bf16.f32 v30;
	[tilespmem:s3+$0xFFFFFFA0] =	vst v17;
	v17 =	vld [tilespmem:s1+$0xFFFFFFB0];
	v23 =	vmul.f32 v10, v11  }
0x18e: {  	v27 =	vmul.f32 v27, v31;
	v26 =	vunpack.i.u.bf16.f32 v29;
	v10 =	vunpack.i.l.bf16.f32 v29;
	[tilespmem:s3+$0xB0] =	vst v28;
	v11 =	vld [tilespmem:s14+$0xFFFFFFB0]  }
0x18f: {  	[tilespmem:s17+$0xFFFFFFF0] =	vst v25  }
0x190: {  	[tilespmem:s10+$0xFFFFFFD0] =	vst v19  }
0x191: {  	v55 =	vmul.f32 v22, v24;
	[tilespmem:s17+$0xE0] =	vst v23  }
0x192: {  	v13 =	vmul.f32 v20, v13;
	[tilespmem:s17+$0xFFFFFFE0] =	vst v27  }
0x193: {  	v8 =	vmul.f32 v8, v26;
	[tilespmem:s17+$0x60] =	vst v55  }
0x194: {  	v18 =	vunpack.i.u.bf16.f32 v18;
	v9 =	vmul.f32 v9, v10;
	[tilespmem:s10+$0xFFFFFFC0] =	vst v13  }
0x195: {  	v16 =	vunpack.i.u.bf16.f32 v16;
	v18 =	vmul.f32 v18, v21;
	[tilespmem:s19+$0x10] =	vst v8  }
0x196: {  	v56 =	vunpack.i.u.bf16.f32 v2;
	v57 =	vunpack.i.l.bf16.f32 v2;
	v1 =	vmul.f32 v16, v1;
	[tilespmem:s19+$0x0] =	vst v9  }
0x197: {  	v20 =	vld [tilespmem:s20+$0x50];
	v58 =	vunpack.i.l.bf16.f32 v7;
	v40 =	vunpack.i.u.bf16.f32 v4;
	v59 =	vmul.f32 v56, v12;
	[tilespmem:s17+$0x70] =	vst v18  }
0x198: {  	v24 =	vld [tilespmem:s14+$0x20];
	v50 =	vunpack.i.l.bf16.f32 v4;
	v0 =	vunpack.i.l.bf16.f32 v0;
	v5 =	vmul.f32 v5, v40;
	[tilespmem:s17+$0xF0] =	vst v1  }
0x199: {  	v61 =	vunpack.i.u.bf16.f32 v14;
	v62 =	vunpack.i.u.bf16.f32 v15;
	v25 =	vld [tilespmem:s31+$0xFFFFFFA0];
	v0 =	vmul.f32 v0, v50;
	[tilespmem:s19+$0xFFFFFF10] =	vst v59  }
0x19a: {  	v63 =	vunpack.i.l.bf16.f32 v15;
	v33 =	vld [tilespmem:s13+$0xFFFFFFA0];
	v21 =	vunpack.i.l.bf16.f32 v14;
	v13 =	vmul.f32 v62, v61;
	[tilespmem:s3+$0x30] =	vst v5  }
0x19b: {  	v60 =	vld [tilespmem:s13+$0x60];
	v38 =	vunpack.i.l.bf16.f32 v6;
	v42 =	vunpack.i.u.bf16.f32 v6;
	v2 =	vmul.f32 v63, v21;
	[tilespmem:s3+$0x20] =	vst v0  }
0x19c: {  	v16 =	vld [tilespmem:s7+$0x50];
	v1 =	vmul.f32 v57, v58;
	v22 =	vunpack.i.u.bf16.f32 v17;
	v23 =	vunpack.i.u.bf16.f32 v11;
	[tilespmem:s19+$0xFFFFFF90] =	vst v13  }
0x19d: {  	v49 =	vld [tilespmem:s31+$0xFFFFFFE0];
	v35 =	vunpack.i.l.bf16.f32 v17;
	[tilespmem:s19+$0xFFFFFF80] =	vst v2;
	v34 =	vunpack.i.l.bf16.f32 v11;
	v7 =	vmul.f32 v22, v23  }
0x19e: {  	v40 =	vunpack.i.u.bf16.f32 v3;
	v18 =	vld [tilespmem:s31+$0x60];
	[tilespmem:s19+$0xFFFFFF00] =	vst v1;
	v37 =	vmul.f32 v35, v34;
	v44 =	vunpack.i.u.bf16.f32 v24  }
0x19f: {  	v51 =	vld [tilespmem:s1+$0xFFFFFFF0];
	v45 =	vunpack.i.u.bf16.f32 v25;
	v46 =	vunpack.i.u.bf16.f32 v33;
	v2 =	vmul.f32 v42, v44;
	[tilespmem:s10+$0xFFFFFF70] =	vst v7  }
0x1a0: {  	v54 =	vld [tilespmem:s14+$0xFFFFFFF0];
	v61 =	vunpack.i.l.bf16.f32 v33;
	v1 =	vunpack.i.l.bf16.f32 v25;
	v9 =	vmul.f32 v46, v45;
	[tilespmem:s10+$0xFFFFFF60] =	vst v37  }
0x1a1: {  	v21 =	vld [tilespmem:s1+$0x70];
	v27 =	vunpack.i.l.bf16.f32 v20;
	v26 =	vunpack.i.l.bf16.f32 v16;
	v1 =	vmul.f32 v61, v1;
	[tilespmem:s10+$0x50] =	vst v2  }
0x1a2: {  	v59 =	vld [tilespmem:s13+$0xFFFFFFE0];
	v29 =	vunpack.i.u.bf16.f32 v60;
	v39 =	vunpack.i.l.bf16.f32 v24;
	v31 =	vmul.f32 v27, v26;
	[tilespmem:s3+$0xFFFFFF50] =	vst v9  }
0x1a3: {  	v43 =	vld [tilespmem:s22+$0xFFFFFFD0];
	v58 =	vunpack.i.l.bf16.f32 v60;
	v7 =	vmul.f32 v38, v39;
	v28 =	vunpack.i.u.bf16.f32 v18;
	[tilespmem:s3+$0xFFFFFF40] =	vst v1  }
0x1a4: {  	v35 =	vunpack.i.l.bf16.f32 v3;
	v30 =	vld [tilespmem:s22+$0xFFFFFF90];
	v57 =	vunpack.i.l.bf16.f32 v18;
	v32 =	vmul.f32 v29, v28;
	[tilespmem:s19+$0xA0] =	vst v31  }
0x1a5: {  	v36 =	vld [tilespmem:s20+$0xFFFFFF90];
	v23 =	vunpack.i.u.bf16.f32 v54;
	v24 =	vunpack.i.u.bf16.f32 v51;
	[tilespmem:s10+$0x40] =	vst v7;
	v60 =	vmul.f32 v58, v57  }
0x1a6: {  	v25 =	vunpack.i.l.bf16.f32 v51;
	v26 =	vunpack.i.l.bf16.f32 v54;
	v7 =	vmul.f32 v24, v23;
	[tilespmem:s3+$0xD0] =	vst v32  }
0x1a7: {  	v22 =	vld [tilespmem:s20+$0x10];
	v5 =	vunpack.i.l.bf16.f32 v49;
	v44 =	vunpack.i.l.bf16.f32 v59;
	v1 =	vmul.f32 v25, v26;
	[tilespmem:s3+$0xC0] =	vst v60  }
0x1a8: {  	v39 =	vld [tilespmem:s22+$0x10];
	v28 =	vunpack.i.u.bf16.f32 v49;
	v29 =	vunpack.i.u.bf16.f32 v59;
	v5 =	vmul.f32 v44, v5;
	[tilespmem:s10+$0xFFFFFFF0] =	vst v7  }
0x1a9: {  	v41 =	vld [tilespmem:s20+$0xFFFFFFD0];
	v42 =	vunpack.i.u.bf16.f32 v21;
	v55 =	vunpack.i.u.bf16.f32 v43;
	v31 =	vmul.f32 v29, v28;
	[tilespmem:s10+$0xFFFFFFE0] =	vst v1  }
0x1aa: {  	v27 =	vld [tilespmem:s13+$0xFFFFFFB0];
	v47 =	vunpack.i.u.bf16.f32 v30;
	v48 =	vunpack.i.u.bf16.f32 v36;
	v1 =	vmul.f32 v42, v40;
	[tilespmem:s3+$0xFFFFFFC0] =	vst v5  }
0x1ab: {  	v62 =	vld [tilespmem:s14+$0x30];
	v52 =	vunpack.i.l.bf16.f32 v36;
	v53 =	vunpack.i.l.bf16.f32 v30;
	v6 =	vmul.f32 v48, v47;
	[tilespmem:s3+$0xFFFFFFD0] =	vst v31  }
0x1ac: {  	v63 =	vunpack.i.l.bf16.f32 v43;
	v18 =	vld [tilespmem:s1+$0x30];
	v36 =	vunpack.i.l.bf16.f32 v21;
	v4 =	vmul.f32 v52, v53;
	[tilespmem:s10+$0xF0] =	vst v1  }
0x1ad: {  	v43 =	vld [tilespmem:s13+$0x20];
	v51 =	vunpack.i.u.bf16.f32 v22;
	v14 =	vmul.f32 v36, v35;
	v52 =	vunpack.i.u.bf16.f32 v39;
	[tilespmem:s19+$0xFFFFFF30] =	vst v6  }
0x1ae: {  	v20 =	vunpack.i.u.bf16.f32 v20;
	v56 =	vunpack.i.u.bf16.f32 v41;
	v30 =	vld [tilespmem:s31+$0xFFFFFFB0];
	v3 =	vmul.f32 v51, v52;
	[tilespmem:s19+$0xFFFFFF20] =	vst v4  }
0x1af: {  	v19 =	vunpack.i.u.bf16.f32 v16;
	v17 =	vunpack.i.l.bf16.f32 v41;
	v47 =	vld [tilespmem:s31+$0x20];
	v6 =	vmul.f32 v56, v55;
	[tilespmem:s10+$0xE0] =	vst v14  }
0x1b0: {  	v0 =	vunpack.i.l.bf16.f32 v22;
	v60 =	vld [tilespmem:s31+$0xFFFFFFF0];
	v4 =	vmul.f32 v17, v63;
	v55 =	vunpack.i.l.bf16.f32 v39;
	[tilespmem:s19+$0x30] =	vst v3  }
0x1b1: {  	v45 =	vunpack.i.u.bf16.f32 v27;
	v56 =	vld [tilespmem:s13+$0xFFFFFFF0];
	v32 =	vunpack.i.u.bf16.f32 v62;
	v0 =	vmul.f32 v0, v55;
	[tilespmem:s19+$0xFFFFFFB0] =	vst v6  }
0x1b2: {  	v33 =	vunpack.i.u.bf16.f32 v18;
	v11 =	vunpack.i.l.bf16.f32 v18;
	v48 =	vld [tilespmem:s22+$0xFFFFFFA0];
	v6 =	vmul.f32 v20, v19;
	[tilespmem:s19+$0xFFFFFFA0] =	vst v4  }
0x1b3: {  	v10 =	vunpack.i.l.bf16.f32 v62;
	v53 =	vld [tilespmem:s20+$0xFFFFFFA0];
	v58 =	vunpack.i.l.bf16.f32 v43;
	v37 =	vmul.f32 v33, v32;
	[tilespmem:s19+$0x20] =	vst v0  }
0x1b4: {  	v61 =	vunpack.i.u.bf16.f32 v43;
	v41 =	vmul.f32 v11, v10;
	v46 =	vunpack.i.u.bf16.f32 v30;
	v54 =	vld [tilespmem:s22+$0xFFFFFFE0];
	[tilespmem:s19+$0xB0] =	vst v6  }
0x1b5: {  	v4 =	vunpack.i.l.bf16.f32 v27;
	v2 =	vmul.f32 v45, v46;
	v62 =	vunpack.i.u.bf16.f32 v47;
	v63 =	vld [tilespmem:s20+$0xFFFFFFE0];
	[tilespmem:s10+$0x70] =	vst v37  }
0x1b6: {  	v59 =	vunpack.i.l.bf16.f32 v47;
	[tilespmem:s10+$0x60] =	vst v41;
	v6 =	vunpack.i.l.bf16.f32 v30;
	v3 =	vmul.f32 v61, v62;
	v16 =	vld [tilespmem:s20+$0x20]  }
0x1b7: {  	v17 =	vld [tilespmem:s22+$0x20];
	v21 =	vunpack.i.u.bf16.f32 v60;
	[tilespmem:s3+$0xFFFFFF70] =	vst v2;
	v57 =	vmul.f32 v4, v6;
	v2 =	vmul.f32 v58, v59  }
0x1b8: {  	v34 =	vld [tilespmem:s22+$0x60];
	v22 =	vunpack.i.u.bf16.f32 v56;
	v13 =	vunpack.i.u.bf16.f32 v48;
	v15 =	vunpack.i.u.bf16.f32 v53;
	[tilespmem:s3+$0x50] =	vst v3  }
0x1b9: {  	v38 =	vld [tilespmem:s20+$0x60];
	v5 =	vunpack.i.l.bf16.f32 v53;
	v19 =	vunpack.i.l.bf16.f32 v48;
	v26 =	vmul.f32 v22, v21;
	[tilespmem:s3+$0xFFFFFF60] =	vst v57  }
0x1ba: {  	[tilespmem:s3+$0x40] =	vst v2;
	v0 =	vmul.f32 v15, v13;
	v3 =	vmul.f32 v5, v19;
	v23 =	vunpack.i.u.bf16.f32 v54  }
0x1bb: {  	v18 =	vld [tilespmem:s31+$0x70];
	v25 =	vunpack.i.u.bf16.f32 v63;
	v28 =	vunpack.i.l.bf16.f32 v54;
	v29 =	vunpack.i.l.bf16.f32 v63;
	[tilespmem:s3+$0xFFFFFFF0] =	vst v26  }
0x1bc: {  	v27 =	vld [tilespmem:s13+$0x70];
	v5 =	vmul.f32 v25, v23;
	[tilespmem:s19+$0xFFFFFF40] =	vst v3;
	v3 =	vmul.f32 v29, v28  }
0x1bd: {  	v20 =	vld [tilespmem:s31+$0x30];
	[tilespmem:s19+$0xFFFFFF50] =	vst v0;
	v31 =	vunpack.i.l.bf16.f32 v16;
	v32 =	vunpack.i.l.bf16.f32 v17;
	v49 =	vunpack.i.u.bf16.f32 v34  }
0x1be: {  	v24 =	vld [tilespmem:s13+$0x30];
	v50 =	vunpack.i.u.bf16.f32 v38;
	v9 =	vunpack.i.l.bf16.f32 v34;
	v34 =	vmul.f32 v31, v32;
	[tilespmem:s19+$0xFFFFFFD0] =	vst v5  }
0x1bf: {  	v7 =	vunpack.i.l.bf16.f32 v38;
	v33 =	vld [tilespmem:s20+$0xFFFFFFB0];
	v1 =	vmul.f32 v50, v49;
	[tilespmem:s19+$0xFFFFFFC0] =	vst v3  }
0x1c0: {  	v35 =	vunpack.i.l.bf16.f32 v56;
	v6 =	vunpack.i.l.bf16.f32 v60;
	v36 =	vld [tilespmem:s22+$0xFFFFFFB0];
	v7 =	vmul.f32 v7, v9;
	[tilespmem:s19+$0x40] =	vst v34  }
0x1c1: {  	v4 =	vunpack.i.u.bf16.f32 v16;
	v38 =	vmul.f32 v35, v6;
	v40 =	vld [tilespmem:s20+$0xFFFFFFF0];
	[tilespmem:s19+$0xD0] =	vst v1;
	v1 =	vunpack.i.u.bf16.f32 v17  }
0x1c2: {  	v41 =	vunpack.i.l.bf16.f32 v18;
	v42 =	vunpack.i.l.bf16.f32 v27;
	v43 =	vld [tilespmem:s22+$0xFFFFFFF0];
	[tilespmem:s19+$0xC0] =	vst v7;
	v1 =	vmul.f32 v4, v1  }
0x1c3: {  	v5 =	vmul.f32 v42, v41;
	[tilespmem:s3+$0xFFFFFFE0] =	vst v38;
	v37 =	vunpack.i.u.bf16.f32 v20;
	v39 =	vunpack.i.u.bf16.f32 v24;
	v30 =	vld [tilespmem:s22+$0x70]  }
0x1c4: {  	v44 =	vunpack.i.l.bf16.f32 v24;
	v0 =	vunpack.i.l.bf16.f32 v20;
	v3 =	vmul.f32 v39, v37;
	v50 =	vld [tilespmem:s20+$0x70];
	[tilespmem:s19+$0x50] =	vst v1  }
0x1c5: {  	v2 =	vunpack.i.u.bf16.f32 v18;
	v46 =	vunpack.i.u.bf16.f32 v27;
	[tilespmem:s3+$0xE0] =	vst v5;
	v0 =	vmul.f32 v44, v0;
	v45 =	vld [tilespmem:s22+$0x30]  }
0x1c6: {  	v48 =	vunpack.i.u.bf16.f32 v33;
	v49 =	vunpack.i.u.bf16.f32 v36;
	[tilespmem:s3+$0x70] =	vst v3;
	v1 =	vmul.f32 v46, v2;
	v47 =	vld [tilespmem:s20+$0x30]  }
0x1c7: {  	v8 =	vunpack.i.l.bf16.f32 v36;
	v51 =	vunpack.i.l.bf16.f32 v33;
	[tilespmem:s3+$0x60] =	vst v0;
	v2 =	vmul.f32 v48, v49  }
0x1c8: {  	v0 =	vmul.f32 v51, v8;
	v52 =	vunpack.i.u.bf16.f32 v43;
	v53 =	vunpack.i.u.bf16.f32 v40;
	[tilespmem:s3+$0xF0] =	vst v1  }
0x1c9: {  	v54 =	vunpack.i.l.bf16.f32 v40;
	v6 =	vunpack.i.l.bf16.f32 v43;
	[tilespmem:s19+$0xFFFFFF70] =	vst v2;
	v1 =	vmul.f32 v53, v52  }
0x1ca: {  	[tilespmem:s19+$0xFFFFFF60] =	vst v0;
	v2 =	vmul.f32 v54, v6;
	v57 =	vunpack.i.l.bf16.f32 v30;
	v58 =	vunpack.i.l.bf16.f32 v50  }
0x1cb: {  	[tilespmem:s19+$0xFFFFFFF0] =	vst v1;
	v61 =	vmul.f32 v58, v57;
	v55 =	vunpack.i.u.bf16.f32 v45;
	v56 =	vunpack.i.u.bf16.f32 v47  }
.Ltmp6:
0x1cc: {  	[tilespmem:s19+$0xFFFFFFE0] =	vst v2;
	v59 =	vunpack.i.l.bf16.f32 v47;
	v60 =	vunpack.i.l.bf16.f32 v45;
	v0 =	vmul.f32 v56, v55;
	(pc) =	sbr.rel @p1 .LBB2_9-.Ltmp6, $4  }
0x1cd: {  	v62 =	vunpack.i.u.bf16.f32 v30;
	v63 =	vunpack.i.u.bf16.f32 v50;
	[tilespmem:s19+$0xE0] =	vst v61;
	v1 =	vmul.f32 v59, v60  }
0x1ce: {  	[tilespmem:s19+$0x70] =	vst v0;
	v0 =	vmul.f32 v63, v62  }
0x1cf: {  	[tilespmem:s19+$0x60] =	vst v1  }
0x1d0: {  	s1 =	sadd.s32 $0xFC8, s12;
	[tilespmem:s19+$0xF0] =	vst v0  }
0x1d1: {  	s3 =	smul.u32 $0x50, s9;
	_ =	sdelay $0x1  }
0x1d2: {  	s6 =	sadd.s32 $0x78, s3  }
0x1d3: {  	[tilespmem:s21], [sflag:$0x2] =	stream.indirect.gather [hbm4b:s4+s18], $0x40, s6, s18, $0xb8;
	[tilespmem:$0x19FF0] =	vst v63  }
.Ltmp7:
0x1d4: {  	_ = 	snop;
	(pc) =	sbr.rel .LBB2_3-.Ltmp7, $4  }
0x1d5: {  	s3 =	sadd.s32 $0x848, s3  }
0x1d6: {  	[tilespmem:s23], [sflag:$0x4] =	stream.indirect.gather [hbm4b:s5+s18], $0x40, s3, s18, $0xb8;
	[tilespmem:$0x19FF0] =	vst v63  }
0x1d7: {  	s9 =	sadd.s32 $0x1, s9  }
0x1d8: {  	[spmem:s2] =	stream.indirect.scatter.add.f32 [tilespmem:s30], [sflag:$0x6], $0x80, s1, s18, $0xb8;
	[tilespmem:$0x19FF0] =	vst v63  }
.LBB2_11:
0x1d9: {  	_ =	sfence.sel $0x180000  }
0x1da: {  	[bflag:$0x0] =	sbarrier.arrive $0xFFFF  }
0x1db: {  	_ =	strace $0x9000004D  }
0x1dc: {  	s0 =	stileid.u32;
	[bflag:$0x2] =	sbarrier.arrive $0xFFFF  }
0x1dd: {  	p0 =	sne.s32 s0, $0x0;
	s0 =	rddreg [dreg:$0x2]  }
0x1de: {  	s0 =	sadd.s32 @!p0 $0x100000, s0  }
0x1df: {  	[sflag:s0] =	ssyncadd.tile.s32 @!p0 $0x1;
	_ =	shalt  }
.Lfunc_end2:
_tile_overlayer_lowered:
.L_overlay_start_2:
0x1e0: {  	(tag) =	ssettag $0x2  }
0x1e1: {  	s0 =	rddreg [dreg:$0x0];
	s2 =	stileid.u32  }
0x1e2: {  	s1 =	rddreg [dreg:$0x1];
	p0 =	sne.s32 s2, $0x0  }
0x1e3: {  	s3 =	rddreg [dreg:$0x2];
	[bflag:$0x3] =	sbarrier.arrive $0xFFFF;
	s2 =	simm.s32 @!p0 $0x1C07  }
0x1e4: {  	[timem:s3], [sflag:s2] =	dma.local @!p0 [hbm:s0], s1  }
0x1e5: {  	s0 =	simm.s32 @!p0 $0x7  }
0x1e6: {  	_ =	swait.ge @!p0 [sflag:s0], s1  }
0x1e7: {  	s1 =	ssub.s32 @!p0 $0x0, s1;
	[sflag:s0] =	ssyncset.done @!p0 $0x0  }
0x1e8: {  	[sflag:s0] =	ssyncadd.s32 @!p0 s1  }
0x1e9: {  	[bflag:$0x3] =	sbarrier.arrive $0xFFFF  }
0x1ea: {  	_ =	shalt  }

// kernel: kernel.9.cloned.1.call-start
scs
__scs_entry_jumppad:
0x0: {  	(pc) =	sbr.rel $0x88, $3  }
0x1: {  	(tag) =	ssettag $0x0;
	lr =	simm.s32 $0x1  }
0x2: {  	[smem:$0x3F91] =	sst lr;
	_ =	strace $0xD0000000  }
0x3: {  	_ = 	snop  }
0x4: {  	_ = 	snop  }
0x5: {  	_ = 	snop  }
0x6: {  	_ = 	snop  }
0x7: {  	_ = 	snop  }
__scs_overlays_trampoline_lowered:
0x8: {  	[smem:$0x3FA0] =	sst s0  }
0x9: {  	[smem:$0x3FA1] =	sst s1  }
0xa: {  	[smem:$0x3FA2] =	sst s2  }
0xb: {  	[smem:$0x3FA3] =	sst s3  }
0xc: {  	[smem:$0x3FA4] =	sst s4  }
0xd: {  	[smem:$0x3FA5] =	sst s5  }
0xe: {  	[smem:$0x3FA6] =	sst s6  }
0xf: {  	[smem:$0x3FA7] =	sst s7  }
0x10: {  	[smem:$0x3FA8] =	sst s8  }
0x11: {  	[smem:$0x3FA9] =	sst s9;
	s0 =	simm.s32 @!p0 $0x0  }
0x12: {  	s1 =	sld [smem:$0x3F8F];
	s0 =	simm.s32 @p0 $0x1  }
0x13: {  	[smem:$0x3FAA] =	sst s0;
	s0 =	simm.s32 @!p1 $0x0  }
0x14: {  	s2 =	sld [smem:$0x3F8E];
	s0 =	simm.s32 @p1 $0x1  }
0x15: {  	[smem:$0x3FAB] =	sst s0;
	s0 =	simm.s32 @!p2 $0x0  }
0x16: {  	s3 =	sld [smem:$0x3FDB];
	s0 =	simm.s32 @p2 $0x1  }
0x17: {  	s4 =	simm.s32 $0x1BF5;
	[smem:$0x3FAD] =	sst s0  }
0x18: {  	s0 =	sld [smem:$0x3F90];
	_ =	swait.ge [sflag:s4], $0x0  }
0x19: {  	s7 =	sld [smem:$0x3F91]  }
0x1a: {  	s8 =	sadd.s32 $0xFFFFE003, lr  }
0x1b: {  	s9 =	sadd.s32 $0xFFFFFEF7, lr;
	s5 =	simm.s32 $0xFFFFFFFF;
	p2 =	slt.u32 s8, $0xFFFFF086  }
0x1c: {  	p1 =	slt.u32 s9, $0xF7A;
	s5 =	simm.s32 @!p2 $0x0  }
0x1d: {  	s5 =	simm.s32 @p1 $0x1;
	p0 =	seq.s32 s7, s2  }
0x1e: {  	s7 =	smul.u32 @!p0 $0xF7A, s2;
	p2 =	seq.s32 @!p0 s5, $0x0  }
0x1f: {  	s9 =	smul.u32 $0xF7A, s1;
	s8 =	simm.s32 @!p0 $0x1BF5;
	p2 =	por !p2, p0  }
0x20: {  	[sflag:s8] =	ssyncset.s32 @!p0 $0xFFFFF086;
	s6 =	sadd.s32 @!p0 s3, s7;
	s7 =	simm.s32 @!p0 $0x108  }
0x21: {  	s3 =	sadd.s32 s3, s9;
	s6 =	sadd.s32 @!p0 $0x88, s6;
	s7 =	simm.s32 @p2 $0x1082  }
0x22: {  	[simem:s7], [sflag:s8] =	dma.local @!p0 [hbm:s6], $0xF7A  }
0x23: {  	s9 =	sor.u32 $0xD0000000, s2;
	s6 =	simm.s32 $0x108;
	_ =	swait.ge @!p0 [sflag:s8], $0x0  }
0x24: {  	s3 =	sadd.s32 $0x88, s3;
	s6 =	simm.s32 @!p1 $0x1082;
	[sflag:s4] =	ssyncset.s32 $0xFFFFF086  }
0x25: {  	[simem:s6], [sflag:s4] =	dma.local [hbm:s3], $0xF7A  }
0x26: {  	[smem:$0x3F91] =	sst s1;
	(tag) =	ssettag s2;
	_ =	strace s9  }
0x27: {  	s1 =	sld [smem:$0x3FA1]  }
0x28: {  	s2 =	sld [smem:$0x3FA2]  }
0x29: {  	s4 =	sld [smem:$0x3FA4]  }
0x2a: {  	p0 =	seq.s32 s5, $0x0;
	s5 =	sld [smem:$0x3FA5]  }
0x2b: {  	s6 =	sld [smem:$0x3FA6]  }
0x2c: {  	s7 =	sld [smem:$0x3FA7]  }
0x2d: {  	s3 =	simm.s32 $0x108;
	s8 =	sld [smem:$0x3FA8]  }
0x2e: {  	s3 =	simm.s32 @!p0 $0x1082;
	s9 =	sld [smem:$0x3FA9]  }
0x2f: {  	lr =	sadd.s32 s0, s3;
	s0 =	sld [smem:$0x3FA0]  }
0x30: {  	s3 =	sld [smem:$0x3FA3]  }
0x31: {  	[smem:$0x3FAC] =	sst s10  }
0x32: {  	s10 =	sld [smem:$0x3FAA];
	_ =	sdelay $0x3  }
0x33: {  	p0 =	seq.s32 s10, $0x1;
	s10 =	sld [smem:$0x3FAC];
	_ =	sdelay $0x3  }
0x34: {  	[smem:$0x3FAC] =	sst s10  }
0x35: {  	s10 =	sld [smem:$0x3FAB];
	_ =	sdelay $0x3  }
0x36: {  	p1 =	seq.s32 s10, $0x1;
	s10 =	sld [smem:$0x3FAC];
	_ =	sdelay $0x3  }
0x37: {  	[smem:$0x3FAC] =	sst s10  }
0x38: {  	s10 =	sld [smem:$0x3FAD]  }
0x39: {  	_ = 	snop;
	(pc) =	sbr.ind lr, $3  }
0x3a: {  	_ = 	snop  }
0x3b: {  	_ = 	snop  }
0x3c: {  	p2 =	seq.s32 s10, $0x1;
	s10 =	sld [smem:$0x3FAC]  }
0x3d: {  	_ =	shalt  }
0x3e: {  	_ =	shalt  }
0x3f: {  	_ =	shalt  }
0x40: {  	_ =	shalt  }
0x41: {  	_ =	shalt  }
0x42: {  	_ =	shalt  }
0x43: {  	_ =	shalt  }
0x44: {  	_ =	shalt  }
0x45: {  	_ =	shalt  }
0x46: {  	_ =	shalt  }
0x47: {  	_ =	shalt  }
0x48: {  	_ =	shalt  }
0x49: {  	_ =	shalt  }
0x4a: {  	_ =	shalt  }
0x4b: {  	_ =	shalt  }
0x4c: {  	_ =	shalt  }
0x4d: {  	_ =	shalt  }
0x4e: {  	_ =	shalt  }
0x4f: {  	_ =	shalt  }
0x50: {  	_ =	shalt  }
0x51: {  	_ =	shalt  }
0x52: {  	_ =	shalt  }
0x53: {  	_ =	shalt  }
0x54: {  	_ =	shalt  }
0x55: {  	_ =	shalt  }
0x56: {  	_ =	shalt  }
0x57: {  	_ =	shalt  }
0x58: {  	_ =	shalt  }
0x59: {  	_ =	shalt  }
0x5a: {  	_ =	shalt  }
0x5b: {  	_ =	shalt  }
0x5c: {  	_ =	shalt  }
0x5d: {  	_ =	shalt  }
0x5e: {  	_ =	shalt  }
0x5f: {  	_ =	shalt  }
0x60: {  	_ =	shalt  }
0x61: {  	_ =	shalt  }
0x62: {  	_ =	shalt  }
0x63: {  	_ =	shalt  }
0x64: {  	_ =	shalt  }
0x65: {  	_ =	shalt  }
0x66: {  	_ =	shalt  }
0x67: {  	_ =	shalt  }
0x68: {  	_ =	shalt  }
0x69: {  	_ =	shalt  }
0x6a: {  	_ =	shalt  }
0x6b: {  	_ =	shalt  }
0x6c: {  	_ =	shalt  }
0x6d: {  	_ =	shalt  }
0x6e: {  	_ =	shalt  }
0x6f: {  	_ =	shalt  }
0x70: {  	_ =	shalt  }
0x71: {  	_ =	shalt  }
0x72: {  	_ =	shalt  }
0x73: {  	_ =	shalt  }
0x74: {  	_ =	shalt  }
0x75: {  	_ =	shalt  }
0x76: {  	_ =	shalt  }
0x77: {  	_ =	shalt  }
0x78: {  	_ =	shalt  }
0x79: {  	_ =	shalt  }
0x7a: {  	_ =	shalt  }
0x7b: {  	_ =	shalt  }
0x7c: {  	_ =	shalt  }
0x7d: {  	_ =	shalt  }
0x7e: {  	_ =	shalt  }
0x7f: {  	_ =	shalt  }
0x80: {  	_ =	shalt  }
0x81: {  	_ =	shalt  }
0x82: {  	_ =	shalt  }
0x83: {  	_ =	shalt  }
0x84: {  	_ =	shalt  }
0x85: {  	_ =	shalt  }
0x86: {  	_ =	shalt  }
0x87: {  	_ =	shalt  }
.Lfunc_end0:
.L_simem_size_0:
called_computation_lowered:
.L_overlay_start_0:
0x88: {  	s2 =	sld [smem:$0x3FD9]  }
0x89: {  	s3 =	sld [smem:$0x3FFE];
	_ =	sdelay $0x1  }
0x8a: {  	s1 =	srdreg.scid  }
0x8b: {  	s0 =	sand.u32 $0x1, s1  }
0x8c: {  	s17 =	sshll.u32 s0, $0xA;
	s2 =	sadd.s32 s3, s2  }
0x8d: {  	s2 =	sadd.s32 s2, s17  }
0x8e: {  	[smem:$0x3FB8] =	sst s2  }
0x8f: {  	_ = 	snop  }
0x90: {  	s2 =	sld [smem:$0x3FD0];
	(tm) =	ssettm $0x1  }
0x91: {  	s18 =	sld [smem:$0x3FFB];
	_ =	sdelay $0x3  }
0x92: {  	_ =	strace s18  }
0x93: {  	s3 =	sld [smem:$0x3FFC];
	_ =	sdelay $0x3  }
0x94: {  	_ =	strace s3  }
0x95: {  	s3 =	sld [smem:$0x3FFD];
	_ =	sdelay $0x3  }
0x96: {  	_ =	strace s3  }
0x97: {  	_ =	strace $0x8FFFFFFF  }
0x98: {  	s19 =	sld [smem:$0x3FDB];
	_ =	sdelay $0x1  }
0x99: {  	s4 =	simm.s32 $_scs_section_size  }
0x9a: {  	s5 =	simm.s32 $_size__tile_overlayer_lowered;
	s6 =	simm.s32 $_tile_overlayer_lowered  }
0x9b: {  	s22 =	simm.s32 $0x1BFF;
	s21 =	sshll.u32 s6, $0x1;
	s3 =	sadd.s32 s4, s19  }
0x9c: {  	s7 =	simm.s32 $0x0;
	s20 =	sshll.u32 s5, $0x1;
	s5 =	sadd.s32 s21, s3  }
0x9d: {  	[timem:s7], [sflag:s22] =	dma.local [hbm:s5], s20  }
0x9e: {  	_ =	swait.ge [sflag:s22], s20  }
0x9f: {  	s4 =	ssub.s32 $0x0, s20;
	[sflag:s22] =	ssyncset.done $0x0  }
0xa0: {  	[sflag:s22] =	ssyncadd.s32 s4;
	_ =	sdelay $0x1  }
0xa1: {  	s23 =	simm.s32 $0x1B8B  }
0xa2: {  	_ =	swait.ge [sflag:s23], $0x1  }
0xa3: {  	[sflag:s23] =	ssyncset.done $0x0  }
0xa4: {  	s25 =	simm.s32 $0x1B8E;
	s24 =	sld [smem:$0x3FFE];
	[sflag:s23] =	ssyncadd.s32 $0xFFFFFFFF  }
0xa5: {  	s26 =	simm.s32 $execute0_lowered;
	[smem:$0x3FD2] =	sst s25  }
0xa6: {  	s5 =	sshll.u32 s26, $0x1;
	_ =	strace $0x80000046;
	[dreg:$0x1] =	wrdreg $0xFFFFFFFF  }
0xa7: {  	s28 =	simm.s32 $_size_execute0_lowered;
	s3 =	sadd.s32 s3, s5;
	[dreg:$0x0] =	wrdreg $0x0  }
0xa8: {  	s5 =	sshll.u32 s28, $0x1;
	[dreg:$0x2] =	wrdreg s3  }
0xa9: {  	[dreg:$0x3] =	wrdreg s5  }
0xaa: {  	[dreg:$0x4] =	wrdreg $0xC0  }
0xab: {  	_ =	task [dreg:s7], $0x5FFFF  }
0xac: {  	[dreg:$0x1] =	wrdreg $0xFFFFFFFF  }
0xad: {  	[dreg:$0x0] =	wrdreg $0x60  }
0xae: {  	[dreg:$0x2] =	wrdreg s24  }
0xaf: {  	[dreg:$0x3] =	wrdreg s2  }
0xb0: {  	[dreg:$0x4] =	wrdreg $0x9  }
0xb1: {  	_ =	task.clear_ibuf [dreg:s7], $0x5FFFF;
	_ =	strace $0x90000046  }
0xb2: {  	s29 =	simm.s32 $0x9;
	_ =	strace $0x80000048  }
0xb3: {  	_ =	swait.ge [sflag:s29], $0x1  }
0xb4: {  	[sflag:s29] =	ssyncadd.s32 $0xFFFFFFFF  }
0xb5: {  	_ =	strace $0x90000048  }
0xb6: {  	_ =	sfence  }
0xb7: {  	s30 =	sld [smem:$0x0];
	_ =	sdelay $0x2  }
0xb8: {  	s31 =	sshll.u32 s1, $0xD;
	s1 =	sshrl.u32 s1, $0x2  }
0xb9: {  	s3 =	sand.u32 $0x4000, s31;
	s1 =	sadd.s32 s1, s30  }
0xba: {  	s0 =	sor.u32 s3, s0;
	s1 =	sshll.u32 s1, $0x11  }
0xbb: {  	s0 =	sor.u32 s1, s0  }
0xbc: {  	s0 =	sadd.s32 $0x8F2B, s0  }
0xbd: {  	[sflag:s0] =	ssyncadd.remote.s32 $0x1  }
0xbe: {  	_ =	sfence.sel $0xFFFF  }
0xbf: {  	[dreg:$0x0] =	wrdreg $0xFFFFFFFF;
	(pc) =	sbr.abs _section_cstart, $3  }
0xc0: {  	[dreg:$0x1] =	wrdreg $0xFFFFFFFF  }
0xc1: {  	_ =	task.clear_ibuf [dreg:s7], $0x2FFFF;
	_ =	strace $0x9FFFFFFF  }
0xc2: {  	(tm) =	ssettm $0x7FFFFFFF  }
0xc3: {  	_ =	shalt  }
tec
execute0_lowered:
.L_overlay_start_1:
0x0: {  	(tag) =	ssettag $0x1  }
0x1: {  	s8 =	rddreg [dreg:$0x0]  }
0x2: {  	s1 =	rddreg [dreg:$0x1]  }
0x3: {  	s0 =	rddreg [dreg:$0x2];
	s2 =	simm.s32 $0x0  }
0x4: {  	s3 =	srdreg.scid;
	s13 =	simm.s32 $0x4E20;
	s14 =	simm.s32 $0x7530  }
0x5: {  	s15 =	simm.s32 $0x7D00;
	s16 =	simm.s32 $0x84D0;
	s17 =	simm.s32 $0x0  }
0x6: {  	[smem:$0x7FF] =	sst s2;
	s4 =	sadd.s32 $0x1C00, s8;
	s5 =	sadd.s32 $0x1600, s8  }
0x7: {  	s9 =	sand.u32 $0x1, s3;
	s6 =	sadd.s32 $0xC000, s8;
	s3 =	stileid.u32  }
0x8: {  	s7 =	sadd.s32 $0x2200, s8;
	s8 =	sadd.s32 $0x15E00, s8;
	s10 =	ssub.s32 $0x2, s9  }
0x9: {  	_ =	strace $0x80000047;
	s12 =	sshll.u32 s3, $0x1;
	s11 =	sshrl.u32 s10, $0x1  }
0xa: {  	s9 =	sor.u32 s9, s12;
	s12 =	simm.s32 $0x2710;
	s10 =	ssub.s32 s10, s11  }
0xb: {  	s9 =	smul.u32 $0x2710, s9;
	s11 =	simm.s32 $0x1;
	s10 =	smax.u32 s10, $0x1  }
.LBB2_1:
0xc: {  	[tilespmem:s2], [sflag:$0x1] =	stream.linear.gather [hbm4b:s4+s2], $0x2710, $0x38;
	[tilespmem:$0x8CA0] =	vst v63  }
0xd: {  	_ =	swait.ge [sflag:s11], $0x2710  }
0xe: {  	[sflag:s11] =	ssyncset.done $0x0  }
0xf: {  	[sflag:s11] =	ssyncadd.s32 $0xFFFFD8F0  }
0x10: {  	[tilespmem:s12], [sflag:$0x1] =	stream.linear.gather [hbm4b:s5+s2], $0x2710, $0x38;
	[tilespmem:$0x8CA0] =	vst v63  }
0x11: {  	_ =	swait.ge [sflag:s11], $0x2710  }
0x12: {  	[sflag:s11] =	ssyncset.done $0x0  }
0x13: {  	[sflag:s11] =	ssyncadd.s32 $0xFFFFD8F0  }
0x14: {  	[tilespmem:s13], [sflag:$0x1] =	stream.linear.gather [hbm4b:s1+s2], $0x2710, $0x38;
	[tilespmem:$0x8CA0] =	vst v63  }
0x15: {  	_ =	swait.ge [sflag:s11], $0x2710  }
0x16: {  	[sflag:s11] =	ssyncset.done $0x0  }
0x17: {  	s18 =	simm.s32 $0x0;
	[sflag:s11] =	ssyncadd.s32 $0xFFFFD8F0  }
.LBB2_2:
0x18: {  	s19 =	smul.u32 $0x7D0, s18;
	_ =	sdelay $0x1  }
0x19: {  	s19 =	sadd.s32 s9, s19  }
0x1a: {  	s19 =	sshrl.u32 s19, $0x3  }
0x1b: {  	s21 =	simm.s32 $0x0;
	s20 =	sadd.s32 s6, s19  }
0x1c: {  	[tilespmem:s14], [sflag:$0x1] =	stream.linear.gather [hbm4b:s20+s21], $0x7D0, $0x38;
	[tilespmem:$0x8CA0] =	vst v63  }
0x1d: {  	_ =	swait.ge [sflag:s11], $0x7D0  }
0x1e: {  	[sflag:s11] =	ssyncset.done $0x0  }
0x1f: {  	s31 =	sadd.s32 s7, s19;
	[sflag:s11] =	ssyncadd.s32 $0xFFFFF830  }
0x20: {  	[tilespmem:s15], [sflag:$0x1] =	stream.linear.gather [hbm4b:s31+s21], $0x7D0, $0x38;
	[tilespmem:$0x8CA0] =	vst v63  }
0x21: {  	_ =	swait.ge [sflag:s11], $0x7D0  }
0x22: {  	[sflag:s11] =	ssyncset.done $0x0  }
0x23: {  	s20 =	simm.s32 $0x0;
	[sflag:s11] =	ssyncadd.s32 $0xFFFFF830  }
0x24: {  	v0 =	vld [tilespmem:s20+$0x7D00]  }
0x25: {  	v1 =	vld [tilespmem:s20+$0x7530];
	_ =	sdelay $0x6  }
0x26: {  	v2 =	vld.idx.msk [tilespmem:v0+s12+$0x0], $0xffff  }
0x27: {  	v3 =	vld.idx.msk [tilespmem:v1+s12+$0x0], $0xffff  }
0x28: {  	v4 =	vld.idx.msk [tilespmem:v0+s2+$0x0], $0xffff  }
0x29: {  	v5 =	vld.idx.msk [tilespmem:v1+s2+$0x0], $0xffff  }
0x2a: {  	v0 =	vld.idx.msk [tilespmem:v0+s13+$0x0], $0xffff  }
0x2b: {  	v1 =	vld.idx.msk [tilespmem:v1+s13+$0x0], $0xffff;
	_ =	sdelay $0x2  }
0x2c: {  	v4 =	vsub.f32 v5, v4;
	v2 =	vsub.f32 v3, v2;
	_ =	sdelay $0x1  }
0x2d: {  	v0 =	vsub.f32 v1, v0;
	v1 =	vmul.f32 v4, v4;
	v2 =	vmul.f32 v2, v2;
	_ =	sdelay $0x1  }
0x2e: {  	v0 =	vmul.f32 v0, v0;
	v1 =	vadd.f32 v2, v1;
	_ =	sdelay $0x1  }
0x2f: {  	v0 =	vadd.f32 v0, v1;
	_ =	sdelay $0x1  }
0x30: {  	v0 =	vmax.f32 v0, $1.000000020e-24  }
0x31: {  	v1 =	vshrl.u32 v0, $0x1;
	v2 =	vmul.f32 $5.000000000e-01, v0  }
0x32: {  	v1 =	vsub.s32 $0x5F3759DF, v1  }
0x33: {  	v3 =	vmul.f32 v1, v2;
	_ =	sdelay $0x1  }
0x34: {  	v3 =	vmul.f32 v1, v3;
	_ =	sdelay $0x1  }
0x35: {  	v3 =	vsub.f32 $1.500000000e+00, v3;
	_ =	sdelay $0x1  }
0x36: {  	v1 =	vmul.f32 v1, v3;
	_ =	sdelay $0x1  }
0x37: {  	v3 =	vmul.f32 v1, v2;
	_ =	sdelay $0x1  }
0x38: {  	v3 =	vmul.f32 v3, v1;
	_ =	sdelay $0x1  }
0x39: {  	v3 =	vsub.f32 $1.500000000e+00, v3;
	_ =	sdelay $0x1  }
0x3a: {  	v1 =	vmul.f32 v3, v1;
	_ =	sdelay $0x1  }
0x3b: {  	v2 =	vmul.f32 v1, v2;
	_ =	sdelay $0x1  }
0x3c: {  	v2 =	vmul.f32 v2, v1;
	_ =	sdelay $0x1  }
0x3d: {  	v2 =	vsub.f32 $1.500000000e+00, v2;
	_ =	sdelay $0x1  }
0x3e: {  	v1 =	vmul.f32 v2, v1;
	_ =	sdelay $0x1  }
0x3f: {  	v0 =	vmul.f32 v1, v0;
	_ =	sdelay $0x1  }
0x40: {  	v0 =	vmul.f32 $1.560380980e+03, v0  }
0x41: {  	s22 =	simm.s32 $0x10  }
0x42: {  	v2 =	vadd.f32 $5.000000000e-01, v0;
	v0 =	vld [tilespmem:s22+$0x7D00]  }
0x43: {  	v1 =	vld [tilespmem:s22+$0x7530]  }
0x44: {  	s21 =	simm.s32 $0x80;
	v2 =	vtrunc.f32 v2  }
.LBB2_3:
0x45: {  	p0 =	sne.s32 s21, $0x1F00;
	v2 =	vcvt.f32.s32 v2;
	_ =	sdelay $0x1  }
0x46: {  	vm0 =	vlt.s32 v2, $0x21FF  }
0x47: {  	v2 =	vnsel vm0, $0x21FF, v2  }
0x48: {  	[tilespmem:s20+$0x84D0] =	vst v2;
	s20 =	smov.u32 s22  }
0x49: {  	v2 =	vld.idx.msk [tilespmem:v0+s12+$0x0], $0xffff  }
0x4a: {  	v3 =	vld.idx.msk [tilespmem:v1+s12+$0x0], $0xffff  }
0x4b: {  	v4 =	vld.idx.msk [tilespmem:v0+s2+$0x0], $0xffff  }
0x4c: {  	v5 =	vld.idx.msk [tilespmem:v1+s2+$0x0], $0xffff  }
0x4d: {  	v0 =	vld.idx.msk [tilespmem:v0+s13+$0x0], $0xffff  }
0x4e: {  	v1 =	vld.idx.msk [tilespmem:v1+s13+$0x0], $0xffff;
	_ =	sdelay $0x3  }
0x4f: {  	v2 =	vsub.f32 v3, v2;
	v4 =	vsub.f32 v5, v4;
	_ =	sdelay $0x1  }
0x50: {  	v2 =	vmul.f32 v2, v2;
	v0 =	vsub.f32 v1, v0;
	v1 =	vmul.f32 v4, v4;
	_ =	sdelay $0x1  }
0x51: {  	v1 =	vadd.f32 v2, v1;
	v0 =	vmul.f32 v0, v0;
	_ =	sdelay $0x1  }
0x52: {  	v0 =	vadd.f32 v0, v1;
	_ =	sdelay $0x1  }
0x53: {  	v0 =	vmax.f32 v0, $1.000000020e-24  }
0x54: {  	v1 =	vshrl.u32 v0, $0x1;
	v2 =	vmul.f32 $5.000000000e-01, v0  }
0x55: {  	v1 =	vsub.s32 $0x5F3759DF, v1  }
0x56: {  	v3 =	vmul.f32 v1, v2;
	_ =	sdelay $0x1  }
0x57: {  	v3 =	vmul.f32 v1, v3;
	_ =	sdelay $0x1  }
0x58: {  	v3 =	vsub.f32 $1.500000000e+00, v3;
	_ =	sdelay $0x1  }
0x59: {  	v1 =	vmul.f32 v1, v3;
	_ =	sdelay $0x1  }
0x5a: {  	v3 =	vmul.f32 v1, v2;
	_ =	sdelay $0x1  }
0x5b: {  	v3 =	vmul.f32 v3, v1;
	_ =	sdelay $0x1  }
0x5c: {  	v3 =	vsub.f32 $1.500000000e+00, v3;
	_ =	sdelay $0x1  }
0x5d: {  	v1 =	vmul.f32 v3, v1;
	_ =	sdelay $0x1  }
0x5e: {  	v2 =	vmul.f32 v1, v2;
	_ =	sdelay $0x1  }
0x5f: {  	v2 =	vmul.f32 v2, v1;
	_ =	sdelay $0x1  }
0x60: {  	v2 =	vsub.f32 $1.500000000e+00, v2;
	_ =	sdelay $0x1  }
0x61: {  	v1 =	vmul.f32 v2, v1;
	_ =	sdelay $0x1  }
0x62: {  	v0 =	vmul.f32 v1, v0;
	_ =	sdelay $0x1  }
.Ltmp0:
0x63: {  	v1 =	vmul.f32 $1.560380980e+03, v0;
	(pc) =	sbr.rel @p0 .LBB2_3-.Ltmp0, $4  }
0x64: {  	s22 =	sshra.s32 s21, $0x2  }
0x65: {  	v2 =	vadd.f32 $5.000000000e-01, v1;
	v0 =	vld [tilespmem:s22+$0x7D00]  }
0x66: {  	v1 =	vld [tilespmem:s22+$0x7530]  }
0x67: {  	s21 =	sadd.s32 $0x40, s21;
	v2 =	vtrunc.f32 v2  }
0x68: {  	_ = 	snop  }
0x69: {  	v2 =	vcvt.f32.s32 v2;
	_ =	sdelay $0x1  }
0x6a: {  	vm0 =	vlt.s32 v2, $0x21FF  }
0x6b: {  	v2 =	vnsel vm0, $0x21FF, v2  }
0x6c: {  	[tilespmem:s20+$0x84D0] =	vst v2  }
0x6d: {  	v2 =	vld.idx.msk [tilespmem:v0+s12+$0x0], $0xffff  }
0x6e: {  	v3 =	vld.idx.msk [tilespmem:v1+s12+$0x0], $0xffff  }
0x6f: {  	v4 =	vld.idx.msk [tilespmem:v0+s2+$0x0], $0xffff  }
0x70: {  	v5 =	vld.idx.msk [tilespmem:v1+s2+$0x0], $0xffff  }
0x71: {  	v58 =	vld.idx.msk [tilespmem:v0+s13+$0x0], $0xffff  }
0x72: {  	v59 =	vld.idx.msk [tilespmem:v1+s13+$0x0], $0xffff;
	_ =	sdelay $0x2  }
0x73: {  	v4 =	vsub.f32 v5, v4;
	v2 =	vsub.f32 v3, v2;
	_ =	sdelay $0x1  }
0x74: {  	v0 =	vsub.f32 v59, v58;
	v60 =	vmul.f32 v4, v4;
	v2 =	vmul.f32 v2, v2;
	_ =	sdelay $0x1  }
0x75: {  	v0 =	vmul.f32 v0, v0;
	v1 =	vadd.f32 v2, v60;
	_ =	sdelay $0x1  }
0x76: {  	v0 =	vadd.f32 v0, v1;
	_ =	sdelay $0x1  }
0x77: {  	v0 =	vmax.f32 v0, $1.000000020e-24  }
0x78: {  	v61 =	vshrl.u32 v0, $0x1;
	v62 =	vmul.f32 $5.000000000e-01, v0  }
0x79: {  	v1 =	vsub.s32 $0x5F3759DF, v61  }
0x7a: {  	v63 =	vmul.f32 v1, v62;
	_ =	sdelay $0x1  }
0x7b: {  	v3 =	vmul.f32 v1, v63;
	_ =	sdelay $0x1  }
0x7c: {  	v3 =	vsub.f32 $1.500000000e+00, v3;
	_ =	sdelay $0x1  }
0x7d: {  	v1 =	vmul.f32 v1, v3;
	_ =	sdelay $0x1  }
0x7e: {  	v3 =	vmul.f32 v1, v62;
	_ =	sdelay $0x1  }
0x7f: {  	v3 =	vmul.f32 v3, v1;
	_ =	sdelay $0x1  }
0x80: {  	v3 =	vsub.f32 $1.500000000e+00, v3;
	_ =	sdelay $0x1  }
0x81: {  	v1 =	vmul.f32 v3, v1;
	_ =	sdelay $0x1  }
0x82: {  	v2 =	vmul.f32 v1, v62;
	_ =	sdelay $0x1  }
0x83: {  	v2 =	vmul.f32 v2, v1;
	_ =	sdelay $0x1  }
0x84: {  	v2 =	vsub.f32 $1.500000000e+00, v2;
	_ =	sdelay $0x1  }
0x85: {  	v1 =	vmul.f32 v2, v1;
	_ =	sdelay $0x1  }
0x86: {  	v0 =	vmul.f32 v1, v0;
	_ =	sdelay $0x1  }
0x87: {  	v0 =	vmul.f32 $1.560380980e+03, v0;
	_ =	sdelay $0x1  }
0x88: {  	v0 =	vadd.f32 $5.000000000e-01, v0;
	_ =	sdelay $0x1  }
0x89: {  	v0 =	vtrunc.f32 v0  }
0x8a: {  	v0 =	vcvt.f32.s32 v0;
	_ =	sdelay $0x1  }
0x8b: {  	s18 =	sadd.s32 $0x1, s18;
	vm15 =	vlt.s32 v0, $0x21FF  }
0x8c: {  	p0 =	sne.s32 s18, $0x5;
	v0 =	vnsel vm15, $0x21FF, v0  }
.Ltmp1:
0x8d: {  	s19 =	sadd.s32 s8, s19;
	[tilespmem:s22+$0x84D0] =	vst v0;
	(pc) =	sbr.rel @p0 .LBB2_2-.Ltmp1, $4  }
0x8e: {  	[hbm4b:s19+s2] =	stream.linear.scatter [tilespmem:s16], [sflag:$0x1], $0x7D0, $0x38;
	[tilespmem:$0x8CA0] =	vst v63  }
0x8f: {  	_ =	swait.ge [sflag:s11], $0x7D0  }
0x90: {  	[sflag:s11] =	ssyncset.done $0x0  }
0x91: {  	[sflag:s11] =	ssyncadd.s32 $0xFFFFF830  }
0x92: {  	s17 =	sadd.s32 $0x1, s17  }
0x93: {  	p0 =	sne.s32 s17, s10  }
.Ltmp2:
0x94: {  	_ = 	snop;
	(pc) =	sbr.rel @p0 .LBB2_1-.Ltmp2, $1  }
0x95: {  	_ =	sdelay $0x3  }
0x96: {  	_ =	sfence.sel $0x180000  }
0x97: {  	[bflag:$0x0] =	sbarrier.arrive $0xFFFF  }
0x98: {  	p0 =	sne.s32 s3, $0x0;
	_ =	strace $0x90000047  }
0x99: {  	s0 =	sadd.s32 @!p0 $0x100000, s0;
	[bflag:$0x2] =	sbarrier.arrive $0xFFFF  }
0x9a: {  	[sflag:s0] =	ssyncadd.tile.s32 @!p0 $0x1;
	_ =	shalt  }
.Lfunc_end2:
_tile_overlayer_lowered:
.L_overlay_start_2:
0x9b: {  	(tag) =	ssettag $0x2  }
0x9c: {  	s0 =	rddreg [dreg:$0x0];
	s2 =	stileid.u32  }
0x9d: {  	s1 =	rddreg [dreg:$0x1];
	p0 =	sne.s32 s2, $0x0  }
0x9e: {  	s3 =	rddreg [dreg:$0x2];
	[bflag:$0x3] =	sbarrier.arrive $0xFFFF;
	s2 =	simm.s32 @!p0 $0x1C01  }
0x9f: {  	[timem:s3], [sflag:s2] =	dma.local @!p0 [hbm:s0], s1  }
0xa0: {  	s0 =	simm.s32 @!p0 $0x1  }
0xa1: {  	_ =	swait.ge @!p0 [sflag:s0], s1  }
0xa2: {  	s1 =	ssub.s32 @!p0 $0x0, s1;
	[sflag:s0] =	ssyncset.done @!p0 $0x0  }
0xa3: {  	[sflag:s0] =	ssyncadd.s32 @!p0 s1  }
0xa4: {  	[bflag:$0x3] =	sbarrier.arrive $0xFFFF  }
0xa5: {  	_ =	shalt  }

</sc_bundles>
